<compile_context>
chip_gen: v7x
topology: tpu7x:2x2x1
jax: 0.10.2.dev20260603
libtpu: 0.0.44.dev20260713+nightly
codegen_flags: <defaults>
</compile_context>

<pallas_src>
import functools

import jax
import jax.numpy as jnp
from jax import lax
from jax.experimental import pallas as pl
from jax.experimental.pallas import tpu as pltpu
from jax.experimental.pallas import tpu_sc as plsc

N = 10000
E = 320000
D = 128
R = 16
B = 8192

NC = 2
NS = 16
NW = NC * NS
CH = 128

NP = 10240
ROWS_PER_TILE = NP // NS
ECH = CH
EROWS = E // ECH
NCHUNK = EROWS // NW
XROWS = EROWS - NW * NCHUNK
CNT = EROWS // NS
BPT = B // NW
BCH = BPT // CH
PDEPTH = 4
NBUF = 6

_MESH = plsc.VectorSubcoreMesh(
    core_axis_name="c", subcore_axis_name="s", num_cores=NC, num_subcores=NS)


def _wid():
    return lax.axis_index("s") * NC + lax.axis_index("c")


def _k2_body(x_ref, w_ref, h_ref):
    h = jnp.dot(x_ref[...], w_ref[...],
                preferred_element_type=jnp.float32,
                precision=lax.Precision.HIGHEST)
    h_ref[:N] = h
    h_ref[N:] = jnp.zeros((NP - N, R), jnp.float32)


def _k2_linear(x, W):
    return pl.pallas_call(
        _k2_body,
        out_shape=jax.ShapeDtypeStruct((NP, R), jnp.float32),
    )(x, W)


def _newton_rsqrt(x):
    i = plsc.bitcast(x, jnp.int32)
    i = 0x5F3759DF - lax.shift_right_logical(i, 1)
    y = plsc.bitcast(i, jnp.float32)
    for _ in range(3):
        y = y * (1.5 - 0.5 * x * y * y)
    return y


@functools.partial(
    pl.kernel,
    out_type=[
        jax.ShapeDtypeStruct((NP, R), jnp.float32),
        jax.ShapeDtypeStruct((NP, R), jnp.float32),
        jax.ShapeDtypeStruct((NP, R), jnp.float32),
        jax.ShapeDtypeStruct((NP,), jnp.float32),
    ],
    mesh=_MESH,
    compiler_params=pltpu.CompilerParams(use_tc_tiling_on_sc=False, needs_layout_passes=False),
    scratch_types=[
        pltpu.VMEM((NCHUNK + 1, ECH), jnp.int32),
        pltpu.VMEM((NCHUNK + 1, ECH), jnp.int32),
        pltpu.VMEM((CNT + 1, ECH), jnp.int32),
        pltpu.VMEM((ECH,), jnp.float32),
        pltpu.VMEM((ROWS_PER_TILE,), jnp.float32),
        pltpu.VMEM((ROWS_PER_TILE,), jnp.float32),
        pltpu.VMEM((ROWS_PER_TILE, R), jnp.float32),
        pltpu.VMEM((ROWS_PER_TILE, R), jnp.float32),
        [pltpu.VMEM((ECH, R), jnp.float32) for _ in range(NBUF)],
        pltpu.VMEM((CH, R), jnp.float32),
        pltpu.VMEM_SHARED((NP,), jnp.float32),
        pltpu.VMEM_SHARED((NP, R), jnp.float32),
        pltpu.VMEM_SHARED((NP, R), jnp.float32),
        pltpu.SemaphoreType.DMA,
        [pltpu.SemaphoreType.DMA for _ in range(NBUF)],
        [pltpu.SemaphoreType.DMA for _ in range(NBUF)],
    ],
)
def _k3_mega(h_hbm, srcr_hbm, dstr_hbm, part0_hbm, part1_hbm, gout_hbm,
             dinv_hbm, sidx, didx, bd, ones_v, zb1, dslice, hbuf,
             gbuf, rows, zb, deg_sh, g_sh, acc, csem, gsems, ssems):
    c = lax.axis_index("c")
    s = lax.axis_index("s")
    wid = _wid()

    def fill_ones(r, _):
        ones_v[pl.ds(r * 16, 16)] = jnp.ones((16,), jnp.float32)
        return 0
    lax.fori_loop(0, ECH // 16, fill_ones, 0)

    def fill_zeros1(r, _):
        zb1[pl.ds(r * 16, 16)] = jnp.zeros((16,), jnp.float32)
        return 0
    lax.fori_loop(0, ROWS_PER_TILE // 16, fill_zeros1, 0)

    def fill_zeros2(r, _):
        zb[r, :] = jnp.zeros((R,), jnp.float32)
        return 0
    lax.fori_loop(0, CH, fill_zeros2, 0)

    sl = pl.ds(s * ROWS_PER_TILE, ROWS_PER_TILE)
    pltpu.sync_copy(zb1, deg_sh.at[sl])

    def zero_acc(k, _):
        pltpu.sync_copy(zb, acc.at[pl.ds(s * ROWS_PER_TILE + k * CH, CH)])
        return 0
    lax.fori_loop(0, ROWS_PER_TILE // CH, zero_acc, 0)

    pltpu.sync_copy(srcr_hbm.at[pl.ds(wid * NCHUNK, NCHUNK)],
                    sidx.at[pl.ds(0, NCHUNK)])
    pltpu.sync_copy(dstr_hbm.at[pl.ds(wid * NCHUNK, NCHUNK)],
                    didx.at[pl.ds(0, NCHUNK)])
    pltpu.sync_copy(dstr_hbm.at[pl.ds(s * CNT, CNT)], bd.at[pl.ds(0, CNT)])

    @pl.when(wid < XROWS)
    def _():
        pltpu.sync_copy(srcr_hbm.at[pl.ds(NW * NCHUNK + wid, 1)],
                        sidx.at[pl.ds(NCHUNK, 1)])
        pltpu.sync_copy(dstr_hbm.at[pl.ds(NW * NCHUNK + wid, 1)],
                        didx.at[pl.ds(NCHUNK, 1)])

    @pl.when(s < XROWS)
    def _():
        pltpu.sync_copy(dstr_hbm.at[pl.ds(NW * NCHUNK + s, 1)],
                        bd.at[pl.ds(CNT, 1)])
    plsc.subcore_barrier()

    def cfire(j, _):
        pltpu.async_copy(ones_v, deg_sh.at[bd.at[j]], csem, add=True)
        return 0
    lax.fori_loop(0, CNT, cfire, 0)

    @pl.when(s < XROWS)
    def _():
        pltpu.async_copy(ones_v, deg_sh.at[bd.at[CNT]], csem, add=True)

    def cdrain(j, _):
        pltpu.make_async_copy(ones_v, deg_sh.at[bd.at[0]], csem).wait()
        return 0
    lax.fori_loop(0, CNT, cdrain, 0)

    @pl.when(s < XROWS)
    def _():
        pltpu.make_async_copy(ones_v, deg_sh.at[bd.at[0]], csem).wait()
    plsc.subcore_barrier()

    pltpu.sync_copy(deg_sh.at[sl], dslice)
    pltpu.sync_copy(h_hbm.at[sl], hbuf)
    iota16 = lax.iota(jnp.int32, 16)

    def dbody(q, _):
        qs = pl.ds(q * 16, 16)
        dslice[qs] = _newton_rsqrt(dslice[qs] + 1.0)
        return 0
    lax.fori_loop(0, ROWS_PER_TILE // 16, dbody, 0)

    @pl.when(c == 0)
    def _():
        pltpu.sync_copy(dslice, dinv_hbm.at[sl])

    def sbody(q, _):
        rowv = iota16 + q * 16
        dvec = dslice[pl.ds(q * 16, 16)]
        for f in range(R):
            fv = jnp.full((16,), f, jnp.int32)
            col = plsc.load_gather(hbuf, [rowv, fv])
            plsc.store_scatter(gbuf, [rowv, fv], col * dvec)
        return 0
    lax.fori_loop(0, ROWS_PER_TILE // 16, sbody, 0)

    pltpu.sync_copy(gbuf, g_sh.at[sl])

    @pl.when(c == 0)
    def _():
        pltpu.sync_copy(gbuf, gout_hbm.at[sl])
    plsc.subcore_barrier()

    for t in range(PDEPTH):
        pltpu.async_copy(g_sh.at[sidx.at[t]], rows[t], gsems[t])

    def body(o, _):
        for t in range(NBUF):
            j = o * NBUF + t
            tp = (t + PDEPTH) % NBUF
            pltpu.make_async_copy(g_sh.at[sidx.at[j]], rows[t],
                                  gsems[t]).wait()
            pltpu.async_copy(rows[t], acc.at[didx.at[j]], ssems[t],
                             add=True)

            @pl.when(j + PDEPTH < NCHUNK)
            def _():
                @pl.when(j >= NBUF - PDEPTH)
                def _():
                    pltpu.make_async_copy(
                        rows[tp], acc.at[didx.at[j - (NBUF - PDEPTH)]],
                        ssems[tp]).wait()
                pltpu.async_copy(g_sh.at[sidx.at[j + PDEPTH]], rows[tp],
                                 gsems[tp])
        return 0
    lax.fori_loop(0, NCHUNK // NBUF, body, 0)

    for k in range(NBUF):
        j = NCHUNK - NBUF + k
        t = j % NBUF
        pltpu.make_async_copy(rows[t], acc.at[didx.at[j]], ssems[t]).wait()

    @pl.when(wid < XROWS)
    def _():
        pltpu.async_copy(g_sh.at[sidx.at[NCHUNK]], rows[0], gsems[0]).wait()
        pltpu.sync_copy(rows[0], acc.at[didx.at[NCHUNK]], add=True)

    plsc.subcore_barrier()

    @pl.when(c == 0)
    def _():
        pltpu.sync_copy(acc.at[sl], part0_hbm.at[sl])

    @pl.when(c == 1)
    def _():
        pltpu.sync_copy(acc.at[sl], part1_hbm.at[sl])


_IOTA16 = None


@functools.partial(
    pl.kernel,
    out_type=jax.ShapeDtypeStruct((B, R), jnp.float32),
    mesh=_MESH,
    compiler_params=pltpu.CompilerParams(use_tc_tiling_on_sc=False, needs_layout_passes=False),
    scratch_types=[
        pltpu.VMEM((BCH, CH), jnp.int32),
        pltpu.VMEM((NP,), jnp.float32),
        [pltpu.VMEM((CH, R), jnp.float32) for _ in range(2)],
        [pltpu.VMEM((CH, R), jnp.float32) for _ in range(2)],
        [pltpu.VMEM((CH, R), jnp.float32) for _ in range(2)],
        pltpu.VMEM((CH, R), jnp.float32),
        pltpu.VMEM((R,), jnp.float32),
        pltpu.VMEM((R,), jnp.float32),
        pltpu.VMEM((R,), jnp.float32),
        pltpu.VMEM((R,), jnp.float32),
        [pltpu.SemaphoreType.DMA for _ in range(2)],
    ],
)
def _k4_batch(part0_hbm, part1_hbm, g_hbm, dinv_hbm, batchr_hbm,
              b_hbm, gamma_hbm, beta_hbm, alpha_hbm, out_hbm,
              bidx, dv, r0s, r1s, rgs, ob, bv, gv, bev, av, sems):
    wid = _wid()
    pltpu.sync_copy(batchr_hbm.at[wid], bidx)
    pltpu.sync_copy(dinv_hbm, dv)
    pltpu.sync_copy(b_hbm, bv)
    pltpu.sync_copy(gamma_hbm, gv)
    pltpu.sync_copy(beta_hbm, bev)
    pltpu.sync_copy(alpha_hbm, av)

    iota16 = lax.iota(jnp.int32, 16)
    alpha_v = av[...]
    bcols = [plsc.load_gather(bv, [jnp.full((16,), f, jnp.int32)])
             for f in range(R)]
    gcols = [plsc.load_gather(gv, [jnp.full((16,), f, jnp.int32)])
             for f in range(R)]
    becols = [plsc.load_gather(bev, [jnp.full((16,), f, jnp.int32)])
              for f in range(R)]

    def fire(j):
        u = j % 2
        pltpu.async_copy(part0_hbm.at[bidx.at[j]], r0s[u], sems[u])
        pltpu.async_copy(part1_hbm.at[bidx.at[j]], r1s[u], sems[u])
        pltpu.async_copy(g_hbm.at[bidx.at[j]], rgs[u], sems[u])

    fire(0)
    for j in range(BCH):
        u = j % 2
        r0, r1, rg = r0s[u], r1s[u], rgs[u]
        for _ in range(3):
            pltpu.make_async_copy(g_hbm.at[bidx.at[j]], rg, sems[u]).wait()
        if j + 1 < BCH:
            fire(j + 1)

        def group(q, _):
            rowv = iota16 + q * 16
            bvec = bidx[j, pl.ds(q * 16, 16)]
            dvec = plsc.load_gather(dv, [bvec])
            pre = []
            for f in range(R):
                fv = jnp.full((16,), f, jnp.int32)
                c = (plsc.load_gather(r0, [rowv, fv])
                     + plsc.load_gather(r1, [rowv, fv])
                     + plsc.load_gather(rg, [rowv, fv]))
                pre.append(c * dvec + bcols[f])
            tot = pre[0]
            for f in range(1, R):
                tot = tot + pre[f]
            mu = tot * (1.0 / R)
            dlt = [p - mu for p in pre]
            v = dlt[0] * dlt[0]
            for f in range(1, R):
                v = v + dlt[f] * dlt[f]
            rs = _newton_rsqrt(v * (1.0 / R) + 1e-5)
            for f in range(R):
                y = dlt[f] * rs * gcols[f] + becols[f]
                y = jnp.where(y > 0, y, alpha_v * y)
                plsc.store_scatter(ob, [rowv, jnp.full((16,), f, jnp.int32)], y)
            return 0
        lax.fori_loop(0, CH // 16, group, 0)
        pltpu.sync_copy(ob, out_hbm.at[pl.ds(wid * BPT + j * CH, CH)])


def kernel(x, W, b, gamma, beta, alpha, edge_index, batch):
    srcr = edge_index[0].reshape(EROWS, ECH)
    dstr = edge_index[1].reshape(EROWS, ECH)
    batchr = batch.reshape(NW, BCH, CH)

    h = _k2_linear(x, W)
    part0, part1, gout, dinv1 = _k3_mega(h, srcr, dstr)
    alphab = jnp.broadcast_to(alpha, (R,))
    return _k4_batch(part0, part1, gout, dinv1, batchr, b, gamma, beta, alphab)

# --- scband reference (transcript-rebuilt; emitter-appended) ---
"""Pipeline reference for scband-node2-vec-27891517620414 (READ-ONLY COPY).

The authoritative reference and input builder live on the scoring server;
editing this copy changes nothing except your own understanding.
"""

import jax, jax.numpy as jnp
import numpy as np

N = 10000
E = 320000
D = 128
R = 16
B = 8192


def setup_inputs(seed: int = 0) -> dict:
    key = jax.random.key(seed)
    ks = jax.random.split(key, 8)
    x = jax.random.normal(ks[0], (N, D), dtype=jnp.float32)
    edge_index = jax.random.randint(ks[1], (2, E), 0, N, dtype=jnp.int32)
    batch = jax.random.randint(ks[2], (B,), 0, N, dtype=jnp.int32)
    # GCNConv(D -> R) parameters (glorot-ish init)
    W = jax.random.normal(ks[3], (D, R), dtype=jnp.float32) * (1.0 / np.sqrt(D))
    b = jnp.zeros((R,), dtype=jnp.float32)
    # LayerNorm(R) parameters
    gamma = jnp.ones((R,), dtype=jnp.float32)
    beta = jnp.zeros((R,), dtype=jnp.float32)
    # PReLU (single shared parameter, torch default 0.25)
    alpha = jnp.full((1,), 0.25, dtype=jnp.float32)
    return {"x": x, "W": W, "b": b, "gamma": gamma, "beta": beta,
            "alpha": alpha, "edge_index": edge_index, "batch": batch}


def reference(x, W, b, gamma, beta, alpha, edge_index, batch):
    n = x.shape[0]
    # GCNConv with self loops and symmetric normalization
    loop = jnp.arange(n, dtype=edge_index.dtype)
    src = jnp.concatenate([edge_index[0], loop])
    dst = jnp.concatenate([edge_index[1], loop])
    deg = jnp.zeros((n,), dtype=x.dtype).at[dst].add(1.0)
    dinv = jax.lax.rsqrt(jnp.maximum(deg, 1.0))
    norm = dinv[src] * dinv[dst]
    h = x @ W  # [N, R]
    msg = h[src] * norm[:, None]  # gather over edges
    out = jnp.zeros((n, W.shape[1]), dtype=x.dtype).at[dst].add(msg) + b
    # LayerNorm over feature dim
    mu = out.mean(axis=-1, keepdims=True)
    var = out.var(axis=-1, keepdims=True)
    out = (out - mu) / jnp.sqrt(var + 1e-5) * gamma + beta
    # PReLU
    out = jnp.where(out > 0, out, alpha * out)
    # emb.index_select(0, batch)
    return out[batch]

if __name__ == "__main__":
    import jax
    _d = setup_inputs()
    print(jax.jit(kernel)(*tuple(_d.values())))

</pallas_src>

<mosaic_0001>
#map = affine_map<(d0, d1) -> (0, 0)>
#map1 = affine_map<(d0, d1) -> (0)>
module attributes {stable_mosaic.version = 14 : i64} {
  func.func @_k3_mega(%arg0: i32, %arg1: i32, %arg2: memref<10240x16xf32, #tpu.memory_space<hbm>>, %arg3: memref<2500x128xi32, #tpu.memory_space<hbm>>, %arg4: memref<2500x128xi32, #tpu.memory_space<hbm>>, %arg5: memref<10240x16xf32, #tpu.memory_space<hbm>>, %arg6: memref<10240x16xf32, #tpu.memory_space<hbm>>, %arg7: memref<10240x16xf32, #tpu.memory_space<hbm>>, %arg8: memref<10240xf32, #tpu.memory_space<hbm>>, %arg9: memref<79x128xi32, #tpu.memory_space<vmem>>, %arg10: memref<79x128xi32, #tpu.memory_space<vmem>>, %arg11: memref<157x128xi32, #tpu.memory_space<vmem>>, %arg12: memref<128xf32, #tpu.memory_space<vmem>>, %arg13: memref<640xf32, #tpu.memory_space<vmem>>, %arg14: memref<640xf32, #tpu.memory_space<vmem>>, %arg15: memref<640x16xf32, #tpu.memory_space<vmem>>, %arg16: memref<640x16xf32, #tpu.memory_space<vmem>>, %arg17: memref<128x16xf32, #tpu.memory_space<vmem>>, %arg18: memref<128x16xf32, #tpu.memory_space<vmem>>, %arg19: memref<128x16xf32, #tpu.memory_space<vmem>>, %arg20: memref<128x16xf32, #tpu.memory_space<vmem>>, %arg21: memref<128x16xf32, #tpu.memory_space<vmem>>, %arg22: memref<128x16xf32, #tpu.memory_space<vmem>>, %arg23: memref<128x16xf32, #tpu.memory_space<vmem>>, %arg24: memref<10240xf32, #tpu.memory_space<vmem_shared>>, %arg25: memref<10240x16xf32, #tpu.memory_space<vmem_shared>>, %arg26: memref<10240x16xf32, #tpu.memory_space<vmem_shared>>, %arg27: memref<!tpu.dma_semaphore, #tpu.memory_space<semaphore_mem>>, %arg28: memref<!tpu.dma_semaphore, #tpu.memory_space<semaphore_mem>>, %arg29: memref<!tpu.dma_semaphore, #tpu.memory_space<semaphore_mem>>, %arg30: memref<!tpu.dma_semaphore, #tpu.memory_space<semaphore_mem>>, %arg31: memref<!tpu.dma_semaphore, #tpu.memory_space<semaphore_mem>>, %arg32: memref<!tpu.dma_semaphore, #tpu.memory_space<semaphore_mem>>, %arg33: memref<!tpu.dma_semaphore, #tpu.memory_space<semaphore_mem>>, %arg34: memref<!tpu.dma_semaphore, #tpu.memory_space<semaphore_mem>>, %arg35: memref<!tpu.dma_semaphore, #tpu.memory_space<semaphore_mem>>, %arg36: memref<!tpu.dma_semaphore, #tpu.memory_space<semaphore_mem>>, %arg37: memref<!tpu.dma_semaphore, #tpu.memory_space<semaphore_mem>>, %arg38: memref<!tpu.dma_semaphore, #tpu.memory_space<semaphore_mem>>, %arg39: memref<!tpu.dma_semaphore, #tpu.memory_space<semaphore_mem>>) attributes {dimension_semantics = [#tpu.dimension_semantics<core_parallel>, #tpu.dimension_semantics<subcore_parallel>], iteration_bounds = array<i64: 2, 16>, scalar_prefetch = 0 : i64, scratch_operands = 31 : i64, tpu.core_type = #tpu.core_type<sc_vector_subcore>, window_params = [{transform_indices = #map}, {transform_indices = #map}, {transform_indices = #map}, {transform_indices = #map}, {transform_indices = #map}, {transform_indices = #map}, {transform_indices = #map1}]} {
    %mul3A = arith.constant 2 : i32
    %mul3A_0 = arith.muli %arg1, %mul3A : i32
    %add3A = arith.addi %mul3A_0, %arg0 : i32
    %scan3A = arith.constant 0 : i32
    %scan3A_1 = arith.constant 0 : i32
    %scan3A_2 = arith.constant 8 : i32
    %scan3A_3 = arith.addi %scan3A_1, %scan3A_2 : i32
    %scan3A_4 = arith.constant 1 : i32
    %scan3A_5 = scf.for %scan3A_183 = %scan3A_1 to %scan3A_3 step %scan3A_4 iter_args(%scan3A_184 = %scan3A) -> (i32)  : i32 {
      %broadcast_in_dim3A = arith.constant 1.000000e+00 : f32
      %broadcast_in_dim3A_185 = vector.broadcast %broadcast_in_dim3A : f32 to vector<16xf32>
      %mul3A_186 = arith.constant 16 : i32
      %mul3A_187 = arith.muli %scan3A_183, %mul3A_186 : i32
      %swap3A = arith.index_cast %mul3A_187 : i32 to index
      %swap3A_188 = tpu.vector_load %arg12[%swap3A] {strides = array<i32>} : memref<128xf32, #tpu.memory_space<vmem>>, vector<16xf32>,
      tpu.vector_store %arg12[%swap3A], %broadcast_in_dim3A_185 {strides = array<i32>} : memref<128xf32, #tpu.memory_space<vmem>>, vector<16xf32>,
      %scan3A_189 = arith.constant 0 : i32
      scf.yield %scan3A_189 : i32
    }
    %scan3A_6 = arith.constant 8 : i32
    %scan3A_7 = arith.constant 0 : i32
    %scan3A_8 = arith.constant 0 : i32
    %scan3A_9 = arith.constant 40 : i32
    %scan3A_10 = arith.addi %scan3A_8, %scan3A_9 : i32
    %scan3A_11 = arith.constant 1 : i32
    %scan3A_12 = scf.for %scan3A_183 = %scan3A_8 to %scan3A_10 step %scan3A_11 iter_args(%scan3A_184 = %scan3A_7) -> (i32)  : i32 {
      %broadcast_in_dim3A = arith.constant 0.000000e+00 : f32
      %broadcast_in_dim3A_185 = vector.broadcast %broadcast_in_dim3A : f32 to vector<16xf32>
      %mul3A_186 = arith.constant 16 : i32
      %mul3A_187 = arith.muli %scan3A_183, %mul3A_186 : i32
      %swap3A = arith.index_cast %mul3A_187 : i32 to index
      %swap3A_188 = tpu.vector_load %arg13[%swap3A] {strides = array<i32>} : memref<640xf32, #tpu.memory_space<vmem>>, vector<16xf32>,
      tpu.vector_store %arg13[%swap3A], %broadcast_in_dim3A_185 {strides = array<i32>} : memref<640xf32, #tpu.memory_space<vmem>>, vector<16xf32>,
      %scan3A_189 = arith.constant 0 : i32
      scf.yield %scan3A_189 : i32
    }
    %scan3A_13 = arith.constant 40 : i32
    %scan3A_14 = arith.constant 0 : i32
    %scan3A_15 = arith.constant 0 : i32
    %scan3A_16 = arith.constant 128 : i32
    %scan3A_17 = arith.addi %scan3A_15, %scan3A_16 : i32
    %scan3A_18 = arith.constant 1 : i32
    %scan3A_19 = scf.for %scan3A_183 = %scan3A_15 to %scan3A_17 step %scan3A_18 iter_args(%scan3A_184 = %scan3A_14) -> (i32)  : i32 {
      %broadcast_in_dim3A = arith.constant 0.000000e+00 : f32
      %broadcast_in_dim3A_185 = vector.broadcast %broadcast_in_dim3A : f32 to vector<16xf32>
      %swap3A = arith.index_cast %scan3A_183 : i32 to index
      %swap3A_186 = arith.constant 0 : index
      %swap3A_187 = tpu.vector_load %arg23[%swap3A, %swap3A_186] {strides = array<i32>} : memref<128x16xf32, #tpu.memory_space<vmem>>, vector<16xf32>,
      tpu.vector_store %arg23[%swap3A, %swap3A_186], %broadcast_in_dim3A_185 {strides = array<i32>} : memref<128x16xf32, #tpu.memory_space<vmem>>, vector<16xf32>,
      %scan3A_188 = arith.constant 0 : i32
      scf.yield %scan3A_188 : i32
    }
    %scan3A_20 = arith.constant 128 : i32
    %mul3A_21 = arith.constant 640 : i32
    %mul3A_22 = arith.muli %arg1, %mul3A_21 : i32
    "tpu.region"() ({
      %run_scoped3A = tpu.sem_alloc : memref<!tpu.dma_semaphore, #tpu.memory_space<semaphore_mem>>
      %dma_start3A_183 = tpu.memref_slice %arg24[%mul3A_22] : memref<10240xf32, #tpu.memory_space<vmem_shared>> -> memref<640xf32, #tpu.memory_space<vmem_shared>>
      %dma_start3A_184 = tpu.memref_slice %arg24[%mul3A_22] : memref<10240xf32, #tpu.memory_space<vmem_shared>> -> memref<640xf32, #tpu.memory_space<vmem_shared>>
      tpu.enqueue_dma source(%arg13 : memref<640xf32, #tpu.memory_space<vmem>>) target(%dma_start3A_184 : memref<640xf32, #tpu.memory_space<vmem_shared>>) target_semaphore(%run_scoped3A : memref<!tpu.dma_semaphore, #tpu.memory_space<semaphore_mem>>)
      %dma_wait3A_185 = tpu.memref_slice %arg24[%mul3A_22] : memref<10240xf32, #tpu.memory_space<vmem_shared>> -> memref<640xf32, #tpu.memory_space<vmem_shared>>
      %dma_wait3A_186 = tpu.memref_slice %arg24[%mul3A_22] : memref<10240xf32, #tpu.memory_space<vmem_shared>> -> memref<640xf32, #tpu.memory_space<vmem_shared>>
      tpu.wait_dma2 semaphore(%run_scoped3A : memref<!tpu.dma_semaphore, #tpu.memory_space<semaphore_mem>>) src(%arg13 : memref<640xf32, #tpu.memory_space<vmem>>) dst(%dma_wait3A_186 : memref<640xf32, #tpu.memory_space<vmem_shared>>)
      tpu.yield
    }) : () -> ()
    %scan3A_23 = arith.constant 0 : i32
    %scan3A_24 = arith.constant 0 : i32
    %scan3A_25 = arith.constant 5 : i32
    %scan3A_26 = arith.addi %scan3A_24, %scan3A_25 : i32
    %scan3A_27 = arith.constant 1 : i32
    %scan3A_28 = scf.for %scan3A_183 = %scan3A_24 to %scan3A_26 step %scan3A_27 iter_args(%scan3A_184 = %scan3A_23) -> (i32)  : i32 {
      %mul3A_185 = arith.constant 640 : i32
      %mul3A_186 = arith.muli %arg1, %mul3A_185 : i32
      %mul3A_187 = arith.constant 128 : i32
      %mul3A_188 = arith.muli %scan3A_183, %mul3A_187 : i32
      %add3A_189 = arith.addi %mul3A_186, %mul3A_188 : i32
      "tpu.region"() ({
        %run_scoped3A = tpu.sem_alloc : memref<!tpu.dma_semaphore, #tpu.memory_space<semaphore_mem>>
        %dma_start3A_191 = arith.constant 0 : i32
        %dma_start3A_192 = tpu.memref_slice %arg26[%add3A_189, %dma_start3A_191] : memref<10240x16xf32, #tpu.memory_space<vmem_shared>> -> memref<128x16xf32, #tpu.memory_space<vmem_shared>>
        %dma_start3A_193 = arith.constant 0 : i32
        %dma_start3A_194 = tpu.memref_slice %arg26[%add3A_189, %dma_start3A_193] : memref<10240x16xf32, #tpu.memory_space<vmem_shared>> -> memref<128x16xf32, #tpu.memory_space<vmem_shared>>
        tpu.enqueue_dma source(%arg23 : memref<128x16xf32, #tpu.memory_space<vmem>>) target(%dma_start3A_194 : memref<128x16xf32, #tpu.memory_space<vmem_shared>>) target_semaphore(%run_scoped3A : memref<!tpu.dma_semaphore, #tpu.memory_space<semaphore_mem>>)
        %dma_wait3A_195 = arith.constant 0 : i32
        %dma_wait3A_196 = tpu.memref_slice %arg26[%add3A_189, %dma_wait3A_195] : memref<10240x16xf32, #tpu.memory_space<vmem_shared>> -> memref<128x16xf32, #tpu.memory_space<vmem_shared>>
        %dma_wait3A_197 = arith.constant 0 : i32
        %dma_wait3A_198 = tpu.memref_slice %arg26[%add3A_189, %dma_wait3A_197] : memref<10240x16xf32, #tpu.memory_space<vmem_shared>> -> memref<128x16xf32, #tpu.memory_space<vmem_shared>>
        tpu.wait_dma2 semaphore(%run_scoped3A : memref<!tpu.dma_semaphore, #tpu.memory_space<semaphore_mem>>) src(%arg23 : memref<128x16xf32, #tpu.memory_space<vmem>>) dst(%dma_wait3A_198 : memref<128x16xf32, #tpu.memory_space<vmem_shared>>)
        tpu.yield
      }) : () -> ()
      %scan3A_190 = arith.constant 0 : i32
      scf.yield %scan3A_190 : i32
    }
    %scan3A_29 = arith.constant 5 : i32
    %mul3A_30 = arith.constant 78 : i32
    %mul3A_31 = arith.muli %add3A, %mul3A_30 : i32
    "tpu.region"() ({
      %run_scoped3A = tpu.sem_alloc : memref<!tpu.dma_semaphore, #tpu.memory_space<semaphore_mem>>
      %dma_start3A_183 = arith.constant 0 : i32
      %dma_start3A_184 = arith.constant 0 : i32
      %dma_start3A_185 = tpu.memref_slice %arg9[%dma_start3A_183, %dma_start3A_184] : memref<79x128xi32, #tpu.memory_space<vmem>> -> memref<78x128xi32, #tpu.memory_space<vmem>>
      %dma_start3A_186 = arith.constant 0 : i32
      %dma_start3A_187 = tpu.memref_slice %arg3[%mul3A_31, %dma_start3A_186] : memref<2500x128xi32, #tpu.memory_space<hbm>> -> memref<78x128xi32, #tpu.memory_space<hbm>>
      %dma_start3A_188 = arith.constant 0 : i32
      %dma_start3A_189 = arith.constant 0 : i32
      %dma_start3A_190 = tpu.memref_slice %arg9[%dma_start3A_188, %dma_start3A_189] : memref<79x128xi32, #tpu.memory_space<vmem>> -> memref<78x128xi32, #tpu.memory_space<vmem>>
      %dma_start3A_191 = arith.constant 0 : i32
      %dma_start3A_192 = tpu.memref_slice %arg3[%mul3A_31, %dma_start3A_191] : memref<2500x128xi32, #tpu.memory_space<hbm>> -> memref<78x128xi32, #tpu.memory_space<hbm>>
      tpu.enqueue_dma source(%dma_start3A_192 : memref<78x128xi32, #tpu.memory_space<hbm>>) target(%dma_start3A_190 : memref<78x128xi32, #tpu.memory_space<vmem>>) target_semaphore(%run_scoped3A : memref<!tpu.dma_semaphore, #tpu.memory_space<semaphore_mem>>)
      %dma_wait3A_193 = arith.constant 0 : i32
      %dma_wait3A_194 = arith.constant 0 : i32
      %dma_wait3A_195 = tpu.memref_slice %arg9[%dma_wait3A_193, %dma_wait3A_194] : memref<79x128xi32, #tpu.memory_space<vmem>> -> memref<78x128xi32, #tpu.memory_space<vmem>>
      %dma_wait3A_196 = arith.constant 0 : i32
      %dma_wait3A_197 = tpu.memref_slice %arg3[%mul3A_31, %dma_wait3A_196] : memref<2500x128xi32, #tpu.memory_space<hbm>> -> memref<78x128xi32, #tpu.memory_space<hbm>>
      %dma_wait3A_198 = arith.constant 0 : i32
      %dma_wait3A_199 = arith.constant 0 : i32
      %dma_wait3A_200 = tpu.memref_slice %arg9[%dma_wait3A_198, %dma_wait3A_199] : memref<79x128xi32, #tpu.memory_space<vmem>> -> memref<78x128xi32, #tpu.memory_space<vmem>>
      %dma_wait3A_201 = arith.constant 0 : i32
      %dma_wait3A_202 = tpu.memref_slice %arg3[%mul3A_31, %dma_wait3A_201] : memref<2500x128xi32, #tpu.memory_space<hbm>> -> memref<78x128xi32, #tpu.memory_space<hbm>>
      tpu.wait_dma2 semaphore(%run_scoped3A : memref<!tpu.dma_semaphore, #tpu.memory_space<semaphore_mem>>) src(%dma_wait3A_202 : memref<78x128xi32, #tpu.memory_space<hbm>>) dst(%dma_wait3A_200 : memref<78x128xi32, #tpu.memory_space<vmem>>)
      tpu.yield
    }) : () -> ()
    %mul3A_32 = arith.constant 78 : i32
    %mul3A_33 = arith.muli %add3A, %mul3A_32 : i32
    "tpu.region"() ({
      %run_scoped3A = tpu.sem_alloc : memref<!tpu.dma_semaphore, #tpu.memory_space<semaphore_mem>>
      %dma_start3A_183 = arith.constant 0 : i32
      %dma_start3A_184 = arith.constant 0 : i32
      %dma_start3A_185 = tpu.memref_slice %arg10[%dma_start3A_183, %dma_start3A_184] : memref<79x128xi32, #tpu.memory_space<vmem>> -> memref<78x128xi32, #tpu.memory_space<vmem>>
      %dma_start3A_186 = arith.constant 0 : i32
      %dma_start3A_187 = tpu.memref_slice %arg4[%mul3A_33, %dma_start3A_186] : memref<2500x128xi32, #tpu.memory_space<hbm>> -> memref<78x128xi32, #tpu.memory_space<hbm>>
      %dma_start3A_188 = arith.constant 0 : i32
      %dma_start3A_189 = arith.constant 0 : i32
      %dma_start3A_190 = tpu.memref_slice %arg10[%dma_start3A_188, %dma_start3A_189] : memref<79x128xi32, #tpu.memory_space<vmem>> -> memref<78x128xi32, #tpu.memory_space<vmem>>
      %dma_start3A_191 = arith.constant 0 : i32
      %dma_start3A_192 = tpu.memref_slice %arg4[%mul3A_33, %dma_start3A_191] : memref<2500x128xi32, #tpu.memory_space<hbm>> -> memref<78x128xi32, #tpu.memory_space<hbm>>
      tpu.enqueue_dma source(%dma_start3A_192 : memref<78x128xi32, #tpu.memory_space<hbm>>) target(%dma_start3A_190 : memref<78x128xi32, #tpu.memory_space<vmem>>) target_semaphore(%run_scoped3A : memref<!tpu.dma_semaphore, #tpu.memory_space<semaphore_mem>>)
      %dma_wait3A_193 = arith.constant 0 : i32
      %dma_wait3A_194 = arith.constant 0 : i32
      %dma_wait3A_195 = tpu.memref_slice %arg10[%dma_wait3A_193, %dma_wait3A_194] : memref<79x128xi32, #tpu.memory_space<vmem>> -> memref<78x128xi32, #tpu.memory_space<vmem>>
      %dma_wait3A_196 = arith.constant 0 : i32
      %dma_wait3A_197 = tpu.memref_slice %arg4[%mul3A_33, %dma_wait3A_196] : memref<2500x128xi32, #tpu.memory_space<hbm>> -> memref<78x128xi32, #tpu.memory_space<hbm>>
      %dma_wait3A_198 = arith.constant 0 : i32
      %dma_wait3A_199 = arith.constant 0 : i32
      %dma_wait3A_200 = tpu.memref_slice %arg10[%dma_wait3A_198, %dma_wait3A_199] : memref<79x128xi32, #tpu.memory_space<vmem>> -> memref<78x128xi32, #tpu.memory_space<vmem>>
      %dma_wait3A_201 = arith.constant 0 : i32
      %dma_wait3A_202 = tpu.memref_slice %arg4[%mul3A_33, %dma_wait3A_201] : memref<2500x128xi32, #tpu.memory_space<hbm>> -> memref<78x128xi32, #tpu.memory_space<hbm>>
      tpu.wait_dma2 semaphore(%run_scoped3A : memref<!tpu.dma_semaphore, #tpu.memory_space<semaphore_mem>>) src(%dma_wait3A_202 : memref<78x128xi32, #tpu.memory_space<hbm>>) dst(%dma_wait3A_200 : memref<78x128xi32, #tpu.memory_space<vmem>>)
      tpu.yield
    }) : () -> ()
    %mul3A_34 = arith.constant 156 : i32
    %mul3A_35 = arith.muli %arg1, %mul3A_34 : i32
    "tpu.region"() ({
      %run_scoped3A = tpu.sem_alloc : memref<!tpu.dma_semaphore, #tpu.memory_space<semaphore_mem>>
      %dma_start3A_183 = arith.constant 0 : i32
      %dma_start3A_184 = arith.constant 0 : i32
      %dma_start3A_185 = tpu.memref_slice %arg11[%dma_start3A_183, %dma_start3A_184] : memref<157x128xi32, #tpu.memory_space<vmem>> -> memref<156x128xi32, #tpu.memory_space<vmem>>
      %dma_start3A_186 = arith.constant 0 : i32
      %dma_start3A_187 = tpu.memref_slice %arg4[%mul3A_35, %dma_start3A_186] : memref<2500x128xi32, #tpu.memory_space<hbm>> -> memref<156x128xi32, #tpu.memory_space<hbm>>
      %dma_start3A_188 = arith.constant 0 : i32
      %dma_start3A_189 = arith.constant 0 : i32
      %dma_start3A_190 = tpu.memref_slice %arg11[%dma_start3A_188, %dma_start3A_189] : memref<157x128xi32, #tpu.memory_space<vmem>> -> memref<156x128xi32, #tpu.memory_space<vmem>>
      %dma_start3A_191 = arith.constant 0 : i32
      %dma_start3A_192 = tpu.memref_slice %arg4[%mul3A_35, %dma_start3A_191] : memref<2500x128xi32, #tpu.memory_space<hbm>> -> memref<156x128xi32, #tpu.memory_space<hbm>>
      tpu.enqueue_dma source(%dma_start3A_192 : memref<156x128xi32, #tpu.memory_space<hbm>>) target(%dma_start3A_190 : memref<156x128xi32, #tpu.memory_space<vmem>>) target_semaphore(%run_scoped3A : memref<!tpu.dma_semaphore, #tpu.memory_space<semaphore_mem>>)
      %dma_wait3A_193 = arith.constant 0 : i32
      %dma_wait3A_194 = arith.constant 0 : i32
      %dma_wait3A_195 = tpu.memref_slice %arg11[%dma_wait3A_193, %dma_wait3A_194] : memref<157x128xi32, #tpu.memory_space<vmem>> -> memref<156x128xi32, #tpu.memory_space<vmem>>
      %dma_wait3A_196 = arith.constant 0 : i32
      %dma_wait3A_197 = tpu.memref_slice %arg4[%mul3A_35, %dma_wait3A_196] : memref<2500x128xi32, #tpu.memory_space<hbm>> -> memref<156x128xi32, #tpu.memory_space<hbm>>
      %dma_wait3A_198 = arith.constant 0 : i32
      %dma_wait3A_199 = arith.constant 0 : i32
      %dma_wait3A_200 = tpu.memref_slice %arg11[%dma_wait3A_198, %dma_wait3A_199] : memref<157x128xi32, #tpu.memory_space<vmem>> -> memref<156x128xi32, #tpu.memory_space<vmem>>
      %dma_wait3A_201 = arith.constant 0 : i32
      %dma_wait3A_202 = tpu.memref_slice %arg4[%mul3A_35, %dma_wait3A_201] : memref<2500x128xi32, #tpu.memory_space<hbm>> -> memref<156x128xi32, #tpu.memory_space<hbm>>
      tpu.wait_dma2 semaphore(%run_scoped3A : memref<!tpu.dma_semaphore, #tpu.memory_space<semaphore_mem>>) src(%dma_wait3A_202 : memref<156x128xi32, #tpu.memory_space<hbm>>) dst(%dma_wait3A_200 : memref<156x128xi32, #tpu.memory_space<vmem>>)
      tpu.yield
    }) : () -> ()
    %lt3A = arith.constant 4 : i32
    %lt3A_36 = arith.cmpi slt, %add3A, %lt3A : i32
    %convert_element_type3A = arith.extui %lt3A_36 : i1 to i32
    %cond3A = arith.constant 0 : i32
    %cond3A_37 = arith.cmpi ne, %convert_element_type3A, %cond3A : i32
    scf.if %cond3A_37 {
      %add3A_183 = arith.constant 2496 : i32
      %add3A_184 = arith.addi %add3A_183, %add3A : i32
      "tpu.region"() ({
        %run_scoped3A = tpu.sem_alloc : memref<!tpu.dma_semaphore, #tpu.memory_space<semaphore_mem>>
        %dma_start3A_187 = arith.constant 78 : i32
        %dma_start3A_188 = arith.constant 0 : i32
        %dma_start3A_189 = tpu.memref_slice %arg9[%dma_start3A_187, %dma_start3A_188] : memref<79x128xi32, #tpu.memory_space<vmem>> -> memref<1x128xi32, #tpu.memory_space<vmem>>
        %dma_start3A_190 = arith.constant 0 : i32
        %dma_start3A_191 = tpu.memref_slice %arg3[%add3A_184, %dma_start3A_190] : memref<2500x128xi32, #tpu.memory_space<hbm>> -> memref<1x128xi32, #tpu.memory_space<hbm>>
        %dma_start3A_192 = arith.constant 78 : i32
        %dma_start3A_193 = arith.constant 0 : i32
        %dma_start3A_194 = tpu.memref_slice %arg9[%dma_start3A_192, %dma_start3A_193] : memref<79x128xi32, #tpu.memory_space<vmem>> -> memref<1x128xi32, #tpu.memory_space<vmem>>
        %dma_start3A_195 = arith.constant 0 : i32
        %dma_start3A_196 = tpu.memref_slice %arg3[%add3A_184, %dma_start3A_195] : memref<2500x128xi32, #tpu.memory_space<hbm>> -> memref<1x128xi32, #tpu.memory_space<hbm>>
        tpu.enqueue_dma source(%dma_start3A_196 : memref<1x128xi32, #tpu.memory_space<hbm>>) target(%dma_start3A_194 : memref<1x128xi32, #tpu.memory_space<vmem>>) target_semaphore(%run_scoped3A : memref<!tpu.dma_semaphore, #tpu.memory_space<semaphore_mem>>)
        %dma_wait3A_197 = arith.constant 78 : i32
        %dma_wait3A_198 = arith.constant 0 : i32
        %dma_wait3A_199 = tpu.memref_slice %arg9[%dma_wait3A_197, %dma_wait3A_198] : memref<79x128xi32, #tpu.memory_space<vmem>> -> memref<1x128xi32, #tpu.memory_space<vmem>>
        %dma_wait3A_200 = arith.constant 0 : i32
        %dma_wait3A_201 = tpu.memref_slice %arg3[%add3A_184, %dma_wait3A_200] : memref<2500x128xi32, #tpu.memory_space<hbm>> -> memref<1x128xi32, #tpu.memory_space<hbm>>
        %dma_wait3A_202 = arith.constant 78 : i32
        %dma_wait3A_203 = arith.constant 0 : i32
        %dma_wait3A_204 = tpu.memref_slice %arg9[%dma_wait3A_202, %dma_wait3A_203] : memref<79x128xi32, #tpu.memory_space<vmem>> -> memref<1x128xi32, #tpu.memory_space<vmem>>
        %dma_wait3A_205 = arith.constant 0 : i32
        %dma_wait3A_206 = tpu.memref_slice %arg3[%add3A_184, %dma_wait3A_205] : memref<2500x128xi32, #tpu.memory_space<hbm>> -> memref<1x128xi32, #tpu.memory_space<hbm>>
        tpu.wait_dma2 semaphore(%run_scoped3A : memref<!tpu.dma_semaphore, #tpu.memory_space<semaphore_mem>>) src(%dma_wait3A_206 : memref<1x128xi32, #tpu.memory_space<hbm>>) dst(%dma_wait3A_204 : memref<1x128xi32, #tpu.memory_space<vmem>>)
        tpu.yield
      }) : () -> ()
      %add3A_185 = arith.constant 2496 : i32
      %add3A_186 = arith.addi %add3A_185, %add3A : i32
      "tpu.region"() ({
        %run_scoped3A = tpu.sem_alloc : memref<!tpu.dma_semaphore, #tpu.memory_space<semaphore_mem>>
        %dma_start3A_187 = arith.constant 78 : i32
        %dma_start3A_188 = arith.constant 0 : i32
        %dma_start3A_189 = tpu.memref_slice %arg10[%dma_start3A_187, %dma_start3A_188] : memref<79x128xi32, #tpu.memory_space<vmem>> -> memref<1x128xi32, #tpu.memory_space<vmem>>
        %dma_start3A_190 = arith.constant 0 : i32
        %dma_start3A_191 = tpu.memref_slice %arg4[%add3A_186, %dma_start3A_190] : memref<2500x128xi32, #tpu.memory_space<hbm>> -> memref<1x128xi32, #tpu.memory_space<hbm>>
        %dma_start3A_192 = arith.constant 78 : i32
        %dma_start3A_193 = arith.constant 0 : i32
        %dma_start3A_194 = tpu.memref_slice %arg10[%dma_start3A_192, %dma_start3A_193] : memref<79x128xi32, #tpu.memory_space<vmem>> -> memref<1x128xi32, #tpu.memory_space<vmem>>
        %dma_start3A_195 = arith.constant 0 : i32
        %dma_start3A_196 = tpu.memref_slice %arg4[%add3A_186, %dma_start3A_195] : memref<2500x128xi32, #tpu.memory_space<hbm>> -> memref<1x128xi32, #tpu.memory_space<hbm>>
        tpu.enqueue_dma source(%dma_start3A_196 : memref<1x128xi32, #tpu.memory_space<hbm>>) target(%dma_start3A_194 : memref<1x128xi32, #tpu.memory_space<vmem>>) target_semaphore(%run_scoped3A : memref<!tpu.dma_semaphore, #tpu.memory_space<semaphore_mem>>)
        %dma_wait3A_197 = arith.constant 78 : i32
        %dma_wait3A_198 = arith.constant 0 : i32
        %dma_wait3A_199 = tpu.memref_slice %arg10[%dma_wait3A_197, %dma_wait3A_198] : memref<79x128xi32, #tpu.memory_space<vmem>> -> memref<1x128xi32, #tpu.memory_space<vmem>>
        %dma_wait3A_200 = arith.constant 0 : i32
        %dma_wait3A_201 = tpu.memref_slice %arg4[%add3A_186, %dma_wait3A_200] : memref<2500x128xi32, #tpu.memory_space<hbm>> -> memref<1x128xi32, #tpu.memory_space<hbm>>
        %dma_wait3A_202 = arith.constant 78 : i32
        %dma_wait3A_203 = arith.constant 0 : i32
        %dma_wait3A_204 = tpu.memref_slice %arg10[%dma_wait3A_202, %dma_wait3A_203] : memref<79x128xi32, #tpu.memory_space<vmem>> -> memref<1x128xi32, #tpu.memory_space<vmem>>
        %dma_wait3A_205 = arith.constant 0 : i32
        %dma_wait3A_206 = tpu.memref_slice %arg4[%add3A_186, %dma_wait3A_205] : memref<2500x128xi32, #tpu.memory_space<hbm>> -> memref<1x128xi32, #tpu.memory_space<hbm>>
        tpu.wait_dma2 semaphore(%run_scoped3A : memref<!tpu.dma_semaphore, #tpu.memory_space<semaphore_mem>>) src(%dma_wait3A_206 : memref<1x128xi32, #tpu.memory_space<hbm>>) dst(%dma_wait3A_204 : memref<1x128xi32, #tpu.memory_space<vmem>>)
        tpu.yield
      }) : () -> ()
    } else {
    }
    %lt3A_38 = arith.constant 4 : i32
    %lt3A_39 = arith.cmpi slt, %arg1, %lt3A_38 : i32
    %convert_element_type3A_40 = arith.extui %lt3A_39 : i1 to i32
    %cond3A_41 = arith.constant 0 : i32
    %cond3A_42 = arith.cmpi ne, %convert_element_type3A_40, %cond3A_41 : i32
    scf.if %cond3A_42 {
      %add3A_183 = arith.constant 2496 : i32
      %add3A_184 = arith.addi %add3A_183, %arg1 : i32
      "tpu.region"() ({
        %run_scoped3A = tpu.sem_alloc : memref<!tpu.dma_semaphore, #tpu.memory_space<semaphore_mem>>
        %dma_start3A_185 = arith.constant 156 : i32
        %dma_start3A_186 = arith.constant 0 : i32
        %dma_start3A_187 = tpu.memref_slice %arg11[%dma_start3A_185, %dma_start3A_186] : memref<157x128xi32, #tpu.memory_space<vmem>> -> memref<1x128xi32, #tpu.memory_space<vmem>>
        %dma_start3A_188 = arith.constant 0 : i32
        %dma_start3A_189 = tpu.memref_slice %arg4[%add3A_184, %dma_start3A_188] : memref<2500x128xi32, #tpu.memory_space<hbm>> -> memref<1x128xi32, #tpu.memory_space<hbm>>
        %dma_start3A_190 = arith.constant 156 : i32
        %dma_start3A_191 = arith.constant 0 : i32
        %dma_start3A_192 = tpu.memref_slice %arg11[%dma_start3A_190, %dma_start3A_191] : memref<157x128xi32, #tpu.memory_space<vmem>> -> memref<1x128xi32, #tpu.memory_space<vmem>>
        %dma_start3A_193 = arith.constant 0 : i32
        %dma_start3A_194 = tpu.memref_slice %arg4[%add3A_184, %dma_start3A_193] : memref<2500x128xi32, #tpu.memory_space<hbm>> -> memref<1x128xi32, #tpu.memory_space<hbm>>
        tpu.enqueue_dma source(%dma_start3A_194 : memref<1x128xi32, #tpu.memory_space<hbm>>) target(%dma_start3A_192 : memref<1x128xi32, #tpu.memory_space<vmem>>) target_semaphore(%run_scoped3A : memref<!tpu.dma_semaphore, #tpu.memory_space<semaphore_mem>>)
        %dma_wait3A_195 = arith.constant 156 : i32
        %dma_wait3A_196 = arith.constant 0 : i32
        %dma_wait3A_197 = tpu.memref_slice %arg11[%dma_wait3A_195, %dma_wait3A_196] : memref<157x128xi32, #tpu.memory_space<vmem>> -> memref<1x128xi32, #tpu.memory_space<vmem>>
        %dma_wait3A_198 = arith.constant 0 : i32
        %dma_wait3A_199 = tpu.memref_slice %arg4[%add3A_184, %dma_wait3A_198] : memref<2500x128xi32, #tpu.memory_space<hbm>> -> memref<1x128xi32, #tpu.memory_space<hbm>>
        %dma_wait3A_200 = arith.constant 156 : i32
        %dma_wait3A_201 = arith.constant 0 : i32
        %dma_wait3A_202 = tpu.memref_slice %arg11[%dma_wait3A_200, %dma_wait3A_201] : memref<157x128xi32, #tpu.memory_space<vmem>> -> memref<1x128xi32, #tpu.memory_space<vmem>>
        %dma_wait3A_203 = arith.constant 0 : i32
        %dma_wait3A_204 = tpu.memref_slice %arg4[%add3A_184, %dma_wait3A_203] : memref<2500x128xi32, #tpu.memory_space<hbm>> -> memref<1x128xi32, #tpu.memory_space<hbm>>
        tpu.wait_dma2 semaphore(%run_scoped3A : memref<!tpu.dma_semaphore, #tpu.memory_space<semaphore_mem>>) src(%dma_wait3A_204 : memref<1x128xi32, #tpu.memory_space<hbm>>) dst(%dma_wait3A_202 : memref<1x128xi32, #tpu.memory_space<vmem>>)
        tpu.yield
      }) : () -> ()
    } else {
    }
    %barrier3A = arith.constant 0 : index
    tpu.barrier barrier_id(%barrier3A)
    %scan3A_43 = arith.constant 0 : i32
    %scan3A_44 = arith.constant 0 : i32
    %scan3A_45 = arith.constant 156 : i32
    %scan3A_46 = arith.addi %scan3A_44, %scan3A_45 : i32
    %scan3A_47 = arith.constant 1 : i32
    %scan3A_48 = scf.for %scan3A_183 = %scan3A_44 to %scan3A_46 step %scan3A_47 iter_args(%scan3A_184 = %scan3A_43) -> (i32)  : i32 {
      %dma_start3A_185 = arith.constant 0 : i32
      %dma_start3A_186 = tpu.memref_slice %arg11[%scan3A_183, %dma_start3A_185] : memref<157x128xi32, #tpu.memory_space<vmem>> -> memref<1x128xi32, #tpu.memory_space<vmem>>
      %dma_start3A_187 = tpu.memref_squeeze %dma_start3A_186 : memref<1x128xi32, #tpu.memory_space<vmem>> -> memref<128xi32, #tpu.memory_space<vmem>>
      %dma_start3A_188 = arith.constant 0 : i32
      %dma_start3A_189 = tpu.memref_slice %arg24[%dma_start3A_188] : memref<10240xf32, #tpu.memory_space<vmem_shared>> -> memref<10240xf32, #tpu.memory_space<vmem_shared>>
      tpu.enqueue_indirect_dma source(%arg12 : memref<128xf32, #tpu.memory_space<vmem>>) target(%dma_start3A_189 : memref<10240xf32, #tpu.memory_space<vmem_shared>>) offsets(%dma_start3A_187 : memref<128xi32, #tpu.memory_space<vmem>>) semaphore(%arg27 : memref<!tpu.dma_semaphore, #tpu.memory_space<semaphore_mem>>) {add = true}
      %scan3A_190 = arith.constant 0 : i32
      scf.yield %scan3A_190 : i32
    }
    %scan3A_49 = arith.constant 156 : i32
    %lt3A_50 = arith.constant 4 : i32
    %lt3A_51 = arith.cmpi slt, %arg1, %lt3A_50 : i32
    %convert_element_type3A_52 = arith.extui %lt3A_51 : i1 to i32
    %cond3A_53 = arith.constant 0 : i32
    %cond3A_54 = arith.cmpi ne, %convert_element_type3A_52, %cond3A_53 : i32
    scf.if %cond3A_54 {
      %dma_start3A_183 = arith.constant 156 : i32
      %dma_start3A_184 = arith.constant 0 : i32
      %dma_start3A_185 = tpu.memref_slice %arg11[%dma_start3A_183, %dma_start3A_184] : memref<157x128xi32, #tpu.memory_space<vmem>> -> memref<1x128xi32, #tpu.memory_space<vmem>>
      %dma_start3A_186 = tpu.memref_squeeze %dma_start3A_185 : memref<1x128xi32, #tpu.memory_space<vmem>> -> memref<128xi32, #tpu.memory_space<vmem>>
      %dma_start3A_187 = arith.constant 0 : i32
      %dma_start3A_188 = tpu.memref_slice %arg24[%dma_start3A_187] : memref<10240xf32, #tpu.memory_space<vmem_shared>> -> memref<10240xf32, #tpu.memory_space<vmem_shared>>
      tpu.enqueue_indirect_dma source(%arg12 : memref<128xf32, #tpu.memory_space<vmem>>) target(%dma_start3A_188 : memref<10240xf32, #tpu.memory_space<vmem_shared>>) offsets(%dma_start3A_186 : memref<128xi32, #tpu.memory_space<vmem>>) semaphore(%arg27 : memref<!tpu.dma_semaphore, #tpu.memory_space<semaphore_mem>>) {add = true}
    } else {
    }
    %scan3A_55 = arith.constant 0 : i32
    %scan3A_56 = arith.constant 0 : i32
    %scan3A_57 = arith.constant 156 : i32
    %scan3A_58 = arith.addi %scan3A_56, %scan3A_57 : i32
    %scan3A_59 = arith.constant 1 : i32
    %scan3A_60 = scf.for %scan3A_183 = %scan3A_56 to %scan3A_58 step %scan3A_59 iter_args(%scan3A_184 = %scan3A_55) -> (i32)  : i32 {
      %dma_wait3A_185 = arith.constant 0 : i32
      %dma_wait3A_186 = arith.constant 0 : i32
      %dma_wait3A_187 = tpu.memref_slice %arg11[%dma_wait3A_185, %dma_wait3A_186] : memref<157x128xi32, #tpu.memory_space<vmem>> -> memref<1x128xi32, #tpu.memory_space<vmem>>
      %dma_wait3A_188 = tpu.memref_squeeze %dma_wait3A_187 : memref<1x128xi32, #tpu.memory_space<vmem>> -> memref<128xi32, #tpu.memory_space<vmem>>
      %dma_wait3A_189 = arith.constant 0 : i32
      %dma_wait3A_190 = tpu.memref_slice %arg24[%dma_wait3A_189] : memref<10240xf32, #tpu.memory_space<vmem_shared>> -> memref<10240xf32, #tpu.memory_space<vmem_shared>>
      tpu.wait_indirect_dma semaphore(%arg27 : memref<!tpu.dma_semaphore, #tpu.memory_space<semaphore_mem>>) src(%arg12 : memref<128xf32, #tpu.memory_space<vmem>>) dst(%dma_wait3A_190 : memref<10240xf32, #tpu.memory_space<vmem_shared>>)
      %scan3A_191 = arith.constant 0 : i32
      scf.yield %scan3A_191 : i32
    }
    %scan3A_61 = arith.constant 156 : i32
    %lt3A_62 = arith.constant 4 : i32
    %lt3A_63 = arith.cmpi slt, %arg1, %lt3A_62 : i32
    %convert_element_type3A_64 = arith.extui %lt3A_63 : i1 to i32
    %cond3A_65 = arith.constant 0 : i32
    %cond3A_66 = arith.cmpi ne, %convert_element_type3A_64, %cond3A_65 : i32
    scf.if %cond3A_66 {
      %dma_wait3A_183 = arith.constant 0 : i32
      %dma_wait3A_184 = arith.constant 0 : i32
      %dma_wait3A_185 = tpu.memref_slice %arg11[%dma_wait3A_183, %dma_wait3A_184] : memref<157x128xi32, #tpu.memory_space<vmem>> -> memref<1x128xi32, #tpu.memory_space<vmem>>
      %dma_wait3A_186 = tpu.memref_squeeze %dma_wait3A_185 : memref<1x128xi32, #tpu.memory_space<vmem>> -> memref<128xi32, #tpu.memory_space<vmem>>
      %dma_wait3A_187 = arith.constant 0 : i32
      %dma_wait3A_188 = tpu.memref_slice %arg24[%dma_wait3A_187] : memref<10240xf32, #tpu.memory_space<vmem_shared>> -> memref<10240xf32, #tpu.memory_space<vmem_shared>>
      tpu.wait_indirect_dma semaphore(%arg27 : memref<!tpu.dma_semaphore, #tpu.memory_space<semaphore_mem>>) src(%arg12 : memref<128xf32, #tpu.memory_space<vmem>>) dst(%dma_wait3A_188 : memref<10240xf32, #tpu.memory_space<vmem_shared>>)
    } else {
    }
    %barrier3A_67 = arith.constant 0 : index
    tpu.barrier barrier_id(%barrier3A_67)
    "tpu.region"() ({
      %run_scoped3A = tpu.sem_alloc : memref<!tpu.dma_semaphore, #tpu.memory_space<semaphore_mem>>
      %dma_start3A_183 = tpu.memref_slice %arg24[%mul3A_22] : memref<10240xf32, #tpu.memory_space<vmem_shared>> -> memref<640xf32, #tpu.memory_space<vmem_shared>>
      %dma_start3A_184 = tpu.memref_slice %arg24[%mul3A_22] : memref<10240xf32, #tpu.memory_space<vmem_shared>> -> memref<640xf32, #tpu.memory_space<vmem_shared>>
      tpu.enqueue_dma source(%dma_start3A_184 : memref<640xf32, #tpu.memory_space<vmem_shared>>) target(%arg14 : memref<640xf32, #tpu.memory_space<vmem>>) target_semaphore(%run_scoped3A : memref<!tpu.dma_semaphore, #tpu.memory_space<semaphore_mem>>)
      %dma_wait3A_185 = tpu.memref_slice %arg24[%mul3A_22] : memref<10240xf32, #tpu.memory_space<vmem_shared>> -> memref<640xf32, #tpu.memory_space<vmem_shared>>
      %dma_wait3A_186 = tpu.memref_slice %arg24[%mul3A_22] : memref<10240xf32, #tpu.memory_space<vmem_shared>> -> memref<640xf32, #tpu.memory_space<vmem_shared>>
      tpu.wait_dma2 semaphore(%run_scoped3A : memref<!tpu.dma_semaphore, #tpu.memory_space<semaphore_mem>>) src(%dma_wait3A_186 : memref<640xf32, #tpu.memory_space<vmem_shared>>) dst(%arg14 : memref<640xf32, #tpu.memory_space<vmem>>)
      tpu.yield
    }) : () -> ()
    "tpu.region"() ({
      %run_scoped3A = tpu.sem_alloc : memref<!tpu.dma_semaphore, #tpu.memory_space<semaphore_mem>>
      %dma_start3A_183 = arith.constant 0 : i32
      %dma_start3A_184 = tpu.memref_slice %arg2[%mul3A_22, %dma_start3A_183] : memref<10240x16xf32, #tpu.memory_space<hbm>> -> memref<640x16xf32, #tpu.memory_space<hbm>>
      %dma_start3A_185 = arith.constant 0 : i32
      %dma_start3A_186 = tpu.memref_slice %arg2[%mul3A_22, %dma_start3A_185] : memref<10240x16xf32, #tpu.memory_space<hbm>> -> memref<640x16xf32, #tpu.memory_space<hbm>>
      tpu.enqueue_dma source(%dma_start3A_186 : memref<640x16xf32, #tpu.memory_space<hbm>>) target(%arg15 : memref<640x16xf32, #tpu.memory_space<vmem>>) target_semaphore(%run_scoped3A : memref<!tpu.dma_semaphore, #tpu.memory_space<semaphore_mem>>)
      %dma_wait3A_187 = arith.constant 0 : i32
      %dma_wait3A_188 = tpu.memref_slice %arg2[%mul3A_22, %dma_wait3A_187] : memref<10240x16xf32, #tpu.memory_space<hbm>> -> memref<640x16xf32, #tpu.memory_space<hbm>>
      %dma_wait3A_189 = arith.constant 0 : i32
      %dma_wait3A_190 = tpu.memref_slice %arg2[%mul3A_22, %dma_wait3A_189] : memref<10240x16xf32, #tpu.memory_space<hbm>> -> memref<640x16xf32, #tpu.memory_space<hbm>>
      tpu.wait_dma2 semaphore(%run_scoped3A : memref<!tpu.dma_semaphore, #tpu.memory_space<semaphore_mem>>) src(%dma_wait3A_190 : memref<640x16xf32, #tpu.memory_space<hbm>>) dst(%arg15 : memref<640x16xf32, #tpu.memory_space<vmem>>)
      tpu.yield
    }) : () -> ()
    %iota3A = tpu.iota {dimensions = array<i32: 0>} : vector<16xi32>
    %scan3A_68 = arith.constant 0 : i32
    %scan3A_69 = arith.constant 0 : i32
    %scan3A_70 = arith.constant 40 : i32
    %scan3A_71 = arith.addi %scan3A_69, %scan3A_70 : i32
    %scan3A_72 = arith.constant 1 : i32
    %scan3A_73 = scf.for %scan3A_183 = %scan3A_69 to %scan3A_71 step %scan3A_72 iter_args(%scan3A_184 = %scan3A_68) -> (i32)  : i32 {
      %mul3A_185 = arith.constant 16 : i32
      %mul3A_186 = arith.muli %scan3A_183, %mul3A_185 : i32
      %get3A = arith.index_cast %mul3A_186 : i32 to index
      %get3A_187 = tpu.vector_load %arg14[%get3A] {strides = array<i32>} : memref<640xf32, #tpu.memory_space<vmem>>, vector<16xf32>,
      %add3A_188 = arith.constant 1.000000e+00 : f32
      %add3A_189 = vector.broadcast %add3A_188 : f32 to vector<16xf32>
      %add3A_190 = arith.addf %get3A_187, %add3A_189 : vector<16xf32>
      %bitcast3A = vector.bitcast %add3A_190 : vector<16xf32> to vector<16xi32>
      %shift_right_logical3A = arith.constant 1 : i32
      %shift_right_logical3A_191 = vector.broadcast %shift_right_logical3A : i32 to vector<16xi32>
      %shift_right_logical3A_192 = arith.shrui %bitcast3A, %shift_right_logical3A_191 : vector<16xi32>
      %sub3A = arith.constant 1597463007 : i32
      %sub3A_193 = vector.broadcast %sub3A : i32 to vector<16xi32>
      %sub3A_194 = arith.subi %sub3A_193, %shift_right_logical3A_192 : vector<16xi32>
      %bitcast3A_195 = vector.bitcast %sub3A_194 : vector<16xi32> to vector<16xf32>
      %mul3A_196 = arith.constant 5.000000e-01 : f32
      %mul3A_197 = vector.broadcast %mul3A_196 : f32 to vector<16xf32>
      %mul3A_198 = arith.mulf %mul3A_197, %add3A_190 : vector<16xf32>
      %mul3A_199 = arith.mulf %mul3A_198, %bitcast3A_195 : vector<16xf32>
      %mul3A_200 = arith.mulf %mul3A_199, %bitcast3A_195 : vector<16xf32>
      %sub3A_201 = arith.constant 1.500000e+00 : f32
      %sub3A_202 = vector.broadcast %sub3A_201 : f32 to vector<16xf32>
      %sub3A_203 = arith.subf %sub3A_202, %mul3A_200 : vector<16xf32>
      %mul3A_204 = arith.mulf %bitcast3A_195, %sub3A_203 : vector<16xf32>
      %mul3A_205 = arith.constant 5.000000e-01 : f32
      %mul3A_206 = vector.broadcast %mul3A_205 : f32 to vector<16xf32>
      %mul3A_207 = arith.mulf %mul3A_206, %add3A_190 : vector<16xf32>
      %mul3A_208 = arith.mulf %mul3A_207, %mul3A_204 : vector<16xf32>
      %mul3A_209 = arith.mulf %mul3A_208, %mul3A_204 : vector<16xf32>
      %sub3A_210 = arith.constant 1.500000e+00 : f32
      %sub3A_211 = vector.broadcast %sub3A_210 : f32 to vector<16xf32>
      %sub3A_212 = arith.subf %sub3A_211, %mul3A_209 : vector<16xf32>
      %mul3A_213 = arith.mulf %mul3A_204, %sub3A_212 : vector<16xf32>
      %mul3A_214 = arith.constant 5.000000e-01 : f32
      %mul3A_215 = vector.broadcast %mul3A_214 : f32 to vector<16xf32>
      %mul3A_216 = arith.mulf %mul3A_215, %add3A_190 : vector<16xf32>
      %mul3A_217 = arith.mulf %mul3A_216, %mul3A_213 : vector<16xf32>
      %mul3A_218 = arith.mulf %mul3A_217, %mul3A_213 : vector<16xf32>
      %sub3A_219 = arith.constant 1.500000e+00 : f32
      %sub3A_220 = vector.broadcast %sub3A_219 : f32 to vector<16xf32>
      %sub3A_221 = arith.subf %sub3A_220, %mul3A_218 : vector<16xf32>
      %mul3A_222 = arith.mulf %mul3A_213, %sub3A_221 : vector<16xf32>
      %swap3A = arith.index_cast %mul3A_186 : i32 to index
      %swap3A_223 = tpu.vector_load %arg14[%swap3A] {strides = array<i32>} : memref<640xf32, #tpu.memory_space<vmem>>, vector<16xf32>,
      tpu.vector_store %arg14[%swap3A], %mul3A_222 {strides = array<i32>} : memref<640xf32, #tpu.memory_space<vmem>>, vector<16xf32>,
      %scan3A_224 = arith.constant 0 : i32
      scf.yield %scan3A_224 : i32
    }
    %scan3A_74 = arith.constant 40 : i32
    %eq3A = arith.constant 0 : i32
    %eq3A_75 = arith.cmpi eq, %arg0, %eq3A : i32
    %convert_element_type3A_76 = arith.extui %eq3A_75 : i1 to i32
    %cond3A_77 = arith.constant 0 : i32
    %cond3A_78 = arith.cmpi ne, %convert_element_type3A_76, %cond3A_77 : i32
    scf.if %cond3A_78 {
      "tpu.region"() ({
        %run_scoped3A = tpu.sem_alloc : memref<!tpu.dma_semaphore, #tpu.memory_space<semaphore_mem>>
        %dma_start3A_183 = tpu.memref_slice %arg8[%mul3A_22] : memref<10240xf32, #tpu.memory_space<hbm>> -> memref<640xf32, #tpu.memory_space<hbm>>
        %dma_start3A_184 = tpu.memref_slice %arg8[%mul3A_22] : memref<10240xf32, #tpu.memory_space<hbm>> -> memref<640xf32, #tpu.memory_space<hbm>>
        tpu.enqueue_dma source(%arg14 : memref<640xf32, #tpu.memory_space<vmem>>) target(%dma_start3A_184 : memref<640xf32, #tpu.memory_space<hbm>>) target_semaphore(%run_scoped3A : memref<!tpu.dma_semaphore, #tpu.memory_space<semaphore_mem>>)
        %dma_wait3A_185 = tpu.memref_slice %arg8[%mul3A_22] : memref<10240xf32, #tpu.memory_space<hbm>> -> memref<640xf32, #tpu.memory_space<hbm>>
        %dma_wait3A_186 = tpu.memref_slice %arg8[%mul3A_22] : memref<10240xf32, #tpu.memory_space<hbm>> -> memref<640xf32, #tpu.memory_space<hbm>>
        tpu.wait_dma2 semaphore(%run_scoped3A : memref<!tpu.dma_semaphore, #tpu.memory_space<semaphore_mem>>) src(%arg14 : memref<640xf32, #tpu.memory_space<vmem>>) dst(%dma_wait3A_186 : memref<640xf32, #tpu.memory_space<hbm>>)
        tpu.yield
      }) : () -> ()
    } else {
    }
    %scan3A_79 = arith.constant 0 : i32
    %scan3A_80 = arith.constant 0 : i32
    %scan3A_81 = arith.constant 40 : i32
    %scan3A_82 = arith.addi %scan3A_80, %scan3A_81 : i32
    %scan3A_83 = arith.constant 1 : i32
    %scan3A_84 = scf.for %scan3A_183 = %scan3A_80 to %scan3A_82 step %scan3A_83 iter_args(%scan3A_184 = %scan3A_79) -> (i32)  : i32 {
      %mul3A_185 = arith.constant 16 : i32
      %mul3A_186 = arith.muli %scan3A_183, %mul3A_185 : i32
      %add3A_187 = vector.broadcast %mul3A_186 : i32 to vector<16xi32>
      %add3A_188 = arith.addi %iota3A, %add3A_187 : vector<16xi32>
      %mul3A_189 = arith.constant 16 : i32
      %mul3A_190 = arith.muli %scan3A_183, %mul3A_189 : i32
      %get3A = arith.index_cast %mul3A_190 : i32 to index
      %get3A_191 = tpu.vector_load %arg14[%get3A] {strides = array<i32>} : memref<640xf32, #tpu.memory_space<vmem>>, vector<16xf32>,
      %broadcast_in_dim3A = arith.constant 0 : i32
      %broadcast_in_dim3A_192 = vector.broadcast %broadcast_in_dim3A : i32 to vector<16xi32>
      %gather3A = tpu.vector_load_idx %arg15[%add3A_188, %broadcast_in_dim3A_192] : memref<640x16xf32, #tpu.memory_space<vmem>>[vector<16xi32>, vector<16xi32>], vector<16xf32>,
      %mul3A_193 = arith.mulf %gather3A, %get3A_191 : vector<16xf32>
      tpu.vector_store_idx %arg16[%add3A_188, %broadcast_in_dim3A_192], %mul3A_193 : memref<640x16xf32, #tpu.memory_space<vmem>>[vector<16xi32>, vector<16xi32>], vector<16xf32>,
      %broadcast_in_dim3A_194 = arith.constant 1 : i32
      %broadcast_in_dim3A_195 = vector.broadcast %broadcast_in_dim3A_194 : i32 to vector<16xi32>
      %gather3A_196 = tpu.vector_load_idx %arg15[%add3A_188, %broadcast_in_dim3A_195] : memref<640x16xf32, #tpu.memory_space<vmem>>[vector<16xi32>, vector<16xi32>], vector<16xf32>,
      %mul3A_197 = arith.mulf %gather3A_196, %get3A_191 : vector<16xf32>
      tpu.vector_store_idx %arg16[%add3A_188, %broadcast_in_dim3A_195], %mul3A_197 : memref<640x16xf32, #tpu.memory_space<vmem>>[vector<16xi32>, vector<16xi32>], vector<16xf32>,
      %broadcast_in_dim3A_198 = arith.constant 2 : i32
      %broadcast_in_dim3A_199 = vector.broadcast %broadcast_in_dim3A_198 : i32 to vector<16xi32>
      %gather3A_200 = tpu.vector_load_idx %arg15[%add3A_188, %broadcast_in_dim3A_199] : memref<640x16xf32, #tpu.memory_space<vmem>>[vector<16xi32>, vector<16xi32>], vector<16xf32>,
      %mul3A_201 = arith.mulf %gather3A_200, %get3A_191 : vector<16xf32>
      tpu.vector_store_idx %arg16[%add3A_188, %broadcast_in_dim3A_199], %mul3A_201 : memref<640x16xf32, #tpu.memory_space<vmem>>[vector<16xi32>, vector<16xi32>], vector<16xf32>,
      %broadcast_in_dim3A_202 = arith.constant 3 : i32
      %broadcast_in_dim3A_203 = vector.broadcast %broadcast_in_dim3A_202 : i32 to vector<16xi32>
      %gather3A_204 = tpu.vector_load_idx %arg15[%add3A_188, %broadcast_in_dim3A_203] : memref<640x16xf32, #tpu.memory_space<vmem>>[vector<16xi32>, vector<16xi32>], vector<16xf32>,
      %mul3A_205 = arith.mulf %gather3A_204, %get3A_191 : vector<16xf32>
      tpu.vector_store_idx %arg16[%add3A_188, %broadcast_in_dim3A_203], %mul3A_205 : memref<640x16xf32, #tpu.memory_space<vmem>>[vector<16xi32>, vector<16xi32>], vector<16xf32>,
      %broadcast_in_dim3A_206 = arith.constant 4 : i32
      %broadcast_in_dim3A_207 = vector.broadcast %broadcast_in_dim3A_206 : i32 to vector<16xi32>
      %gather3A_208 = tpu.vector_load_idx %arg15[%add3A_188, %broadcast_in_dim3A_207] : memref<640x16xf32, #tpu.memory_space<vmem>>[vector<16xi32>, vector<16xi32>], vector<16xf32>,
      %mul3A_209 = arith.mulf %gather3A_208, %get3A_191 : vector<16xf32>
      tpu.vector_store_idx %arg16[%add3A_188, %broadcast_in_dim3A_207], %mul3A_209 : memref<640x16xf32, #tpu.memory_space<vmem>>[vector<16xi32>, vector<16xi32>], vector<16xf32>,
      %broadcast_in_dim3A_210 = arith.constant 5 : i32
      %broadcast_in_dim3A_211 = vector.broadcast %broadcast_in_dim3A_210 : i32 to vector<16xi32>
      %gather3A_212 = tpu.vector_load_idx %arg15[%add3A_188, %broadcast_in_dim3A_211] : memref<640x16xf32, #tpu.memory_space<vmem>>[vector<16xi32>, vector<16xi32>], vector<16xf32>,
      %mul3A_213 = arith.mulf %gather3A_212, %get3A_191 : vector<16xf32>
      tpu.vector_store_idx %arg16[%add3A_188, %broadcast_in_dim3A_211], %mul3A_213 : memref<640x16xf32, #tpu.memory_space<vmem>>[vector<16xi32>, vector<16xi32>], vector<16xf32>,
      %broadcast_in_dim3A_214 = arith.constant 6 : i32
      %broadcast_in_dim3A_215 = vector.broadcast %broadcast_in_dim3A_214 : i32 to vector<16xi32>
      %gather3A_216 = tpu.vector_load_idx %arg15[%add3A_188, %broadcast_in_dim3A_215] : memref<640x16xf32, #tpu.memory_space<vmem>>[vector<16xi32>, vector<16xi32>], vector<16xf32>,
      %mul3A_217 = arith.mulf %gather3A_216, %get3A_191 : vector<16xf32>
      tpu.vector_store_idx %arg16[%add3A_188, %broadcast_in_dim3A_215], %mul3A_217 : memref<640x16xf32, #tpu.memory_space<vmem>>[vector<16xi32>, vector<16xi32>], vector<16xf32>,
      %broadcast_in_dim3A_218 = arith.constant 7 : i32
      %broadcast_in_dim3A_219 = vector.broadcast %broadcast_in_dim3A_218 : i32 to vector<16xi32>
      %gather3A_220 = tpu.vector_load_idx %arg15[%add3A_188, %broadcast_in_dim3A_219] : memref<640x16xf32, #tpu.memory_space<vmem>>[vector<16xi32>, vector<16xi32>], vector<16xf32>,
      %mul3A_221 = arith.mulf %gather3A_220, %get3A_191 : vector<16xf32>
      tpu.vector_store_idx %arg16[%add3A_188, %broadcast_in_dim3A_219], %mul3A_221 : memref<640x16xf32, #tpu.memory_space<vmem>>[vector<16xi32>, vector<16xi32>], vector<16xf32>,
      %broadcast_in_dim3A_222 = arith.constant 8 : i32
      %broadcast_in_dim3A_223 = vector.broadcast %broadcast_in_dim3A_222 : i32 to vector<16xi32>
      %gather3A_224 = tpu.vector_load_idx %arg15[%add3A_188, %broadcast_in_dim3A_223] : memref<640x16xf32, #tpu.memory_space<vmem>>[vector<16xi32>, vector<16xi32>], vector<16xf32>,
      %mul3A_225 = arith.mulf %gather3A_224, %get3A_191 : vector<16xf32>
      tpu.vector_store_idx %arg16[%add3A_188, %broadcast_in_dim3A_223], %mul3A_225 : memref<640x16xf32, #tpu.memory_space<vmem>>[vector<16xi32>, vector<16xi32>], vector<16xf32>,
      %broadcast_in_dim3A_226 = arith.constant 9 : i32
      %broadcast_in_dim3A_227 = vector.broadcast %broadcast_in_dim3A_226 : i32 to vector<16xi32>
      %gather3A_228 = tpu.vector_load_idx %arg15[%add3A_188, %broadcast_in_dim3A_227] : memref<640x16xf32, #tpu.memory_space<vmem>>[vector<16xi32>, vector<16xi32>], vector<16xf32>,
      %mul3A_229 = arith.mulf %gather3A_228, %get3A_191 : vector<16xf32>
      tpu.vector_store_idx %arg16[%add3A_188, %broadcast_in_dim3A_227], %mul3A_229 : memref<640x16xf32, #tpu.memory_space<vmem>>[vector<16xi32>, vector<16xi32>], vector<16xf32>,
      %broadcast_in_dim3A_230 = arith.constant 10 : i32
      %broadcast_in_dim3A_231 = vector.broadcast %broadcast_in_dim3A_230 : i32 to vector<16xi32>
      %gather3A_232 = tpu.vector_load_idx %arg15[%add3A_188, %broadcast_in_dim3A_231] : memref<640x16xf32, #tpu.memory_space<vmem>>[vector<16xi32>, vector<16xi32>], vector<16xf32>,
      %mul3A_233 = arith.mulf %gather3A_232, %get3A_191 : vector<16xf32>
      tpu.vector_store_idx %arg16[%add3A_188, %broadcast_in_dim3A_231], %mul3A_233 : memref<640x16xf32, #tpu.memory_space<vmem>>[vector<16xi32>, vector<16xi32>], vector<16xf32>,
      %broadcast_in_dim3A_234 = arith.constant 11 : i32
      %broadcast_in_dim3A_235 = vector.broadcast %broadcast_in_dim3A_234 : i32 to vector<16xi32>
      %gather3A_236 = tpu.vector_load_idx %arg15[%add3A_188, %broadcast_in_dim3A_235] : memref<640x16xf32, #tpu.memory_space<vmem>>[vector<16xi32>, vector<16xi32>], vector<16xf32>,
      %mul3A_237 = arith.mulf %gather3A_236, %get3A_191 : vector<16xf32>
      tpu.vector_store_idx %arg16[%add3A_188, %broadcast_in_dim3A_235], %mul3A_237 : memref<640x16xf32, #tpu.memory_space<vmem>>[vector<16xi32>, vector<16xi32>], vector<16xf32>,
      %broadcast_in_dim3A_238 = arith.constant 12 : i32
      %broadcast_in_dim3A_239 = vector.broadcast %broadcast_in_dim3A_238 : i32 to vector<16xi32>
      %gather3A_240 = tpu.vector_load_idx %arg15[%add3A_188, %broadcast_in_dim3A_239] : memref<640x16xf32, #tpu.memory_space<vmem>>[vector<16xi32>, vector<16xi32>], vector<16xf32>,
      %mul3A_241 = arith.mulf %gather3A_240, %get3A_191 : vector<16xf32>
      tpu.vector_store_idx %arg16[%add3A_188, %broadcast_in_dim3A_239], %mul3A_241 : memref<640x16xf32, #tpu.memory_space<vmem>>[vector<16xi32>, vector<16xi32>], vector<16xf32>,
      %broadcast_in_dim3A_242 = arith.constant 13 : i32
      %broadcast_in_dim3A_243 = vector.broadcast %broadcast_in_dim3A_242 : i32 to vector<16xi32>
      %gather3A_244 = tpu.vector_load_idx %arg15[%add3A_188, %broadcast_in_dim3A_243] : memref<640x16xf32, #tpu.memory_space<vmem>>[vector<16xi32>, vector<16xi32>], vector<16xf32>,
      %mul3A_245 = arith.mulf %gather3A_244, %get3A_191 : vector<16xf32>
      tpu.vector_store_idx %arg16[%add3A_188, %broadcast_in_dim3A_243], %mul3A_245 : memref<640x16xf32, #tpu.memory_space<vmem>>[vector<16xi32>, vector<16xi32>], vector<16xf32>,
      %broadcast_in_dim3A_246 = arith.constant 14 : i32
      %broadcast_in_dim3A_247 = vector.broadcast %broadcast_in_dim3A_246 : i32 to vector<16xi32>
      %gather3A_248 = tpu.vector_load_idx %arg15[%add3A_188, %broadcast_in_dim3A_247] : memref<640x16xf32, #tpu.memory_space<vmem>>[vector<16xi32>, vector<16xi32>], vector<16xf32>,
      %mul3A_249 = arith.mulf %gather3A_248, %get3A_191 : vector<16xf32>
      tpu.vector_store_idx %arg16[%add3A_188, %broadcast_in_dim3A_247], %mul3A_249 : memref<640x16xf32, #tpu.memory_space<vmem>>[vector<16xi32>, vector<16xi32>], vector<16xf32>,
      %broadcast_in_dim3A_250 = arith.constant 15 : i32
      %broadcast_in_dim3A_251 = vector.broadcast %broadcast_in_dim3A_250 : i32 to vector<16xi32>
      %gather3A_252 = tpu.vector_load_idx %arg15[%add3A_188, %broadcast_in_dim3A_251] : memref<640x16xf32, #tpu.memory_space<vmem>>[vector<16xi32>, vector<16xi32>], vector<16xf32>,
      %mul3A_253 = arith.mulf %gather3A_252, %get3A_191 : vector<16xf32>
      tpu.vector_store_idx %arg16[%add3A_188, %broadcast_in_dim3A_251], %mul3A_253 : memref<640x16xf32, #tpu.memory_space<vmem>>[vector<16xi32>, vector<16xi32>], vector<16xf32>,
      %scan3A_254 = arith.constant 0 : i32
      scf.yield %scan3A_254 : i32
    }
    %scan3A_85 = arith.constant 40 : i32
    "tpu.region"() ({
      %run_scoped3A = tpu.sem_alloc : memref<!tpu.dma_semaphore, #tpu.memory_space<semaphore_mem>>
      %dma_start3A_183 = arith.constant 0 : i32
      %dma_start3A_184 = tpu.memref_slice %arg25[%mul3A_22, %dma_start3A_183] : memref<10240x16xf32, #tpu.memory_space<vmem_shared>> -> memref<640x16xf32, #tpu.memory_space<vmem_shared>>
      %dma_start3A_185 = arith.constant 0 : i32
      %dma_start3A_186 = tpu.memref_slice %arg25[%mul3A_22, %dma_start3A_185] : memref<10240x16xf32, #tpu.memory_space<vmem_shared>> -> memref<640x16xf32, #tpu.memory_space<vmem_shared>>
      tpu.enqueue_dma source(%arg16 : memref<640x16xf32, #tpu.memory_space<vmem>>) target(%dma_start3A_186 : memref<640x16xf32, #tpu.memory_space<vmem_shared>>) target_semaphore(%run_scoped3A : memref<!tpu.dma_semaphore, #tpu.memory_space<semaphore_mem>>)
      %dma_wait3A_187 = arith.constant 0 : i32
      %dma_wait3A_188 = tpu.memref_slice %arg25[%mul3A_22, %dma_wait3A_187] : memref<10240x16xf32, #tpu.memory_space<vmem_shared>> -> memref<640x16xf32, #tpu.memory_space<vmem_shared>>
      %dma_wait3A_189 = arith.constant 0 : i32
      %dma_wait3A_190 = tpu.memref_slice %arg25[%mul3A_22, %dma_wait3A_189] : memref<10240x16xf32, #tpu.memory_space<vmem_shared>> -> memref<640x16xf32, #tpu.memory_space<vmem_shared>>
      tpu.wait_dma2 semaphore(%run_scoped3A : memref<!tpu.dma_semaphore, #tpu.memory_space<semaphore_mem>>) src(%arg16 : memref<640x16xf32, #tpu.memory_space<vmem>>) dst(%dma_wait3A_190 : memref<640x16xf32, #tpu.memory_space<vmem_shared>>)
      tpu.yield
    }) : () -> ()
    %eq3A_86 = arith.constant 0 : i32
    %eq3A_87 = arith.cmpi eq, %arg0, %eq3A_86 : i32
    %convert_element_type3A_88 = arith.extui %eq3A_87 : i1 to i32
    %cond3A_89 = arith.constant 0 : i32
    %cond3A_90 = arith.cmpi ne, %convert_element_type3A_88, %cond3A_89 : i32
    scf.if %cond3A_90 {
      "tpu.region"() ({
        %run_scoped3A = tpu.sem_alloc : memref<!tpu.dma_semaphore, #tpu.memory_space<semaphore_mem>>
        %dma_start3A_183 = arith.constant 0 : i32
        %dma_start3A_184 = tpu.memref_slice %arg7[%mul3A_22, %dma_start3A_183] : memref<10240x16xf32, #tpu.memory_space<hbm>> -> memref<640x16xf32, #tpu.memory_space<hbm>>
        %dma_start3A_185 = arith.constant 0 : i32
        %dma_start3A_186 = tpu.memref_slice %arg7[%mul3A_22, %dma_start3A_185] : memref<10240x16xf32, #tpu.memory_space<hbm>> -> memref<640x16xf32, #tpu.memory_space<hbm>>
        tpu.enqueue_dma source(%arg16 : memref<640x16xf32, #tpu.memory_space<vmem>>) target(%dma_start3A_186 : memref<640x16xf32, #tpu.memory_space<hbm>>) target_semaphore(%run_scoped3A : memref<!tpu.dma_semaphore, #tpu.memory_space<semaphore_mem>>)
        %dma_wait3A_187 = arith.constant 0 : i32
        %dma_wait3A_188 = tpu.memref_slice %arg7[%mul3A_22, %dma_wait3A_187] : memref<10240x16xf32, #tpu.memory_space<hbm>> -> memref<640x16xf32, #tpu.memory_space<hbm>>
        %dma_wait3A_189 = arith.constant 0 : i32
        %dma_wait3A_190 = tpu.memref_slice %arg7[%mul3A_22, %dma_wait3A_189] : memref<10240x16xf32, #tpu.memory_space<hbm>> -> memref<640x16xf32, #tpu.memory_space<hbm>>
        tpu.wait_dma2 semaphore(%run_scoped3A : memref<!tpu.dma_semaphore, #tpu.memory_space<semaphore_mem>>) src(%arg16 : memref<640x16xf32, #tpu.memory_space<vmem>>) dst(%dma_wait3A_190 : memref<640x16xf32, #tpu.memory_space<hbm>>)
        tpu.yield
      }) : () -> ()
    } else {
    }
    %barrier3A_91 = arith.constant 0 : index
    tpu.barrier barrier_id(%barrier3A_91)
    %dma_start3A = arith.constant 0 : i32
    %dma_start3A_92 = arith.constant 0 : i32
    %dma_start3A_93 = tpu.memref_slice %arg9[%dma_start3A, %dma_start3A_92] : memref<79x128xi32, #tpu.memory_space<vmem>> -> memref<1x128xi32, #tpu.memory_space<vmem>>
    %dma_start3A_94 = tpu.memref_squeeze %dma_start3A_93 : memref<1x128xi32, #tpu.memory_space<vmem>> -> memref<128xi32, #tpu.memory_space<vmem>>
    %dma_start3A_95 = arith.constant 0 : i32
    %dma_start3A_96 = arith.constant 0 : i32
    %dma_start3A_97 = tpu.memref_slice %arg25[%dma_start3A_95, %dma_start3A_96] : memref<10240x16xf32, #tpu.memory_space<vmem_shared>> -> memref<10240x16xf32, #tpu.memory_space<vmem_shared>>
    tpu.enqueue_indirect_dma source(%dma_start3A_97 : memref<10240x16xf32, #tpu.memory_space<vmem_shared>>) target(%arg17 : memref<128x16xf32, #tpu.memory_space<vmem>>) offsets(%dma_start3A_94 : memref<128xi32, #tpu.memory_space<vmem>>) semaphore(%arg28 : memref<!tpu.dma_semaphore, #tpu.memory_space<semaphore_mem>>)
    %dma_start3A_98 = arith.constant 1 : i32
    %dma_start3A_99 = arith.constant 0 : i32
    %dma_start3A_100 = tpu.memref_slice %arg9[%dma_start3A_98, %dma_start3A_99] : memref<79x128xi32, #tpu.memory_space<vmem>> -> memref<1x128xi32, #tpu.memory_space<vmem>>
    %dma_start3A_101 = tpu.memref_squeeze %dma_start3A_100 : memref<1x128xi32, #tpu.memory_space<vmem>> -> memref<128xi32, #tpu.memory_space<vmem>>
    %dma_start3A_102 = arith.constant 0 : i32
    %dma_start3A_103 = arith.constant 0 : i32
    %dma_start3A_104 = tpu.memref_slice %arg25[%dma_start3A_102, %dma_start3A_103] : memref<10240x16xf32, #tpu.memory_space<vmem_shared>> -> memref<10240x16xf32, #tpu.memory_space<vmem_shared>>
    tpu.enqueue_indirect_dma source(%dma_start3A_104 : memref<10240x16xf32, #tpu.memory_space<vmem_shared>>) target(%arg18 : memref<128x16xf32, #tpu.memory_space<vmem>>) offsets(%dma_start3A_101 : memref<128xi32, #tpu.memory_space<vmem>>) semaphore(%arg29 : memref<!tpu.dma_semaphore, #tpu.memory_space<semaphore_mem>>)
    %dma_start3A_105 = arith.constant 2 : i32
    %dma_start3A_106 = arith.constant 0 : i32
    %dma_start3A_107 = tpu.memref_slice %arg9[%dma_start3A_105, %dma_start3A_106] : memref<79x128xi32, #tpu.memory_space<vmem>> -> memref<1x128xi32, #tpu.memory_space<vmem>>
    %dma_start3A_108 = tpu.memref_squeeze %dma_start3A_107 : memref<1x128xi32, #tpu.memory_space<vmem>> -> memref<128xi32, #tpu.memory_space<vmem>>
    %dma_start3A_109 = arith.constant 0 : i32
    %dma_start3A_110 = arith.constant 0 : i32
    %dma_start3A_111 = tpu.memref_slice %arg25[%dma_start3A_109, %dma_start3A_110] : memref<10240x16xf32, #tpu.memory_space<vmem_shared>> -> memref<10240x16xf32, #tpu.memory_space<vmem_shared>>
    tpu.enqueue_indirect_dma source(%dma_start3A_111 : memref<10240x16xf32, #tpu.memory_space<vmem_shared>>) target(%arg19 : memref<128x16xf32, #tpu.memory_space<vmem>>) offsets(%dma_start3A_108 : memref<128xi32, #tpu.memory_space<vmem>>) semaphore(%arg30 : memref<!tpu.dma_semaphore, #tpu.memory_space<semaphore_mem>>)
    %dma_start3A_112 = arith.constant 3 : i32
    %dma_start3A_113 = arith.constant 0 : i32
    %dma_start3A_114 = tpu.memref_slice %arg9[%dma_start3A_112, %dma_start3A_113] : memref<79x128xi32, #tpu.memory_space<vmem>> -> memref<1x128xi32, #tpu.memory_space<vmem>>
    %dma_start3A_115 = tpu.memref_squeeze %dma_start3A_114 : memref<1x128xi32, #tpu.memory_space<vmem>> -> memref<128xi32, #tpu.memory_space<vmem>>
    %dma_start3A_116 = arith.constant 0 : i32
    %dma_start3A_117 = arith.constant 0 : i32
    %dma_start3A_118 = tpu.memref_slice %arg25[%dma_start3A_116, %dma_start3A_117] : memref<10240x16xf32, #tpu.memory_space<vmem_shared>> -> memref<10240x16xf32, #tpu.memory_space<vmem_shared>>
    tpu.enqueue_indirect_dma source(%dma_start3A_118 : memref<10240x16xf32, #tpu.memory_space<vmem_shared>>) target(%arg20 : memref<128x16xf32, #tpu.memory_space<vmem>>) offsets(%dma_start3A_115 : memref<128xi32, #tpu.memory_space<vmem>>) semaphore(%arg31 : memref<!tpu.dma_semaphore, #tpu.memory_space<semaphore_mem>>)
    %scan3A_119 = arith.constant 0 : i32
    %scan3A_120 = arith.constant 0 : i32
    %scan3A_121 = arith.constant 13 : i32
    %scan3A_122 = arith.addi %scan3A_120, %scan3A_121 : i32
    %scan3A_123 = arith.constant 1 : i32
    %scan3A_124 = scf.for %scan3A_183 = %scan3A_120 to %scan3A_122 step %scan3A_123 iter_args(%scan3A_184 = %scan3A_119) -> (i32)  : i32 {
      %mul3A_185 = arith.constant 6 : i32
      %mul3A_186 = arith.muli %scan3A_183, %mul3A_185 : i32
      %add3A_187 = arith.constant 0 : i32
      %add3A_188 = arith.addi %mul3A_186, %add3A_187 : i32
      %dma_wait3A_189 = arith.constant 0 : i32
      %dma_wait3A_190 = tpu.memref_slice %arg9[%add3A_188, %dma_wait3A_189] : memref<79x128xi32, #tpu.memory_space<vmem>> -> memref<1x128xi32, #tpu.memory_space<vmem>>
      %dma_wait3A_191 = tpu.memref_squeeze %dma_wait3A_190 : memref<1x128xi32, #tpu.memory_space<vmem>> -> memref<128xi32, #tpu.memory_space<vmem>>
      %dma_wait3A_192 = arith.constant 0 : i32
      %dma_wait3A_193 = arith.constant 0 : i32
      %dma_wait3A_194 = tpu.memref_slice %arg25[%dma_wait3A_192, %dma_wait3A_193] : memref<10240x16xf32, #tpu.memory_space<vmem_shared>> -> memref<10240x16xf32, #tpu.memory_space<vmem_shared>>
      tpu.wait_indirect_dma semaphore(%arg28 : memref<!tpu.dma_semaphore, #tpu.memory_space<semaphore_mem>>) src(%dma_wait3A_194 : memref<10240x16xf32, #tpu.memory_space<vmem_shared>>) dst(%arg17 : memref<128x16xf32, #tpu.memory_space<vmem>>)
      %dma_start3A_195 = arith.constant 0 : i32
      %dma_start3A_196 = tpu.memref_slice %arg10[%add3A_188, %dma_start3A_195] : memref<79x128xi32, #tpu.memory_space<vmem>> -> memref<1x128xi32, #tpu.memory_space<vmem>>
      %dma_start3A_197 = tpu.memref_squeeze %dma_start3A_196 : memref<1x128xi32, #tpu.memory_space<vmem>> -> memref<128xi32, #tpu.memory_space<vmem>>
      %dma_start3A_198 = arith.constant 0 : i32
      %dma_start3A_199 = arith.constant 0 : i32
      %dma_start3A_200 = tpu.memref_slice %arg26[%dma_start3A_198, %dma_start3A_199] : memref<10240x16xf32, #tpu.memory_space<vmem_shared>> -> memref<10240x16xf32, #tpu.memory_space<vmem_shared>>
      tpu.enqueue_indirect_dma source(%arg17 : memref<128x16xf32, #tpu.memory_space<vmem>>) target(%dma_start3A_200 : memref<10240x16xf32, #tpu.memory_space<vmem_shared>>) offsets(%dma_start3A_197 : memref<128xi32, #tpu.memory_space<vmem>>) semaphore(%arg34 : memref<!tpu.dma_semaphore, #tpu.memory_space<semaphore_mem>>) {add = true}
      %add3A_201 = arith.constant 4 : i32
      %add3A_202 = arith.addi %add3A_188, %add3A_201 : i32
      %lt3A_203 = arith.constant 78 : i32
      %lt3A_204 = arith.cmpi slt, %add3A_202, %lt3A_203 : i32
      %convert_element_type3A_205 = arith.extui %lt3A_204 : i1 to i32
      %cond3A_206 = arith.constant 0 : i32
      %cond3A_207 = arith.cmpi ne, %convert_element_type3A_205, %cond3A_206 : i32
      scf.if %cond3A_207 {
        %ge3A = arith.constant 2 : i32
        %ge3A_324 = arith.cmpi sge, %add3A_188, %ge3A : i32
        %convert_element_type3A_325 = arith.extui %ge3A_324 : i1 to i32
        %cond3A_326 = arith.constant 0 : i32
        %cond3A_327 = arith.cmpi ne, %convert_element_type3A_325, %cond3A_326 : i32
        scf.if %cond3A_327 {
          %sub3A = arith.constant 2 : i32
          %sub3A_336 = arith.subi %add3A_188, %sub3A : i32
          %dma_wait3A_337 = arith.constant 0 : i32
          %dma_wait3A_338 = tpu.memref_slice %arg10[%sub3A_336, %dma_wait3A_337] : memref<79x128xi32, #tpu.memory_space<vmem>> -> memref<1x128xi32, #tpu.memory_space<vmem>>
          %dma_wait3A_339 = tpu.memref_squeeze %dma_wait3A_338 : memref<1x128xi32, #tpu.memory_space<vmem>> -> memref<128xi32, #tpu.memory_space<vmem>>
          %dma_wait3A_340 = arith.constant 0 : i32
          %dma_wait3A_341 = arith.constant 0 : i32
          %dma_wait3A_342 = tpu.memref_slice %arg26[%dma_wait3A_340, %dma_wait3A_341] : memref<10240x16xf32, #tpu.memory_space<vmem_shared>> -> memref<10240x16xf32, #tpu.memory_space<vmem_shared>>
          tpu.wait_indirect_dma semaphore(%arg38 : memref<!tpu.dma_semaphore, #tpu.memory_space<semaphore_mem>>) src(%arg21 : memref<128x16xf32, #tpu.memory_space<vmem>>) dst(%dma_wait3A_342 : memref<10240x16xf32, #tpu.memory_space<vmem_shared>>)
        } else {
        }
        %add3A_328 = arith.constant 4 : i32
        %add3A_329 = arith.addi %add3A_188, %add3A_328 : i32
        %dma_start3A_330 = arith.constant 0 : i32
        %dma_start3A_331 = tpu.memref_slice %arg9[%add3A_329, %dma_start3A_330] : memref<79x128xi32, #tpu.memory_space<vmem>> -> memref<1x128xi32, #tpu.memory_space<vmem>>
        %dma_start3A_332 = tpu.memref_squeeze %dma_start3A_331 : memref<1x128xi32, #tpu.memory_space<vmem>> -> memref<128xi32, #tpu.memory_space<vmem>>
        %dma_start3A_333 = arith.constant 0 : i32
        %dma_start3A_334 = arith.constant 0 : i32
        %dma_start3A_335 = tpu.memref_slice %arg25[%dma_start3A_333, %dma_start3A_334] : memref<10240x16xf32, #tpu.memory_space<vmem_shared>> -> memref<10240x16xf32, #tpu.memory_space<vmem_shared>>
        tpu.enqueue_indirect_dma source(%dma_start3A_335 : memref<10240x16xf32, #tpu.memory_space<vmem_shared>>) target(%arg21 : memref<128x16xf32, #tpu.memory_space<vmem>>) offsets(%dma_start3A_332 : memref<128xi32, #tpu.memory_space<vmem>>) semaphore(%arg32 : memref<!tpu.dma_semaphore, #tpu.memory_space<semaphore_mem>>)
      } else {
      }
      %mul3A_208 = arith.constant 6 : i32
      %mul3A_209 = arith.muli %scan3A_183, %mul3A_208 : i32
      %add3A_210 = arith.constant 1 : i32
      %add3A_211 = arith.addi %mul3A_209, %add3A_210 : i32
      %dma_wait3A_212 = arith.constant 0 : i32
      %dma_wait3A_213 = tpu.memref_slice %arg9[%add3A_211, %dma_wait3A_212] : memref<79x128xi32, #tpu.memory_space<vmem>> -> memref<1x128xi32, #tpu.memory_space<vmem>>
      %dma_wait3A_214 = tpu.memref_squeeze %dma_wait3A_213 : memref<1x128xi32, #tpu.memory_space<vmem>> -> memref<128xi32, #tpu.memory_space<vmem>>
      %dma_wait3A_215 = arith.constant 0 : i32
      %dma_wait3A_216 = arith.constant 0 : i32
      %dma_wait3A_217 = tpu.memref_slice %arg25[%dma_wait3A_215, %dma_wait3A_216] : memref<10240x16xf32, #tpu.memory_space<vmem_shared>> -> memref<10240x16xf32, #tpu.memory_space<vmem_shared>>
      tpu.wait_indirect_dma semaphore(%arg29 : memref<!tpu.dma_semaphore, #tpu.memory_space<semaphore_mem>>) src(%dma_wait3A_217 : memref<10240x16xf32, #tpu.memory_space<vmem_shared>>) dst(%arg18 : memref<128x16xf32, #tpu.memory_space<vmem>>)
      %dma_start3A_218 = arith.constant 0 : i32
      %dma_start3A_219 = tpu.memref_slice %arg10[%add3A_211, %dma_start3A_218] : memref<79x128xi32, #tpu.memory_space<vmem>> -> memref<1x128xi32, #tpu.memory_space<vmem>>
      %dma_start3A_220 = tpu.memref_squeeze %dma_start3A_219 : memref<1x128xi32, #tpu.memory_space<vmem>> -> memref<128xi32, #tpu.memory_space<vmem>>
      %dma_start3A_221 = arith.constant 0 : i32
      %dma_start3A_222 = arith.constant 0 : i32
      %dma_start3A_223 = tpu.memref_slice %arg26[%dma_start3A_221, %dma_start3A_222] : memref<10240x16xf32, #tpu.memory_space<vmem_shared>> -> memref<10240x16xf32, #tpu.memory_space<vmem_shared>>
      tpu.enqueue_indirect_dma source(%arg18 : memref<128x16xf32, #tpu.memory_space<vmem>>) target(%dma_start3A_223 : memref<10240x16xf32, #tpu.memory_space<vmem_shared>>) offsets(%dma_start3A_220 : memref<128xi32, #tpu.memory_space<vmem>>) semaphore(%arg35 : memref<!tpu.dma_semaphore, #tpu.memory_space<semaphore_mem>>) {add = true}
      %add3A_224 = arith.constant 4 : i32
      %add3A_225 = arith.addi %add3A_211, %add3A_224 : i32
      %lt3A_226 = arith.constant 78 : i32
      %lt3A_227 = arith.cmpi slt, %add3A_225, %lt3A_226 : i32
      %convert_element_type3A_228 = arith.extui %lt3A_227 : i1 to i32
      %cond3A_229 = arith.constant 0 : i32
      %cond3A_230 = arith.cmpi ne, %convert_element_type3A_228, %cond3A_229 : i32
      scf.if %cond3A_230 {
        %ge3A = arith.constant 2 : i32
        %ge3A_324 = arith.cmpi sge, %add3A_211, %ge3A : i32
        %convert_element_type3A_325 = arith.extui %ge3A_324 : i1 to i32
        %cond3A_326 = arith.constant 0 : i32
        %cond3A_327 = arith.cmpi ne, %convert_element_type3A_325, %cond3A_326 : i32
        scf.if %cond3A_327 {
          %sub3A = arith.constant 2 : i32
          %sub3A_336 = arith.subi %add3A_211, %sub3A : i32
          %dma_wait3A_337 = arith.constant 0 : i32
          %dma_wait3A_338 = tpu.memref_slice %arg10[%sub3A_336, %dma_wait3A_337] : memref<79x128xi32, #tpu.memory_space<vmem>> -> memref<1x128xi32, #tpu.memory_space<vmem>>
          %dma_wait3A_339 = tpu.memref_squeeze %dma_wait3A_338 : memref<1x128xi32, #tpu.memory_space<vmem>> -> memref<128xi32, #tpu.memory_space<vmem>>
          %dma_wait3A_340 = arith.constant 0 : i32
          %dma_wait3A_341 = arith.constant 0 : i32
          %dma_wait3A_342 = tpu.memref_slice %arg26[%dma_wait3A_340, %dma_wait3A_341] : memref<10240x16xf32, #tpu.memory_space<vmem_shared>> -> memref<10240x16xf32, #tpu.memory_space<vmem_shared>>
          tpu.wait_indirect_dma semaphore(%arg39 : memref<!tpu.dma_semaphore, #tpu.memory_space<semaphore_mem>>) src(%arg22 : memref<128x16xf32, #tpu.memory_space<vmem>>) dst(%dma_wait3A_342 : memref<10240x16xf32, #tpu.memory_space<vmem_shared>>)
        } else {
        }
        %add3A_328 = arith.constant 4 : i32
        %add3A_329 = arith.addi %add3A_211, %add3A_328 : i32
        %dma_start3A_330 = arith.constant 0 : i32
        %dma_start3A_331 = tpu.memref_slice %arg9[%add3A_329, %dma_start3A_330] : memref<79x128xi32, #tpu.memory_space<vmem>> -> memref<1x128xi32, #tpu.memory_space<vmem>>
        %dma_start3A_332 = tpu.memref_squeeze %dma_start3A_331 : memref<1x128xi32, #tpu.memory_space<vmem>> -> memref<128xi32, #tpu.memory_space<vmem>>
        %dma_start3A_333 = arith.constant 0 : i32
        %dma_start3A_334 = arith.constant 0 : i32
        %dma_start3A_335 = tpu.memref_slice %arg25[%dma_start3A_333, %dma_start3A_334] : memref<10240x16xf32, #tpu.memory_space<vmem_shared>> -> memref<10240x16xf32, #tpu.memory_space<vmem_shared>>
        tpu.enqueue_indirect_dma source(%dma_start3A_335 : memref<10240x16xf32, #tpu.memory_space<vmem_shared>>) target(%arg22 : memref<128x16xf32, #tpu.memory_space<vmem>>) offsets(%dma_start3A_332 : memref<128xi32, #tpu.memory_space<vmem>>) semaphore(%arg33 : memref<!tpu.dma_semaphore, #tpu.memory_space<semaphore_mem>>)
      } else {
      }
      %mul3A_231 = arith.constant 6 : i32
      %mul3A_232 = arith.muli %scan3A_183, %mul3A_231 : i32
      %add3A_233 = arith.constant 2 : i32
      %add3A_234 = arith.addi %mul3A_232, %add3A_233 : i32
      %dma_wait3A_235 = arith.constant 0 : i32
      %dma_wait3A_236 = tpu.memref_slice %arg9[%add3A_234, %dma_wait3A_235] : memref<79x128xi32, #tpu.memory_space<vmem>> -> memref<1x128xi32, #tpu.memory_space<vmem>>
      %dma_wait3A_237 = tpu.memref_squeeze %dma_wait3A_236 : memref<1x128xi32, #tpu.memory_space<vmem>> -> memref<128xi32, #tpu.memory_space<vmem>>
      %dma_wait3A_238 = arith.constant 0 : i32
      %dma_wait3A_239 = arith.constant 0 : i32
      %dma_wait3A_240 = tpu.memref_slice %arg25[%dma_wait3A_238, %dma_wait3A_239] : memref<10240x16xf32, #tpu.memory_space<vmem_shared>> -> memref<10240x16xf32, #tpu.memory_space<vmem_shared>>
      tpu.wait_indirect_dma semaphore(%arg30 : memref<!tpu.dma_semaphore, #tpu.memory_space<semaphore_mem>>) src(%dma_wait3A_240 : memref<10240x16xf32, #tpu.memory_space<vmem_shared>>) dst(%arg19 : memref<128x16xf32, #tpu.memory_space<vmem>>)
      %dma_start3A_241 = arith.constant 0 : i32
      %dma_start3A_242 = tpu.memref_slice %arg10[%add3A_234, %dma_start3A_241] : memref<79x128xi32, #tpu.memory_space<vmem>> -> memref<1x128xi32, #tpu.memory_space<vmem>>
      %dma_start3A_243 = tpu.memref_squeeze %dma_start3A_242 : memref<1x128xi32, #tpu.memory_space<vmem>> -> memref<128xi32, #tpu.memory_space<vmem>>
      %dma_start3A_244 = arith.constant 0 : i32
      %dma_start3A_245 = arith.constant 0 : i32
      %dma_start3A_246 = tpu.memref_slice %arg26[%dma_start3A_244, %dma_start3A_245] : memref<10240x16xf32, #tpu.memory_space<vmem_shared>> -> memref<10240x16xf32, #tpu.memory_space<vmem_shared>>
      tpu.enqueue_indirect_dma source(%arg19 : memref<128x16xf32, #tpu.memory_space<vmem>>) target(%dma_start3A_246 : memref<10240x16xf32, #tpu.memory_space<vmem_shared>>) offsets(%dma_start3A_243 : memref<128xi32, #tpu.memory_space<vmem>>) semaphore(%arg36 : memref<!tpu.dma_semaphore, #tpu.memory_space<semaphore_mem>>) {add = true}
      %add3A_247 = arith.constant 4 : i32
      %add3A_248 = arith.addi %add3A_234, %add3A_247 : i32
      %lt3A_249 = arith.constant 78 : i32
      %lt3A_250 = arith.cmpi slt, %add3A_248, %lt3A_249 : i32
      %convert_element_type3A_251 = arith.extui %lt3A_250 : i1 to i32
      %cond3A_252 = arith.constant 0 : i32
      %cond3A_253 = arith.cmpi ne, %convert_element_type3A_251, %cond3A_252 : i32
      scf.if %cond3A_253 {
        %ge3A = arith.constant 2 : i32
        %ge3A_324 = arith.cmpi sge, %add3A_234, %ge3A : i32
        %convert_element_type3A_325 = arith.extui %ge3A_324 : i1 to i32
        %cond3A_326 = arith.constant 0 : i32
        %cond3A_327 = arith.cmpi ne, %convert_element_type3A_325, %cond3A_326 : i32
        scf.if %cond3A_327 {
          %sub3A = arith.constant 2 : i32
          %sub3A_336 = arith.subi %add3A_234, %sub3A : i32
          %dma_wait3A_337 = arith.constant 0 : i32
          %dma_wait3A_338 = tpu.memref_slice %arg10[%sub3A_336, %dma_wait3A_337] : memref<79x128xi32, #tpu.memory_space<vmem>> -> memref<1x128xi32, #tpu.memory_space<vmem>>
          %dma_wait3A_339 = tpu.memref_squeeze %dma_wait3A_338 : memref<1x128xi32, #tpu.memory_space<vmem>> -> memref<128xi32, #tpu.memory_space<vmem>>
          %dma_wait3A_340 = arith.constant 0 : i32
          %dma_wait3A_341 = arith.constant 0 : i32
          %dma_wait3A_342 = tpu.memref_slice %arg26[%dma_wait3A_340, %dma_wait3A_341] : memref<10240x16xf32, #tpu.memory_space<vmem_shared>> -> memref<10240x16xf32, #tpu.memory_space<vmem_shared>>
          tpu.wait_indirect_dma semaphore(%arg34 : memref<!tpu.dma_semaphore, #tpu.memory_space<semaphore_mem>>) src(%arg17 : memref<128x16xf32, #tpu.memory_space<vmem>>) dst(%dma_wait3A_342 : memref<10240x16xf32, #tpu.memory_space<vmem_shared>>)
        } else {
        }
        %add3A_328 = arith.constant 4 : i32
        %add3A_329 = arith.addi %add3A_234, %add3A_328 : i32
        %dma_start3A_330 = arith.constant 0 : i32
        %dma_start3A_331 = tpu.memref_slice %arg9[%add3A_329, %dma_start3A_330] : memref<79x128xi32, #tpu.memory_space<vmem>> -> memref<1x128xi32, #tpu.memory_space<vmem>>
        %dma_start3A_332 = tpu.memref_squeeze %dma_start3A_331 : memref<1x128xi32, #tpu.memory_space<vmem>> -> memref<128xi32, #tpu.memory_space<vmem>>
        %dma_start3A_333 = arith.constant 0 : i32
        %dma_start3A_334 = arith.constant 0 : i32
        %dma_start3A_335 = tpu.memref_slice %arg25[%dma_start3A_333, %dma_start3A_334] : memref<10240x16xf32, #tpu.memory_space<vmem_shared>> -> memref<10240x16xf32, #tpu.memory_space<vmem_shared>>
        tpu.enqueue_indirect_dma source(%dma_start3A_335 : memref<10240x16xf32, #tpu.memory_space<vmem_shared>>) target(%arg17 : memref<128x16xf32, #tpu.memory_space<vmem>>) offsets(%dma_start3A_332 : memref<128xi32, #tpu.memory_space<vmem>>) semaphore(%arg28 : memref<!tpu.dma_semaphore, #tpu.memory_space<semaphore_mem>>)
      } else {
      }
      %mul3A_254 = arith.constant 6 : i32
      %mul3A_255 = arith.muli %scan3A_183, %mul3A_254 : i32
      %add3A_256 = arith.constant 3 : i32
      %add3A_257 = arith.addi %mul3A_255, %add3A_256 : i32
      %dma_wait3A_258 = arith.constant 0 : i32
      %dma_wait3A_259 = tpu.memref_slice %arg9[%add3A_257, %dma_wait3A_258] : memref<79x128xi32, #tpu.memory_space<vmem>> -> memref<1x128xi32, #tpu.memory_space<vmem>>
      %dma_wait3A_260 = tpu.memref_squeeze %dma_wait3A_259 : memref<1x128xi32, #tpu.memory_space<vmem>> -> memref<128xi32, #tpu.memory_space<vmem>>
      %dma_wait3A_261 = arith.constant 0 : i32
      %dma_wait3A_262 = arith.constant 0 : i32
      %dma_wait3A_263 = tpu.memref_slice %arg25[%dma_wait3A_261, %dma_wait3A_262] : memref<10240x16xf32, #tpu.memory_space<vmem_shared>> -> memref<10240x16xf32, #tpu.memory_space<vmem_shared>>
      tpu.wait_indirect_dma semaphore(%arg31 : memref<!tpu.dma_semaphore, #tpu.memory_space<semaphore_mem>>) src(%dma_wait3A_263 : memref<10240x16xf32, #tpu.memory_space<vmem_shared>>) dst(%arg20 : memref<128x16xf32, #tpu.memory_space<vmem>>)
      %dma_start3A_264 = arith.constant 0 : i32
      %dma_start3A_265 = tpu.memref_slice %arg10[%add3A_257, %dma_start3A_264] : memref<79x128xi32, #tpu.memory_space<vmem>> -> memref<1x128xi32, #tpu.memory_space<vmem>>
      %dma_start3A_266 = tpu.memref_squeeze %dma_start3A_265 : memref<1x128xi32, #tpu.memory_space<vmem>> -> memref<128xi32, #tpu.memory_space<vmem>>
      %dma_start3A_267 = arith.constant 0 : i32
      %dma_start3A_268 = arith.constant 0 : i32
      %dma_start3A_269 = tpu.memref_slice %arg26[%dma_start3A_267, %dma_start3A_268] : memref<10240x16xf32, #tpu.memory_space<vmem_shared>> -> memref<10240x16xf32, #tpu.memory_space<vmem_shared>>
      tpu.enqueue_indirect_dma source(%arg20 : memref<128x16xf32, #tpu.memory_space<vmem>>) target(%dma_start3A_269 : memref<10240x16xf32, #tpu.memory_space<vmem_shared>>) offsets(%dma_start3A_266 : memref<128xi32, #tpu.memory_space<vmem>>) semaphore(%arg37 : memref<!tpu.dma_semaphore, #tpu.memory_space<semaphore_mem>>) {add = true}
      %add3A_270 = arith.constant 4 : i32
      %add3A_271 = arith.addi %add3A_257, %add3A_270 : i32
      %lt3A_272 = arith.constant 78 : i32
      %lt3A_273 = arith.cmpi slt, %add3A_271, %lt3A_272 : i32
      %convert_element_type3A_274 = arith.extui %lt3A_273 : i1 to i32
      %cond3A_275 = arith.constant 0 : i32
      %cond3A_276 = arith.cmpi ne, %convert_element_type3A_274, %cond3A_275 : i32
      scf.if %cond3A_276 {
        %ge3A = arith.constant 2 : i32
        %ge3A_324 = arith.cmpi sge, %add3A_257, %ge3A : i32
        %convert_element_type3A_325 = arith.extui %ge3A_324 : i1 to i32
        %cond3A_326 = arith.constant 0 : i32
        %cond3A_327 = arith.cmpi ne, %convert_element_type3A_325, %cond3A_326 : i32
        scf.if %cond3A_327 {
          %sub3A = arith.constant 2 : i32
          %sub3A_336 = arith.subi %add3A_257, %sub3A : i32
          %dma_wait3A_337 = arith.constant 0 : i32
          %dma_wait3A_338 = tpu.memref_slice %arg10[%sub3A_336, %dma_wait3A_337] : memref<79x128xi32, #tpu.memory_space<vmem>> -> memref<1x128xi32, #tpu.memory_space<vmem>>
          %dma_wait3A_339 = tpu.memref_squeeze %dma_wait3A_338 : memref<1x128xi32, #tpu.memory_space<vmem>> -> memref<128xi32, #tpu.memory_space<vmem>>
          %dma_wait3A_340 = arith.constant 0 : i32
          %dma_wait3A_341 = arith.constant 0 : i32
          %dma_wait3A_342 = tpu.memref_slice %arg26[%dma_wait3A_340, %dma_wait3A_341] : memref<10240x16xf32, #tpu.memory_space<vmem_shared>> -> memref<10240x16xf32, #tpu.memory_space<vmem_shared>>
          tpu.wait_indirect_dma semaphore(%arg35 : memref<!tpu.dma_semaphore, #tpu.memory_space<semaphore_mem>>) src(%arg18 : memref<128x16xf32, #tpu.memory_space<vmem>>) dst(%dma_wait3A_342 : memref<10240x16xf32, #tpu.memory_space<vmem_shared>>)
        } else {
        }
        %add3A_328 = arith.constant 4 : i32
        %add3A_329 = arith.addi %add3A_257, %add3A_328 : i32
        %dma_start3A_330 = arith.constant 0 : i32
        %dma_start3A_331 = tpu.memref_slice %arg9[%add3A_329, %dma_start3A_330] : memref<79x128xi32, #tpu.memory_space<vmem>> -> memref<1x128xi32, #tpu.memory_space<vmem>>
        %dma_start3A_332 = tpu.memref_squeeze %dma_start3A_331 : memref<1x128xi32, #tpu.memory_space<vmem>> -> memref<128xi32, #tpu.memory_space<vmem>>
        %dma_start3A_333 = arith.constant 0 : i32
        %dma_start3A_334 = arith.constant 0 : i32
        %dma_start3A_335 = tpu.memref_slice %arg25[%dma_start3A_333, %dma_start3A_334] : memref<10240x16xf32, #tpu.memory_space<vmem_shared>> -> memref<10240x16xf32, #tpu.memory_space<vmem_shared>>
        tpu.enqueue_indirect_dma source(%dma_start3A_335 : memref<10240x16xf32, #tpu.memory_space<vmem_shared>>) target(%arg18 : memref<128x16xf32, #tpu.memory_space<vmem>>) offsets(%dma_start3A_332 : memref<128xi32, #tpu.memory_space<vmem>>) semaphore(%arg29 : memref<!tpu.dma_semaphore, #tpu.memory_space<semaphore_mem>>)
      } else {
      }
      %mul3A_277 = arith.constant 6 : i32
      %mul3A_278 = arith.muli %scan3A_183, %mul3A_277 : i32
      %add3A_279 = arith.constant 4 : i32
      %add3A_280 = arith.addi %mul3A_278, %add3A_279 : i32
      %dma_wait3A_281 = arith.constant 0 : i32
      %dma_wait3A_282 = tpu.memref_slice %arg9[%add3A_280, %dma_wait3A_281] : memref<79x128xi32, #tpu.memory_space<vmem>> -> memref<1x128xi32, #tpu.memory_space<vmem>>
      %dma_wait3A_283 = tpu.memref_squeeze %dma_wait3A_282 : memref<1x128xi32, #tpu.memory_space<vmem>> -> memref<128xi32, #tpu.memory_space<vmem>>
      %dma_wait3A_284 = arith.constant 0 : i32
      %dma_wait3A_285 = arith.constant 0 : i32
      %dma_wait3A_286 = tpu.memref_slice %arg25[%dma_wait3A_284, %dma_wait3A_285] : memref<10240x16xf32, #tpu.memory_space<vmem_shared>> -> memref<10240x16xf32, #tpu.memory_space<vmem_shared>>
      tpu.wait_indirect_dma semaphore(%arg32 : memref<!tpu.dma_semaphore, #tpu.memory_space<semaphore_mem>>) src(%dma_wait3A_286 : memref<10240x16xf32, #tpu.memory_space<vmem_shared>>) dst(%arg21 : memref<128x16xf32, #tpu.memory_space<vmem>>)
      %dma_start3A_287 = arith.constant 0 : i32
      %dma_start3A_288 = tpu.memref_slice %arg10[%add3A_280, %dma_start3A_287] : memref<79x128xi32, #tpu.memory_space<vmem>> -> memref<1x128xi32, #tpu.memory_space<vmem>>
      %dma_start3A_289 = tpu.memref_squeeze %dma_start3A_288 : memref<1x128xi32, #tpu.memory_space<vmem>> -> memref<128xi32, #tpu.memory_space<vmem>>
      %dma_start3A_290 = arith.constant 0 : i32
      %dma_start3A_291 = arith.constant 0 : i32
      %dma_start3A_292 = tpu.memref_slice %arg26[%dma_start3A_290, %dma_start3A_291] : memref<10240x16xf32, #tpu.memory_space<vmem_shared>> -> memref<10240x16xf32, #tpu.memory_space<vmem_shared>>
      tpu.enqueue_indirect_dma source(%arg21 : memref<128x16xf32, #tpu.memory_space<vmem>>) target(%dma_start3A_292 : memref<10240x16xf32, #tpu.memory_space<vmem_shared>>) offsets(%dma_start3A_289 : memref<128xi32, #tpu.memory_space<vmem>>) semaphore(%arg38 : memref<!tpu.dma_semaphore, #tpu.memory_space<semaphore_mem>>) {add = true}
      %add3A_293 = arith.constant 4 : i32
      %add3A_294 = arith.addi %add3A_280, %add3A_293 : i32
      %lt3A_295 = arith.constant 78 : i32
      %lt3A_296 = arith.cmpi slt, %add3A_294, %lt3A_295 : i32
      %convert_element_type3A_297 = arith.extui %lt3A_296 : i1 to i32
      %cond3A_298 = arith.constant 0 : i32
      %cond3A_299 = arith.cmpi ne, %convert_element_type3A_297, %cond3A_298 : i32
      scf.if %cond3A_299 {
        %ge3A = arith.constant 2 : i32
        %ge3A_324 = arith.cmpi sge, %add3A_280, %ge3A : i32
        %convert_element_type3A_325 = arith.extui %ge3A_324 : i1 to i32
        %cond3A_326 = arith.constant 0 : i32
        %cond3A_327 = arith.cmpi ne, %convert_element_type3A_325, %cond3A_326 : i32
        scf.if %cond3A_327 {
          %sub3A = arith.constant 2 : i32
          %sub3A_336 = arith.subi %add3A_280, %sub3A : i32
          %dma_wait3A_337 = arith.constant 0 : i32
          %dma_wait3A_338 = tpu.memref_slice %arg10[%sub3A_336, %dma_wait3A_337] : memref<79x128xi32, #tpu.memory_space<vmem>> -> memref<1x128xi32, #tpu.memory_space<vmem>>
          %dma_wait3A_339 = tpu.memref_squeeze %dma_wait3A_338 : memref<1x128xi32, #tpu.memory_space<vmem>> -> memref<128xi32, #tpu.memory_space<vmem>>
          %dma_wait3A_340 = arith.constant 0 : i32
          %dma_wait3A_341 = arith.constant 0 : i32
          %dma_wait3A_342 = tpu.memref_slice %arg26[%dma_wait3A_340, %dma_wait3A_341] : memref<10240x16xf32, #tpu.memory_space<vmem_shared>> -> memref<10240x16xf32, #tpu.memory_space<vmem_shared>>
          tpu.wait_indirect_dma semaphore(%arg36 : memref<!tpu.dma_semaphore, #tpu.memory_space<semaphore_mem>>) src(%arg19 : memref<128x16xf32, #tpu.memory_space<vmem>>) dst(%dma_wait3A_342 : memref<10240x16xf32, #tpu.memory_space<vmem_shared>>)
        } else {
        }
        %add3A_328 = arith.constant 4 : i32
        %add3A_329 = arith.addi %add3A_280, %add3A_328 : i32
        %dma_start3A_330 = arith.constant 0 : i32
        %dma_start3A_331 = tpu.memref_slice %arg9[%add3A_329, %dma_start3A_330] : memref<79x128xi32, #tpu.memory_space<vmem>> -> memref<1x128xi32, #tpu.memory_space<vmem>>
        %dma_start3A_332 = tpu.memref_squeeze %dma_start3A_331 : memref<1x128xi32, #tpu.memory_space<vmem>> -> memref<128xi32, #tpu.memory_space<vmem>>
        %dma_start3A_333 = arith.constant 0 : i32
        %dma_start3A_334 = arith.constant 0 : i32
        %dma_start3A_335 = tpu.memref_slice %arg25[%dma_start3A_333, %dma_start3A_334] : memref<10240x16xf32, #tpu.memory_space<vmem_shared>> -> memref<10240x16xf32, #tpu.memory_space<vmem_shared>>
        tpu.enqueue_indirect_dma source(%dma_start3A_335 : memref<10240x16xf32, #tpu.memory_space<vmem_shared>>) target(%arg19 : memref<128x16xf32, #tpu.memory_space<vmem>>) offsets(%dma_start3A_332 : memref<128xi32, #tpu.memory_space<vmem>>) semaphore(%arg30 : memref<!tpu.dma_semaphore, #tpu.memory_space<semaphore_mem>>)
      } else {
      }
      %mul3A_300 = arith.constant 6 : i32
      %mul3A_301 = arith.muli %scan3A_183, %mul3A_300 : i32
      %add3A_302 = arith.constant 5 : i32
      %add3A_303 = arith.addi %mul3A_301, %add3A_302 : i32
      %dma_wait3A_304 = arith.constant 0 : i32
      %dma_wait3A_305 = tpu.memref_slice %arg9[%add3A_303, %dma_wait3A_304] : memref<79x128xi32, #tpu.memory_space<vmem>> -> memref<1x128xi32, #tpu.memory_space<vmem>>
      %dma_wait3A_306 = tpu.memref_squeeze %dma_wait3A_305 : memref<1x128xi32, #tpu.memory_space<vmem>> -> memref<128xi32, #tpu.memory_space<vmem>>
      %dma_wait3A_307 = arith.constant 0 : i32
      %dma_wait3A_308 = arith.constant 0 : i32
      %dma_wait3A_309 = tpu.memref_slice %arg25[%dma_wait3A_307, %dma_wait3A_308] : memref<10240x16xf32, #tpu.memory_space<vmem_shared>> -> memref<10240x16xf32, #tpu.memory_space<vmem_shared>>
      tpu.wait_indirect_dma semaphore(%arg33 : memref<!tpu.dma_semaphore, #tpu.memory_space<semaphore_mem>>) src(%dma_wait3A_309 : memref<10240x16xf32, #tpu.memory_space<vmem_shared>>) dst(%arg22 : memref<128x16xf32, #tpu.memory_space<vmem>>)
      %dma_start3A_310 = arith.constant 0 : i32
      %dma_start3A_311 = tpu.memref_slice %arg10[%add3A_303, %dma_start3A_310] : memref<79x128xi32, #tpu.memory_space<vmem>> -> memref<1x128xi32, #tpu.memory_space<vmem>>
      %dma_start3A_312 = tpu.memref_squeeze %dma_start3A_311 : memref<1x128xi32, #tpu.memory_space<vmem>> -> memref<128xi32, #tpu.memory_space<vmem>>
      %dma_start3A_313 = arith.constant 0 : i32
      %dma_start3A_314 = arith.constant 0 : i32
      %dma_start3A_315 = tpu.memref_slice %arg26[%dma_start3A_313, %dma_start3A_314] : memref<10240x16xf32, #tpu.memory_space<vmem_shared>> -> memref<10240x16xf32, #tpu.memory_space<vmem_shared>>
      tpu.enqueue_indirect_dma source(%arg22 : memref<128x16xf32, #tpu.memory_space<vmem>>) target(%dma_start3A_315 : memref<10240x16xf32, #tpu.memory_space<vmem_shared>>) offsets(%dma_start3A_312 : memref<128xi32, #tpu.memory_space<vmem>>) semaphore(%arg39 : memref<!tpu.dma_semaphore, #tpu.memory_space<semaphore_mem>>) {add = true}
      %add3A_316 = arith.constant 4 : i32
      %add3A_317 = arith.addi %add3A_303, %add3A_316 : i32
      %lt3A_318 = arith.constant 78 : i32
      %lt3A_319 = arith.cmpi slt, %add3A_317, %lt3A_318 : i32
      %convert_element_type3A_320 = arith.extui %lt3A_319 : i1 to i32
      %cond3A_321 = arith.constant 0 : i32
      %cond3A_322 = arith.cmpi ne, %convert_element_type3A_320, %cond3A_321 : i32
      scf.if %cond3A_322 {
        %ge3A = arith.constant 2 : i32
        %ge3A_324 = arith.cmpi sge, %add3A_303, %ge3A : i32
        %convert_element_type3A_325 = arith.extui %ge3A_324 : i1 to i32
        %cond3A_326 = arith.constant 0 : i32
        %cond3A_327 = arith.cmpi ne, %convert_element_type3A_325, %cond3A_326 : i32
        scf.if %cond3A_327 {
          %sub3A = arith.constant 2 : i32
          %sub3A_336 = arith.subi %add3A_303, %sub3A : i32
          %dma_wait3A_337 = arith.constant 0 : i32
          %dma_wait3A_338 = tpu.memref_slice %arg10[%sub3A_336, %dma_wait3A_337] : memref<79x128xi32, #tpu.memory_space<vmem>> -> memref<1x128xi32, #tpu.memory_space<vmem>>
          %dma_wait3A_339 = tpu.memref_squeeze %dma_wait3A_338 : memref<1x128xi32, #tpu.memory_space<vmem>> -> memref<128xi32, #tpu.memory_space<vmem>>
          %dma_wait3A_340 = arith.constant 0 : i32
          %dma_wait3A_341 = arith.constant 0 : i32
          %dma_wait3A_342 = tpu.memref_slice %arg26[%dma_wait3A_340, %dma_wait3A_341] : memref<10240x16xf32, #tpu.memory_space<vmem_shared>> -> memref<10240x16xf32, #tpu.memory_space<vmem_shared>>
          tpu.wait_indirect_dma semaphore(%arg37 : memref<!tpu.dma_semaphore, #tpu.memory_space<semaphore_mem>>) src(%arg20 : memref<128x16xf32, #tpu.memory_space<vmem>>) dst(%dma_wait3A_342 : memref<10240x16xf32, #tpu.memory_space<vmem_shared>>)
        } else {
        }
        %add3A_328 = arith.constant 4 : i32
        %add3A_329 = arith.addi %add3A_303, %add3A_328 : i32
        %dma_start3A_330 = arith.constant 0 : i32
        %dma_start3A_331 = tpu.memref_slice %arg9[%add3A_329, %dma_start3A_330] : memref<79x128xi32, #tpu.memory_space<vmem>> -> memref<1x128xi32, #tpu.memory_space<vmem>>
        %dma_start3A_332 = tpu.memref_squeeze %dma_start3A_331 : memref<1x128xi32, #tpu.memory_space<vmem>> -> memref<128xi32, #tpu.memory_space<vmem>>
        %dma_start3A_333 = arith.constant 0 : i32
        %dma_start3A_334 = arith.constant 0 : i32
        %dma_start3A_335 = tpu.memref_slice %arg25[%dma_start3A_333, %dma_start3A_334] : memref<10240x16xf32, #tpu.memory_space<vmem_shared>> -> memref<10240x16xf32, #tpu.memory_space<vmem_shared>>
        tpu.enqueue_indirect_dma source(%dma_start3A_335 : memref<10240x16xf32, #tpu.memory_space<vmem_shared>>) target(%arg20 : memref<128x16xf32, #tpu.memory_space<vmem>>) offsets(%dma_start3A_332 : memref<128xi32, #tpu.memory_space<vmem>>) semaphore(%arg31 : memref<!tpu.dma_semaphore, #tpu.memory_space<semaphore_mem>>)
      } else {
      }
      %scan3A_323 = arith.constant 0 : i32
      scf.yield %scan3A_323 : i32
    }
    %scan3A_125 = arith.constant 13 : i32
    %dma_wait3A = arith.constant 72 : i32
    %dma_wait3A_126 = arith.constant 0 : i32
    %dma_wait3A_127 = tpu.memref_slice %arg10[%dma_wait3A, %dma_wait3A_126] : memref<79x128xi32, #tpu.memory_space<vmem>> -> memref<1x128xi32, #tpu.memory_space<vmem>>
    %dma_wait3A_128 = tpu.memref_squeeze %dma_wait3A_127 : memref<1x128xi32, #tpu.memory_space<vmem>> -> memref<128xi32, #tpu.memory_space<vmem>>
    %dma_wait3A_129 = arith.constant 0 : i32
    %dma_wait3A_130 = arith.constant 0 : i32
    %dma_wait3A_131 = tpu.memref_slice %arg26[%dma_wait3A_129, %dma_wait3A_130] : memref<10240x16xf32, #tpu.memory_space<vmem_shared>> -> memref<10240x16xf32, #tpu.memory_space<vmem_shared>>
    tpu.wait_indirect_dma semaphore(%arg34 : memref<!tpu.dma_semaphore, #tpu.memory_space<semaphore_mem>>) src(%arg17 : memref<128x16xf32, #tpu.memory_space<vmem>>) dst(%dma_wait3A_131 : memref<10240x16xf32, #tpu.memory_space<vmem_shared>>)
    %dma_wait3A_132 = arith.constant 73 : i32
    %dma_wait3A_133 = arith.constant 0 : i32
    %dma_wait3A_134 = tpu.memref_slice %arg10[%dma_wait3A_132, %dma_wait3A_133] : memref<79x128xi32, #tpu.memory_space<vmem>> -> memref<1x128xi32, #tpu.memory_space<vmem>>
    %dma_wait3A_135 = tpu.memref_squeeze %dma_wait3A_134 : memref<1x128xi32, #tpu.memory_space<vmem>> -> memref<128xi32, #tpu.memory_space<vmem>>
    %dma_wait3A_136 = arith.constant 0 : i32
    %dma_wait3A_137 = arith.constant 0 : i32
    %dma_wait3A_138 = tpu.memref_slice %arg26[%dma_wait3A_136, %dma_wait3A_137] : memref<10240x16xf32, #tpu.memory_space<vmem_shared>> -> memref<10240x16xf32, #tpu.memory_space<vmem_shared>>
    tpu.wait_indirect_dma semaphore(%arg35 : memref<!tpu.dma_semaphore, #tpu.memory_space<semaphore_mem>>) src(%arg18 : memref<128x16xf32, #tpu.memory_space<vmem>>) dst(%dma_wait3A_138 : memref<10240x16xf32, #tpu.memory_space<vmem_shared>>)
    %dma_wait3A_139 = arith.constant 74 : i32
    %dma_wait3A_140 = arith.constant 0 : i32
    %dma_wait3A_141 = tpu.memref_slice %arg10[%dma_wait3A_139, %dma_wait3A_140] : memref<79x128xi32, #tpu.memory_space<vmem>> -> memref<1x128xi32, #tpu.memory_space<vmem>>
    %dma_wait3A_142 = tpu.memref_squeeze %dma_wait3A_141 : memref<1x128xi32, #tpu.memory_space<vmem>> -> memref<128xi32, #tpu.memory_space<vmem>>
    %dma_wait3A_143 = arith.constant 0 : i32
    %dma_wait3A_144 = arith.constant 0 : i32
    %dma_wait3A_145 = tpu.memref_slice %arg26[%dma_wait3A_143, %dma_wait3A_144] : memref<10240x16xf32, #tpu.memory_space<vmem_shared>> -> memref<10240x16xf32, #tpu.memory_space<vmem_shared>>
    tpu.wait_indirect_dma semaphore(%arg36 : memref<!tpu.dma_semaphore, #tpu.memory_space<semaphore_mem>>) src(%arg19 : memref<128x16xf32, #tpu.memory_space<vmem>>) dst(%dma_wait3A_145 : memref<10240x16xf32, #tpu.memory_space<vmem_shared>>)
    %dma_wait3A_146 = arith.constant 75 : i32
    %dma_wait3A_147 = arith.constant 0 : i32
    %dma_wait3A_148 = tpu.memref_slice %arg10[%dma_wait3A_146, %dma_wait3A_147] : memref<79x128xi32, #tpu.memory_space<vmem>> -> memref<1x128xi32, #tpu.memory_space<vmem>>
    %dma_wait3A_149 = tpu.memref_squeeze %dma_wait3A_148 : memref<1x128xi32, #tpu.memory_space<vmem>> -> memref<128xi32, #tpu.memory_space<vmem>>
    %dma_wait3A_150 = arith.constant 0 : i32
    %dma_wait3A_151 = arith.constant 0 : i32
    %dma_wait3A_152 = tpu.memref_slice %arg26[%dma_wait3A_150, %dma_wait3A_151] : memref<10240x16xf32, #tpu.memory_space<vmem_shared>> -> memref<10240x16xf32, #tpu.memory_space<vmem_shared>>
    tpu.wait_indirect_dma semaphore(%arg37 : memref<!tpu.dma_semaphore, #tpu.memory_space<semaphore_mem>>) src(%arg20 : memref<128x16xf32, #tpu.memory_space<vmem>>) dst(%dma_wait3A_152 : memref<10240x16xf32, #tpu.memory_space<vmem_shared>>)
    %dma_wait3A_153 = arith.constant 76 : i32
    %dma_wait3A_154 = arith.constant 0 : i32
    %dma_wait3A_155 = tpu.memref_slice %arg10[%dma_wait3A_153, %dma_wait3A_154] : memref<79x128xi32, #tpu.memory_space<vmem>> -> memref<1x128xi32, #tpu.memory_space<vmem>>
    %dma_wait3A_156 = tpu.memref_squeeze %dma_wait3A_155 : memref<1x128xi32, #tpu.memory_space<vmem>> -> memref<128xi32, #tpu.memory_space<vmem>>
    %dma_wait3A_157 = arith.constant 0 : i32
    %dma_wait3A_158 = arith.constant 0 : i32
    %dma_wait3A_159 = tpu.memref_slice %arg26[%dma_wait3A_157, %dma_wait3A_158] : memref<10240x16xf32, #tpu.memory_space<vmem_shared>> -> memref<10240x16xf32, #tpu.memory_space<vmem_shared>>
    tpu.wait_indirect_dma semaphore(%arg38 : memref<!tpu.dma_semaphore, #tpu.memory_space<semaphore_mem>>) src(%arg21 : memref<128x16xf32, #tpu.memory_space<vmem>>) dst(%dma_wait3A_159 : memref<10240x16xf32, #tpu.memory_space<vmem_shared>>)
    %dma_wait3A_160 = arith.constant 77 : i32
    %dma_wait3A_161 = arith.constant 0 : i32
    %dma_wait3A_162 = tpu.memref_slice %arg10[%dma_wait3A_160, %dma_wait3A_161] : memref<79x128xi32, #tpu.memory_space<vmem>> -> memref<1x128xi32, #tpu.memory_space<vmem>>
    %dma_wait3A_163 = tpu.memref_squeeze %dma_wait3A_162 : memref<1x128xi32, #tpu.memory_space<vmem>> -> memref<128xi32, #tpu.memory_space<vmem>>
    %dma_wait3A_164 = arith.constant 0 : i32
    %dma_wait3A_165 = arith.constant 0 : i32
    %dma_wait3A_166 = tpu.memref_slice %arg26[%dma_wait3A_164, %dma_wait3A_165] : memref<10240x16xf32, #tpu.memory_space<vmem_shared>> -> memref<10240x16xf32, #tpu.memory_space<vmem_shared>>
    tpu.wait_indirect_dma semaphore(%arg39 : memref<!tpu.dma_semaphore, #tpu.memory_space<semaphore_mem>>) src(%arg22 : memref<128x16xf32, #tpu.memory_space<vmem>>) dst(%dma_wait3A_166 : memref<10240x16xf32, #tpu.memory_space<vmem_shared>>)
    %lt3A_167 = arith.constant 4 : i32
    %lt3A_168 = arith.cmpi slt, %add3A, %lt3A_167 : i32
    %convert_element_type3A_169 = arith.extui %lt3A_168 : i1 to i32
    %cond3A_170 = arith.constant 0 : i32
    %cond3A_171 = arith.cmpi ne, %convert_element_type3A_169, %cond3A_170 : i32
    scf.if %cond3A_171 {
      %dma_start3A_183 = arith.constant 78 : i32
      %dma_start3A_184 = arith.constant 0 : i32
      %dma_start3A_185 = tpu.memref_slice %arg9[%dma_start3A_183, %dma_start3A_184] : memref<79x128xi32, #tpu.memory_space<vmem>> -> memref<1x128xi32, #tpu.memory_space<vmem>>
      %dma_start3A_186 = tpu.memref_squeeze %dma_start3A_185 : memref<1x128xi32, #tpu.memory_space<vmem>> -> memref<128xi32, #tpu.memory_space<vmem>>
      %dma_start3A_187 = arith.constant 0 : i32
      %dma_start3A_188 = arith.constant 0 : i32
      %dma_start3A_189 = tpu.memref_slice %arg25[%dma_start3A_187, %dma_start3A_188] : memref<10240x16xf32, #tpu.memory_space<vmem_shared>> -> memref<10240x16xf32, #tpu.memory_space<vmem_shared>>
      tpu.enqueue_indirect_dma source(%dma_start3A_189 : memref<10240x16xf32, #tpu.memory_space<vmem_shared>>) target(%arg17 : memref<128x16xf32, #tpu.memory_space<vmem>>) offsets(%dma_start3A_186 : memref<128xi32, #tpu.memory_space<vmem>>) semaphore(%arg28 : memref<!tpu.dma_semaphore, #tpu.memory_space<semaphore_mem>>)
      %dma_wait3A_190 = arith.constant 78 : i32
      %dma_wait3A_191 = arith.constant 0 : i32
      %dma_wait3A_192 = tpu.memref_slice %arg9[%dma_wait3A_190, %dma_wait3A_191] : memref<79x128xi32, #tpu.memory_space<vmem>> -> memref<1x128xi32, #tpu.memory_space<vmem>>
      %dma_wait3A_193 = tpu.memref_squeeze %dma_wait3A_192 : memref<1x128xi32, #tpu.memory_space<vmem>> -> memref<128xi32, #tpu.memory_space<vmem>>
      %dma_wait3A_194 = arith.constant 0 : i32
      %dma_wait3A_195 = arith.constant 0 : i32
      %dma_wait3A_196 = tpu.memref_slice %arg25[%dma_wait3A_194, %dma_wait3A_195] : memref<10240x16xf32, #tpu.memory_space<vmem_shared>> -> memref<10240x16xf32, #tpu.memory_space<vmem_shared>>
      tpu.wait_indirect_dma semaphore(%arg28 : memref<!tpu.dma_semaphore, #tpu.memory_space<semaphore_mem>>) src(%dma_wait3A_196 : memref<10240x16xf32, #tpu.memory_space<vmem_shared>>) dst(%arg17 : memref<128x16xf32, #tpu.memory_space<vmem>>)
      %run_scoped3A = arith.constant 78 : i32
      "tpu.region"() ({
        %run_scoped3A_197 = tpu.sem_alloc : memref<!tpu.dma_semaphore, #tpu.memory_space<semaphore_mem>>
        %dma_start3A_198 = arith.constant 0 : i32
        %dma_start3A_199 = tpu.memref_slice %arg10[%run_scoped3A, %dma_start3A_198] : memref<79x128xi32, #tpu.memory_space<vmem>> -> memref<1x128xi32, #tpu.memory_space<vmem>>
        %dma_start3A_200 = tpu.memref_squeeze %dma_start3A_199 : memref<1x128xi32, #tpu.memory_space<vmem>> -> memref<128xi32, #tpu.memory_space<vmem>>
        %dma_start3A_201 = arith.constant 0 : i32
        %dma_start3A_202 = arith.constant 0 : i32
        %dma_start3A_203 = tpu.memref_slice %arg26[%dma_start3A_201, %dma_start3A_202] : memref<10240x16xf32, #tpu.memory_space<vmem_shared>> -> memref<10240x16xf32, #tpu.memory_space<vmem_shared>>
        tpu.enqueue_indirect_dma source(%arg17 : memref<128x16xf32, #tpu.memory_space<vmem>>) target(%dma_start3A_203 : memref<10240x16xf32, #tpu.memory_space<vmem_shared>>) offsets(%dma_start3A_200 : memref<128xi32, #tpu.memory_space<vmem>>) semaphore(%run_scoped3A_197 : memref<!tpu.dma_semaphore, #tpu.memory_space<semaphore_mem>>) {add = true}
        %dma_wait3A_204 = arith.constant 0 : i32
        %dma_wait3A_205 = tpu.memref_slice %arg10[%run_scoped3A, %dma_wait3A_204] : memref<79x128xi32, #tpu.memory_space<vmem>> -> memref<1x128xi32, #tpu.memory_space<vmem>>
        %dma_wait3A_206 = tpu.memref_squeeze %dma_wait3A_205 : memref<1x128xi32, #tpu.memory_space<vmem>> -> memref<128xi32, #tpu.memory_space<vmem>>
        %dma_wait3A_207 = arith.constant 0 : i32
        %dma_wait3A_208 = arith.constant 0 : i32
        %dma_wait3A_209 = tpu.memref_slice %arg26[%dma_wait3A_207, %dma_wait3A_208] : memref<10240x16xf32, #tpu.memory_space<vmem_shared>> -> memref<10240x16xf32, #tpu.memory_space<vmem_shared>>
        tpu.wait_indirect_dma semaphore(%run_scoped3A_197 : memref<!tpu.dma_semaphore, #tpu.memory_space<semaphore_mem>>) src(%arg17 : memref<128x16xf32, #tpu.memory_space<vmem>>) dst(%dma_wait3A_209 : memref<10240x16xf32, #tpu.memory_space<vmem_shared>>)
        tpu.yield
      }) : () -> ()
    } else {
    }
    %barrier3A_172 = arith.constant 0 : index
    tpu.barrier barrier_id(%barrier3A_172)
    %eq3A_173 = arith.constant 0 : i32
    %eq3A_174 = arith.cmpi eq, %arg0, %eq3A_173 : i32
    %convert_element_type3A_175 = arith.extui %eq3A_174 : i1 to i32
    %cond3A_176 = arith.constant 0 : i32
    %cond3A_177 = arith.cmpi ne, %convert_element_type3A_175, %cond3A_176 : i32
    scf.if %cond3A_177 {
      "tpu.region"() ({
        %run_scoped3A = tpu.sem_alloc : memref<!tpu.dma_semaphore, #tpu.memory_space<semaphore_mem>>
        %dma_start3A_183 = arith.constant 0 : i32
        %dma_start3A_184 = tpu.memref_slice %arg5[%mul3A_22, %dma_start3A_183] : memref<10240x16xf32, #tpu.memory_space<hbm>> -> memref<640x16xf32, #tpu.memory_space<hbm>>
        %dma_start3A_185 = arith.constant 0 : i32
        %dma_start3A_186 = tpu.memref_slice %arg26[%mul3A_22, %dma_start3A_185] : memref<10240x16xf32, #tpu.memory_space<vmem_shared>> -> memref<640x16xf32, #tpu.memory_space<vmem_shared>>
        tpu.enqueue_dma source(%dma_start3A_186 : memref<640x16xf32, #tpu.memory_space<vmem_shared>>) target(%dma_start3A_184 : memref<640x16xf32, #tpu.memory_space<hbm>>) target_semaphore(%run_scoped3A : memref<!tpu.dma_semaphore, #tpu.memory_space<semaphore_mem>>)
        %dma_wait3A_187 = arith.constant 0 : i32
        %dma_wait3A_188 = tpu.memref_slice %arg5[%mul3A_22, %dma_wait3A_187] : memref<10240x16xf32, #tpu.memory_space<hbm>> -> memref<640x16xf32, #tpu.memory_space<hbm>>
        %dma_wait3A_189 = arith.constant 0 : i32
        %dma_wait3A_190 = tpu.memref_slice %arg26[%mul3A_22, %dma_wait3A_189] : memref<10240x16xf32, #tpu.memory_space<vmem_shared>> -> memref<640x16xf32, #tpu.memory_space<vmem_shared>>
        tpu.wait_dma2 semaphore(%run_scoped3A : memref<!tpu.dma_semaphore, #tpu.memory_space<semaphore_mem>>) src(%dma_wait3A_190 : memref<640x16xf32, #tpu.memory_space<vmem_shared>>) dst(%dma_wait3A_188 : memref<640x16xf32, #tpu.memory_space<hbm>>)
        tpu.yield
      }) : () -> ()
    } else {
    }
    %eq3A_178 = arith.constant 1 : i32
    %eq3A_179 = arith.cmpi eq, %arg0, %eq3A_178 : i32
    %convert_element_type3A_180 = arith.extui %eq3A_179 : i1 to i32
    %cond3A_181 = arith.constant 0 : i32
    %cond3A_182 = arith.cmpi ne, %convert_element_type3A_180, %cond3A_181 : i32
    scf.if %cond3A_182 {
      "tpu.region"() ({
        %run_scoped3A = tpu.sem_alloc : memref<!tpu.dma_semaphore, #tpu.memory_space<semaphore_mem>>
        %dma_start3A_183 = arith.constant 0 : i32
        %dma_start3A_184 = tpu.memref_slice %arg6[%mul3A_22, %dma_start3A_183] : memref<10240x16xf32, #tpu.memory_space<hbm>> -> memref<640x16xf32, #tpu.memory_space<hbm>>
        %dma_start3A_185 = arith.constant 0 : i32
        %dma_start3A_186 = tpu.memref_slice %arg26[%mul3A_22, %dma_start3A_185] : memref<10240x16xf32, #tpu.memory_space<vmem_shared>> -> memref<640x16xf32, #tpu.memory_space<vmem_shared>>
        tpu.enqueue_dma source(%dma_start3A_186 : memref<640x16xf32, #tpu.memory_space<vmem_shared>>) target(%dma_start3A_184 : memref<640x16xf32, #tpu.memory_space<hbm>>) target_semaphore(%run_scoped3A : memref<!tpu.dma_semaphore, #tpu.memory_space<semaphore_mem>>)
        %dma_wait3A_187 = arith.constant 0 : i32
        %dma_wait3A_188 = tpu.memref_slice %arg6[%mul3A_22, %dma_wait3A_187] : memref<10240x16xf32, #tpu.memory_space<hbm>> -> memref<640x16xf32, #tpu.memory_space<hbm>>
        %dma_wait3A_189 = arith.constant 0 : i32
        %dma_wait3A_190 = tpu.memref_slice %arg26[%mul3A_22, %dma_wait3A_189] : memref<10240x16xf32, #tpu.memory_space<vmem_shared>> -> memref<640x16xf32, #tpu.memory_space<vmem_shared>>
        tpu.wait_dma2 semaphore(%run_scoped3A : memref<!tpu.dma_semaphore, #tpu.memory_space<semaphore_mem>>) src(%dma_wait3A_190 : memref<640x16xf32, #tpu.memory_space<vmem_shared>>) dst(%dma_wait3A_188 : memref<640x16xf32, #tpu.memory_space<hbm>>)
        tpu.yield
      }) : () -> ()
    } else {
    }
    return
  }
}

#map = affine_map<(d0, d1) -> (0, 0)>
#map1 = affine_map<(d0, d1) -> (0)>
#map2 = affine_map<(d0, d1) -> (0, 0, 0)>
module attributes {stable_mosaic.version = 14 : i64} {
  func.func @_k4_batch(%arg0: i32, %arg1: i32, %arg2: memref<10240x16xf32, #tpu.memory_space<hbm>>, %arg3: memref<10240x16xf32, #tpu.memory_space<hbm>>, %arg4: memref<10240x16xf32, #tpu.memory_space<hbm>>, %arg5: memref<10240xf32, #tpu.memory_space<hbm>>, %arg6: memref<32x2x128xi32, #tpu.memory_space<hbm>>, %arg7: memref<16xf32, #tpu.memory_space<hbm>>, %arg8: memref<16xf32, #tpu.memory_space<hbm>>, %arg9: memref<16xf32, #tpu.memory_space<hbm>>, %arg10: memref<16xf32, #tpu.memory_space<hbm>>, %arg11: memref<8192x16xf32, #tpu.memory_space<hbm>>, %arg12: memref<2x128xi32, #tpu.memory_space<vmem>>, %arg13: memref<10240xf32, #tpu.memory_space<vmem>>, %arg14: memref<128x16xf32, #tpu.memory_space<vmem>>, %arg15: memref<128x16xf32, #tpu.memory_space<vmem>>, %arg16: memref<128x16xf32, #tpu.memory_space<vmem>>, %arg17: memref<128x16xf32, #tpu.memory_space<vmem>>, %arg18: memref<128x16xf32, #tpu.memory_space<vmem>>, %arg19: memref<128x16xf32, #tpu.memory_space<vmem>>, %arg20: memref<128x16xf32, #tpu.memory_space<vmem>>, %arg21: memref<16xf32, #tpu.memory_space<vmem>>, %arg22: memref<16xf32, #tpu.memory_space<vmem>>, %arg23: memref<16xf32, #tpu.memory_space<vmem>>, %arg24: memref<16xf32, #tpu.memory_space<vmem>>, %arg25: memref<!tpu.dma_semaphore, #tpu.memory_space<semaphore_mem>>, %arg26: memref<!tpu.dma_semaphore, #tpu.memory_space<semaphore_mem>>) attributes {dimension_semantics = [#tpu.dimension_semantics<core_parallel>, #tpu.dimension_semantics<subcore_parallel>], iteration_bounds = array<i64: 2, 16>, scalar_prefetch = 0 : i64, scratch_operands = 15 : i64, tpu.core_type = #tpu.core_type<sc_vector_subcore>, window_params = [{transform_indices = #map}, {transform_indices = #map}, {transform_indices = #map}, {transform_indices = #map1}, {transform_indices = #map2}, {transform_indices = #map1}, {transform_indices = #map1}, {transform_indices = #map1}, {transform_indices = #map1}, {transform_indices = #map}]} {
    %mul3A = arith.constant 2 : i32
    %mul3A_0 = arith.muli %arg1, %mul3A : i32
    %add3A = arith.addi %mul3A_0, %arg0 : i32
    "tpu.region"() ({
      %run_scoped3A = tpu.sem_alloc : memref<!tpu.dma_semaphore, #tpu.memory_space<semaphore_mem>>
      %dma_start3A_247 = arith.constant 0 : i32
      %dma_start3A_248 = arith.constant 0 : i32
      %dma_start3A_249 = tpu.memref_slice %arg6[%add3A, %dma_start3A_247, %dma_start3A_248] : memref<32x2x128xi32, #tpu.memory_space<hbm>> -> memref<1x2x128xi32, #tpu.memory_space<hbm>>
      %dma_start3A_250 = tpu.memref_squeeze %dma_start3A_249 : memref<1x2x128xi32, #tpu.memory_space<hbm>> -> memref<2x128xi32, #tpu.memory_space<hbm>>
      %dma_start3A_251 = arith.constant 0 : i32
      %dma_start3A_252 = arith.constant 0 : i32
      %dma_start3A_253 = tpu.memref_slice %arg6[%add3A, %dma_start3A_251, %dma_start3A_252] : memref<32x2x128xi32, #tpu.memory_space<hbm>> -> memref<1x2x128xi32, #tpu.memory_space<hbm>>
      %dma_start3A_254 = tpu.memref_squeeze %dma_start3A_253 : memref<1x2x128xi32, #tpu.memory_space<hbm>> -> memref<2x128xi32, #tpu.memory_space<hbm>>
      tpu.enqueue_dma source(%dma_start3A_254 : memref<2x128xi32, #tpu.memory_space<hbm>>) target(%arg12 : memref<2x128xi32, #tpu.memory_space<vmem>>) target_semaphore(%run_scoped3A : memref<!tpu.dma_semaphore, #tpu.memory_space<semaphore_mem>>)
      %dma_wait3A_255 = arith.constant 0 : i32
      %dma_wait3A_256 = arith.constant 0 : i32
      %dma_wait3A_257 = tpu.memref_slice %arg6[%add3A, %dma_wait3A_255, %dma_wait3A_256] : memref<32x2x128xi32, #tpu.memory_space<hbm>> -> memref<1x2x128xi32, #tpu.memory_space<hbm>>
      %dma_wait3A_258 = tpu.memref_squeeze %dma_wait3A_257 : memref<1x2x128xi32, #tpu.memory_space<hbm>> -> memref<2x128xi32, #tpu.memory_space<hbm>>
      %dma_wait3A_259 = arith.constant 0 : i32
      %dma_wait3A_260 = arith.constant 0 : i32
      %dma_wait3A_261 = tpu.memref_slice %arg6[%add3A, %dma_wait3A_259, %dma_wait3A_260] : memref<32x2x128xi32, #tpu.memory_space<hbm>> -> memref<1x2x128xi32, #tpu.memory_space<hbm>>
      %dma_wait3A_262 = tpu.memref_squeeze %dma_wait3A_261 : memref<1x2x128xi32, #tpu.memory_space<hbm>> -> memref<2x128xi32, #tpu.memory_space<hbm>>
      tpu.wait_dma2 semaphore(%run_scoped3A : memref<!tpu.dma_semaphore, #tpu.memory_space<semaphore_mem>>) src(%dma_wait3A_262 : memref<2x128xi32, #tpu.memory_space<hbm>>) dst(%arg12 : memref<2x128xi32, #tpu.memory_space<vmem>>)
      tpu.yield
    }) : () -> ()
    "tpu.region"() ({
      %run_scoped3A = tpu.sem_alloc : memref<!tpu.dma_semaphore, #tpu.memory_space<semaphore_mem>>
      tpu.enqueue_dma source(%arg5 : memref<10240xf32, #tpu.memory_space<hbm>>) target(%arg13 : memref<10240xf32, #tpu.memory_space<vmem>>) target_semaphore(%run_scoped3A : memref<!tpu.dma_semaphore, #tpu.memory_space<semaphore_mem>>)
      tpu.wait_dma2 semaphore(%run_scoped3A : memref<!tpu.dma_semaphore, #tpu.memory_space<semaphore_mem>>) src(%arg5 : memref<10240xf32, #tpu.memory_space<hbm>>) dst(%arg13 : memref<10240xf32, #tpu.memory_space<vmem>>)
      tpu.yield
    }) : () -> ()
    "tpu.region"() ({
      %run_scoped3A = tpu.sem_alloc : memref<!tpu.dma_semaphore, #tpu.memory_space<semaphore_mem>>
      tpu.enqueue_dma source(%arg7 : memref<16xf32, #tpu.memory_space<hbm>>) target(%arg21 : memref<16xf32, #tpu.memory_space<vmem>>) target_semaphore(%run_scoped3A : memref<!tpu.dma_semaphore, #tpu.memory_space<semaphore_mem>>)
      tpu.wait_dma2 semaphore(%run_scoped3A : memref<!tpu.dma_semaphore, #tpu.memory_space<semaphore_mem>>) src(%arg7 : memref<16xf32, #tpu.memory_space<hbm>>) dst(%arg21 : memref<16xf32, #tpu.memory_space<vmem>>)
      tpu.yield
    }) : () -> ()
    "tpu.region"() ({
      %run_scoped3A = tpu.sem_alloc : memref<!tpu.dma_semaphore, #tpu.memory_space<semaphore_mem>>
      tpu.enqueue_dma source(%arg8 : memref<16xf32, #tpu.memory_space<hbm>>) target(%arg22 : memref<16xf32, #tpu.memory_space<vmem>>) target_semaphore(%run_scoped3A : memref<!tpu.dma_semaphore, #tpu.memory_space<semaphore_mem>>)
      tpu.wait_dma2 semaphore(%run_scoped3A : memref<!tpu.dma_semaphore, #tpu.memory_space<semaphore_mem>>) src(%arg8 : memref<16xf32, #tpu.memory_space<hbm>>) dst(%arg22 : memref<16xf32, #tpu.memory_space<vmem>>)
      tpu.yield
    }) : () -> ()
    "tpu.region"() ({
      %run_scoped3A = tpu.sem_alloc : memref<!tpu.dma_semaphore, #tpu.memory_space<semaphore_mem>>
      tpu.enqueue_dma source(%arg9 : memref<16xf32, #tpu.memory_space<hbm>>) target(%arg23 : memref<16xf32, #tpu.memory_space<vmem>>) target_semaphore(%run_scoped3A : memref<!tpu.dma_semaphore, #tpu.memory_space<semaphore_mem>>)
      tpu.wait_dma2 semaphore(%run_scoped3A : memref<!tpu.dma_semaphore, #tpu.memory_space<semaphore_mem>>) src(%arg9 : memref<16xf32, #tpu.memory_space<hbm>>) dst(%arg23 : memref<16xf32, #tpu.memory_space<vmem>>)
      tpu.yield
    }) : () -> ()
    "tpu.region"() ({
      %run_scoped3A = tpu.sem_alloc : memref<!tpu.dma_semaphore, #tpu.memory_space<semaphore_mem>>
      tpu.enqueue_dma source(%arg10 : memref<16xf32, #tpu.memory_space<hbm>>) target(%arg24 : memref<16xf32, #tpu.memory_space<vmem>>) target_semaphore(%run_scoped3A : memref<!tpu.dma_semaphore, #tpu.memory_space<semaphore_mem>>)
      tpu.wait_dma2 semaphore(%run_scoped3A : memref<!tpu.dma_semaphore, #tpu.memory_space<semaphore_mem>>) src(%arg10 : memref<16xf32, #tpu.memory_space<hbm>>) dst(%arg24 : memref<16xf32, #tpu.memory_space<vmem>>)
      tpu.yield
    }) : () -> ()
    %iota3A = tpu.iota {dimensions = array<i32: 0>} : vector<16xi32>
    %get3A = arith.constant 0 : index
    %get3A_1 = tpu.vector_load %arg24[%get3A] {strides = array<i32>} : memref<16xf32, #tpu.memory_space<vmem>>, vector<16xf32>,
    %broadcast_in_dim3A = arith.constant 0 : i32
    %broadcast_in_dim3A_2 = vector.broadcast %broadcast_in_dim3A : i32 to vector<16xi32>
    %gather3A = tpu.vector_load_idx %arg21[%broadcast_in_dim3A_2] : memref<16xf32, #tpu.memory_space<vmem>>[vector<16xi32>], vector<16xf32>,
    %broadcast_in_dim3A_3 = arith.constant 1 : i32
    %broadcast_in_dim3A_4 = vector.broadcast %broadcast_in_dim3A_3 : i32 to vector<16xi32>
    %gather3A_5 = tpu.vector_load_idx %arg21[%broadcast_in_dim3A_4] : memref<16xf32, #tpu.memory_space<vmem>>[vector<16xi32>], vector<16xf32>,
    %broadcast_in_dim3A_6 = arith.constant 2 : i32
    %broadcast_in_dim3A_7 = vector.broadcast %broadcast_in_dim3A_6 : i32 to vector<16xi32>
    %gather3A_8 = tpu.vector_load_idx %arg21[%broadcast_in_dim3A_7] : memref<16xf32, #tpu.memory_space<vmem>>[vector<16xi32>], vector<16xf32>,
    %broadcast_in_dim3A_9 = arith.constant 3 : i32
    %broadcast_in_dim3A_10 = vector.broadcast %broadcast_in_dim3A_9 : i32 to vector<16xi32>
    %gather3A_11 = tpu.vector_load_idx %arg21[%broadcast_in_dim3A_10] : memref<16xf32, #tpu.memory_space<vmem>>[vector<16xi32>], vector<16xf32>,
    %broadcast_in_dim3A_12 = arith.constant 4 : i32
    %broadcast_in_dim3A_13 = vector.broadcast %broadcast_in_dim3A_12 : i32 to vector<16xi32>
    %gather3A_14 = tpu.vector_load_idx %arg21[%broadcast_in_dim3A_13] : memref<16xf32, #tpu.memory_space<vmem>>[vector<16xi32>], vector<16xf32>,
    %broadcast_in_dim3A_15 = arith.constant 5 : i32
    %broadcast_in_dim3A_16 = vector.broadcast %broadcast_in_dim3A_15 : i32 to vector<16xi32>
    %gather3A_17 = tpu.vector_load_idx %arg21[%broadcast_in_dim3A_16] : memref<16xf32, #tpu.memory_space<vmem>>[vector<16xi32>], vector<16xf32>,
    %broadcast_in_dim3A_18 = arith.constant 6 : i32
    %broadcast_in_dim3A_19 = vector.broadcast %broadcast_in_dim3A_18 : i32 to vector<16xi32>
    %gather3A_20 = tpu.vector_load_idx %arg21[%broadcast_in_dim3A_19] : memref<16xf32, #tpu.memory_space<vmem>>[vector<16xi32>], vector<16xf32>,
    %broadcast_in_dim3A_21 = arith.constant 7 : i32
    %broadcast_in_dim3A_22 = vector.broadcast %broadcast_in_dim3A_21 : i32 to vector<16xi32>
    %gather3A_23 = tpu.vector_load_idx %arg21[%broadcast_in_dim3A_22] : memref<16xf32, #tpu.memory_space<vmem>>[vector<16xi32>], vector<16xf32>,
    %broadcast_in_dim3A_24 = arith.constant 8 : i32
    %broadcast_in_dim3A_25 = vector.broadcast %broadcast_in_dim3A_24 : i32 to vector<16xi32>
    %gather3A_26 = tpu.vector_load_idx %arg21[%broadcast_in_dim3A_25] : memref<16xf32, #tpu.memory_space<vmem>>[vector<16xi32>], vector<16xf32>,
    %broadcast_in_dim3A_27 = arith.constant 9 : i32
    %broadcast_in_dim3A_28 = vector.broadcast %broadcast_in_dim3A_27 : i32 to vector<16xi32>
    %gather3A_29 = tpu.vector_load_idx %arg21[%broadcast_in_dim3A_28] : memref<16xf32, #tpu.memory_space<vmem>>[vector<16xi32>], vector<16xf32>,
    %broadcast_in_dim3A_30 = arith.constant 10 : i32
    %broadcast_in_dim3A_31 = vector.broadcast %broadcast_in_dim3A_30 : i32 to vector<16xi32>
    %gather3A_32 = tpu.vector_load_idx %arg21[%broadcast_in_dim3A_31] : memref<16xf32, #tpu.memory_space<vmem>>[vector<16xi32>], vector<16xf32>,
    %broadcast_in_dim3A_33 = arith.constant 11 : i32
    %broadcast_in_dim3A_34 = vector.broadcast %broadcast_in_dim3A_33 : i32 to vector<16xi32>
    %gather3A_35 = tpu.vector_load_idx %arg21[%broadcast_in_dim3A_34] : memref<16xf32, #tpu.memory_space<vmem>>[vector<16xi32>], vector<16xf32>,
    %broadcast_in_dim3A_36 = arith.constant 12 : i32
    %broadcast_in_dim3A_37 = vector.broadcast %broadcast_in_dim3A_36 : i32 to vector<16xi32>
    %gather3A_38 = tpu.vector_load_idx %arg21[%broadcast_in_dim3A_37] : memref<16xf32, #tpu.memory_space<vmem>>[vector<16xi32>], vector<16xf32>,
    %broadcast_in_dim3A_39 = arith.constant 13 : i32
    %broadcast_in_dim3A_40 = vector.broadcast %broadcast_in_dim3A_39 : i32 to vector<16xi32>
    %gather3A_41 = tpu.vector_load_idx %arg21[%broadcast_in_dim3A_40] : memref<16xf32, #tpu.memory_space<vmem>>[vector<16xi32>], vector<16xf32>,
    %broadcast_in_dim3A_42 = arith.constant 14 : i32
    %broadcast_in_dim3A_43 = vector.broadcast %broadcast_in_dim3A_42 : i32 to vector<16xi32>
    %gather3A_44 = tpu.vector_load_idx %arg21[%broadcast_in_dim3A_43] : memref<16xf32, #tpu.memory_space<vmem>>[vector<16xi32>], vector<16xf32>,
    %broadcast_in_dim3A_45 = arith.constant 15 : i32
    %broadcast_in_dim3A_46 = vector.broadcast %broadcast_in_dim3A_45 : i32 to vector<16xi32>
    %gather3A_47 = tpu.vector_load_idx %arg21[%broadcast_in_dim3A_46] : memref<16xf32, #tpu.memory_space<vmem>>[vector<16xi32>], vector<16xf32>,
    %broadcast_in_dim3A_48 = arith.constant 0 : i32
    %broadcast_in_dim3A_49 = vector.broadcast %broadcast_in_dim3A_48 : i32 to vector<16xi32>
    %gather3A_50 = tpu.vector_load_idx %arg22[%broadcast_in_dim3A_49] : memref<16xf32, #tpu.memory_space<vmem>>[vector<16xi32>], vector<16xf32>,
    %broadcast_in_dim3A_51 = arith.constant 1 : i32
    %broadcast_in_dim3A_52 = vector.broadcast %broadcast_in_dim3A_51 : i32 to vector<16xi32>
    %gather3A_53 = tpu.vector_load_idx %arg22[%broadcast_in_dim3A_52] : memref<16xf32, #tpu.memory_space<vmem>>[vector<16xi32>], vector<16xf32>,
    %broadcast_in_dim3A_54 = arith.constant 2 : i32
    %broadcast_in_dim3A_55 = vector.broadcast %broadcast_in_dim3A_54 : i32 to vector<16xi32>
    %gather3A_56 = tpu.vector_load_idx %arg22[%broadcast_in_dim3A_55] : memref<16xf32, #tpu.memory_space<vmem>>[vector<16xi32>], vector<16xf32>,
    %broadcast_in_dim3A_57 = arith.constant 3 : i32
    %broadcast_in_dim3A_58 = vector.broadcast %broadcast_in_dim3A_57 : i32 to vector<16xi32>
    %gather3A_59 = tpu.vector_load_idx %arg22[%broadcast_in_dim3A_58] : memref<16xf32, #tpu.memory_space<vmem>>[vector<16xi32>], vector<16xf32>,
    %broadcast_in_dim3A_60 = arith.constant 4 : i32
    %broadcast_in_dim3A_61 = vector.broadcast %broadcast_in_dim3A_60 : i32 to vector<16xi32>
    %gather3A_62 = tpu.vector_load_idx %arg22[%broadcast_in_dim3A_61] : memref<16xf32, #tpu.memory_space<vmem>>[vector<16xi32>], vector<16xf32>,
    %broadcast_in_dim3A_63 = arith.constant 5 : i32
    %broadcast_in_dim3A_64 = vector.broadcast %broadcast_in_dim3A_63 : i32 to vector<16xi32>
    %gather3A_65 = tpu.vector_load_idx %arg22[%broadcast_in_dim3A_64] : memref<16xf32, #tpu.memory_space<vmem>>[vector<16xi32>], vector<16xf32>,
    %broadcast_in_dim3A_66 = arith.constant 6 : i32
    %broadcast_in_dim3A_67 = vector.broadcast %broadcast_in_dim3A_66 : i32 to vector<16xi32>
    %gather3A_68 = tpu.vector_load_idx %arg22[%broadcast_in_dim3A_67] : memref<16xf32, #tpu.memory_space<vmem>>[vector<16xi32>], vector<16xf32>,
    %broadcast_in_dim3A_69 = arith.constant 7 : i32
    %broadcast_in_dim3A_70 = vector.broadcast %broadcast_in_dim3A_69 : i32 to vector<16xi32>
    %gather3A_71 = tpu.vector_load_idx %arg22[%broadcast_in_dim3A_70] : memref<16xf32, #tpu.memory_space<vmem>>[vector<16xi32>], vector<16xf32>,
    %broadcast_in_dim3A_72 = arith.constant 8 : i32
    %broadcast_in_dim3A_73 = vector.broadcast %broadcast_in_dim3A_72 : i32 to vector<16xi32>
    %gather3A_74 = tpu.vector_load_idx %arg22[%broadcast_in_dim3A_73] : memref<16xf32, #tpu.memory_space<vmem>>[vector<16xi32>], vector<16xf32>,
    %broadcast_in_dim3A_75 = arith.constant 9 : i32
    %broadcast_in_dim3A_76 = vector.broadcast %broadcast_in_dim3A_75 : i32 to vector<16xi32>
    %gather3A_77 = tpu.vector_load_idx %arg22[%broadcast_in_dim3A_76] : memref<16xf32, #tpu.memory_space<vmem>>[vector<16xi32>], vector<16xf32>,
    %broadcast_in_dim3A_78 = arith.constant 10 : i32
    %broadcast_in_dim3A_79 = vector.broadcast %broadcast_in_dim3A_78 : i32 to vector<16xi32>
    %gather3A_80 = tpu.vector_load_idx %arg22[%broadcast_in_dim3A_79] : memref<16xf32, #tpu.memory_space<vmem>>[vector<16xi32>], vector<16xf32>,
    %broadcast_in_dim3A_81 = arith.constant 11 : i32
    %broadcast_in_dim3A_82 = vector.broadcast %broadcast_in_dim3A_81 : i32 to vector<16xi32>
    %gather3A_83 = tpu.vector_load_idx %arg22[%broadcast_in_dim3A_82] : memref<16xf32, #tpu.memory_space<vmem>>[vector<16xi32>], vector<16xf32>,
    %broadcast_in_dim3A_84 = arith.constant 12 : i32
    %broadcast_in_dim3A_85 = vector.broadcast %broadcast_in_dim3A_84 : i32 to vector<16xi32>
    %gather3A_86 = tpu.vector_load_idx %arg22[%broadcast_in_dim3A_85] : memref<16xf32, #tpu.memory_space<vmem>>[vector<16xi32>], vector<16xf32>,
    %broadcast_in_dim3A_87 = arith.constant 13 : i32
    %broadcast_in_dim3A_88 = vector.broadcast %broadcast_in_dim3A_87 : i32 to vector<16xi32>
    %gather3A_89 = tpu.vector_load_idx %arg22[%broadcast_in_dim3A_88] : memref<16xf32, #tpu.memory_space<vmem>>[vector<16xi32>], vector<16xf32>,
    %broadcast_in_dim3A_90 = arith.constant 14 : i32
    %broadcast_in_dim3A_91 = vector.broadcast %broadcast_in_dim3A_90 : i32 to vector<16xi32>
    %gather3A_92 = tpu.vector_load_idx %arg22[%broadcast_in_dim3A_91] : memref<16xf32, #tpu.memory_space<vmem>>[vector<16xi32>], vector<16xf32>,
    %broadcast_in_dim3A_93 = arith.constant 15 : i32
    %broadcast_in_dim3A_94 = vector.broadcast %broadcast_in_dim3A_93 : i32 to vector<16xi32>
    %gather3A_95 = tpu.vector_load_idx %arg22[%broadcast_in_dim3A_94] : memref<16xf32, #tpu.memory_space<vmem>>[vector<16xi32>], vector<16xf32>,
    %broadcast_in_dim3A_96 = arith.constant 0 : i32
    %broadcast_in_dim3A_97 = vector.broadcast %broadcast_in_dim3A_96 : i32 to vector<16xi32>
    %gather3A_98 = tpu.vector_load_idx %arg23[%broadcast_in_dim3A_97] : memref<16xf32, #tpu.memory_space<vmem>>[vector<16xi32>], vector<16xf32>,
    %broadcast_in_dim3A_99 = arith.constant 1 : i32
    %broadcast_in_dim3A_100 = vector.broadcast %broadcast_in_dim3A_99 : i32 to vector<16xi32>
    %gather3A_101 = tpu.vector_load_idx %arg23[%broadcast_in_dim3A_100] : memref<16xf32, #tpu.memory_space<vmem>>[vector<16xi32>], vector<16xf32>,
    %broadcast_in_dim3A_102 = arith.constant 2 : i32
    %broadcast_in_dim3A_103 = vector.broadcast %broadcast_in_dim3A_102 : i32 to vector<16xi32>
    %gather3A_104 = tpu.vector_load_idx %arg23[%broadcast_in_dim3A_103] : memref<16xf32, #tpu.memory_space<vmem>>[vector<16xi32>], vector<16xf32>,
    %broadcast_in_dim3A_105 = arith.constant 3 : i32
    %broadcast_in_dim3A_106 = vector.broadcast %broadcast_in_dim3A_105 : i32 to vector<16xi32>
    %gather3A_107 = tpu.vector_load_idx %arg23[%broadcast_in_dim3A_106] : memref<16xf32, #tpu.memory_space<vmem>>[vector<16xi32>], vector<16xf32>,
    %broadcast_in_dim3A_108 = arith.constant 4 : i32
    %broadcast_in_dim3A_109 = vector.broadcast %broadcast_in_dim3A_108 : i32 to vector<16xi32>
    %gather3A_110 = tpu.vector_load_idx %arg23[%broadcast_in_dim3A_109] : memref<16xf32, #tpu.memory_space<vmem>>[vector<16xi32>], vector<16xf32>,
    %broadcast_in_dim3A_111 = arith.constant 5 : i32
    %broadcast_in_dim3A_112 = vector.broadcast %broadcast_in_dim3A_111 : i32 to vector<16xi32>
    %gather3A_113 = tpu.vector_load_idx %arg23[%broadcast_in_dim3A_112] : memref<16xf32, #tpu.memory_space<vmem>>[vector<16xi32>], vector<16xf32>,
    %broadcast_in_dim3A_114 = arith.constant 6 : i32
    %broadcast_in_dim3A_115 = vector.broadcast %broadcast_in_dim3A_114 : i32 to vector<16xi32>
    %gather3A_116 = tpu.vector_load_idx %arg23[%broadcast_in_dim3A_115] : memref<16xf32, #tpu.memory_space<vmem>>[vector<16xi32>], vector<16xf32>,
    %broadcast_in_dim3A_117 = arith.constant 7 : i32
    %broadcast_in_dim3A_118 = vector.broadcast %broadcast_in_dim3A_117 : i32 to vector<16xi32>
    %gather3A_119 = tpu.vector_load_idx %arg23[%broadcast_in_dim3A_118] : memref<16xf32, #tpu.memory_space<vmem>>[vector<16xi32>], vector<16xf32>,
    %broadcast_in_dim3A_120 = arith.constant 8 : i32
    %broadcast_in_dim3A_121 = vector.broadcast %broadcast_in_dim3A_120 : i32 to vector<16xi32>
    %gather3A_122 = tpu.vector_load_idx %arg23[%broadcast_in_dim3A_121] : memref<16xf32, #tpu.memory_space<vmem>>[vector<16xi32>], vector<16xf32>,
    %broadcast_in_dim3A_123 = arith.constant 9 : i32
    %broadcast_in_dim3A_124 = vector.broadcast %broadcast_in_dim3A_123 : i32 to vector<16xi32>
    %gather3A_125 = tpu.vector_load_idx %arg23[%broadcast_in_dim3A_124] : memref<16xf32, #tpu.memory_space<vmem>>[vector<16xi32>], vector<16xf32>,
    %broadcast_in_dim3A_126 = arith.constant 10 : i32
    %broadcast_in_dim3A_127 = vector.broadcast %broadcast_in_dim3A_126 : i32 to vector<16xi32>
    %gather3A_128 = tpu.vector_load_idx %arg23[%broadcast_in_dim3A_127] : memref<16xf32, #tpu.memory_space<vmem>>[vector<16xi32>], vector<16xf32>,
    %broadcast_in_dim3A_129 = arith.constant 11 : i32
    %broadcast_in_dim3A_130 = vector.broadcast %broadcast_in_dim3A_129 : i32 to vector<16xi32>
    %gather3A_131 = tpu.vector_load_idx %arg23[%broadcast_in_dim3A_130] : memref<16xf32, #tpu.memory_space<vmem>>[vector<16xi32>], vector<16xf32>,
    %broadcast_in_dim3A_132 = arith.constant 12 : i32
    %broadcast_in_dim3A_133 = vector.broadcast %broadcast_in_dim3A_132 : i32 to vector<16xi32>
    %gather3A_134 = tpu.vector_load_idx %arg23[%broadcast_in_dim3A_133] : memref<16xf32, #tpu.memory_space<vmem>>[vector<16xi32>], vector<16xf32>,
    %broadcast_in_dim3A_135 = arith.constant 13 : i32
    %broadcast_in_dim3A_136 = vector.broadcast %broadcast_in_dim3A_135 : i32 to vector<16xi32>
    %gather3A_137 = tpu.vector_load_idx %arg23[%broadcast_in_dim3A_136] : memref<16xf32, #tpu.memory_space<vmem>>[vector<16xi32>], vector<16xf32>,
    %broadcast_in_dim3A_138 = arith.constant 14 : i32
    %broadcast_in_dim3A_139 = vector.broadcast %broadcast_in_dim3A_138 : i32 to vector<16xi32>
    %gather3A_140 = tpu.vector_load_idx %arg23[%broadcast_in_dim3A_139] : memref<16xf32, #tpu.memory_space<vmem>>[vector<16xi32>], vector<16xf32>,
    %broadcast_in_dim3A_141 = arith.constant 15 : i32
    %broadcast_in_dim3A_142 = vector.broadcast %broadcast_in_dim3A_141 : i32 to vector<16xi32>
    %gather3A_143 = tpu.vector_load_idx %arg23[%broadcast_in_dim3A_142] : memref<16xf32, #tpu.memory_space<vmem>>[vector<16xi32>], vector<16xf32>,
    %dma_start3A = arith.constant 0 : i32
    %dma_start3A_144 = arith.constant 0 : i32
    %dma_start3A_145 = tpu.memref_slice %arg12[%dma_start3A, %dma_start3A_144] : memref<2x128xi32, #tpu.memory_space<vmem>> -> memref<1x128xi32, #tpu.memory_space<vmem>>
    %dma_start3A_146 = tpu.memref_squeeze %dma_start3A_145 : memref<1x128xi32, #tpu.memory_space<vmem>> -> memref<128xi32, #tpu.memory_space<vmem>>
    %dma_start3A_147 = arith.constant 0 : i32
    %dma_start3A_148 = arith.constant 0 : i32
    %dma_start3A_149 = tpu.memref_slice %arg2[%dma_start3A_147, %dma_start3A_148] : memref<10240x16xf32, #tpu.memory_space<hbm>> -> memref<10240x16xf32, #tpu.memory_space<hbm>>
    tpu.enqueue_indirect_dma source(%dma_start3A_149 : memref<10240x16xf32, #tpu.memory_space<hbm>>) target(%arg14 : memref<128x16xf32, #tpu.memory_space<vmem>>) offsets(%dma_start3A_146 : memref<128xi32, #tpu.memory_space<vmem>>) semaphore(%arg25 : memref<!tpu.dma_semaphore, #tpu.memory_space<semaphore_mem>>)
    %dma_start3A_150 = arith.constant 0 : i32
    %dma_start3A_151 = arith.constant 0 : i32
    %dma_start3A_152 = tpu.memref_slice %arg12[%dma_start3A_150, %dma_start3A_151] : memref<2x128xi32, #tpu.memory_space<vmem>> -> memref<1x128xi32, #tpu.memory_space<vmem>>
    %dma_start3A_153 = tpu.memref_squeeze %dma_start3A_152 : memref<1x128xi32, #tpu.memory_space<vmem>> -> memref<128xi32, #tpu.memory_space<vmem>>
    %dma_start3A_154 = arith.constant 0 : i32
    %dma_start3A_155 = arith.constant 0 : i32
    %dma_start3A_156 = tpu.memref_slice %arg3[%dma_start3A_154, %dma_start3A_155] : memref<10240x16xf32, #tpu.memory_space<hbm>> -> memref<10240x16xf32, #tpu.memory_space<hbm>>
    tpu.enqueue_indirect_dma source(%dma_start3A_156 : memref<10240x16xf32, #tpu.memory_space<hbm>>) target(%arg16 : memref<128x16xf32, #tpu.memory_space<vmem>>) offsets(%dma_start3A_153 : memref<128xi32, #tpu.memory_space<vmem>>) semaphore(%arg25 : memref<!tpu.dma_semaphore, #tpu.memory_space<semaphore_mem>>)
    %dma_start3A_157 = arith.constant 0 : i32
    %dma_start3A_158 = arith.constant 0 : i32
    %dma_start3A_159 = tpu.memref_slice %arg12[%dma_start3A_157, %dma_start3A_158] : memref<2x128xi32, #tpu.memory_space<vmem>> -> memref<1x128xi32, #tpu.memory_space<vmem>>
    %dma_start3A_160 = tpu.memref_squeeze %dma_start3A_159 : memref<1x128xi32, #tpu.memory_space<vmem>> -> memref<128xi32, #tpu.memory_space<vmem>>
    %dma_start3A_161 = arith.constant 0 : i32
    %dma_start3A_162 = arith.constant 0 : i32
    %dma_start3A_163 = tpu.memref_slice %arg4[%dma_start3A_161, %dma_start3A_162] : memref<10240x16xf32, #tpu.memory_space<hbm>> -> memref<10240x16xf32, #tpu.memory_space<hbm>>
    tpu.enqueue_indirect_dma source(%dma_start3A_163 : memref<10240x16xf32, #tpu.memory_space<hbm>>) target(%arg18 : memref<128x16xf32, #tpu.memory_space<vmem>>) offsets(%dma_start3A_160 : memref<128xi32, #tpu.memory_space<vmem>>) semaphore(%arg25 : memref<!tpu.dma_semaphore, #tpu.memory_space<semaphore_mem>>)
    %dma_wait3A = arith.constant 0 : i32
    %dma_wait3A_164 = arith.constant 0 : i32
    %dma_wait3A_165 = tpu.memref_slice %arg12[%dma_wait3A, %dma_wait3A_164] : memref<2x128xi32, #tpu.memory_space<vmem>> -> memref<1x128xi32, #tpu.memory_space<vmem>>
    %dma_wait3A_166 = tpu.memref_squeeze %dma_wait3A_165 : memref<1x128xi32, #tpu.memory_space<vmem>> -> memref<128xi32, #tpu.memory_space<vmem>>
    %dma_wait3A_167 = arith.constant 0 : i32
    %dma_wait3A_168 = arith.constant 0 : i32
    %dma_wait3A_169 = tpu.memref_slice %arg4[%dma_wait3A_167, %dma_wait3A_168] : memref<10240x16xf32, #tpu.memory_space<hbm>> -> memref<10240x16xf32, #tpu.memory_space<hbm>>
    tpu.wait_indirect_dma semaphore(%arg25 : memref<!tpu.dma_semaphore, #tpu.memory_space<semaphore_mem>>) src(%dma_wait3A_169 : memref<10240x16xf32, #tpu.memory_space<hbm>>) dst(%arg18 : memref<128x16xf32, #tpu.memory_space<vmem>>)
    %dma_wait3A_170 = arith.constant 0 : i32
    %dma_wait3A_171 = arith.constant 0 : i32
    %dma_wait3A_172 = tpu.memref_slice %arg12[%dma_wait3A_170, %dma_wait3A_171] : memref<2x128xi32, #tpu.memory_space<vmem>> -> memref<1x128xi32, #tpu.memory_space<vmem>>
    %dma_wait3A_173 = tpu.memref_squeeze %dma_wait3A_172 : memref<1x128xi32, #tpu.memory_space<vmem>> -> memref<128xi32, #tpu.memory_space<vmem>>
    %dma_wait3A_174 = arith.constant 0 : i32
    %dma_wait3A_175 = arith.constant 0 : i32
    %dma_wait3A_176 = tpu.memref_slice %arg4[%dma_wait3A_174, %dma_wait3A_175] : memref<10240x16xf32, #tpu.memory_space<hbm>> -> memref<10240x16xf32, #tpu.memory_space<hbm>>
    tpu.wait_indirect_dma semaphore(%arg25 : memref<!tpu.dma_semaphore, #tpu.memory_space<semaphore_mem>>) src(%dma_wait3A_176 : memref<10240x16xf32, #tpu.memory_space<hbm>>) dst(%arg18 : memref<128x16xf32, #tpu.memory_space<vmem>>)
    %dma_wait3A_177 = arith.constant 0 : i32
    %dma_wait3A_178 = arith.constant 0 : i32
    %dma_wait3A_179 = tpu.memref_slice %arg12[%dma_wait3A_177, %dma_wait3A_178] : memref<2x128xi32, #tpu.memory_space<vmem>> -> memref<1x128xi32, #tpu.memory_space<vmem>>
    %dma_wait3A_180 = tpu.memref_squeeze %dma_wait3A_179 : memref<1x128xi32, #tpu.memory_space<vmem>> -> memref<128xi32, #tpu.memory_space<vmem>>
    %dma_wait3A_181 = arith.constant 0 : i32
    %dma_wait3A_182 = arith.constant 0 : i32
    %dma_wait3A_183 = tpu.memref_slice %arg4[%dma_wait3A_181, %dma_wait3A_182] : memref<10240x16xf32, #tpu.memory_space<hbm>> -> memref<10240x16xf32, #tpu.memory_space<hbm>>
    tpu.wait_indirect_dma semaphore(%arg25 : memref<!tpu.dma_semaphore, #tpu.memory_space<semaphore_mem>>) src(%dma_wait3A_183 : memref<10240x16xf32, #tpu.memory_space<hbm>>) dst(%arg18 : memref<128x16xf32, #tpu.memory_space<vmem>>)
    %dma_start3A_184 = arith.constant 1 : i32
    %dma_start3A_185 = arith.constant 0 : i32
    %dma_start3A_186 = tpu.memref_slice %arg12[%dma_start3A_184, %dma_start3A_185] : memref<2x128xi32, #tpu.memory_space<vmem>> -> memref<1x128xi32, #tpu.memory_space<vmem>>
    %dma_start3A_187 = tpu.memref_squeeze %dma_start3A_186 : memref<1x128xi32, #tpu.memory_space<vmem>> -> memref<128xi32, #tpu.memory_space<vmem>>
    %dma_start3A_188 = arith.constant 0 : i32
    %dma_start3A_189 = arith.constant 0 : i32
    %dma_start3A_190 = tpu.memref_slice %arg2[%dma_start3A_188, %dma_start3A_189] : memref<10240x16xf32, #tpu.memory_space<hbm>> -> memref<10240x16xf32, #tpu.memory_space<hbm>>
    tpu.enqueue_indirect_dma source(%dma_start3A_190 : memref<10240x16xf32, #tpu.memory_space<hbm>>) target(%arg15 : memref<128x16xf32, #tpu.memory_space<vmem>>) offsets(%dma_start3A_187 : memref<128xi32, #tpu.memory_space<vmem>>) semaphore(%arg26 : memref<!tpu.dma_semaphore, #tpu.memory_space<semaphore_mem>>)
    %dma_start3A_191 = arith.constant 1 : i32
    %dma_start3A_192 = arith.constant 0 : i32
    %dma_start3A_193 = tpu.memref_slice %arg12[%dma_start3A_191, %dma_start3A_192] : memref<2x128xi32, #tpu.memory_space<vmem>> -> memref<1x128xi32, #tpu.memory_space<vmem>>
    %dma_start3A_194 = tpu.memref_squeeze %dma_start3A_193 : memref<1x128xi32, #tpu.memory_space<vmem>> -> memref<128xi32, #tpu.memory_space<vmem>>
    %dma_start3A_195 = arith.constant 0 : i32
    %dma_start3A_196 = arith.constant 0 : i32
    %dma_start3A_197 = tpu.memref_slice %arg3[%dma_start3A_195, %dma_start3A_196] : memref<10240x16xf32, #tpu.memory_space<hbm>> -> memref<10240x16xf32, #tpu.memory_space<hbm>>
    tpu.enqueue_indirect_dma source(%dma_start3A_197 : memref<10240x16xf32, #tpu.memory_space<hbm>>) target(%arg17 : memref<128x16xf32, #tpu.memory_space<vmem>>) offsets(%dma_start3A_194 : memref<128xi32, #tpu.memory_space<vmem>>) semaphore(%arg26 : memref<!tpu.dma_semaphore, #tpu.memory_space<semaphore_mem>>)
    %dma_start3A_198 = arith.constant 1 : i32
    %dma_start3A_199 = arith.constant 0 : i32
    %dma_start3A_200 = tpu.memref_slice %arg12[%dma_start3A_198, %dma_start3A_199] : memref<2x128xi32, #tpu.memory_space<vmem>> -> memref<1x128xi32, #tpu.memory_space<vmem>>
    %dma_start3A_201 = tpu.memref_squeeze %dma_start3A_200 : memref<1x128xi32, #tpu.memory_space<vmem>> -> memref<128xi32, #tpu.memory_space<vmem>>
    %dma_start3A_202 = arith.constant 0 : i32
    %dma_start3A_203 = arith.constant 0 : i32
    %dma_start3A_204 = tpu.memref_slice %arg4[%dma_start3A_202, %dma_start3A_203] : memref<10240x16xf32, #tpu.memory_space<hbm>> -> memref<10240x16xf32, #tpu.memory_space<hbm>>
    tpu.enqueue_indirect_dma source(%dma_start3A_204 : memref<10240x16xf32, #tpu.memory_space<hbm>>) target(%arg19 : memref<128x16xf32, #tpu.memory_space<vmem>>) offsets(%dma_start3A_201 : memref<128xi32, #tpu.memory_space<vmem>>) semaphore(%arg26 : memref<!tpu.dma_semaphore, #tpu.memory_space<semaphore_mem>>)
    %scan3A = arith.constant 0 : i32
    %scan3A_205 = arith.constant 0 : i32
    %scan3A_206 = arith.constant 8 : i32
    %scan3A_207 = arith.addi %scan3A_205, %scan3A_206 : i32
    %scan3A_208 = arith.constant 1 : i32
    %scan3A_209 = scf.for %scan3A_247 = %scan3A_205 to %scan3A_207 step %scan3A_208 iter_args(%scan3A_248 = %scan3A) -> (i32)  : i32 {
      %mul3A_249 = arith.constant 16 : i32
      %mul3A_250 = arith.muli %scan3A_247, %mul3A_249 : i32
      %add3A_251 = vector.broadcast %mul3A_250 : i32 to vector<16xi32>
      %add3A_252 = arith.addi %iota3A, %add3A_251 : vector<16xi32>
      %mul3A_253 = arith.constant 16 : i32
      %mul3A_254 = arith.muli %scan3A_247, %mul3A_253 : i32
      %get3A_255 = arith.constant 0 : i32
      %get3A_256 = arith.index_cast %get3A_255 : i32 to index
      %get3A_257 = arith.index_cast %mul3A_254 : i32 to index
      %get3A_258 = tpu.vector_load %arg12[%get3A_256, %get3A_257] {strides = array<i32>} : memref<2x128xi32, #tpu.memory_space<vmem>>, vector<16xi32>,
      %gather3A_259 = tpu.vector_load_idx %arg13[%get3A_258] : memref<10240xf32, #tpu.memory_space<vmem>>[vector<16xi32>], vector<16xf32>,
      %broadcast_in_dim3A_260 = arith.constant 0 : i32
      %broadcast_in_dim3A_261 = vector.broadcast %broadcast_in_dim3A_260 : i32 to vector<16xi32>
      %gather3A_262 = tpu.vector_load_idx %arg14[%add3A_252, %broadcast_in_dim3A_261] : memref<128x16xf32, #tpu.memory_space<vmem>>[vector<16xi32>, vector<16xi32>], vector<16xf32>,
      %gather3A_263 = tpu.vector_load_idx %arg16[%add3A_252, %broadcast_in_dim3A_261] : memref<128x16xf32, #tpu.memory_space<vmem>>[vector<16xi32>, vector<16xi32>], vector<16xf32>,
      %add3A_264 = arith.addf %gather3A_262, %gather3A_263 : vector<16xf32>
      %gather3A_265 = tpu.vector_load_idx %arg18[%add3A_252, %broadcast_in_dim3A_261] : memref<128x16xf32, #tpu.memory_space<vmem>>[vector<16xi32>, vector<16xi32>], vector<16xf32>,
      %add3A_266 = arith.addf %add3A_264, %gather3A_265 : vector<16xf32>
      %mul3A_267 = arith.mulf %add3A_266, %gather3A_259 : vector<16xf32>
      %add3A_268 = arith.addf %mul3A_267, %gather3A : vector<16xf32>
      %broadcast_in_dim3A_269 = arith.constant 1 : i32
      %broadcast_in_dim3A_270 = vector.broadcast %broadcast_in_dim3A_269 : i32 to vector<16xi32>
      %gather3A_271 = tpu.vector_load_idx %arg14[%add3A_252, %broadcast_in_dim3A_270] : memref<128x16xf32, #tpu.memory_space<vmem>>[vector<16xi32>, vector<16xi32>], vector<16xf32>,
      %gather3A_272 = tpu.vector_load_idx %arg16[%add3A_252, %broadcast_in_dim3A_270] : memref<128x16xf32, #tpu.memory_space<vmem>>[vector<16xi32>, vector<16xi32>], vector<16xf32>,
      %add3A_273 = arith.addf %gather3A_271, %gather3A_272 : vector<16xf32>
      %gather3A_274 = tpu.vector_load_idx %arg18[%add3A_252, %broadcast_in_dim3A_270] : memref<128x16xf32, #tpu.memory_space<vmem>>[vector<16xi32>, vector<16xi32>], vector<16xf32>,
      %add3A_275 = arith.addf %add3A_273, %gather3A_274 : vector<16xf32>
      %mul3A_276 = arith.mulf %add3A_275, %gather3A_259 : vector<16xf32>
      %add3A_277 = arith.addf %mul3A_276, %gather3A_5 : vector<16xf32>
      %broadcast_in_dim3A_278 = arith.constant 2 : i32
      %broadcast_in_dim3A_279 = vector.broadcast %broadcast_in_dim3A_278 : i32 to vector<16xi32>
      %gather3A_280 = tpu.vector_load_idx %arg14[%add3A_252, %broadcast_in_dim3A_279] : memref<128x16xf32, #tpu.memory_space<vmem>>[vector<16xi32>, vector<16xi32>], vector<16xf32>,
      %gather3A_281 = tpu.vector_load_idx %arg16[%add3A_252, %broadcast_in_dim3A_279] : memref<128x16xf32, #tpu.memory_space<vmem>>[vector<16xi32>, vector<16xi32>], vector<16xf32>,
      %add3A_282 = arith.addf %gather3A_280, %gather3A_281 : vector<16xf32>
      %gather3A_283 = tpu.vector_load_idx %arg18[%add3A_252, %broadcast_in_dim3A_279] : memref<128x16xf32, #tpu.memory_space<vmem>>[vector<16xi32>, vector<16xi32>], vector<16xf32>,
      %add3A_284 = arith.addf %add3A_282, %gather3A_283 : vector<16xf32>
      %mul3A_285 = arith.mulf %add3A_284, %gather3A_259 : vector<16xf32>
      %add3A_286 = arith.addf %mul3A_285, %gather3A_8 : vector<16xf32>
      %broadcast_in_dim3A_287 = arith.constant 3 : i32
      %broadcast_in_dim3A_288 = vector.broadcast %broadcast_in_dim3A_287 : i32 to vector<16xi32>
      %gather3A_289 = tpu.vector_load_idx %arg14[%add3A_252, %broadcast_in_dim3A_288] : memref<128x16xf32, #tpu.memory_space<vmem>>[vector<16xi32>, vector<16xi32>], vector<16xf32>,
      %gather3A_290 = tpu.vector_load_idx %arg16[%add3A_252, %broadcast_in_dim3A_288] : memref<128x16xf32, #tpu.memory_space<vmem>>[vector<16xi32>, vector<16xi32>], vector<16xf32>,
      %add3A_291 = arith.addf %gather3A_289, %gather3A_290 : vector<16xf32>
      %gather3A_292 = tpu.vector_load_idx %arg18[%add3A_252, %broadcast_in_dim3A_288] : memref<128x16xf32, #tpu.memory_space<vmem>>[vector<16xi32>, vector<16xi32>], vector<16xf32>,
      %add3A_293 = arith.addf %add3A_291, %gather3A_292 : vector<16xf32>
      %mul3A_294 = arith.mulf %add3A_293, %gather3A_259 : vector<16xf32>
      %add3A_295 = arith.addf %mul3A_294, %gather3A_11 : vector<16xf32>
      %broadcast_in_dim3A_296 = arith.constant 4 : i32
      %broadcast_in_dim3A_297 = vector.broadcast %broadcast_in_dim3A_296 : i32 to vector<16xi32>
      %gather3A_298 = tpu.vector_load_idx %arg14[%add3A_252, %broadcast_in_dim3A_297] : memref<128x16xf32, #tpu.memory_space<vmem>>[vector<16xi32>, vector<16xi32>], vector<16xf32>,
      %gather3A_299 = tpu.vector_load_idx %arg16[%add3A_252, %broadcast_in_dim3A_297] : memref<128x16xf32, #tpu.memory_space<vmem>>[vector<16xi32>, vector<16xi32>], vector<16xf32>,
      %add3A_300 = arith.addf %gather3A_298, %gather3A_299 : vector<16xf32>
      %gather3A_301 = tpu.vector_load_idx %arg18[%add3A_252, %broadcast_in_dim3A_297] : memref<128x16xf32, #tpu.memory_space<vmem>>[vector<16xi32>, vector<16xi32>], vector<16xf32>,
      %add3A_302 = arith.addf %add3A_300, %gather3A_301 : vector<16xf32>
      %mul3A_303 = arith.mulf %add3A_302, %gather3A_259 : vector<16xf32>
      %add3A_304 = arith.addf %mul3A_303, %gather3A_14 : vector<16xf32>
      %broadcast_in_dim3A_305 = arith.constant 5 : i32
      %broadcast_in_dim3A_306 = vector.broadcast %broadcast_in_dim3A_305 : i32 to vector<16xi32>
      %gather3A_307 = tpu.vector_load_idx %arg14[%add3A_252, %broadcast_in_dim3A_306] : memref<128x16xf32, #tpu.memory_space<vmem>>[vector<16xi32>, vector<16xi32>], vector<16xf32>,
      %gather3A_308 = tpu.vector_load_idx %arg16[%add3A_252, %broadcast_in_dim3A_306] : memref<128x16xf32, #tpu.memory_space<vmem>>[vector<16xi32>, vector<16xi32>], vector<16xf32>,
      %add3A_309 = arith.addf %gather3A_307, %gather3A_308 : vector<16xf32>
      %gather3A_310 = tpu.vector_load_idx %arg18[%add3A_252, %broadcast_in_dim3A_306] : memref<128x16xf32, #tpu.memory_space<vmem>>[vector<16xi32>, vector<16xi32>], vector<16xf32>,
      %add3A_311 = arith.addf %add3A_309, %gather3A_310 : vector<16xf32>
      %mul3A_312 = arith.mulf %add3A_311, %gather3A_259 : vector<16xf32>
      %add3A_313 = arith.addf %mul3A_312, %gather3A_17 : vector<16xf32>
      %broadcast_in_dim3A_314 = arith.constant 6 : i32
      %broadcast_in_dim3A_315 = vector.broadcast %broadcast_in_dim3A_314 : i32 to vector<16xi32>
      %gather3A_316 = tpu.vector_load_idx %arg14[%add3A_252, %broadcast_in_dim3A_315] : memref<128x16xf32, #tpu.memory_space<vmem>>[vector<16xi32>, vector<16xi32>], vector<16xf32>,
      %gather3A_317 = tpu.vector_load_idx %arg16[%add3A_252, %broadcast_in_dim3A_315] : memref<128x16xf32, #tpu.memory_space<vmem>>[vector<16xi32>, vector<16xi32>], vector<16xf32>,
      %add3A_318 = arith.addf %gather3A_316, %gather3A_317 : vector<16xf32>
      %gather3A_319 = tpu.vector_load_idx %arg18[%add3A_252, %broadcast_in_dim3A_315] : memref<128x16xf32, #tpu.memory_space<vmem>>[vector<16xi32>, vector<16xi32>], vector<16xf32>,
      %add3A_320 = arith.addf %add3A_318, %gather3A_319 : vector<16xf32>
      %mul3A_321 = arith.mulf %add3A_320, %gather3A_259 : vector<16xf32>
      %add3A_322 = arith.addf %mul3A_321, %gather3A_20 : vector<16xf32>
      %broadcast_in_dim3A_323 = arith.constant 7 : i32
      %broadcast_in_dim3A_324 = vector.broadcast %broadcast_in_dim3A_323 : i32 to vector<16xi32>
      %gather3A_325 = tpu.vector_load_idx %arg14[%add3A_252, %broadcast_in_dim3A_324] : memref<128x16xf32, #tpu.memory_space<vmem>>[vector<16xi32>, vector<16xi32>], vector<16xf32>,
      %gather3A_326 = tpu.vector_load_idx %arg16[%add3A_252, %broadcast_in_dim3A_324] : memref<128x16xf32, #tpu.memory_space<vmem>>[vector<16xi32>, vector<16xi32>], vector<16xf32>,
      %add3A_327 = arith.addf %gather3A_325, %gather3A_326 : vector<16xf32>
      %gather3A_328 = tpu.vector_load_idx %arg18[%add3A_252, %broadcast_in_dim3A_324] : memref<128x16xf32, #tpu.memory_space<vmem>>[vector<16xi32>, vector<16xi32>], vector<16xf32>,
      %add3A_329 = arith.addf %add3A_327, %gather3A_328 : vector<16xf32>
      %mul3A_330 = arith.mulf %add3A_329, %gather3A_259 : vector<16xf32>
      %add3A_331 = arith.addf %mul3A_330, %gather3A_23 : vector<16xf32>
      %broadcast_in_dim3A_332 = arith.constant 8 : i32
      %broadcast_in_dim3A_333 = vector.broadcast %broadcast_in_dim3A_332 : i32 to vector<16xi32>
      %gather3A_334 = tpu.vector_load_idx %arg14[%add3A_252, %broadcast_in_dim3A_333] : memref<128x16xf32, #tpu.memory_space<vmem>>[vector<16xi32>, vector<16xi32>], vector<16xf32>,
      %gather3A_335 = tpu.vector_load_idx %arg16[%add3A_252, %broadcast_in_dim3A_333] : memref<128x16xf32, #tpu.memory_space<vmem>>[vector<16xi32>, vector<16xi32>], vector<16xf32>,
      %add3A_336 = arith.addf %gather3A_334, %gather3A_335 : vector<16xf32>
      %gather3A_337 = tpu.vector_load_idx %arg18[%add3A_252, %broadcast_in_dim3A_333] : memref<128x16xf32, #tpu.memory_space<vmem>>[vector<16xi32>, vector<16xi32>], vector<16xf32>,
      %add3A_338 = arith.addf %add3A_336, %gather3A_337 : vector<16xf32>
      %mul3A_339 = arith.mulf %add3A_338, %gather3A_259 : vector<16xf32>
      %add3A_340 = arith.addf %mul3A_339, %gather3A_26 : vector<16xf32>
      %broadcast_in_dim3A_341 = arith.constant 9 : i32
      %broadcast_in_dim3A_342 = vector.broadcast %broadcast_in_dim3A_341 : i32 to vector<16xi32>
      %gather3A_343 = tpu.vector_load_idx %arg14[%add3A_252, %broadcast_in_dim3A_342] : memref<128x16xf32, #tpu.memory_space<vmem>>[vector<16xi32>, vector<16xi32>], vector<16xf32>,
      %gather3A_344 = tpu.vector_load_idx %arg16[%add3A_252, %broadcast_in_dim3A_342] : memref<128x16xf32, #tpu.memory_space<vmem>>[vector<16xi32>, vector<16xi32>], vector<16xf32>,
      %add3A_345 = arith.addf %gather3A_343, %gather3A_344 : vector<16xf32>
      %gather3A_346 = tpu.vector_load_idx %arg18[%add3A_252, %broadcast_in_dim3A_342] : memref<128x16xf32, #tpu.memory_space<vmem>>[vector<16xi32>, vector<16xi32>], vector<16xf32>,
      %add3A_347 = arith.addf %add3A_345, %gather3A_346 : vector<16xf32>
      %mul3A_348 = arith.mulf %add3A_347, %gather3A_259 : vector<16xf32>
      %add3A_349 = arith.addf %mul3A_348, %gather3A_29 : vector<16xf32>
      %broadcast_in_dim3A_350 = arith.constant 10 : i32
      %broadcast_in_dim3A_351 = vector.broadcast %broadcast_in_dim3A_350 : i32 to vector<16xi32>
      %gather3A_352 = tpu.vector_load_idx %arg14[%add3A_252, %broadcast_in_dim3A_351] : memref<128x16xf32, #tpu.memory_space<vmem>>[vector<16xi32>, vector<16xi32>], vector<16xf32>,
      %gather3A_353 = tpu.vector_load_idx %arg16[%add3A_252, %broadcast_in_dim3A_351] : memref<128x16xf32, #tpu.memory_space<vmem>>[vector<16xi32>, vector<16xi32>], vector<16xf32>,
      %add3A_354 = arith.addf %gather3A_352, %gather3A_353 : vector<16xf32>
      %gather3A_355 = tpu.vector_load_idx %arg18[%add3A_252, %broadcast_in_dim3A_351] : memref<128x16xf32, #tpu.memory_space<vmem>>[vector<16xi32>, vector<16xi32>], vector<16xf32>,
      %add3A_356 = arith.addf %add3A_354, %gather3A_355 : vector<16xf32>
      %mul3A_357 = arith.mulf %add3A_356, %gather3A_259 : vector<16xf32>
      %add3A_358 = arith.addf %mul3A_357, %gather3A_32 : vector<16xf32>
      %broadcast_in_dim3A_359 = arith.constant 11 : i32
      %broadcast_in_dim3A_360 = vector.broadcast %broadcast_in_dim3A_359 : i32 to vector<16xi32>
      %gather3A_361 = tpu.vector_load_idx %arg14[%add3A_252, %broadcast_in_dim3A_360] : memref<128x16xf32, #tpu.memory_space<vmem>>[vector<16xi32>, vector<16xi32>], vector<16xf32>,
      %gather3A_362 = tpu.vector_load_idx %arg16[%add3A_252, %broadcast_in_dim3A_360] : memref<128x16xf32, #tpu.memory_space<vmem>>[vector<16xi32>, vector<16xi32>], vector<16xf32>,
      %add3A_363 = arith.addf %gather3A_361, %gather3A_362 : vector<16xf32>
      %gather3A_364 = tpu.vector_load_idx %arg18[%add3A_252, %broadcast_in_dim3A_360] : memref<128x16xf32, #tpu.memory_space<vmem>>[vector<16xi32>, vector<16xi32>], vector<16xf32>,
      %add3A_365 = arith.addf %add3A_363, %gather3A_364 : vector<16xf32>
      %mul3A_366 = arith.mulf %add3A_365, %gather3A_259 : vector<16xf32>
      %add3A_367 = arith.addf %mul3A_366, %gather3A_35 : vector<16xf32>
      %broadcast_in_dim3A_368 = arith.constant 12 : i32
      %broadcast_in_dim3A_369 = vector.broadcast %broadcast_in_dim3A_368 : i32 to vector<16xi32>
      %gather3A_370 = tpu.vector_load_idx %arg14[%add3A_252, %broadcast_in_dim3A_369] : memref<128x16xf32, #tpu.memory_space<vmem>>[vector<16xi32>, vector<16xi32>], vector<16xf32>,
      %gather3A_371 = tpu.vector_load_idx %arg16[%add3A_252, %broadcast_in_dim3A_369] : memref<128x16xf32, #tpu.memory_space<vmem>>[vector<16xi32>, vector<16xi32>], vector<16xf32>,
      %add3A_372 = arith.addf %gather3A_370, %gather3A_371 : vector<16xf32>
      %gather3A_373 = tpu.vector_load_idx %arg18[%add3A_252, %broadcast_in_dim3A_369] : memref<128x16xf32, #tpu.memory_space<vmem>>[vector<16xi32>, vector<16xi32>], vector<16xf32>,
      %add3A_374 = arith.addf %add3A_372, %gather3A_373 : vector<16xf32>
      %mul3A_375 = arith.mulf %add3A_374, %gather3A_259 : vector<16xf32>
      %add3A_376 = arith.addf %mul3A_375, %gather3A_38 : vector<16xf32>
      %broadcast_in_dim3A_377 = arith.constant 13 : i32
      %broadcast_in_dim3A_378 = vector.broadcast %broadcast_in_dim3A_377 : i32 to vector<16xi32>
      %gather3A_379 = tpu.vector_load_idx %arg14[%add3A_252, %broadcast_in_dim3A_378] : memref<128x16xf32, #tpu.memory_space<vmem>>[vector<16xi32>, vector<16xi32>], vector<16xf32>,
      %gather3A_380 = tpu.vector_load_idx %arg16[%add3A_252, %broadcast_in_dim3A_378] : memref<128x16xf32, #tpu.memory_space<vmem>>[vector<16xi32>, vector<16xi32>], vector<16xf32>,
      %add3A_381 = arith.addf %gather3A_379, %gather3A_380 : vector<16xf32>
      %gather3A_382 = tpu.vector_load_idx %arg18[%add3A_252, %broadcast_in_dim3A_378] : memref<128x16xf32, #tpu.memory_space<vmem>>[vector<16xi32>, vector<16xi32>], vector<16xf32>,
      %add3A_383 = arith.addf %add3A_381, %gather3A_382 : vector<16xf32>
      %mul3A_384 = arith.mulf %add3A_383, %gather3A_259 : vector<16xf32>
      %add3A_385 = arith.addf %mul3A_384, %gather3A_41 : vector<16xf32>
      %broadcast_in_dim3A_386 = arith.constant 14 : i32
      %broadcast_in_dim3A_387 = vector.broadcast %broadcast_in_dim3A_386 : i32 to vector<16xi32>
      %gather3A_388 = tpu.vector_load_idx %arg14[%add3A_252, %broadcast_in_dim3A_387] : memref<128x16xf32, #tpu.memory_space<vmem>>[vector<16xi32>, vector<16xi32>], vector<16xf32>,
      %gather3A_389 = tpu.vector_load_idx %arg16[%add3A_252, %broadcast_in_dim3A_387] : memref<128x16xf32, #tpu.memory_space<vmem>>[vector<16xi32>, vector<16xi32>], vector<16xf32>,
      %add3A_390 = arith.addf %gather3A_388, %gather3A_389 : vector<16xf32>
      %gather3A_391 = tpu.vector_load_idx %arg18[%add3A_252, %broadcast_in_dim3A_387] : memref<128x16xf32, #tpu.memory_space<vmem>>[vector<16xi32>, vector<16xi32>], vector<16xf32>,
      %add3A_392 = arith.addf %add3A_390, %gather3A_391 : vector<16xf32>
      %mul3A_393 = arith.mulf %add3A_392, %gather3A_259 : vector<16xf32>
      %add3A_394 = arith.addf %mul3A_393, %gather3A_44 : vector<16xf32>
      %broadcast_in_dim3A_395 = arith.constant 15 : i32
      %broadcast_in_dim3A_396 = vector.broadcast %broadcast_in_dim3A_395 : i32 to vector<16xi32>
      %gather3A_397 = tpu.vector_load_idx %arg14[%add3A_252, %broadcast_in_dim3A_396] : memref<128x16xf32, #tpu.memory_space<vmem>>[vector<16xi32>, vector<16xi32>], vector<16xf32>,
      %gather3A_398 = tpu.vector_load_idx %arg16[%add3A_252, %broadcast_in_dim3A_396] : memref<128x16xf32, #tpu.memory_space<vmem>>[vector<16xi32>, vector<16xi32>], vector<16xf32>,
      %add3A_399 = arith.addf %gather3A_397, %gather3A_398 : vector<16xf32>
      %gather3A_400 = tpu.vector_load_idx %arg18[%add3A_252, %broadcast_in_dim3A_396] : memref<128x16xf32, #tpu.memory_space<vmem>>[vector<16xi32>, vector<16xi32>], vector<16xf32>,
      %add3A_401 = arith.addf %add3A_399, %gather3A_400 : vector<16xf32>
      %mul3A_402 = arith.mulf %add3A_401, %gather3A_259 : vector<16xf32>
      %add3A_403 = arith.addf %mul3A_402, %gather3A_47 : vector<16xf32>
      %add3A_404 = arith.addf %add3A_268, %add3A_277 : vector<16xf32>
      %add3A_405 = arith.addf %add3A_404, %add3A_286 : vector<16xf32>
      %add3A_406 = arith.addf %add3A_405, %add3A_295 : vector<16xf32>
      %add3A_407 = arith.addf %add3A_406, %add3A_304 : vector<16xf32>
      %add3A_408 = arith.addf %add3A_407, %add3A_313 : vector<16xf32>
      %add3A_409 = arith.addf %add3A_408, %add3A_322 : vector<16xf32>
      %add3A_410 = arith.addf %add3A_409, %add3A_331 : vector<16xf32>
      %add3A_411 = arith.addf %add3A_410, %add3A_340 : vector<16xf32>
      %add3A_412 = arith.addf %add3A_411, %add3A_349 : vector<16xf32>
      %add3A_413 = arith.addf %add3A_412, %add3A_358 : vector<16xf32>
      %add3A_414 = arith.addf %add3A_413, %add3A_367 : vector<16xf32>
      %add3A_415 = arith.addf %add3A_414, %add3A_376 : vector<16xf32>
      %add3A_416 = arith.addf %add3A_415, %add3A_385 : vector<16xf32>
      %add3A_417 = arith.addf %add3A_416, %add3A_394 : vector<16xf32>
      %add3A_418 = arith.addf %add3A_417, %add3A_403 : vector<16xf32>
      %mul3A_419 = arith.constant 6.250000e-02 : f32
      %mul3A_420 = vector.broadcast %mul3A_419 : f32 to vector<16xf32>
      %mul3A_421 = arith.mulf %add3A_418, %mul3A_420 : vector<16xf32>
      %sub3A = arith.subf %add3A_268, %mul3A_421 : vector<16xf32>
      %sub3A_422 = arith.subf %add3A_277, %mul3A_421 : vector<16xf32>
      %sub3A_423 = arith.subf %add3A_286, %mul3A_421 : vector<16xf32>
      %sub3A_424 = arith.subf %add3A_295, %mul3A_421 : vector<16xf32>
      %sub3A_425 = arith.subf %add3A_304, %mul3A_421 : vector<16xf32>
      %sub3A_426 = arith.subf %add3A_313, %mul3A_421 : vector<16xf32>
      %sub3A_427 = arith.subf %add3A_322, %mul3A_421 : vector<16xf32>
      %sub3A_428 = arith.subf %add3A_331, %mul3A_421 : vector<16xf32>
      %sub3A_429 = arith.subf %add3A_340, %mul3A_421 : vector<16xf32>
      %sub3A_430 = arith.subf %add3A_349, %mul3A_421 : vector<16xf32>
      %sub3A_431 = arith.subf %add3A_358, %mul3A_421 : vector<16xf32>
      %sub3A_432 = arith.subf %add3A_367, %mul3A_421 : vector<16xf32>
      %sub3A_433 = arith.subf %add3A_376, %mul3A_421 : vector<16xf32>
      %sub3A_434 = arith.subf %add3A_385, %mul3A_421 : vector<16xf32>
      %sub3A_435 = arith.subf %add3A_394, %mul3A_421 : vector<16xf32>
      %sub3A_436 = arith.subf %add3A_403, %mul3A_421 : vector<16xf32>
      %mul3A_437 = arith.mulf %sub3A, %sub3A : vector<16xf32>
      %mul3A_438 = arith.mulf %sub3A_422, %sub3A_422 : vector<16xf32>
      %add3A_439 = arith.addf %mul3A_437, %mul3A_438 : vector<16xf32>
      %mul3A_440 = arith.mulf %sub3A_423, %sub3A_423 : vector<16xf32>
      %add3A_441 = arith.addf %add3A_439, %mul3A_440 : vector<16xf32>
      %mul3A_442 = arith.mulf %sub3A_424, %sub3A_424 : vector<16xf32>
      %add3A_443 = arith.addf %add3A_441, %mul3A_442 : vector<16xf32>
      %mul3A_444 = arith.mulf %sub3A_425, %sub3A_425 : vector<16xf32>
      %add3A_445 = arith.addf %add3A_443, %mul3A_444 : vector<16xf32>
      %mul3A_446 = arith.mulf %sub3A_426, %sub3A_426 : vector<16xf32>
      %add3A_447 = arith.addf %add3A_445, %mul3A_446 : vector<16xf32>
      %mul3A_448 = arith.mulf %sub3A_427, %sub3A_427 : vector<16xf32>
      %add3A_449 = arith.addf %add3A_447, %mul3A_448 : vector<16xf32>
      %mul3A_450 = arith.mulf %sub3A_428, %sub3A_428 : vector<16xf32>
      %add3A_451 = arith.addf %add3A_449, %mul3A_450 : vector<16xf32>
      %mul3A_452 = arith.mulf %sub3A_429, %sub3A_429 : vector<16xf32>
      %add3A_453 = arith.addf %add3A_451, %mul3A_452 : vector<16xf32>
      %mul3A_454 = arith.mulf %sub3A_430, %sub3A_430 : vector<16xf32>
      %add3A_455 = arith.addf %add3A_453, %mul3A_454 : vector<16xf32>
      %mul3A_456 = arith.mulf %sub3A_431, %sub3A_431 : vector<16xf32>
      %add3A_457 = arith.addf %add3A_455, %mul3A_456 : vector<16xf32>
      %mul3A_458 = arith.mulf %sub3A_432, %sub3A_432 : vector<16xf32>
      %add3A_459 = arith.addf %add3A_457, %mul3A_458 : vector<16xf32>
      %mul3A_460 = arith.mulf %sub3A_433, %sub3A_433 : vector<16xf32>
      %add3A_461 = arith.addf %add3A_459, %mul3A_460 : vector<16xf32>
      %mul3A_462 = arith.mulf %sub3A_434, %sub3A_434 : vector<16xf32>
      %add3A_463 = arith.addf %add3A_461, %mul3A_462 : vector<16xf32>
      %mul3A_464 = arith.mulf %sub3A_435, %sub3A_435 : vector<16xf32>
      %add3A_465 = arith.addf %add3A_463, %mul3A_464 : vector<16xf32>
      %mul3A_466 = arith.mulf %sub3A_436, %sub3A_436 : vector<16xf32>
      %add3A_467 = arith.addf %add3A_465, %mul3A_466 : vector<16xf32>
      %mul3A_468 = arith.constant 6.250000e-02 : f32
      %mul3A_469 = vector.broadcast %mul3A_468 : f32 to vector<16xf32>
      %mul3A_470 = arith.mulf %add3A_467, %mul3A_469 : vector<16xf32>
      %add3A_471 = arith.constant 9.99999974E-6 : f32
      %add3A_472 = vector.broadcast %add3A_471 : f32 to vector<16xf32>
      %add3A_473 = arith.addf %mul3A_470, %add3A_472 : vector<16xf32>
      %bitcast3A = vector.bitcast %add3A_473 : vector<16xf32> to vector<16xi32>
      %shift_right_logical3A = arith.constant 1 : i32
      %shift_right_logical3A_474 = vector.broadcast %shift_right_logical3A : i32 to vector<16xi32>
      %shift_right_logical3A_475 = arith.shrui %bitcast3A, %shift_right_logical3A_474 : vector<16xi32>
      %sub3A_476 = arith.constant 1597463007 : i32
      %sub3A_477 = vector.broadcast %sub3A_476 : i32 to vector<16xi32>
      %sub3A_478 = arith.subi %sub3A_477, %shift_right_logical3A_475 : vector<16xi32>
      %bitcast3A_479 = vector.bitcast %sub3A_478 : vector<16xi32> to vector<16xf32>
      %mul3A_480 = arith.constant 5.000000e-01 : f32
      %mul3A_481 = vector.broadcast %mul3A_480 : f32 to vector<16xf32>
      %mul3A_482 = arith.mulf %mul3A_481, %add3A_473 : vector<16xf32>
      %mul3A_483 = arith.mulf %mul3A_482, %bitcast3A_479 : vector<16xf32>
      %mul3A_484 = arith.mulf %mul3A_483, %bitcast3A_479 : vector<16xf32>
      %sub3A_485 = arith.constant 1.500000e+00 : f32
      %sub3A_486 = vector.broadcast %sub3A_485 : f32 to vector<16xf32>
      %sub3A_487 = arith.subf %sub3A_486, %mul3A_484 : vector<16xf32>
      %mul3A_488 = arith.mulf %bitcast3A_479, %sub3A_487 : vector<16xf32>
      %mul3A_489 = arith.constant 5.000000e-01 : f32
      %mul3A_490 = vector.broadcast %mul3A_489 : f32 to vector<16xf32>
      %mul3A_491 = arith.mulf %mul3A_490, %add3A_473 : vector<16xf32>
      %mul3A_492 = arith.mulf %mul3A_491, %mul3A_488 : vector<16xf32>
      %mul3A_493 = arith.mulf %mul3A_492, %mul3A_488 : vector<16xf32>
      %sub3A_494 = arith.constant 1.500000e+00 : f32
      %sub3A_495 = vector.broadcast %sub3A_494 : f32 to vector<16xf32>
      %sub3A_496 = arith.subf %sub3A_495, %mul3A_493 : vector<16xf32>
      %mul3A_497 = arith.mulf %mul3A_488, %sub3A_496 : vector<16xf32>
      %mul3A_498 = arith.constant 5.000000e-01 : f32
      %mul3A_499 = vector.broadcast %mul3A_498 : f32 to vector<16xf32>
      %mul3A_500 = arith.mulf %mul3A_499, %add3A_473 : vector<16xf32>
      %mul3A_501 = arith.mulf %mul3A_500, %mul3A_497 : vector<16xf32>
      %mul3A_502 = arith.mulf %mul3A_501, %mul3A_497 : vector<16xf32>
      %sub3A_503 = arith.constant 1.500000e+00 : f32
      %sub3A_504 = vector.broadcast %sub3A_503 : f32 to vector<16xf32>
      %sub3A_505 = arith.subf %sub3A_504, %mul3A_502 : vector<16xf32>
      %mul3A_506 = arith.mulf %mul3A_497, %sub3A_505 : vector<16xf32>
      %mul3A_507 = arith.mulf %sub3A, %mul3A_506 : vector<16xf32>
      %mul3A_508 = arith.mulf %mul3A_507, %gather3A_50 : vector<16xf32>
      %add3A_509 = arith.addf %mul3A_508, %gather3A_98 : vector<16xf32>
      %gt3A = arith.constant 0.000000e+00 : f32
      %gt3A_510 = vector.broadcast %gt3A : f32 to vector<16xf32>
      %gt3A_511 = arith.cmpf ogt, %add3A_509, %gt3A_510 : vector<16xf32>
      %mul3A_512 = arith.mulf %get3A_1, %add3A_509 : vector<16xf32>
      %select_n3A = arith.select %gt3A_511, %add3A_509, %mul3A_512 : vector<16xi1>, vector<16xf32>
      %broadcast_in_dim3A_513 = arith.constant 0 : i32
      %broadcast_in_dim3A_514 = vector.broadcast %broadcast_in_dim3A_513 : i32 to vector<16xi32>
      tpu.vector_store_idx %arg20[%add3A_252, %broadcast_in_dim3A_514], %select_n3A : memref<128x16xf32, #tpu.memory_space<vmem>>[vector<16xi32>, vector<16xi32>], vector<16xf32>,
      %mul3A_515 = arith.mulf %sub3A_422, %mul3A_506 : vector<16xf32>
      %mul3A_516 = arith.mulf %mul3A_515, %gather3A_53 : vector<16xf32>
      %add3A_517 = arith.addf %mul3A_516, %gather3A_101 : vector<16xf32>
      %gt3A_518 = arith.constant 0.000000e+00 : f32
      %gt3A_519 = vector.broadcast %gt3A_518 : f32 to vector<16xf32>
      %gt3A_520 = arith.cmpf ogt, %add3A_517, %gt3A_519 : vector<16xf32>
      %mul3A_521 = arith.mulf %get3A_1, %add3A_517 : vector<16xf32>
      %select_n3A_522 = arith.select %gt3A_520, %add3A_517, %mul3A_521 : vector<16xi1>, vector<16xf32>
      %broadcast_in_dim3A_523 = arith.constant 1 : i32
      %broadcast_in_dim3A_524 = vector.broadcast %broadcast_in_dim3A_523 : i32 to vector<16xi32>
      tpu.vector_store_idx %arg20[%add3A_252, %broadcast_in_dim3A_524], %select_n3A_522 : memref<128x16xf32, #tpu.memory_space<vmem>>[vector<16xi32>, vector<16xi32>], vector<16xf32>,
      %mul3A_525 = arith.mulf %sub3A_423, %mul3A_506 : vector<16xf32>
      %mul3A_526 = arith.mulf %mul3A_525, %gather3A_56 : vector<16xf32>
      %add3A_527 = arith.addf %mul3A_526, %gather3A_104 : vector<16xf32>
      %gt3A_528 = arith.constant 0.000000e+00 : f32
      %gt3A_529 = vector.broadcast %gt3A_528 : f32 to vector<16xf32>
      %gt3A_530 = arith.cmpf ogt, %add3A_527, %gt3A_529 : vector<16xf32>
      %mul3A_531 = arith.mulf %get3A_1, %add3A_527 : vector<16xf32>
      %select_n3A_532 = arith.select %gt3A_530, %add3A_527, %mul3A_531 : vector<16xi1>, vector<16xf32>
      %broadcast_in_dim3A_533 = arith.constant 2 : i32
      %broadcast_in_dim3A_534 = vector.broadcast %broadcast_in_dim3A_533 : i32 to vector<16xi32>
      tpu.vector_store_idx %arg20[%add3A_252, %broadcast_in_dim3A_534], %select_n3A_532 : memref<128x16xf32, #tpu.memory_space<vmem>>[vector<16xi32>, vector<16xi32>], vector<16xf32>,
      %mul3A_535 = arith.mulf %sub3A_424, %mul3A_506 : vector<16xf32>
      %mul3A_536 = arith.mulf %mul3A_535, %gather3A_59 : vector<16xf32>
      %add3A_537 = arith.addf %mul3A_536, %gather3A_107 : vector<16xf32>
      %gt3A_538 = arith.constant 0.000000e+00 : f32
      %gt3A_539 = vector.broadcast %gt3A_538 : f32 to vector<16xf32>
      %gt3A_540 = arith.cmpf ogt, %add3A_537, %gt3A_539 : vector<16xf32>
      %mul3A_541 = arith.mulf %get3A_1, %add3A_537 : vector<16xf32>
      %select_n3A_542 = arith.select %gt3A_540, %add3A_537, %mul3A_541 : vector<16xi1>, vector<16xf32>
      %broadcast_in_dim3A_543 = arith.constant 3 : i32
      %broadcast_in_dim3A_544 = vector.broadcast %broadcast_in_dim3A_543 : i32 to vector<16xi32>
      tpu.vector_store_idx %arg20[%add3A_252, %broadcast_in_dim3A_544], %select_n3A_542 : memref<128x16xf32, #tpu.memory_space<vmem>>[vector<16xi32>, vector<16xi32>], vector<16xf32>,
      %mul3A_545 = arith.mulf %sub3A_425, %mul3A_506 : vector<16xf32>
      %mul3A_546 = arith.mulf %mul3A_545, %gather3A_62 : vector<16xf32>
      %add3A_547 = arith.addf %mul3A_546, %gather3A_110 : vector<16xf32>
      %gt3A_548 = arith.constant 0.000000e+00 : f32
      %gt3A_549 = vector.broadcast %gt3A_548 : f32 to vector<16xf32>
      %gt3A_550 = arith.cmpf ogt, %add3A_547, %gt3A_549 : vector<16xf32>
      %mul3A_551 = arith.mulf %get3A_1, %add3A_547 : vector<16xf32>
      %select_n3A_552 = arith.select %gt3A_550, %add3A_547, %mul3A_551 : vector<16xi1>, vector<16xf32>
      %broadcast_in_dim3A_553 = arith.constant 4 : i32
      %broadcast_in_dim3A_554 = vector.broadcast %broadcast_in_dim3A_553 : i32 to vector<16xi32>
      tpu.vector_store_idx %arg20[%add3A_252, %broadcast_in_dim3A_554], %select_n3A_552 : memref<128x16xf32, #tpu.memory_space<vmem>>[vector<16xi32>, vector<16xi32>], vector<16xf32>,
      %mul3A_555 = arith.mulf %sub3A_426, %mul3A_506 : vector<16xf32>
      %mul3A_556 = arith.mulf %mul3A_555, %gather3A_65 : vector<16xf32>
      %add3A_557 = arith.addf %mul3A_556, %gather3A_113 : vector<16xf32>
      %gt3A_558 = arith.constant 0.000000e+00 : f32
      %gt3A_559 = vector.broadcast %gt3A_558 : f32 to vector<16xf32>
      %gt3A_560 = arith.cmpf ogt, %add3A_557, %gt3A_559 : vector<16xf32>
      %mul3A_561 = arith.mulf %get3A_1, %add3A_557 : vector<16xf32>
      %select_n3A_562 = arith.select %gt3A_560, %add3A_557, %mul3A_561 : vector<16xi1>, vector<16xf32>
      %broadcast_in_dim3A_563 = arith.constant 5 : i32
      %broadcast_in_dim3A_564 = vector.broadcast %broadcast_in_dim3A_563 : i32 to vector<16xi32>
      tpu.vector_store_idx %arg20[%add3A_252, %broadcast_in_dim3A_564], %select_n3A_562 : memref<128x16xf32, #tpu.memory_space<vmem>>[vector<16xi32>, vector<16xi32>], vector<16xf32>,
      %mul3A_565 = arith.mulf %sub3A_427, %mul3A_506 : vector<16xf32>
      %mul3A_566 = arith.mulf %mul3A_565, %gather3A_68 : vector<16xf32>
      %add3A_567 = arith.addf %mul3A_566, %gather3A_116 : vector<16xf32>
      %gt3A_568 = arith.constant 0.000000e+00 : f32
      %gt3A_569 = vector.broadcast %gt3A_568 : f32 to vector<16xf32>
      %gt3A_570 = arith.cmpf ogt, %add3A_567, %gt3A_569 : vector<16xf32>
      %mul3A_571 = arith.mulf %get3A_1, %add3A_567 : vector<16xf32>
      %select_n3A_572 = arith.select %gt3A_570, %add3A_567, %mul3A_571 : vector<16xi1>, vector<16xf32>
      %broadcast_in_dim3A_573 = arith.constant 6 : i32
      %broadcast_in_dim3A_574 = vector.broadcast %broadcast_in_dim3A_573 : i32 to vector<16xi32>
      tpu.vector_store_idx %arg20[%add3A_252, %broadcast_in_dim3A_574], %select_n3A_572 : memref<128x16xf32, #tpu.memory_space<vmem>>[vector<16xi32>, vector<16xi32>], vector<16xf32>,
      %mul3A_575 = arith.mulf %sub3A_428, %mul3A_506 : vector<16xf32>
      %mul3A_576 = arith.mulf %mul3A_575, %gather3A_71 : vector<16xf32>
      %add3A_577 = arith.addf %mul3A_576, %gather3A_119 : vector<16xf32>
      %gt3A_578 = arith.constant 0.000000e+00 : f32
      %gt3A_579 = vector.broadcast %gt3A_578 : f32 to vector<16xf32>
      %gt3A_580 = arith.cmpf ogt, %add3A_577, %gt3A_579 : vector<16xf32>
      %mul3A_581 = arith.mulf %get3A_1, %add3A_577 : vector<16xf32>
      %select_n3A_582 = arith.select %gt3A_580, %add3A_577, %mul3A_581 : vector<16xi1>, vector<16xf32>
      %broadcast_in_dim3A_583 = arith.constant 7 : i32
      %broadcast_in_dim3A_584 = vector.broadcast %broadcast_in_dim3A_583 : i32 to vector<16xi32>
      tpu.vector_store_idx %arg20[%add3A_252, %broadcast_in_dim3A_584], %select_n3A_582 : memref<128x16xf32, #tpu.memory_space<vmem>>[vector<16xi32>, vector<16xi32>], vector<16xf32>,
      %mul3A_585 = arith.mulf %sub3A_429, %mul3A_506 : vector<16xf32>
      %mul3A_586 = arith.mulf %mul3A_585, %gather3A_74 : vector<16xf32>
      %add3A_587 = arith.addf %mul3A_586, %gather3A_122 : vector<16xf32>
      %gt3A_588 = arith.constant 0.000000e+00 : f32
      %gt3A_589 = vector.broadcast %gt3A_588 : f32 to vector<16xf32>
      %gt3A_590 = arith.cmpf ogt, %add3A_587, %gt3A_589 : vector<16xf32>
      %mul3A_591 = arith.mulf %get3A_1, %add3A_587 : vector<16xf32>
      %select_n3A_592 = arith.select %gt3A_590, %add3A_587, %mul3A_591 : vector<16xi1>, vector<16xf32>
      %broadcast_in_dim3A_593 = arith.constant 8 : i32
      %broadcast_in_dim3A_594 = vector.broadcast %broadcast_in_dim3A_593 : i32 to vector<16xi32>
      tpu.vector_store_idx %arg20[%add3A_252, %broadcast_in_dim3A_594], %select_n3A_592 : memref<128x16xf32, #tpu.memory_space<vmem>>[vector<16xi32>, vector<16xi32>], vector<16xf32>,
      %mul3A_595 = arith.mulf %sub3A_430, %mul3A_506 : vector<16xf32>
      %mul3A_596 = arith.mulf %mul3A_595, %gather3A_77 : vector<16xf32>
      %add3A_597 = arith.addf %mul3A_596, %gather3A_125 : vector<16xf32>
      %gt3A_598 = arith.constant 0.000000e+00 : f32
      %gt3A_599 = vector.broadcast %gt3A_598 : f32 to vector<16xf32>
      %gt3A_600 = arith.cmpf ogt, %add3A_597, %gt3A_599 : vector<16xf32>
      %mul3A_601 = arith.mulf %get3A_1, %add3A_597 : vector<16xf32>
      %select_n3A_602 = arith.select %gt3A_600, %add3A_597, %mul3A_601 : vector<16xi1>, vector<16xf32>
      %broadcast_in_dim3A_603 = arith.constant 9 : i32
      %broadcast_in_dim3A_604 = vector.broadcast %broadcast_in_dim3A_603 : i32 to vector<16xi32>
      tpu.vector_store_idx %arg20[%add3A_252, %broadcast_in_dim3A_604], %select_n3A_602 : memref<128x16xf32, #tpu.memory_space<vmem>>[vector<16xi32>, vector<16xi32>], vector<16xf32>,
      %mul3A_605 = arith.mulf %sub3A_431, %mul3A_506 : vector<16xf32>
      %mul3A_606 = arith.mulf %mul3A_605, %gather3A_80 : vector<16xf32>
      %add3A_607 = arith.addf %mul3A_606, %gather3A_128 : vector<16xf32>
      %gt3A_608 = arith.constant 0.000000e+00 : f32
      %gt3A_609 = vector.broadcast %gt3A_608 : f32 to vector<16xf32>
      %gt3A_610 = arith.cmpf ogt, %add3A_607, %gt3A_609 : vector<16xf32>
      %mul3A_611 = arith.mulf %get3A_1, %add3A_607 : vector<16xf32>
      %select_n3A_612 = arith.select %gt3A_610, %add3A_607, %mul3A_611 : vector<16xi1>, vector<16xf32>
      %broadcast_in_dim3A_613 = arith.constant 10 : i32
      %broadcast_in_dim3A_614 = vector.broadcast %broadcast_in_dim3A_613 : i32 to vector<16xi32>
      tpu.vector_store_idx %arg20[%add3A_252, %broadcast_in_dim3A_614], %select_n3A_612 : memref<128x16xf32, #tpu.memory_space<vmem>>[vector<16xi32>, vector<16xi32>], vector<16xf32>,
      %mul3A_615 = arith.mulf %sub3A_432, %mul3A_506 : vector<16xf32>
      %mul3A_616 = arith.mulf %mul3A_615, %gather3A_83 : vector<16xf32>
      %add3A_617 = arith.addf %mul3A_616, %gather3A_131 : vector<16xf32>
      %gt3A_618 = arith.constant 0.000000e+00 : f32
      %gt3A_619 = vector.broadcast %gt3A_618 : f32 to vector<16xf32>
      %gt3A_620 = arith.cmpf ogt, %add3A_617, %gt3A_619 : vector<16xf32>
      %mul3A_621 = arith.mulf %get3A_1, %add3A_617 : vector<16xf32>
      %select_n3A_622 = arith.select %gt3A_620, %add3A_617, %mul3A_621 : vector<16xi1>, vector<16xf32>
      %broadcast_in_dim3A_623 = arith.constant 11 : i32
      %broadcast_in_dim3A_624 = vector.broadcast %broadcast_in_dim3A_623 : i32 to vector<16xi32>
      tpu.vector_store_idx %arg20[%add3A_252, %broadcast_in_dim3A_624], %select_n3A_622 : memref<128x16xf32, #tpu.memory_space<vmem>>[vector<16xi32>, vector<16xi32>], vector<16xf32>,
      %mul3A_625 = arith.mulf %sub3A_433, %mul3A_506 : vector<16xf32>
      %mul3A_626 = arith.mulf %mul3A_625, %gather3A_86 : vector<16xf32>
      %add3A_627 = arith.addf %mul3A_626, %gather3A_134 : vector<16xf32>
      %gt3A_628 = arith.constant 0.000000e+00 : f32
      %gt3A_629 = vector.broadcast %gt3A_628 : f32 to vector<16xf32>
      %gt3A_630 = arith.cmpf ogt, %add3A_627, %gt3A_629 : vector<16xf32>
      %mul3A_631 = arith.mulf %get3A_1, %add3A_627 : vector<16xf32>
      %select_n3A_632 = arith.select %gt3A_630, %add3A_627, %mul3A_631 : vector<16xi1>, vector<16xf32>
      %broadcast_in_dim3A_633 = arith.constant 12 : i32
      %broadcast_in_dim3A_634 = vector.broadcast %broadcast_in_dim3A_633 : i32 to vector<16xi32>
      tpu.vector_store_idx %arg20[%add3A_252, %broadcast_in_dim3A_634], %select_n3A_632 : memref<128x16xf32, #tpu.memory_space<vmem>>[vector<16xi32>, vector<16xi32>], vector<16xf32>,
      %mul3A_635 = arith.mulf %sub3A_434, %mul3A_506 : vector<16xf32>
      %mul3A_636 = arith.mulf %mul3A_635, %gather3A_89 : vector<16xf32>
      %add3A_637 = arith.addf %mul3A_636, %gather3A_137 : vector<16xf32>
      %gt3A_638 = arith.constant 0.000000e+00 : f32
      %gt3A_639 = vector.broadcast %gt3A_638 : f32 to vector<16xf32>
      %gt3A_640 = arith.cmpf ogt, %add3A_637, %gt3A_639 : vector<16xf32>
      %mul3A_641 = arith.mulf %get3A_1, %add3A_637 : vector<16xf32>
      %select_n3A_642 = arith.select %gt3A_640, %add3A_637, %mul3A_641 : vector<16xi1>, vector<16xf32>
      %broadcast_in_dim3A_643 = arith.constant 13 : i32
      %broadcast_in_dim3A_644 = vector.broadcast %broadcast_in_dim3A_643 : i32 to vector<16xi32>
      tpu.vector_store_idx %arg20[%add3A_252, %broadcast_in_dim3A_644], %select_n3A_642 : memref<128x16xf32, #tpu.memory_space<vmem>>[vector<16xi32>, vector<16xi32>], vector<16xf32>,
      %mul3A_645 = arith.mulf %sub3A_435, %mul3A_506 : vector<16xf32>
      %mul3A_646 = arith.mulf %mul3A_645, %gather3A_92 : vector<16xf32>
      %add3A_647 = arith.addf %mul3A_646, %gather3A_140 : vector<16xf32>
      %gt3A_648 = arith.constant 0.000000e+00 : f32
      %gt3A_649 = vector.broadcast %gt3A_648 : f32 to vector<16xf32>
      %gt3A_650 = arith.cmpf ogt, %add3A_647, %gt3A_649 : vector<16xf32>
      %mul3A_651 = arith.mulf %get3A_1, %add3A_647 : vector<16xf32>
      %select_n3A_652 = arith.select %gt3A_650, %add3A_647, %mul3A_651 : vector<16xi1>, vector<16xf32>
      %broadcast_in_dim3A_653 = arith.constant 14 : i32
      %broadcast_in_dim3A_654 = vector.broadcast %broadcast_in_dim3A_653 : i32 to vector<16xi32>
      tpu.vector_store_idx %arg20[%add3A_252, %broadcast_in_dim3A_654], %select_n3A_652 : memref<128x16xf32, #tpu.memory_space<vmem>>[vector<16xi32>, vector<16xi32>], vector<16xf32>,
      %mul3A_655 = arith.mulf %sub3A_436, %mul3A_506 : vector<16xf32>
      %mul3A_656 = arith.mulf %mul3A_655, %gather3A_95 : vector<16xf32>
      %add3A_657 = arith.addf %mul3A_656, %gather3A_143 : vector<16xf32>
      %gt3A_658 = arith.constant 0.000000e+00 : f32
      %gt3A_659 = vector.broadcast %gt3A_658 : f32 to vector<16xf32>
      %gt3A_660 = arith.cmpf ogt, %add3A_657, %gt3A_659 : vector<16xf32>
      %mul3A_661 = arith.mulf %get3A_1, %add3A_657 : vector<16xf32>
      %select_n3A_662 = arith.select %gt3A_660, %add3A_657, %mul3A_661 : vector<16xi1>, vector<16xf32>
      %broadcast_in_dim3A_663 = arith.constant 15 : i32
      %broadcast_in_dim3A_664 = vector.broadcast %broadcast_in_dim3A_663 : i32 to vector<16xi32>
      tpu.vector_store_idx %arg20[%add3A_252, %broadcast_in_dim3A_664], %select_n3A_662 : memref<128x16xf32, #tpu.memory_space<vmem>>[vector<16xi32>, vector<16xi32>], vector<16xf32>,
      %scan3A_665 = arith.constant 0 : i32
      scf.yield %scan3A_665 : i32
    }
    %scan3A_210 = arith.constant 8 : i32
    %mul3A_211 = arith.constant 256 : i32
    %mul3A_212 = arith.muli %add3A, %mul3A_211 : i32
    %add3A_213 = arith.constant 0 : i32
    %add3A_214 = arith.addi %mul3A_212, %add3A_213 : i32
    "tpu.region"() ({
      %run_scoped3A = tpu.sem_alloc : memref<!tpu.dma_semaphore, #tpu.memory_space<semaphore_mem>>
      %dma_start3A_247 = arith.constant 0 : i32
      %dma_start3A_248 = tpu.memref_slice %arg11[%add3A_214, %dma_start3A_247] : memref<8192x16xf32, #tpu.memory_space<hbm>> -> memref<128x16xf32, #tpu.memory_space<hbm>>
      %dma_start3A_249 = arith.constant 0 : i32
      %dma_start3A_250 = tpu.memref_slice %arg11[%add3A_214, %dma_start3A_249] : memref<8192x16xf32, #tpu.memory_space<hbm>> -> memref<128x16xf32, #tpu.memory_space<hbm>>
      tpu.enqueue_dma source(%arg20 : memref<128x16xf32, #tpu.memory_space<vmem>>) target(%dma_start3A_250 : memref<128x16xf32, #tpu.memory_space<hbm>>) target_semaphore(%run_scoped3A : memref<!tpu.dma_semaphore, #tpu.memory_space<semaphore_mem>>)
      %dma_wait3A_251 = arith.constant 0 : i32
      %dma_wait3A_252 = tpu.memref_slice %arg11[%add3A_214, %dma_wait3A_251] : memref<8192x16xf32, #tpu.memory_space<hbm>> -> memref<128x16xf32, #tpu.memory_space<hbm>>
      %dma_wait3A_253 = arith.constant 0 : i32
      %dma_wait3A_254 = tpu.memref_slice %arg11[%add3A_214, %dma_wait3A_253] : memref<8192x16xf32, #tpu.memory_space<hbm>> -> memref<128x16xf32, #tpu.memory_space<hbm>>
      tpu.wait_dma2 semaphore(%run_scoped3A : memref<!tpu.dma_semaphore, #tpu.memory_space<semaphore_mem>>) src(%arg20 : memref<128x16xf32, #tpu.memory_space<vmem>>) dst(%dma_wait3A_254 : memref<128x16xf32, #tpu.memory_space<hbm>>)
      tpu.yield
    }) : () -> ()
    %dma_wait3A_215 = arith.constant 1 : i32
    %dma_wait3A_216 = arith.constant 0 : i32
    %dma_wait3A_217 = tpu.memref_slice %arg12[%dma_wait3A_215, %dma_wait3A_216] : memref<2x128xi32, #tpu.memory_space<vmem>> -> memref<1x128xi32, #tpu.memory_space<vmem>>
    %dma_wait3A_218 = tpu.memref_squeeze %dma_wait3A_217 : memref<1x128xi32, #tpu.memory_space<vmem>> -> memref<128xi32, #tpu.memory_space<vmem>>
    %dma_wait3A_219 = arith.constant 0 : i32
    %dma_wait3A_220 = arith.constant 0 : i32
    %dma_wait3A_221 = tpu.memref_slice %arg4[%dma_wait3A_219, %dma_wait3A_220] : memref<10240x16xf32, #tpu.memory_space<hbm>> -> memref<10240x16xf32, #tpu.memory_space<hbm>>
    tpu.wait_indirect_dma semaphore(%arg26 : memref<!tpu.dma_semaphore, #tpu.memory_space<semaphore_mem>>) src(%dma_wait3A_221 : memref<10240x16xf32, #tpu.memory_space<hbm>>) dst(%arg19 : memref<128x16xf32, #tpu.memory_space<vmem>>)
    %dma_wait3A_222 = arith.constant 1 : i32
    %dma_wait3A_223 = arith.constant 0 : i32
    %dma_wait3A_224 = tpu.memref_slice %arg12[%dma_wait3A_222, %dma_wait3A_223] : memref<2x128xi32, #tpu.memory_space<vmem>> -> memref<1x128xi32, #tpu.memory_space<vmem>>
    %dma_wait3A_225 = tpu.memref_squeeze %dma_wait3A_224 : memref<1x128xi32, #tpu.memory_space<vmem>> -> memref<128xi32, #tpu.memory_space<vmem>>
    %dma_wait3A_226 = arith.constant 0 : i32
    %dma_wait3A_227 = arith.constant 0 : i32
    %dma_wait3A_228 = tpu.memref_slice %arg4[%dma_wait3A_226, %dma_wait3A_227] : memref<10240x16xf32, #tpu.memory_space<hbm>> -> memref<10240x16xf32, #tpu.memory_space<hbm>>
    tpu.wait_indirect_dma semaphore(%arg26 : memref<!tpu.dma_semaphore, #tpu.memory_space<semaphore_mem>>) src(%dma_wait3A_228 : memref<10240x16xf32, #tpu.memory_space<hbm>>) dst(%arg19 : memref<128x16xf32, #tpu.memory_space<vmem>>)
    %dma_wait3A_229 = arith.constant 1 : i32
    %dma_wait3A_230 = arith.constant 0 : i32
    %dma_wait3A_231 = tpu.memref_slice %arg12[%dma_wait3A_229, %dma_wait3A_230] : memref<2x128xi32, #tpu.memory_space<vmem>> -> memref<1x128xi32, #tpu.memory_space<vmem>>
    %dma_wait3A_232 = tpu.memref_squeeze %dma_wait3A_231 : memref<1x128xi32, #tpu.memory_space<vmem>> -> memref<128xi32, #tpu.memory_space<vmem>>
    %dma_wait3A_233 = arith.constant 0 : i32
    %dma_wait3A_234 = arith.constant 0 : i32
    %dma_wait3A_235 = tpu.memref_slice %arg4[%dma_wait3A_233, %dma_wait3A_234] : memref<10240x16xf32, #tpu.memory_space<hbm>> -> memref<10240x16xf32, #tpu.memory_space<hbm>>
    tpu.wait_indirect_dma semaphore(%arg26 : memref<!tpu.dma_semaphore, #tpu.memory_space<semaphore_mem>>) src(%dma_wait3A_235 : memref<10240x16xf32, #tpu.memory_space<hbm>>) dst(%arg19 : memref<128x16xf32, #tpu.memory_space<vmem>>)
    %scan3A_236 = arith.constant 0 : i32
    %scan3A_237 = arith.constant 0 : i32
    %scan3A_238 = arith.constant 8 : i32
    %scan3A_239 = arith.addi %scan3A_237, %scan3A_238 : i32
    %scan3A_240 = arith.constant 1 : i32
    %scan3A_241 = scf.for %scan3A_247 = %scan3A_237 to %scan3A_239 step %scan3A_240 iter_args(%scan3A_248 = %scan3A_236) -> (i32)  : i32 {
      %mul3A_249 = arith.constant 16 : i32
      %mul3A_250 = arith.muli %scan3A_247, %mul3A_249 : i32
      %add3A_251 = vector.broadcast %mul3A_250 : i32 to vector<16xi32>
      %add3A_252 = arith.addi %iota3A, %add3A_251 : vector<16xi32>
      %mul3A_253 = arith.constant 16 : i32
      %mul3A_254 = arith.muli %scan3A_247, %mul3A_253 : i32
      %get3A_255 = arith.constant 1 : i32
      %get3A_256 = arith.index_cast %get3A_255 : i32 to index
      %get3A_257 = arith.index_cast %mul3A_254 : i32 to index
      %get3A_258 = tpu.vector_load %arg12[%get3A_256, %get3A_257] {strides = array<i32>} : memref<2x128xi32, #tpu.memory_space<vmem>>, vector<16xi32>,
      %gather3A_259 = tpu.vector_load_idx %arg13[%get3A_258] : memref<10240xf32, #tpu.memory_space<vmem>>[vector<16xi32>], vector<16xf32>,
      %broadcast_in_dim3A_260 = arith.constant 0 : i32
      %broadcast_in_dim3A_261 = vector.broadcast %broadcast_in_dim3A_260 : i32 to vector<16xi32>
      %gather3A_262 = tpu.vector_load_idx %arg15[%add3A_252, %broadcast_in_dim3A_261] : memref<128x16xf32, #tpu.memory_space<vmem>>[vector<16xi32>, vector<16xi32>], vector<16xf32>,
      %gather3A_263 = tpu.vector_load_idx %arg17[%add3A_252, %broadcast_in_dim3A_261] : memref<128x16xf32, #tpu.memory_space<vmem>>[vector<16xi32>, vector<16xi32>], vector<16xf32>,
      %add3A_264 = arith.addf %gather3A_262, %gather3A_263 : vector<16xf32>
      %gather3A_265 = tpu.vector_load_idx %arg19[%add3A_252, %broadcast_in_dim3A_261] : memref<128x16xf32, #tpu.memory_space<vmem>>[vector<16xi32>, vector<16xi32>], vector<16xf32>,
      %add3A_266 = arith.addf %add3A_264, %gather3A_265 : vector<16xf32>
      %mul3A_267 = arith.mulf %add3A_266, %gather3A_259 : vector<16xf32>
      %add3A_268 = arith.addf %mul3A_267, %gather3A : vector<16xf32>
      %broadcast_in_dim3A_269 = arith.constant 1 : i32
      %broadcast_in_dim3A_270 = vector.broadcast %broadcast_in_dim3A_269 : i32 to vector<16xi32>
      %gather3A_271 = tpu.vector_load_idx %arg15[%add3A_252, %broadcast_in_dim3A_270] : memref<128x16xf32, #tpu.memory_space<vmem>>[vector<16xi32>, vector<16xi32>], vector<16xf32>,
      %gather3A_272 = tpu.vector_load_idx %arg17[%add3A_252, %broadcast_in_dim3A_270] : memref<128x16xf32, #tpu.memory_space<vmem>>[vector<16xi32>, vector<16xi32>], vector<16xf32>,
      %add3A_273 = arith.addf %gather3A_271, %gather3A_272 : vector<16xf32>
      %gather3A_274 = tpu.vector_load_idx %arg19[%add3A_252, %broadcast_in_dim3A_270] : memref<128x16xf32, #tpu.memory_space<vmem>>[vector<16xi32>, vector<16xi32>], vector<16xf32>,
      %add3A_275 = arith.addf %add3A_273, %gather3A_274 : vector<16xf32>
      %mul3A_276 = arith.mulf %add3A_275, %gather3A_259 : vector<16xf32>
      %add3A_277 = arith.addf %mul3A_276, %gather3A_5 : vector<16xf32>
      %broadcast_in_dim3A_278 = arith.constant 2 : i32
      %broadcast_in_dim3A_279 = vector.broadcast %broadcast_in_dim3A_278 : i32 to vector<16xi32>
      %gather3A_280 = tpu.vector_load_idx %arg15[%add3A_252, %broadcast_in_dim3A_279] : memref<128x16xf32, #tpu.memory_space<vmem>>[vector<16xi32>, vector<16xi32>], vector<16xf32>,
      %gather3A_281 = tpu.vector_load_idx %arg17[%add3A_252, %broadcast_in_dim3A_279] : memref<128x16xf32, #tpu.memory_space<vmem>>[vector<16xi32>, vector<16xi32>], vector<16xf32>,
      %add3A_282 = arith.addf %gather3A_280, %gather3A_281 : vector<16xf32>
      %gather3A_283 = tpu.vector_load_idx %arg19[%add3A_252, %broadcast_in_dim3A_279] : memref<128x16xf32, #tpu.memory_space<vmem>>[vector<16xi32>, vector<16xi32>], vector<16xf32>,
      %add3A_284 = arith.addf %add3A_282, %gather3A_283 : vector<16xf32>
      %mul3A_285 = arith.mulf %add3A_284, %gather3A_259 : vector<16xf32>
      %add3A_286 = arith.addf %mul3A_285, %gather3A_8 : vector<16xf32>
      %broadcast_in_dim3A_287 = arith.constant 3 : i32
      %broadcast_in_dim3A_288 = vector.broadcast %broadcast_in_dim3A_287 : i32 to vector<16xi32>
      %gather3A_289 = tpu.vector_load_idx %arg15[%add3A_252, %broadcast_in_dim3A_288] : memref<128x16xf32, #tpu.memory_space<vmem>>[vector<16xi32>, vector<16xi32>], vector<16xf32>,
      %gather3A_290 = tpu.vector_load_idx %arg17[%add3A_252, %broadcast_in_dim3A_288] : memref<128x16xf32, #tpu.memory_space<vmem>>[vector<16xi32>, vector<16xi32>], vector<16xf32>,
      %add3A_291 = arith.addf %gather3A_289, %gather3A_290 : vector<16xf32>
      %gather3A_292 = tpu.vector_load_idx %arg19[%add3A_252, %broadcast_in_dim3A_288] : memref<128x16xf32, #tpu.memory_space<vmem>>[vector<16xi32>, vector<16xi32>], vector<16xf32>,
      %add3A_293 = arith.addf %add3A_291, %gather3A_292 : vector<16xf32>
      %mul3A_294 = arith.mulf %add3A_293, %gather3A_259 : vector<16xf32>
      %add3A_295 = arith.addf %mul3A_294, %gather3A_11 : vector<16xf32>
      %broadcast_in_dim3A_296 = arith.constant 4 : i32
      %broadcast_in_dim3A_297 = vector.broadcast %broadcast_in_dim3A_296 : i32 to vector<16xi32>
      %gather3A_298 = tpu.vector_load_idx %arg15[%add3A_252, %broadcast_in_dim3A_297] : memref<128x16xf32, #tpu.memory_space<vmem>>[vector<16xi32>, vector<16xi32>], vector<16xf32>,
      %gather3A_299 = tpu.vector_load_idx %arg17[%add3A_252, %broadcast_in_dim3A_297] : memref<128x16xf32, #tpu.memory_space<vmem>>[vector<16xi32>, vector<16xi32>], vector<16xf32>,
      %add3A_300 = arith.addf %gather3A_298, %gather3A_299 : vector<16xf32>
      %gather3A_301 = tpu.vector_load_idx %arg19[%add3A_252, %broadcast_in_dim3A_297] : memref<128x16xf32, #tpu.memory_space<vmem>>[vector<16xi32>, vector<16xi32>], vector<16xf32>,
      %add3A_302 = arith.addf %add3A_300, %gather3A_301 : vector<16xf32>
      %mul3A_303 = arith.mulf %add3A_302, %gather3A_259 : vector<16xf32>
      %add3A_304 = arith.addf %mul3A_303, %gather3A_14 : vector<16xf32>
      %broadcast_in_dim3A_305 = arith.constant 5 : i32
      %broadcast_in_dim3A_306 = vector.broadcast %broadcast_in_dim3A_305 : i32 to vector<16xi32>
      %gather3A_307 = tpu.vector_load_idx %arg15[%add3A_252, %broadcast_in_dim3A_306] : memref<128x16xf32, #tpu.memory_space<vmem>>[vector<16xi32>, vector<16xi32>], vector<16xf32>,
      %gather3A_308 = tpu.vector_load_idx %arg17[%add3A_252, %broadcast_in_dim3A_306] : memref<128x16xf32, #tpu.memory_space<vmem>>[vector<16xi32>, vector<16xi32>], vector<16xf32>,
      %add3A_309 = arith.addf %gather3A_307, %gather3A_308 : vector<16xf32>
      %gather3A_310 = tpu.vector_load_idx %arg19[%add3A_252, %broadcast_in_dim3A_306] : memref<128x16xf32, #tpu.memory_space<vmem>>[vector<16xi32>, vector<16xi32>], vector<16xf32>,
      %add3A_311 = arith.addf %add3A_309, %gather3A_310 : vector<16xf32>
      %mul3A_312 = arith.mulf %add3A_311, %gather3A_259 : vector<16xf32>
      %add3A_313 = arith.addf %mul3A_312, %gather3A_17 : vector<16xf32>
      %broadcast_in_dim3A_314 = arith.constant 6 : i32
      %broadcast_in_dim3A_315 = vector.broadcast %broadcast_in_dim3A_314 : i32 to vector<16xi32>
      %gather3A_316 = tpu.vector_load_idx %arg15[%add3A_252, %broadcast_in_dim3A_315] : memref<128x16xf32, #tpu.memory_space<vmem>>[vector<16xi32>, vector<16xi32>], vector<16xf32>,
      %gather3A_317 = tpu.vector_load_idx %arg17[%add3A_252, %broadcast_in_dim3A_315] : memref<128x16xf32, #tpu.memory_space<vmem>>[vector<16xi32>, vector<16xi32>], vector<16xf32>,
      %add3A_318 = arith.addf %gather3A_316, %gather3A_317 : vector<16xf32>
      %gather3A_319 = tpu.vector_load_idx %arg19[%add3A_252, %broadcast_in_dim3A_315] : memref<128x16xf32, #tpu.memory_space<vmem>>[vector<16xi32>, vector<16xi32>], vector<16xf32>,
      %add3A_320 = arith.addf %add3A_318, %gather3A_319 : vector<16xf32>
      %mul3A_321 = arith.mulf %add3A_320, %gather3A_259 : vector<16xf32>
      %add3A_322 = arith.addf %mul3A_321, %gather3A_20 : vector<16xf32>
      %broadcast_in_dim3A_323 = arith.constant 7 : i32
      %broadcast_in_dim3A_324 = vector.broadcast %broadcast_in_dim3A_323 : i32 to vector<16xi32>
      %gather3A_325 = tpu.vector_load_idx %arg15[%add3A_252, %broadcast_in_dim3A_324] : memref<128x16xf32, #tpu.memory_space<vmem>>[vector<16xi32>, vector<16xi32>], vector<16xf32>,
      %gather3A_326 = tpu.vector_load_idx %arg17[%add3A_252, %broadcast_in_dim3A_324] : memref<128x16xf32, #tpu.memory_space<vmem>>[vector<16xi32>, vector<16xi32>], vector<16xf32>,
      %add3A_327 = arith.addf %gather3A_325, %gather3A_326 : vector<16xf32>
      %gather3A_328 = tpu.vector_load_idx %arg19[%add3A_252, %broadcast_in_dim3A_324] : memref<128x16xf32, #tpu.memory_space<vmem>>[vector<16xi32>, vector<16xi32>], vector<16xf32>,
      %add3A_329 = arith.addf %add3A_327, %gather3A_328 : vector<16xf32>
      %mul3A_330 = arith.mulf %add3A_329, %gather3A_259 : vector<16xf32>
      %add3A_331 = arith.addf %mul3A_330, %gather3A_23 : vector<16xf32>
      %broadcast_in_dim3A_332 = arith.constant 8 : i32
      %broadcast_in_dim3A_333 = vector.broadcast %broadcast_in_dim3A_332 : i32 to vector<16xi32>
      %gather3A_334 = tpu.vector_load_idx %arg15[%add3A_252, %broadcast_in_dim3A_333] : memref<128x16xf32, #tpu.memory_space<vmem>>[vector<16xi32>, vector<16xi32>], vector<16xf32>,
      %gather3A_335 = tpu.vector_load_idx %arg17[%add3A_252, %broadcast_in_dim3A_333] : memref<128x16xf32, #tpu.memory_space<vmem>>[vector<16xi32>, vector<16xi32>], vector<16xf32>,
      %add3A_336 = arith.addf %gather3A_334, %gather3A_335 : vector<16xf32>
      %gather3A_337 = tpu.vector_load_idx %arg19[%add3A_252, %broadcast_in_dim3A_333] : memref<128x16xf32, #tpu.memory_space<vmem>>[vector<16xi32>, vector<16xi32>], vector<16xf32>,
      %add3A_338 = arith.addf %add3A_336, %gather3A_337 : vector<16xf32>
      %mul3A_339 = arith.mulf %add3A_338, %gather3A_259 : vector<16xf32>
      %add3A_340 = arith.addf %mul3A_339, %gather3A_26 : vector<16xf32>
      %broadcast_in_dim3A_341 = arith.constant 9 : i32
      %broadcast_in_dim3A_342 = vector.broadcast %broadcast_in_dim3A_341 : i32 to vector<16xi32>
      %gather3A_343 = tpu.vector_load_idx %arg15[%add3A_252, %broadcast_in_dim3A_342] : memref<128x16xf32, #tpu.memory_space<vmem>>[vector<16xi32>, vector<16xi32>], vector<16xf32>,
      %gather3A_344 = tpu.vector_load_idx %arg17[%add3A_252, %broadcast_in_dim3A_342] : memref<128x16xf32, #tpu.memory_space<vmem>>[vector<16xi32>, vector<16xi32>], vector<16xf32>,
      %add3A_345 = arith.addf %gather3A_343, %gather3A_344 : vector<16xf32>
      %gather3A_346 = tpu.vector_load_idx %arg19[%add3A_252, %broadcast_in_dim3A_342] : memref<128x16xf32, #tpu.memory_space<vmem>>[vector<16xi32>, vector<16xi32>], vector<16xf32>,
      %add3A_347 = arith.addf %add3A_345, %gather3A_346 : vector<16xf32>
      %mul3A_348 = arith.mulf %add3A_347, %gather3A_259 : vector<16xf32>
      %add3A_349 = arith.addf %mul3A_348, %gather3A_29 : vector<16xf32>
      %broadcast_in_dim3A_350 = arith.constant 10 : i32
      %broadcast_in_dim3A_351 = vector.broadcast %broadcast_in_dim3A_350 : i32 to vector<16xi32>
      %gather3A_352 = tpu.vector_load_idx %arg15[%add3A_252, %broadcast_in_dim3A_351] : memref<128x16xf32, #tpu.memory_space<vmem>>[vector<16xi32>, vector<16xi32>], vector<16xf32>,
      %gather3A_353 = tpu.vector_load_idx %arg17[%add3A_252, %broadcast_in_dim3A_351] : memref<128x16xf32, #tpu.memory_space<vmem>>[vector<16xi32>, vector<16xi32>], vector<16xf32>,
      %add3A_354 = arith.addf %gather3A_352, %gather3A_353 : vector<16xf32>
      %gather3A_355 = tpu.vector_load_idx %arg19[%add3A_252, %broadcast_in_dim3A_351] : memref<128x16xf32, #tpu.memory_space<vmem>>[vector<16xi32>, vector<16xi32>], vector<16xf32>,
      %add3A_356 = arith.addf %add3A_354, %gather3A_355 : vector<16xf32>
      %mul3A_357 = arith.mulf %add3A_356, %gather3A_259 : vector<16xf32>
      %add3A_358 = arith.addf %mul3A_357, %gather3A_32 : vector<16xf32>
      %broadcast_in_dim3A_359 = arith.constant 11 : i32
      %broadcast_in_dim3A_360 = vector.broadcast %broadcast_in_dim3A_359 : i32 to vector<16xi32>
      %gather3A_361 = tpu.vector_load_idx %arg15[%add3A_252, %broadcast_in_dim3A_360] : memref<128x16xf32, #tpu.memory_space<vmem>>[vector<16xi32>, vector<16xi32>], vector<16xf32>,
      %gather3A_362 = tpu.vector_load_idx %arg17[%add3A_252, %broadcast_in_dim3A_360] : memref<128x16xf32, #tpu.memory_space<vmem>>[vector<16xi32>, vector<16xi32>], vector<16xf32>,
      %add3A_363 = arith.addf %gather3A_361, %gather3A_362 : vector<16xf32>
      %gather3A_364 = tpu.vector_load_idx %arg19[%add3A_252, %broadcast_in_dim3A_360] : memref<128x16xf32, #tpu.memory_space<vmem>>[vector<16xi32>, vector<16xi32>], vector<16xf32>,
      %add3A_365 = arith.addf %add3A_363, %gather3A_364 : vector<16xf32>
      %mul3A_366 = arith.mulf %add3A_365, %gather3A_259 : vector<16xf32>
      %add3A_367 = arith.addf %mul3A_366, %gather3A_35 : vector<16xf32>
      %broadcast_in_dim3A_368 = arith.constant 12 : i32
      %broadcast_in_dim3A_369 = vector.broadcast %broadcast_in_dim3A_368 : i32 to vector<16xi32>
      %gather3A_370 = tpu.vector_load_idx %arg15[%add3A_252, %broadcast_in_dim3A_369] : memref<128x16xf32, #tpu.memory_space<vmem>>[vector<16xi32>, vector<16xi32>], vector<16xf32>,
      %gather3A_371 = tpu.vector_load_idx %arg17[%add3A_252, %broadcast_in_dim3A_369] : memref<128x16xf32, #tpu.memory_space<vmem>>[vector<16xi32>, vector<16xi32>], vector<16xf32>,
      %add3A_372 = arith.addf %gather3A_370, %gather3A_371 : vector<16xf32>
      %gather3A_373 = tpu.vector_load_idx %arg19[%add3A_252, %broadcast_in_dim3A_369] : memref<128x16xf32, #tpu.memory_space<vmem>>[vector<16xi32>, vector<16xi32>], vector<16xf32>,
      %add3A_374 = arith.addf %add3A_372, %gather3A_373 : vector<16xf32>
      %mul3A_375 = arith.mulf %add3A_374, %gather3A_259 : vector<16xf32>
      %add3A_376 = arith.addf %mul3A_375, %gather3A_38 : vector<16xf32>
      %broadcast_in_dim3A_377 = arith.constant 13 : i32
      %broadcast_in_dim3A_378 = vector.broadcast %broadcast_in_dim3A_377 : i32 to vector<16xi32>
      %gather3A_379 = tpu.vector_load_idx %arg15[%add3A_252, %broadcast_in_dim3A_378] : memref<128x16xf32, #tpu.memory_space<vmem>>[vector<16xi32>, vector<16xi32>], vector<16xf32>,
      %gather3A_380 = tpu.vector_load_idx %arg17[%add3A_252, %broadcast_in_dim3A_378] : memref<128x16xf32, #tpu.memory_space<vmem>>[vector<16xi32>, vector<16xi32>], vector<16xf32>,
      %add3A_381 = arith.addf %gather3A_379, %gather3A_380 : vector<16xf32>
      %gather3A_382 = tpu.vector_load_idx %arg19[%add3A_252, %broadcast_in_dim3A_378] : memref<128x16xf32, #tpu.memory_space<vmem>>[vector<16xi32>, vector<16xi32>], vector<16xf32>,
      %add3A_383 = arith.addf %add3A_381, %gather3A_382 : vector<16xf32>
      %mul3A_384 = arith.mulf %add3A_383, %gather3A_259 : vector<16xf32>
      %add3A_385 = arith.addf %mul3A_384, %gather3A_41 : vector<16xf32>
      %broadcast_in_dim3A_386 = arith.constant 14 : i32
      %broadcast_in_dim3A_387 = vector.broadcast %broadcast_in_dim3A_386 : i32 to vector<16xi32>
      %gather3A_388 = tpu.vector_load_idx %arg15[%add3A_252, %broadcast_in_dim3A_387] : memref<128x16xf32, #tpu.memory_space<vmem>>[vector<16xi32>, vector<16xi32>], vector<16xf32>,
      %gather3A_389 = tpu.vector_load_idx %arg17[%add3A_252, %broadcast_in_dim3A_387] : memref<128x16xf32, #tpu.memory_space<vmem>>[vector<16xi32>, vector<16xi32>], vector<16xf32>,
      %add3A_390 = arith.addf %gather3A_388, %gather3A_389 : vector<16xf32>
      %gather3A_391 = tpu.vector_load_idx %arg19[%add3A_252, %broadcast_in_dim3A_387] : memref<128x16xf32, #tpu.memory_space<vmem>>[vector<16xi32>, vector<16xi32>], vector<16xf32>,
      %add3A_392 = arith.addf %add3A_390, %gather3A_391 : vector<16xf32>
      %mul3A_393 = arith.mulf %add3A_392, %gather3A_259 : vector<16xf32>
      %add3A_394 = arith.addf %mul3A_393, %gather3A_44 : vector<16xf32>
      %broadcast_in_dim3A_395 = arith.constant 15 : i32
      %broadcast_in_dim3A_396 = vector.broadcast %broadcast_in_dim3A_395 : i32 to vector<16xi32>
      %gather3A_397 = tpu.vector_load_idx %arg15[%add3A_252, %broadcast_in_dim3A_396] : memref<128x16xf32, #tpu.memory_space<vmem>>[vector<16xi32>, vector<16xi32>], vector<16xf32>,
      %gather3A_398 = tpu.vector_load_idx %arg17[%add3A_252, %broadcast_in_dim3A_396] : memref<128x16xf32, #tpu.memory_space<vmem>>[vector<16xi32>, vector<16xi32>], vector<16xf32>,
      %add3A_399 = arith.addf %gather3A_397, %gather3A_398 : vector<16xf32>
      %gather3A_400 = tpu.vector_load_idx %arg19[%add3A_252, %broadcast_in_dim3A_396] : memref<128x16xf32, #tpu.memory_space<vmem>>[vector<16xi32>, vector<16xi32>], vector<16xf32>,
      %add3A_401 = arith.addf %add3A_399, %gather3A_400 : vector<16xf32>
      %mul3A_402 = arith.mulf %add3A_401, %gather3A_259 : vector<16xf32>
      %add3A_403 = arith.addf %mul3A_402, %gather3A_47 : vector<16xf32>
      %add3A_404 = arith.addf %add3A_268, %add3A_277 : vector<16xf32>
      %add3A_405 = arith.addf %add3A_404, %add3A_286 : vector<16xf32>
      %add3A_406 = arith.addf %add3A_405, %add3A_295 : vector<16xf32>
      %add3A_407 = arith.addf %add3A_406, %add3A_304 : vector<16xf32>
      %add3A_408 = arith.addf %add3A_407, %add3A_313 : vector<16xf32>
      %add3A_409 = arith.addf %add3A_408, %add3A_322 : vector<16xf32>
      %add3A_410 = arith.addf %add3A_409, %add3A_331 : vector<16xf32>
      %add3A_411 = arith.addf %add3A_410, %add3A_340 : vector<16xf32>
      %add3A_412 = arith.addf %add3A_411, %add3A_349 : vector<16xf32>
      %add3A_413 = arith.addf %add3A_412, %add3A_358 : vector<16xf32>
      %add3A_414 = arith.addf %add3A_413, %add3A_367 : vector<16xf32>
      %add3A_415 = arith.addf %add3A_414, %add3A_376 : vector<16xf32>
      %add3A_416 = arith.addf %add3A_415, %add3A_385 : vector<16xf32>
      %add3A_417 = arith.addf %add3A_416, %add3A_394 : vector<16xf32>
      %add3A_418 = arith.addf %add3A_417, %add3A_403 : vector<16xf32>
      %mul3A_419 = arith.constant 6.250000e-02 : f32
      %mul3A_420 = vector.broadcast %mul3A_419 : f32 to vector<16xf32>
      %mul3A_421 = arith.mulf %add3A_418, %mul3A_420 : vector<16xf32>
      %sub3A = arith.subf %add3A_268, %mul3A_421 : vector<16xf32>
      %sub3A_422 = arith.subf %add3A_277, %mul3A_421 : vector<16xf32>
      %sub3A_423 = arith.subf %add3A_286, %mul3A_421 : vector<16xf32>
      %sub3A_424 = arith.subf %add3A_295, %mul3A_421 : vector<16xf32>
      %sub3A_425 = arith.subf %add3A_304, %mul3A_421 : vector<16xf32>
      %sub3A_426 = arith.subf %add3A_313, %mul3A_421 : vector<16xf32>
      %sub3A_427 = arith.subf %add3A_322, %mul3A_421 : vector<16xf32>
      %sub3A_428 = arith.subf %add3A_331, %mul3A_421 : vector<16xf32>
      %sub3A_429 = arith.subf %add3A_340, %mul3A_421 : vector<16xf32>
      %sub3A_430 = arith.subf %add3A_349, %mul3A_421 : vector<16xf32>
      %sub3A_431 = arith.subf %add3A_358, %mul3A_421 : vector<16xf32>
      %sub3A_432 = arith.subf %add3A_367, %mul3A_421 : vector<16xf32>
      %sub3A_433 = arith.subf %add3A_376, %mul3A_421 : vector<16xf32>
      %sub3A_434 = arith.subf %add3A_385, %mul3A_421 : vector<16xf32>
      %sub3A_435 = arith.subf %add3A_394, %mul3A_421 : vector<16xf32>
      %sub3A_436 = arith.subf %add3A_403, %mul3A_421 : vector<16xf32>
      %mul3A_437 = arith.mulf %sub3A, %sub3A : vector<16xf32>
      %mul3A_438 = arith.mulf %sub3A_422, %sub3A_422 : vector<16xf32>
      %add3A_439 = arith.addf %mul3A_437, %mul3A_438 : vector<16xf32>
      %mul3A_440 = arith.mulf %sub3A_423, %sub3A_423 : vector<16xf32>
      %add3A_441 = arith.addf %add3A_439, %mul3A_440 : vector<16xf32>
      %mul3A_442 = arith.mulf %sub3A_424, %sub3A_424 : vector<16xf32>
      %add3A_443 = arith.addf %add3A_441, %mul3A_442 : vector<16xf32>
      %mul3A_444 = arith.mulf %sub3A_425, %sub3A_425 : vector<16xf32>
      %add3A_445 = arith.addf %add3A_443, %mul3A_444 : vector<16xf32>
      %mul3A_446 = arith.mulf %sub3A_426, %sub3A_426 : vector<16xf32>
      %add3A_447 = arith.addf %add3A_445, %mul3A_446 : vector<16xf32>
      %mul3A_448 = arith.mulf %sub3A_427, %sub3A_427 : vector<16xf32>
      %add3A_449 = arith.addf %add3A_447, %mul3A_448 : vector<16xf32>
      %mul3A_450 = arith.mulf %sub3A_428, %sub3A_428 : vector<16xf32>
      %add3A_451 = arith.addf %add3A_449, %mul3A_450 : vector<16xf32>
      %mul3A_452 = arith.mulf %sub3A_429, %sub3A_429 : vector<16xf32>
      %add3A_453 = arith.addf %add3A_451, %mul3A_452 : vector<16xf32>
      %mul3A_454 = arith.mulf %sub3A_430, %sub3A_430 : vector<16xf32>
      %add3A_455 = arith.addf %add3A_453, %mul3A_454 : vector<16xf32>
      %mul3A_456 = arith.mulf %sub3A_431, %sub3A_431 : vector<16xf32>
      %add3A_457 = arith.addf %add3A_455, %mul3A_456 : vector<16xf32>
      %mul3A_458 = arith.mulf %sub3A_432, %sub3A_432 : vector<16xf32>
      %add3A_459 = arith.addf %add3A_457, %mul3A_458 : vector<16xf32>
      %mul3A_460 = arith.mulf %sub3A_433, %sub3A_433 : vector<16xf32>
      %add3A_461 = arith.addf %add3A_459, %mul3A_460 : vector<16xf32>
      %mul3A_462 = arith.mulf %sub3A_434, %sub3A_434 : vector<16xf32>
      %add3A_463 = arith.addf %add3A_461, %mul3A_462 : vector<16xf32>
      %mul3A_464 = arith.mulf %sub3A_435, %sub3A_435 : vector<16xf32>
      %add3A_465 = arith.addf %add3A_463, %mul3A_464 : vector<16xf32>
      %mul3A_466 = arith.mulf %sub3A_436, %sub3A_436 : vector<16xf32>
      %add3A_467 = arith.addf %add3A_465, %mul3A_466 : vector<16xf32>
      %mul3A_468 = arith.constant 6.250000e-02 : f32
      %mul3A_469 = vector.broadcast %mul3A_468 : f32 to vector<16xf32>
      %mul3A_470 = arith.mulf %add3A_467, %mul3A_469 : vector<16xf32>
      %add3A_471 = arith.constant 9.99999974E-6 : f32
      %add3A_472 = vector.broadcast %add3A_471 : f32 to vector<16xf32>
      %add3A_473 = arith.addf %mul3A_470, %add3A_472 : vector<16xf32>
      %bitcast3A = vector.bitcast %add3A_473 : vector<16xf32> to vector<16xi32>
      %shift_right_logical3A = arith.constant 1 : i32
      %shift_right_logical3A_474 = vector.broadcast %shift_right_logical3A : i32 to vector<16xi32>
      %shift_right_logical3A_475 = arith.shrui %bitcast3A, %shift_right_logical3A_474 : vector<16xi32>
      %sub3A_476 = arith.constant 1597463007 : i32
      %sub3A_477 = vector.broadcast %sub3A_476 : i32 to vector<16xi32>
      %sub3A_478 = arith.subi %sub3A_477, %shift_right_logical3A_475 : vector<16xi32>
      %bitcast3A_479 = vector.bitcast %sub3A_478 : vector<16xi32> to vector<16xf32>
      %mul3A_480 = arith.constant 5.000000e-01 : f32
      %mul3A_481 = vector.broadcast %mul3A_480 : f32 to vector<16xf32>
      %mul3A_482 = arith.mulf %mul3A_481, %add3A_473 : vector<16xf32>
      %mul3A_483 = arith.mulf %mul3A_482, %bitcast3A_479 : vector<16xf32>
      %mul3A_484 = arith.mulf %mul3A_483, %bitcast3A_479 : vector<16xf32>
      %sub3A_485 = arith.constant 1.500000e+00 : f32
      %sub3A_486 = vector.broadcast %sub3A_485 : f32 to vector<16xf32>
      %sub3A_487 = arith.subf %sub3A_486, %mul3A_484 : vector<16xf32>
      %mul3A_488 = arith.mulf %bitcast3A_479, %sub3A_487 : vector<16xf32>
      %mul3A_489 = arith.constant 5.000000e-01 : f32
      %mul3A_490 = vector.broadcast %mul3A_489 : f32 to vector<16xf32>
      %mul3A_491 = arith.mulf %mul3A_490, %add3A_473 : vector<16xf32>
      %mul3A_492 = arith.mulf %mul3A_491, %mul3A_488 : vector<16xf32>
      %mul3A_493 = arith.mulf %mul3A_492, %mul3A_488 : vector<16xf32>
      %sub3A_494 = arith.constant 1.500000e+00 : f32
      %sub3A_495 = vector.broadcast %sub3A_494 : f32 to vector<16xf32>
      %sub3A_496 = arith.subf %sub3A_495, %mul3A_493 : vector<16xf32>
      %mul3A_497 = arith.mulf %mul3A_488, %sub3A_496 : vector<16xf32>
      %mul3A_498 = arith.constant 5.000000e-01 : f32
      %mul3A_499 = vector.broadcast %mul3A_498 : f32 to vector<16xf32>
      %mul3A_500 = arith.mulf %mul3A_499, %add3A_473 : vector<16xf32>
      %mul3A_501 = arith.mulf %mul3A_500, %mul3A_497 : vector<16xf32>
      %mul3A_502 = arith.mulf %mul3A_501, %mul3A_497 : vector<16xf32>
      %sub3A_503 = arith.constant 1.500000e+00 : f32
      %sub3A_504 = vector.broadcast %sub3A_503 : f32 to vector<16xf32>
      %sub3A_505 = arith.subf %sub3A_504, %mul3A_502 : vector<16xf32>
      %mul3A_506 = arith.mulf %mul3A_497, %sub3A_505 : vector<16xf32>
      %mul3A_507 = arith.mulf %sub3A, %mul3A_506 : vector<16xf32>
      %mul3A_508 = arith.mulf %mul3A_507, %gather3A_50 : vector<16xf32>
      %add3A_509 = arith.addf %mul3A_508, %gather3A_98 : vector<16xf32>
      %gt3A = arith.constant 0.000000e+00 : f32
      %gt3A_510 = vector.broadcast %gt3A : f32 to vector<16xf32>
      %gt3A_511 = arith.cmpf ogt, %add3A_509, %gt3A_510 : vector<16xf32>
      %mul3A_512 = arith.mulf %get3A_1, %add3A_509 : vector<16xf32>
      %select_n3A = arith.select %gt3A_511, %add3A_509, %mul3A_512 : vector<16xi1>, vector<16xf32>
      %broadcast_in_dim3A_513 = arith.constant 0 : i32
      %broadcast_in_dim3A_514 = vector.broadcast %broadcast_in_dim3A_513 : i32 to vector<16xi32>
      tpu.vector_store_idx %arg20[%add3A_252, %broadcast_in_dim3A_514], %select_n3A : memref<128x16xf32, #tpu.memory_space<vmem>>[vector<16xi32>, vector<16xi32>], vector<16xf32>,
      %mul3A_515 = arith.mulf %sub3A_422, %mul3A_506 : vector<16xf32>
      %mul3A_516 = arith.mulf %mul3A_515, %gather3A_53 : vector<16xf32>
      %add3A_517 = arith.addf %mul3A_516, %gather3A_101 : vector<16xf32>
      %gt3A_518 = arith.constant 0.000000e+00 : f32
      %gt3A_519 = vector.broadcast %gt3A_518 : f32 to vector<16xf32>
      %gt3A_520 = arith.cmpf ogt, %add3A_517, %gt3A_519 : vector<16xf32>
      %mul3A_521 = arith.mulf %get3A_1, %add3A_517 : vector<16xf32>
      %select_n3A_522 = arith.select %gt3A_520, %add3A_517, %mul3A_521 : vector<16xi1>, vector<16xf32>
      %broadcast_in_dim3A_523 = arith.constant 1 : i32
      %broadcast_in_dim3A_524 = vector.broadcast %broadcast_in_dim3A_523 : i32 to vector<16xi32>
      tpu.vector_store_idx %arg20[%add3A_252, %broadcast_in_dim3A_524], %select_n3A_522 : memref<128x16xf32, #tpu.memory_space<vmem>>[vector<16xi32>, vector<16xi32>], vector<16xf32>,
      %mul3A_525 = arith.mulf %sub3A_423, %mul3A_506 : vector<16xf32>
      %mul3A_526 = arith.mulf %mul3A_525, %gather3A_56 : vector<16xf32>
      %add3A_527 = arith.addf %mul3A_526, %gather3A_104 : vector<16xf32>
      %gt3A_528 = arith.constant 0.000000e+00 : f32
      %gt3A_529 = vector.broadcast %gt3A_528 : f32 to vector<16xf32>
      %gt3A_530 = arith.cmpf ogt, %add3A_527, %gt3A_529 : vector<16xf32>
      %mul3A_531 = arith.mulf %get3A_1, %add3A_527 : vector<16xf32>
      %select_n3A_532 = arith.select %gt3A_530, %add3A_527, %mul3A_531 : vector<16xi1>, vector<16xf32>
      %broadcast_in_dim3A_533 = arith.constant 2 : i32
      %broadcast_in_dim3A_534 = vector.broadcast %broadcast_in_dim3A_533 : i32 to vector<16xi32>
      tpu.vector_store_idx %arg20[%add3A_252, %broadcast_in_dim3A_534], %select_n3A_532 : memref<128x16xf32, #tpu.memory_space<vmem>>[vector<16xi32>, vector<16xi32>], vector<16xf32>,
      %mul3A_535 = arith.mulf %sub3A_424, %mul3A_506 : vector<16xf32>
      %mul3A_536 = arith.mulf %mul3A_535, %gather3A_59 : vector<16xf32>
      %add3A_537 = arith.addf %mul3A_536, %gather3A_107 : vector<16xf32>
      %gt3A_538 = arith.constant 0.000000e+00 : f32
      %gt3A_539 = vector.broadcast %gt3A_538 : f32 to vector<16xf32>
      %gt3A_540 = arith.cmpf ogt, %add3A_537, %gt3A_539 : vector<16xf32>
      %mul3A_541 = arith.mulf %get3A_1, %add3A_537 : vector<16xf32>
      %select_n3A_542 = arith.select %gt3A_540, %add3A_537, %mul3A_541 : vector<16xi1>, vector<16xf32>
      %broadcast_in_dim3A_543 = arith.constant 3 : i32
      %broadcast_in_dim3A_544 = vector.broadcast %broadcast_in_dim3A_543 : i32 to vector<16xi32>
      tpu.vector_store_idx %arg20[%add3A_252, %broadcast_in_dim3A_544], %select_n3A_542 : memref<128x16xf32, #tpu.memory_space<vmem>>[vector<16xi32>, vector<16xi32>], vector<16xf32>,
      %mul3A_545 = arith.mulf %sub3A_425, %mul3A_506 : vector<16xf32>
      %mul3A_546 = arith.mulf %mul3A_545, %gather3A_62 : vector<16xf32>
      %add3A_547 = arith.addf %mul3A_546, %gather3A_110 : vector<16xf32>
      %gt3A_548 = arith.constant 0.000000e+00 : f32
      %gt3A_549 = vector.broadcast %gt3A_548 : f32 to vector<16xf32>
      %gt3A_550 = arith.cmpf ogt, %add3A_547, %gt3A_549 : vector<16xf32>
      %mul3A_551 = arith.mulf %get3A_1, %add3A_547 : vector<16xf32>
      %select_n3A_552 = arith.select %gt3A_550, %add3A_547, %mul3A_551 : vector<16xi1>, vector<16xf32>
      %broadcast_in_dim3A_553 = arith.constant 4 : i32
      %broadcast_in_dim3A_554 = vector.broadcast %broadcast_in_dim3A_553 : i32 to vector<16xi32>
      tpu.vector_store_idx %arg20[%add3A_252, %broadcast_in_dim3A_554], %select_n3A_552 : memref<128x16xf32, #tpu.memory_space<vmem>>[vector<16xi32>, vector<16xi32>], vector<16xf32>,
      %mul3A_555 = arith.mulf %sub3A_426, %mul3A_506 : vector<16xf32>
      %mul3A_556 = arith.mulf %mul3A_555, %gather3A_65 : vector<16xf32>
      %add3A_557 = arith.addf %mul3A_556, %gather3A_113 : vector<16xf32>
      %gt3A_558 = arith.constant 0.000000e+00 : f32
      %gt3A_559 = vector.broadcast %gt3A_558 : f32 to vector<16xf32>
      %gt3A_560 = arith.cmpf ogt, %add3A_557, %gt3A_559 : vector<16xf32>
      %mul3A_561 = arith.mulf %get3A_1, %add3A_557 : vector<16xf32>
      %select_n3A_562 = arith.select %gt3A_560, %add3A_557, %mul3A_561 : vector<16xi1>, vector<16xf32>
      %broadcast_in_dim3A_563 = arith.constant 5 : i32
      %broadcast_in_dim3A_564 = vector.broadcast %broadcast_in_dim3A_563 : i32 to vector<16xi32>
      tpu.vector_store_idx %arg20[%add3A_252, %broadcast_in_dim3A_564], %select_n3A_562 : memref<128x16xf32, #tpu.memory_space<vmem>>[vector<16xi32>, vector<16xi32>], vector<16xf32>,
      %mul3A_565 = arith.mulf %sub3A_427, %mul3A_506 : vector<16xf32>
      %mul3A_566 = arith.mulf %mul3A_565, %gather3A_68 : vector<16xf32>
      %add3A_567 = arith.addf %mul3A_566, %gather3A_116 : vector<16xf32>
      %gt3A_568 = arith.constant 0.000000e+00 : f32
      %gt3A_569 = vector.broadcast %gt3A_568 : f32 to vector<16xf32>
      %gt3A_570 = arith.cmpf ogt, %add3A_567, %gt3A_569 : vector<16xf32>
      %mul3A_571 = arith.mulf %get3A_1, %add3A_567 : vector<16xf32>
      %select_n3A_572 = arith.select %gt3A_570, %add3A_567, %mul3A_571 : vector<16xi1>, vector<16xf32>
      %broadcast_in_dim3A_573 = arith.constant 6 : i32
      %broadcast_in_dim3A_574 = vector.broadcast %broadcast_in_dim3A_573 : i32 to vector<16xi32>
      tpu.vector_store_idx %arg20[%add3A_252, %broadcast_in_dim3A_574], %select_n3A_572 : memref<128x16xf32, #tpu.memory_space<vmem>>[vector<16xi32>, vector<16xi32>], vector<16xf32>,
      %mul3A_575 = arith.mulf %sub3A_428, %mul3A_506 : vector<16xf32>
      %mul3A_576 = arith.mulf %mul3A_575, %gather3A_71 : vector<16xf32>
      %add3A_577 = arith.addf %mul3A_576, %gather3A_119 : vector<16xf32>
      %gt3A_578 = arith.constant 0.000000e+00 : f32
      %gt3A_579 = vector.broadcast %gt3A_578 : f32 to vector<16xf32>
      %gt3A_580 = arith.cmpf ogt, %add3A_577, %gt3A_579 : vector<16xf32>
      %mul3A_581 = arith.mulf %get3A_1, %add3A_577 : vector<16xf32>
      %select_n3A_582 = arith.select %gt3A_580, %add3A_577, %mul3A_581 : vector<16xi1>, vector<16xf32>
      %broadcast_in_dim3A_583 = arith.constant 7 : i32
      %broadcast_in_dim3A_584 = vector.broadcast %broadcast_in_dim3A_583 : i32 to vector<16xi32>
      tpu.vector_store_idx %arg20[%add3A_252, %broadcast_in_dim3A_584], %select_n3A_582 : memref<128x16xf32, #tpu.memory_space<vmem>>[vector<16xi32>, vector<16xi32>], vector<16xf32>,
      %mul3A_585 = arith.mulf %sub3A_429, %mul3A_506 : vector<16xf32>
      %mul3A_586 = arith.mulf %mul3A_585, %gather3A_74 : vector<16xf32>
      %add3A_587 = arith.addf %mul3A_586, %gather3A_122 : vector<16xf32>
      %gt3A_588 = arith.constant 0.000000e+00 : f32
      %gt3A_589 = vector.broadcast %gt3A_588 : f32 to vector<16xf32>
      %gt3A_590 = arith.cmpf ogt, %add3A_587, %gt3A_589 : vector<16xf32>
      %mul3A_591 = arith.mulf %get3A_1, %add3A_587 : vector<16xf32>
      %select_n3A_592 = arith.select %gt3A_590, %add3A_587, %mul3A_591 : vector<16xi1>, vector<16xf32>
      %broadcast_in_dim3A_593 = arith.constant 8 : i32
      %broadcast_in_dim3A_594 = vector.broadcast %broadcast_in_dim3A_593 : i32 to vector<16xi32>
      tpu.vector_store_idx %arg20[%add3A_252, %broadcast_in_dim3A_594], %select_n3A_592 : memref<128x16xf32, #tpu.memory_space<vmem>>[vector<16xi32>, vector<16xi32>], vector<16xf32>,
      %mul3A_595 = arith.mulf %sub3A_430, %mul3A_506 : vector<16xf32>
      %mul3A_596 = arith.mulf %mul3A_595, %gather3A_77 : vector<16xf32>
      %add3A_597 = arith.addf %mul3A_596, %gather3A_125 : vector<16xf32>
      %gt3A_598 = arith.constant 0.000000e+00 : f32
      %gt3A_599 = vector.broadcast %gt3A_598 : f32 to vector<16xf32>
      %gt3A_600 = arith.cmpf ogt, %add3A_597, %gt3A_599 : vector<16xf32>
      %mul3A_601 = arith.mulf %get3A_1, %add3A_597 : vector<16xf32>
      %select_n3A_602 = arith.select %gt3A_600, %add3A_597, %mul3A_601 : vector<16xi1>, vector<16xf32>
      %broadcast_in_dim3A_603 = arith.constant 9 : i32
      %broadcast_in_dim3A_604 = vector.broadcast %broadcast_in_dim3A_603 : i32 to vector<16xi32>
      tpu.vector_store_idx %arg20[%add3A_252, %broadcast_in_dim3A_604], %select_n3A_602 : memref<128x16xf32, #tpu.memory_space<vmem>>[vector<16xi32>, vector<16xi32>], vector<16xf32>,
      %mul3A_605 = arith.mulf %sub3A_431, %mul3A_506 : vector<16xf32>
      %mul3A_606 = arith.mulf %mul3A_605, %gather3A_80 : vector<16xf32>
      %add3A_607 = arith.addf %mul3A_606, %gather3A_128 : vector<16xf32>
      %gt3A_608 = arith.constant 0.000000e+00 : f32
      %gt3A_609 = vector.broadcast %gt3A_608 : f32 to vector<16xf32>
      %gt3A_610 = arith.cmpf ogt, %add3A_607, %gt3A_609 : vector<16xf32>
      %mul3A_611 = arith.mulf %get3A_1, %add3A_607 : vector<16xf32>
      %select_n3A_612 = arith.select %gt3A_610, %add3A_607, %mul3A_611 : vector<16xi1>, vector<16xf32>
      %broadcast_in_dim3A_613 = arith.constant 10 : i32
      %broadcast_in_dim3A_614 = vector.broadcast %broadcast_in_dim3A_613 : i32 to vector<16xi32>
      tpu.vector_store_idx %arg20[%add3A_252, %broadcast_in_dim3A_614], %select_n3A_612 : memref<128x16xf32, #tpu.memory_space<vmem>>[vector<16xi32>, vector<16xi32>], vector<16xf32>,
      %mul3A_615 = arith.mulf %sub3A_432, %mul3A_506 : vector<16xf32>
      %mul3A_616 = arith.mulf %mul3A_615, %gather3A_83 : vector<16xf32>
      %add3A_617 = arith.addf %mul3A_616, %gather3A_131 : vector<16xf32>
      %gt3A_618 = arith.constant 0.000000e+00 : f32
      %gt3A_619 = vector.broadcast %gt3A_618 : f32 to vector<16xf32>
      %gt3A_620 = arith.cmpf ogt, %add3A_617, %gt3A_619 : vector<16xf32>
      %mul3A_621 = arith.mulf %get3A_1, %add3A_617 : vector<16xf32>
      %select_n3A_622 = arith.select %gt3A_620, %add3A_617, %mul3A_621 : vector<16xi1>, vector<16xf32>
      %broadcast_in_dim3A_623 = arith.constant 11 : i32
      %broadcast_in_dim3A_624 = vector.broadcast %broadcast_in_dim3A_623 : i32 to vector<16xi32>
      tpu.vector_store_idx %arg20[%add3A_252, %broadcast_in_dim3A_624], %select_n3A_622 : memref<128x16xf32, #tpu.memory_space<vmem>>[vector<16xi32>, vector<16xi32>], vector<16xf32>,
      %mul3A_625 = arith.mulf %sub3A_433, %mul3A_506 : vector<16xf32>
      %mul3A_626 = arith.mulf %mul3A_625, %gather3A_86 : vector<16xf32>
      %add3A_627 = arith.addf %mul3A_626, %gather3A_134 : vector<16xf32>
      %gt3A_628 = arith.constant 0.000000e+00 : f32
      %gt3A_629 = vector.broadcast %gt3A_628 : f32 to vector<16xf32>
      %gt3A_630 = arith.cmpf ogt, %add3A_627, %gt3A_629 : vector<16xf32>
      %mul3A_631 = arith.mulf %get3A_1, %add3A_627 : vector<16xf32>
      %select_n3A_632 = arith.select %gt3A_630, %add3A_627, %mul3A_631 : vector<16xi1>, vector<16xf32>
      %broadcast_in_dim3A_633 = arith.constant 12 : i32
      %broadcast_in_dim3A_634 = vector.broadcast %broadcast_in_dim3A_633 : i32 to vector<16xi32>
      tpu.vector_store_idx %arg20[%add3A_252, %broadcast_in_dim3A_634], %select_n3A_632 : memref<128x16xf32, #tpu.memory_space<vmem>>[vector<16xi32>, vector<16xi32>], vector<16xf32>,
      %mul3A_635 = arith.mulf %sub3A_434, %mul3A_506 : vector<16xf32>
      %mul3A_636 = arith.mulf %mul3A_635, %gather3A_89 : vector<16xf32>
      %add3A_637 = arith.addf %mul3A_636, %gather3A_137 : vector<16xf32>
      %gt3A_638 = arith.constant 0.000000e+00 : f32
      %gt3A_639 = vector.broadcast %gt3A_638 : f32 to vector<16xf32>
      %gt3A_640 = arith.cmpf ogt, %add3A_637, %gt3A_639 : vector<16xf32>
      %mul3A_641 = arith.mulf %get3A_1, %add3A_637 : vector<16xf32>
      %select_n3A_642 = arith.select %gt3A_640, %add3A_637, %mul3A_641 : vector<16xi1>, vector<16xf32>
      %broadcast_in_dim3A_643 = arith.constant 13 : i32
      %broadcast_in_dim3A_644 = vector.broadcast %broadcast_in_dim3A_643 : i32 to vector<16xi32>
      tpu.vector_store_idx %arg20[%add3A_252, %broadcast_in_dim3A_644], %select_n3A_642 : memref<128x16xf32, #tpu.memory_space<vmem>>[vector<16xi32>, vector<16xi32>], vector<16xf32>,
      %mul3A_645 = arith.mulf %sub3A_435, %mul3A_506 : vector<16xf32>
      %mul3A_646 = arith.mulf %mul3A_645, %gather3A_92 : vector<16xf32>
      %add3A_647 = arith.addf %mul3A_646, %gather3A_140 : vector<16xf32>
      %gt3A_648 = arith.constant 0.000000e+00 : f32
      %gt3A_649 = vector.broadcast %gt3A_648 : f32 to vector<16xf32>
      %gt3A_650 = arith.cmpf ogt, %add3A_647, %gt3A_649 : vector<16xf32>
      %mul3A_651 = arith.mulf %get3A_1, %add3A_647 : vector<16xf32>
      %select_n3A_652 = arith.select %gt3A_650, %add3A_647, %mul3A_651 : vector<16xi1>, vector<16xf32>
      %broadcast_in_dim3A_653 = arith.constant 14 : i32
      %broadcast_in_dim3A_654 = vector.broadcast %broadcast_in_dim3A_653 : i32 to vector<16xi32>
      tpu.vector_store_idx %arg20[%add3A_252, %broadcast_in_dim3A_654], %select_n3A_652 : memref<128x16xf32, #tpu.memory_space<vmem>>[vector<16xi32>, vector<16xi32>], vector<16xf32>,
      %mul3A_655 = arith.mulf %sub3A_436, %mul3A_506 : vector<16xf32>
      %mul3A_656 = arith.mulf %mul3A_655, %gather3A_95 : vector<16xf32>
      %add3A_657 = arith.addf %mul3A_656, %gather3A_143 : vector<16xf32>
      %gt3A_658 = arith.constant 0.000000e+00 : f32
      %gt3A_659 = vector.broadcast %gt3A_658 : f32 to vector<16xf32>
      %gt3A_660 = arith.cmpf ogt, %add3A_657, %gt3A_659 : vector<16xf32>
      %mul3A_661 = arith.mulf %get3A_1, %add3A_657 : vector<16xf32>
      %select_n3A_662 = arith.select %gt3A_660, %add3A_657, %mul3A_661 : vector<16xi1>, vector<16xf32>
      %broadcast_in_dim3A_663 = arith.constant 15 : i32
      %broadcast_in_dim3A_664 = vector.broadcast %broadcast_in_dim3A_663 : i32 to vector<16xi32>
      tpu.vector_store_idx %arg20[%add3A_252, %broadcast_in_dim3A_664], %select_n3A_662 : memref<128x16xf32, #tpu.memory_space<vmem>>[vector<16xi32>, vector<16xi32>], vector<16xf32>,
      %scan3A_665 = arith.constant 0 : i32
      scf.yield %scan3A_665 : i32
    }
    %scan3A_242 = arith.constant 8 : i32
    %mul3A_243 = arith.constant 256 : i32
    %mul3A_244 = arith.muli %add3A, %mul3A_243 : i32
    %add3A_245 = arith.constant 128 : i32
    %add3A_246 = arith.addi %mul3A_244, %add3A_245 : i32
    "tpu.region"() ({
      %run_scoped3A = tpu.sem_alloc : memref<!tpu.dma_semaphore, #tpu.memory_space<semaphore_mem>>
      %dma_start3A_247 = arith.constant 0 : i32
      %dma_start3A_248 = tpu.memref_slice %arg11[%add3A_246, %dma_start3A_247] : memref<8192x16xf32, #tpu.memory_space<hbm>> -> memref<128x16xf32, #tpu.memory_space<hbm>>
      %dma_start3A_249 = arith.constant 0 : i32
      %dma_start3A_250 = tpu.memref_slice %arg11[%add3A_246, %dma_start3A_249] : memref<8192x16xf32, #tpu.memory_space<hbm>> -> memref<128x16xf32, #tpu.memory_space<hbm>>
      tpu.enqueue_dma source(%arg20 : memref<128x16xf32, #tpu.memory_space<vmem>>) target(%dma_start3A_250 : memref<128x16xf32, #tpu.memory_space<hbm>>) target_semaphore(%run_scoped3A : memref<!tpu.dma_semaphore, #tpu.memory_space<semaphore_mem>>)
      %dma_wait3A_251 = arith.constant 0 : i32
      %dma_wait3A_252 = tpu.memref_slice %arg11[%add3A_246, %dma_wait3A_251] : memref<8192x16xf32, #tpu.memory_space<hbm>> -> memref<128x16xf32, #tpu.memory_space<hbm>>
      %dma_wait3A_253 = arith.constant 0 : i32
      %dma_wait3A_254 = tpu.memref_slice %arg11[%add3A_246, %dma_wait3A_253] : memref<8192x16xf32, #tpu.memory_space<hbm>> -> memref<128x16xf32, #tpu.memory_space<hbm>>
      tpu.wait_dma2 semaphore(%run_scoped3A : memref<!tpu.dma_semaphore, #tpu.memory_space<semaphore_mem>>) src(%arg20 : memref<128x16xf32, #tpu.memory_space<vmem>>) dst(%dma_wait3A_254 : memref<128x16xf32, #tpu.memory_space<hbm>>)
      tpu.yield
    }) : () -> ()
    return
  }
}

module attributes {stable_mosaic.version = 14 : i64} {
  func.func @_k2_body(%arg0: memref<10000x128xf32, #tpu.memory_space<vmem>>, %arg1: memref<128x16xf32, #tpu.memory_space<vmem>>, %arg2: memref<10240x16xf32, #tpu.memory_space<vmem>>) attributes {dimension_semantics = [], scalar_prefetch = 0 : i64, scratch_operands = 0 : i64, tpu.core_type = #tpu.core_type<tc>} {
    %get3A = arith.constant 0 : index
    %get3A_0 = arith.constant 0 : index
    %get3A_1 = vector.load %arg0[%get3A, %get3A_0] : memref<10000x128xf32, #tpu.memory_space<vmem>>, vector<10000x128xf32>
    %get3A_2 = arith.constant 0 : index
    %get3A_3 = arith.constant 0 : index
    %get3A_4 = vector.load %arg1[%get3A_2, %get3A_3] : memref<128x16xf32, #tpu.memory_space<vmem>>, vector<128x16xf32>
    %dot_general3A = arith.constant dense<0.000000e+00> : vector<10000x16xf32>
    %dot_general3A_5 = tpu.matmul %get3A_1, %get3A_4, %dot_general3A {dimension_numbers = #tpu.dot_dimension_numbers<[1], [0], [0], [1], [0, 0, 1, 1], [], []>, precision = #tpu.contract_precision<fp32>, transpose_lhs_hint = false} : vector<10000x128xf32>, vector<128x16xf32>, vector<10000x16xf32> -> vector<10000x16xf32>
    %swap3A = arith.constant 0 : index
    %swap3A_6 = arith.constant 0 : index
    %swap3A_7 = vector.load %arg2[%swap3A, %swap3A_6] : memref<10240x16xf32, #tpu.memory_space<vmem>>, vector<10000x16xf32>
    tpu.vector_store %arg2[%swap3A, %swap3A_6], %dot_general3A_5 {strides = array<i32>} : memref<10240x16xf32, #tpu.memory_space<vmem>>, vector<10000x16xf32>,
    %broadcast_in_dim3A = arith.constant 0.000000e+00 : f32
    %broadcast_in_dim3A_8 = vector.broadcast %broadcast_in_dim3A : f32 to vector<240x16xf32>
    %swap3A_9 = arith.constant 10000 : index
    %swap3A_10 = arith.constant 0 : index
    %swap3A_11 = vector.load %arg2[%swap3A_9, %swap3A_10] : memref<10240x16xf32, #tpu.memory_space<vmem>>, vector<240x16xf32>
    tpu.vector_store %arg2[%swap3A_9, %swap3A_10], %broadcast_in_dim3A_8 {strides = array<i32>} : memref<10240x16xf32, #tpu.memory_space<vmem>>, vector<240x16xf32>,
    return
  }
}

</mosaic_0001>

<sc_bundles>
// kernel: kernel.5.cloned.1.call-start
scs
__scs_entry_jumppad:
0x0: {  	(pc) =	sbr.rel $0x88, $3  }
0x1: {  	(tag) =	ssettag $0x0;
	lr =	simm.s32 $0x1  }
0x2: {  	[smem:$0x3F99] =	sst lr;
	_ =	strace $0xD0000000  }
0x3: {  	_ = 	snop  }
0x4: {  	_ = 	snop  }
0x5: {  	_ = 	snop  }
0x6: {  	_ = 	snop  }
0x7: {  	_ = 	snop  }
__scs_overlays_trampoline_lowered:
0x8: {  	[smem:$0x3FA8] =	sst s0  }
0x9: {  	[smem:$0x3FA9] =	sst s1  }
0xa: {  	[smem:$0x3FAA] =	sst s2  }
0xb: {  	[smem:$0x3FAB] =	sst s3  }
0xc: {  	[smem:$0x3FAC] =	sst s4  }
0xd: {  	[smem:$0x3FAD] =	sst s5  }
0xe: {  	[smem:$0x3FAE] =	sst s6  }
0xf: {  	[smem:$0x3FAF] =	sst s7  }
0x10: {  	[smem:$0x3FB0] =	sst s8  }
0x11: {  	[smem:$0x3FB1] =	sst s9;
	s0 =	simm.s32 @!p0 $0x0  }
0x12: {  	s1 =	sld [smem:$0x3F97];
	s0 =	simm.s32 @p0 $0x1  }
0x13: {  	[smem:$0x3FB2] =	sst s0;
	s0 =	simm.s32 @!p1 $0x0  }
0x14: {  	s2 =	sld [smem:$0x3F96];
	s0 =	simm.s32 @p1 $0x1  }
0x15: {  	[smem:$0x3FB3] =	sst s0;
	s0 =	simm.s32 @!p2 $0x0  }
0x16: {  	s3 =	sld [smem:$0x3FDB];
	s0 =	simm.s32 @p2 $0x1  }
0x17: {  	s4 =	simm.s32 $0x1BF5;
	[smem:$0x3FB5] =	sst s0  }
0x18: {  	s0 =	sld [smem:$0x3F98];
	_ =	swait.ge [sflag:s4], $0x0  }
0x19: {  	s7 =	sld [smem:$0x3F99]  }
0x1a: {  	s8 =	sadd.s32 $0xFFFFE003, lr  }
0x1b: {  	s9 =	sadd.s32 $0xFFFFFEF7, lr;
	s5 =	simm.s32 $0xFFFFFFFF;
	p2 =	slt.u32 s8, $0xFFFFF086  }
0x1c: {  	p1 =	slt.u32 s9, $0xF7A;
	s5 =	simm.s32 @!p2 $0x0  }
0x1d: {  	s5 =	simm.s32 @p1 $0x1;
	p0 =	seq.s32 s7, s2  }
0x1e: {  	s7 =	smul.u32 @!p0 $0xF7A, s2;
	p2 =	seq.s32 @!p0 s5, $0x0  }
0x1f: {  	s9 =	smul.u32 $0xF7A, s1;
	s8 =	simm.s32 @!p0 $0x1BF5;
	p2 =	por !p2, p0  }
0x20: {  	[sflag:s8] =	ssyncset.s32 @!p0 $0xFFFFF086;
	s6 =	sadd.s32 @!p0 s3, s7;
	s7 =	simm.s32 @!p0 $0x108  }
0x21: {  	s3 =	sadd.s32 s3, s9;
	s6 =	sadd.s32 @!p0 $0x88, s6;
	s7 =	simm.s32 @p2 $0x1082  }
0x22: {  	[simem:s7], [sflag:s8] =	dma.local @!p0 [hbm:s6], $0xF7A  }
0x23: {  	s9 =	sor.u32 $0xD0000000, s2;
	s6 =	simm.s32 $0x108;
	_ =	swait.ge @!p0 [sflag:s8], $0x0  }
0x24: {  	s3 =	sadd.s32 $0x88, s3;
	s6 =	simm.s32 @!p1 $0x1082;
	[sflag:s4] =	ssyncset.s32 $0xFFFFF086  }
0x25: {  	[simem:s6], [sflag:s4] =	dma.local [hbm:s3], $0xF7A  }
0x26: {  	[smem:$0x3F99] =	sst s1;
	(tag) =	ssettag s2;
	_ =	strace s9  }
0x27: {  	s1 =	sld [smem:$0x3FA9]  }
0x28: {  	s2 =	sld [smem:$0x3FAA]  }
0x29: {  	s4 =	sld [smem:$0x3FAC]  }
0x2a: {  	p0 =	seq.s32 s5, $0x0;
	s5 =	sld [smem:$0x3FAD]  }
0x2b: {  	s6 =	sld [smem:$0x3FAE]  }
0x2c: {  	s7 =	sld [smem:$0x3FAF]  }
0x2d: {  	s3 =	simm.s32 $0x108;
	s8 =	sld [smem:$0x3FB0]  }
0x2e: {  	s3 =	simm.s32 @!p0 $0x1082;
	s9 =	sld [smem:$0x3FB1]  }
0x2f: {  	lr =	sadd.s32 s0, s3;
	s0 =	sld [smem:$0x3FA8]  }
0x30: {  	s3 =	sld [smem:$0x3FAB]  }
0x31: {  	[smem:$0x3FB4] =	sst s10  }
0x32: {  	s10 =	sld [smem:$0x3FB2];
	_ =	sdelay $0x3  }
0x33: {  	p0 =	seq.s32 s10, $0x1;
	s10 =	sld [smem:$0x3FB4];
	_ =	sdelay $0x3  }
0x34: {  	[smem:$0x3FB4] =	sst s10  }
0x35: {  	s10 =	sld [smem:$0x3FB3];
	_ =	sdelay $0x3  }
0x36: {  	p1 =	seq.s32 s10, $0x1;
	s10 =	sld [smem:$0x3FB4];
	_ =	sdelay $0x3  }
0x37: {  	[smem:$0x3FB4] =	sst s10  }
0x38: {  	s10 =	sld [smem:$0x3FB5]  }
0x39: {  	_ = 	snop;
	(pc) =	sbr.ind lr, $3  }
0x3a: {  	_ = 	snop  }
0x3b: {  	_ = 	snop  }
0x3c: {  	p2 =	seq.s32 s10, $0x1;
	s10 =	sld [smem:$0x3FB4]  }
0x3d: {  	_ =	shalt  }
0x3e: {  	_ =	shalt  }
0x3f: {  	_ =	shalt  }
0x40: {  	_ =	shalt  }
0x41: {  	_ =	shalt  }
0x42: {  	_ =	shalt  }
0x43: {  	_ =	shalt  }
0x44: {  	_ =	shalt  }
0x45: {  	_ =	shalt  }
0x46: {  	_ =	shalt  }
0x47: {  	_ =	shalt  }
0x48: {  	_ =	shalt  }
0x49: {  	_ =	shalt  }
0x4a: {  	_ =	shalt  }
0x4b: {  	_ =	shalt  }
0x4c: {  	_ =	shalt  }
0x4d: {  	_ =	shalt  }
0x4e: {  	_ =	shalt  }
0x4f: {  	_ =	shalt  }
0x50: {  	_ =	shalt  }
0x51: {  	_ =	shalt  }
0x52: {  	_ =	shalt  }
0x53: {  	_ =	shalt  }
0x54: {  	_ =	shalt  }
0x55: {  	_ =	shalt  }
0x56: {  	_ =	shalt  }
0x57: {  	_ =	shalt  }
0x58: {  	_ =	shalt  }
0x59: {  	_ =	shalt  }
0x5a: {  	_ =	shalt  }
0x5b: {  	_ =	shalt  }
0x5c: {  	_ =	shalt  }
0x5d: {  	_ =	shalt  }
0x5e: {  	_ =	shalt  }
0x5f: {  	_ =	shalt  }
0x60: {  	_ =	shalt  }
0x61: {  	_ =	shalt  }
0x62: {  	_ =	shalt  }
0x63: {  	_ =	shalt  }
0x64: {  	_ =	shalt  }
0x65: {  	_ =	shalt  }
0x66: {  	_ =	shalt  }
0x67: {  	_ =	shalt  }
0x68: {  	_ =	shalt  }
0x69: {  	_ =	shalt  }
0x6a: {  	_ =	shalt  }
0x6b: {  	_ =	shalt  }
0x6c: {  	_ =	shalt  }
0x6d: {  	_ =	shalt  }
0x6e: {  	_ =	shalt  }
0x6f: {  	_ =	shalt  }
0x70: {  	_ =	shalt  }
0x71: {  	_ =	shalt  }
0x72: {  	_ =	shalt  }
0x73: {  	_ =	shalt  }
0x74: {  	_ =	shalt  }
0x75: {  	_ =	shalt  }
0x76: {  	_ =	shalt  }
0x77: {  	_ =	shalt  }
0x78: {  	_ =	shalt  }
0x79: {  	_ =	shalt  }
0x7a: {  	_ =	shalt  }
0x7b: {  	_ =	shalt  }
0x7c: {  	_ =	shalt  }
0x7d: {  	_ =	shalt  }
0x7e: {  	_ =	shalt  }
0x7f: {  	_ =	shalt  }
0x80: {  	_ =	shalt  }
0x81: {  	_ =	shalt  }
0x82: {  	_ =	shalt  }
0x83: {  	_ =	shalt  }
0x84: {  	_ =	shalt  }
0x85: {  	_ =	shalt  }
0x86: {  	_ =	shalt  }
0x87: {  	_ =	shalt  }
.Lfunc_end0:
.L_simem_size_0:
called_computation_lowered:
.L_overlay_start_0:
0x88: {  	s2 =	sld [smem:$0x3FD9]  }
0x89: {  	s3 =	sld [smem:$0x3FFE];
	_ =	sdelay $0x1  }
0x8a: {  	s1 =	srdreg.scid  }
0x8b: {  	s0 =	sand.u32 $0x1, s1  }
0x8c: {  	s16 =	sshll.u32 s0, $0xA;
	s2 =	sadd.s32 s3, s2  }
0x8d: {  	s2 =	sadd.s32 s2, s16  }
0x8e: {  	[smem:$0x3FC0] =	sst s2  }
0x8f: {  	_ = 	snop  }
0x90: {  	(tm) =	ssettm $0x1  }
0x91: {  	s17 =	sld [smem:$0x3FFB];
	_ =	sdelay $0x3  }
0x92: {  	_ =	strace s17  }
0x93: {  	s2 =	sld [smem:$0x3FFC];
	_ =	sdelay $0x3  }
0x94: {  	_ =	strace s2  }
0x95: {  	s2 =	sld [smem:$0x3FFD];
	_ =	sdelay $0x3  }
0x96: {  	_ =	strace s2  }
0x97: {  	_ =	strace $0x8FFFFFFF  }
0x98: {  	s18 =	sld [smem:$0x3FDB];
	_ =	sdelay $0x1  }
0x99: {  	s19 =	simm.s32 $_scs_section_size  }
0x9a: {  	s4 =	simm.s32 $_size__tile_overlayer_lowered;
	s5 =	simm.s32 $_tile_overlayer_lowered  }
0x9b: {  	s22 =	simm.s32 $0x1BFF;
	s21 =	sshll.u32 s5, $0x1;
	s2 =	sadd.s32 s19, s18  }
0x9c: {  	s6 =	simm.s32 $0x0;
	s20 =	sshll.u32 s4, $0x1;
	s4 =	sadd.s32 s21, s2  }
0x9d: {  	[timem:s6], [sflag:s22] =	dma.local [hbm:s4], s20  }
0x9e: {  	_ =	swait.ge [sflag:s22], s20  }
0x9f: {  	s3 =	ssub.s32 $0x0, s20;
	[sflag:s22] =	ssyncset.done $0x0  }
0xa0: {  	[sflag:s22] =	ssyncadd.s32 s3;
	_ =	sdelay $0x1  }
0xa1: {  	s23 =	simm.s32 $0x1B8B  }
0xa2: {  	_ =	swait.ge [sflag:s23], $0x1  }
0xa3: {  	[sflag:s23] =	ssyncset.done $0x0  }
0xa4: {  	s25 =	simm.s32 $0x1B8E;
	s24 =	sld [smem:$0x3FFE];
	[sflag:s23] =	ssyncadd.s32 $0xFFFFFFFF  }
0xa5: {  	s26 =	simm.s32 $execute0_lowered;
	[smem:$0x3FD2] =	sst s25  }
0xa6: {  	s4 =	sshll.u32 s26, $0x1;
	_ =	strace $0x80000046;
	[dreg:$0x1] =	wrdreg $0xFFFFFFFF  }
0xa7: {  	s28 =	simm.s32 $_size_execute0_lowered;
	s2 =	sadd.s32 s2, s4;
	[dreg:$0x0] =	wrdreg $0x0  }
0xa8: {  	s4 =	sshll.u32 s28, $0x1;
	[dreg:$0x2] =	wrdreg s2  }
0xa9: {  	[dreg:$0x3] =	wrdreg s4  }
0xaa: {  	[dreg:$0x4] =	wrdreg $0xC0  }
0xab: {  	_ =	task [dreg:s6], $0x5FFFF  }
0xac: {  	[dreg:$0x1] =	wrdreg $0xFFFFFFFF  }
0xad: {  	[dreg:$0x0] =	wrdreg $0x60  }
0xae: {  	[dreg:$0x2] =	wrdreg s24  }
0xaf: {  	[dreg:$0x3] =	wrdreg $0x12B000  }
0xb0: {  	[dreg:$0x4] =	wrdreg $0x155800  }
0xb1: {  	[dreg:$0x5] =	wrdreg $0x12D800  }
0xb2: {  	[dreg:$0x6] =	wrdreg $0x9  }
0xb3: {  	_ =	task.clear_ibuf [dreg:s6], $0x7FFFF;
	_ =	strace $0x90000046  }
0xb4: {  	s29 =	simm.s32 $0x9;
	_ =	strace $0x80000048  }
0xb5: {  	_ =	swait.ge [sflag:s29], $0x1  }
0xb6: {  	[sflag:s29] =	ssyncadd.s32 $0xFFFFFFFF  }
0xb7: {  	_ =	strace $0x90000048  }
0xb8: {  	_ =	sfence  }
0xb9: {  	s30 =	sld [smem:$0x0];
	_ =	sdelay $0x2  }
0xba: {  	s31 =	sshll.u32 s1, $0xD;
	s1 =	sshrl.u32 s1, $0x2  }
0xbb: {  	s3 =	sand.u32 $0x4000, s31;
	s1 =	sadd.s32 s1, s30  }
0xbc: {  	s0 =	sor.u32 s3, s0;
	s1 =	sshll.u32 s1, $0x11  }
0xbd: {  	s0 =	sor.u32 s1, s0  }
0xbe: {  	s0 =	sadd.s32 $0x8F2B, s0  }
0xbf: {  	[sflag:s0] =	ssyncadd.remote.s32 $0x1  }
0xc0: {  	_ =	sfence.sel $0xFFFF  }
0xc1: {  	[dreg:$0x0] =	wrdreg $0xFFFFFFFF;
	(pc) =	sbr.abs _section_cstart, $3  }
0xc2: {  	[dreg:$0x1] =	wrdreg $0xFFFFFFFF  }
0xc3: {  	_ =	task.clear_ibuf [dreg:s6], $0x2FFFF;
	_ =	strace $0x9FFFFFFF  }
0xc4: {  	(tm) =	ssettm $0x7FFFFFFF  }
0xc5: {  	_ =	shalt  }
tec
execute0_lowered:
.L_overlay_start_1:
0x0: {  	(tag) =	ssettag $0x1  }
0x1: {  	s0 =	rddreg [dreg:$0x0]  }
0x2: {  	s1 =	rddreg [dreg:$0x1]  }
0x3: {  	s3 =	rddreg [dreg:$0x2]  }
0x4: {  	s4 =	rddreg [dreg:$0x3]  }
0x5: {  	s17 =	simm.s32 $0x0;
	s15 =	stileid.u32;
	s10 =	srdreg.scid  }
0x6: {  	s29 =	simm.s32 $0x2780;
	s31 =	simm.s32 $0x9D80;
	s2 =	smul.u32 $0x2800, s15  }
0x7: {  	s30 =	simm.s32 $0xF300;
	[smem:$0x7FF] =	sst s17;
	s5 =	smul.u32 $0x280, s15  }
0x8: {  	s6 =	sadd.s32 $0xF600, s0;
	s7 =	sadd.s32 $0x5800, s0;
	s12 =	smul.u32 $0xA000, s15  }
0x9: {  	s10 =	sand.u32 $0x1, s10;
	s11 =	sshll.u32 s15, $0x1;
	s24 =	smul.u32 $0x9C0, s15  }
0xa: {  	s26 =	sshll.u32 s15, $0x4;
	p2 =	sgt.u32 s15, $0x3;
	_ =	strace $0x80000047  }
0xb: {  	s22 =	ssub.s32 $0x2, s10;
	s11 =	sor.u32 s10, s11;
	p0 =	seq.s32 s10, $0x0  }
0xc: {  	p1 =	sne.s32 s10, $0x0;
	s10 =	simm.s32 $0x11300;
	s8 =	sshrl.u32 s2, $0x3  }
0xd: {  	s9 =	sshrl.u32 s5, $0x3;
	s13 =	sshrl.u32 s22, $0x1;
	s12 =	sshrl.u32 s12, $0x2  }
0xe: {  	s14 =	smul.u32 $0x4E0, s11;
	s28 =	sadd.s32 s5, s1;
	s11 =	sshll.u32 s11, $0x4  }
0xf: {  	s5 =	sadd.s32 s7, s24;
	s19 =	sadd.s32 s2, s4;
	s21 =	sadd.s32 s2, s3  }
0x10: {  	s2 =	simm.s32 $0x19400;
	s8 =	sadd.s32 s8, s0;
	[dreg:$0x9] =	wrdreg s5  }
0x11: {  	s0 =	sadd.s32 s9, s0;
	s9 =	ssub.s32 s22, s13;
	[dreg:$0xf] =	wrdreg s19  }
0x12: {  	s13 =	sadd.s32 s12, s3;
	s11 =	sor.u32 $0x9C00, s11;
	[dreg:$0x5] =	wrdreg s28  }
0x13: {  	s2 =	simm.s32 @!p0 $0x1E400;
	s23 =	sadd.s32 s6, s14;
	[dreg:$0x6] =	wrdreg s13  }
0x14: {  	p0 =	sgt.u32 s15, $0x1;
	s25 =	sadd.s32 s7, s14;
	[dreg:$0x7] =	wrdreg s23  }
0x15: {  	s12 =	simm.s32 $0xCB00;
	s6 =	sadd.s32 s6, s11;
	[dreg:$0x8] =	wrdreg s25  }
0x16: {  	s15 =	simm.s32 $0x11B00;
	s16 =	sadd.s32 s7, s11;
	[dreg:$0xa] =	wrdreg s6  }
0x17: {  	s19 =	simm.s32 $0x6;
	s18 =	sadd.s32 $0x800, s8;
	[dreg:$0xb] =	wrdreg s16  }
0x18: {  	s14 =	sadd.s32 s26, s7;
	s0 =	sadd.s32 $0x28400, s0;
	[dreg:$0xd] =	wrdreg s18  }
0x19: {  	s20 =	sadd.s32 $0x23400, s8;
	s22 =	smax.u32 s9, $0x1;
	[dreg:$0xe] =	wrdreg s0  }
0x1a: {  	s24 =	sadd.s32 $0x1000, s13;
	s2 =	sadd.s32 s2, s8;
	[dreg:$0x10] =	wrdreg s20  }
0x1b: {  	s26 =	sadd.s32 $0x2000, s13;
	s11 =	simm.s32 $0xA300;
	[dreg:$0x11] =	wrdreg s22  }
0x1c: {  	s8 =	simm.s32 $0x10B00;
	s9 =	simm.s32 $0x2;
	[dreg:$0x13] =	wrdreg s24  }
0x1d: {  	s7 =	simm.s32 $0x0;
	s5 =	sadd.s32 $0x9C00, s14;
	[dreg:$0x15] =	wrdreg s2  }
0x1e: {  	s23 =	sadd.s32 $0x800, s13;
	s25 =	sadd.s32 $0x1800, s13;
	[dreg:$0x16] =	wrdreg s26  }
0x1f: {  	s0 =	sshrl.u32 s21, $0x3;
	s26 =	simm.s32 $0xE;
	s24 =	simm.s32 $0x1  }
.Ltmp0:
0x20: {  	s2 =	simm.s32 $0xFB00;
	[dreg:$0xc] =	wrdreg s5;
	(pc) =	sbr.rel .LBB2_1-.Ltmp0, $4  }
0x21: {  	s13 =	simm.s32 $0x10300;
	s14 =	simm.s32 $0x3;
	[dreg:$0x12] =	wrdreg s23  }
0x22: {  	s16 =	simm.s32 $0x4;
	s20 =	simm.s32 $0xA;
	[dreg:$0x14] =	wrdreg s25  }
0x23: {  	v2 =	vlaneseq.u32;
	s21 =	simm.s32 $0x7;
	s22 =	simm.s32 $0xB;
	[dreg:$0x17] =	wrdreg s0  }
0x24: {  	v0 =	vimm.f32 $1.000000000e+00;
	v1 =	vimm.f32 $0.0e+00;
	v2 =	vmul.u32 $0x10, v2;
	s0 =	simm.s32 $0x80;
	s23 =	simm.s32 $0xC;
	s25 =	simm.s32 $0xD  }
.LBB2_18:
0x25: {  	_ =	swait.ge [sflag:s21], $0x800  }
0x26: {  	[sflag:s21] =	ssyncset.done $0x0  }
0x27: {  	s5 =	simm.s32 $0x8;
	[sflag:s21] =	ssyncadd.s32 $0xFFFFF800  }
0x28: {  	[spmem:s3] =	stream.indirect.scatter.add.f32 [tilespmem:s15], [sflag:$0xD], $0x10, s18, s0, $0xb8;
	[tilespmem:$0x17D80] =	vst v63  }
0x29: {  	_ =	swait.ge [sflag:s5], $0x800  }
0x2a: {  	[sflag:s5] =	ssyncset.done $0x0  }
0x2b: {  	s18 =	simm.s32 $0x9;
	[sflag:s5] =	ssyncadd.s32 $0xFFFFF800  }
0x2c: {  	_ =	swait.ge [sflag:s18], $0x800  }
0x2d: {  	[sflag:s18] =	ssyncset.done $0x0  }
0x2e: {  	[sflag:s18] =	ssyncadd.s32 $0xFFFFF800  }
0x2f: {  	_ =	swait.ge [sflag:s20], $0x800  }
0x30: {  	[sflag:s20] =	ssyncset.done $0x0  }
0x31: {  	[sflag:s20] =	ssyncadd.s32 $0xFFFFF800  }
0x32: {  	_ =	swait.ge [sflag:s22], $0x800  }
0x33: {  	[sflag:s22] =	ssyncset.done $0x0  }
0x34: {  	[sflag:s22] =	ssyncadd.s32 $0xFFFFF800  }
0x35: {  	_ =	swait.ge [sflag:s23], $0x800  }
0x36: {  	[sflag:s23] =	ssyncset.done $0x0  }
0x37: {  	[sflag:s23] =	ssyncadd.s32 $0xFFFFF800  }
0x38: {  	_ =	swait.ge [sflag:s25], $0x800  }
0x39: {  	s6 =	simm.s32 @!p0 $0x2700;
	[sflag:s25] =	ssyncset.done $0x0  }
0x3a: {  	s17 =	simm.s32 @!p0 $0xF300;
	s5 =	simm.s32 @!p0 $0x80;
	[sflag:s25] =	ssyncadd.s32 $0xFFFFF800  }
0x3b: {  	[tilespmem:s17], [sflag:$0x2] =	stream.indirect.gather @!p0 [spmem:s4], $0x10, s6, s5, $0xb8;
	[tilespmem:$0x17D80] =	vst v63  }
0x3c: {  	s6 =	simm.s32 @!p0 $0x2  }
0x3d: {  	_ =	swait.ge @!p0 [sflag:s6], $0x800  }
0x3e: {  	[sflag:s6] =	ssyncset.done @!p0 $0x0  }
0x3f: {  	[sflag:s6] =	ssyncadd.s32 @!p0 $0xFFFFF800;
	s6 =	simm.s32 @!p0 $0x4E80  }
0x40: {  	[spmem:s3] =	stream.indirect.scatter.add.f32 @!p0 [tilespmem:s17], [sflag:$0xE], $0x10, s6, s5, $0xb8;
	[tilespmem:$0x17D80] =	vst v63  }
0x41: {  	s5 =	simm.s32 @!p0 $0xE  }
0x42: {  	_ =	swait.ge @!p0 [sflag:s5], $0x800  }
0x43: {  	[sflag:s5] =	ssyncset.done @!p0 $0x0  }
0x44: {  	[sflag:s5] =	ssyncadd.s32 @!p0 $0xFFFFF800  }
0x45: {  	s6 =	stileid.u32;
	[bflag:$0x0] =	sbarrier.arrive $0xFFFF  }
0x46: {  	s5 =	sshll.u32 s6, $0x6;
	s17 =	rddreg [dreg:$0x15]  }
0x47: {  	s5 =	sor.u32 $0x1C0E, s5;
	s18 =	rddreg [dreg:$0x17]  }
0x48: {  	[hbm:s17], [sflag:s5] =	dma.local [spmem:s18], $0x500  }
0x49: {  	_ =	swait.ge [sflag:s26], $0x500  }
0x4a: {  	s7 =	sadd.s32 $0x1, s7;
	s18 =	rddreg [dreg:$0x11]  }
0x4b: {  	p3 =	sne.s32 s7, s18  }
.Ltmp1:
0x4c: {  	_ = 	snop;
	(pc) =	sbr.rel @!p3 .LBB2_19-.Ltmp1, $3  }
0x4d: {  	_ =	sdelay $0x1  }
0x4e: {  	s29 =	simm.s32 $0x2780;
	[sflag:s26] =	ssyncset.done $0x0  }
0x4f: {  	s17 =	simm.s32 $0x0;
	s28 =	rddreg [dreg:$0x5];
	[sflag:s26] =	ssyncadd.s32 $0xFFFFFB00  }
.LBB2_1:
0x50: {  	[tilespmem:$0x9D80] =	vst v0  }
0x51: {  	[tilespmem:$0x9D90] =	vst v0  }
0x52: {  	[tilespmem:$0x9DA0] =	vst v0  }
0x53: {  	[tilespmem:$0x9DB0] =	vst v0  }
0x54: {  	[tilespmem:$0x9DC0] =	vst v0  }
0x55: {  	[tilespmem:$0x9DD0] =	vst v0  }
0x56: {  	[tilespmem:$0x9DE0] =	vst v0  }
0x57: {  	[tilespmem:$0x9DF0] =	vst v0  }
0x58: {  	[tilespmem:$0x9E00] =	vst v1  }
0x59: {  	[tilespmem:$0x9E10] =	vst v1  }
0x5a: {  	[tilespmem:$0x9E20] =	vst v1  }
0x5b: {  	[tilespmem:$0x9E30] =	vst v1  }
0x5c: {  	[tilespmem:$0x9E40] =	vst v1  }
0x5d: {  	[tilespmem:$0x9E50] =	vst v1  }
0x5e: {  	[tilespmem:$0x9E60] =	vst v1  }
0x5f: {  	[tilespmem:$0x9E70] =	vst v1  }
0x60: {  	[tilespmem:$0x9E80] =	vst v1  }
0x61: {  	[tilespmem:$0x9E90] =	vst v1  }
0x62: {  	[tilespmem:$0x9EA0] =	vst v1  }
0x63: {  	[tilespmem:$0x9EB0] =	vst v1  }
0x64: {  	[tilespmem:$0x9EC0] =	vst v1  }
0x65: {  	[tilespmem:$0x9ED0] =	vst v1  }
0x66: {  	[tilespmem:$0x9EE0] =	vst v1  }
0x67: {  	[tilespmem:$0x9EF0] =	vst v1  }
0x68: {  	[tilespmem:$0x9F00] =	vst v1  }
0x69: {  	[tilespmem:$0x9F10] =	vst v1  }
0x6a: {  	[tilespmem:$0x9F20] =	vst v1  }
0x6b: {  	[tilespmem:$0x9F30] =	vst v1  }
0x6c: {  	[tilespmem:$0x9F40] =	vst v1  }
0x6d: {  	[tilespmem:$0x9F50] =	vst v1  }
0x6e: {  	[tilespmem:$0x9F60] =	vst v1  }
0x6f: {  	[tilespmem:$0x9F70] =	vst v1  }
0x70: {  	[tilespmem:$0x9F80] =	vst v1  }
0x71: {  	[tilespmem:$0x9F90] =	vst v1  }
0x72: {  	[tilespmem:$0x9FA0] =	vst v1  }
0x73: {  	[tilespmem:$0x9FB0] =	vst v1  }
0x74: {  	[tilespmem:$0x9FC0] =	vst v1  }
0x75: {  	[tilespmem:$0x9FD0] =	vst v1  }
0x76: {  	[tilespmem:$0x9FE0] =	vst v1  }
0x77: {  	[tilespmem:$0x9FF0] =	vst v1  }
0x78: {  	[tilespmem:$0xA000] =	vst v1  }
0x79: {  	[tilespmem:$0xA010] =	vst v1  }
0x7a: {  	[tilespmem:$0xA020] =	vst v1  }
0x7b: {  	[tilespmem:$0xA030] =	vst v1  }
0x7c: {  	[tilespmem:$0xA040] =	vst v1  }
0x7d: {  	[tilespmem:$0xA050] =	vst v1  }
0x7e: {  	[tilespmem:$0xA060] =	vst v1  }
0x7f: {  	[tilespmem:$0xA070] =	vst v1;
	s5 =	simm.s32 $0x40;
	s6 =	simm.s32 $0x0  }
.LBB2_2:
0x80: {  	p3 =	sne.s32 s5, $0x1FC0;
	[tilespmem:s6+$0x12300] =	vst v1;
	s6 =	smov.u32 s5;
	s5 =	sadd.s32 $0x40, s5  }
.Ltmp2:
0x81: {  	(pc) =	sbr.rel @p3 .LBB2_2-.Ltmp2, $2  }
0x82: {  	_ =	sdelay $0x2  }
0x83: {  	s6 =	sshra.s32 s6, $0x2  }
0x84: {  	[tilespmem:s6+$0x12300] =	vst v1;
	s5 =	simm.s32 $0x9E00  }
0x85: {  	[spmem:s28] =	stream.linear.scatter [tilespmem:s5], [sflag:$0xE], $0x280, $0x38;
	[tilespmem:$0x17D80] =	vst v63  }
0x86: {  	_ =	swait.ge [sflag:s26], $0x280  }
0x87: {  	[sflag:s26] =	ssyncset.done $0x0  }
0x88: {  	s6 =	simm.s32 $0x12300;
	s18 =	rddreg [dreg:$0x6];
	[sflag:s26] =	ssyncadd.s32 $0xFFFFFD80  }
0x89: {  	[spmem:s18] =	stream.linear.scatter [tilespmem:s6], [sflag:$0xE], $0x800, $0x38;
	[tilespmem:$0x17D80] =	vst v63  }
0x8a: {  	_ =	swait.ge [sflag:s26], $0x800  }
0x8b: {  	[sflag:s26] =	ssyncset.done $0x0  }
0x8c: {  	s18 =	rddreg [dreg:$0x12];
	[sflag:s26] =	ssyncadd.s32 $0xFFFFF800  }
0x8d: {  	[spmem:s18] =	stream.linear.scatter [tilespmem:s6], [sflag:$0xE], $0x800, $0x38;
	[tilespmem:$0x17D80] =	vst v63  }
0x8e: {  	_ =	swait.ge [sflag:s26], $0x800  }
0x8f: {  	[sflag:s26] =	ssyncset.done $0x0  }
0x90: {  	s18 =	rddreg [dreg:$0x13];
	[sflag:s26] =	ssyncadd.s32 $0xFFFFF800  }
0x91: {  	[spmem:s18] =	stream.linear.scatter [tilespmem:s6], [sflag:$0xE], $0x800, $0x38;
	[tilespmem:$0x17D80] =	vst v63  }
0x92: {  	_ =	swait.ge [sflag:s26], $0x800  }
0x93: {  	[sflag:s26] =	ssyncset.done $0x0  }
0x94: {  	s18 =	rddreg [dreg:$0x14];
	[sflag:s26] =	ssyncadd.s32 $0xFFFFF800  }
0x95: {  	[spmem:s18] =	stream.linear.scatter [tilespmem:s6], [sflag:$0xE], $0x800, $0x38;
	[tilespmem:$0x17D80] =	vst v63  }
0x96: {  	_ =	swait.ge [sflag:s26], $0x800  }
0x97: {  	[sflag:s26] =	ssyncset.done $0x0  }
0x98: {  	s18 =	rddreg [dreg:$0x16];
	[sflag:s26] =	ssyncadd.s32 $0xFFFFF800  }
0x99: {  	[spmem:s18] =	stream.linear.scatter [tilespmem:s6], [sflag:$0xE], $0x800, $0x38;
	[tilespmem:$0x17D80] =	vst v63  }
0x9a: {  	_ =	swait.ge [sflag:s26], $0x800  }
0x9b: {  	[sflag:s26] =	ssyncset.done $0x0  }
0x9c: {  	s6 =	rddreg [dreg:$0x7];
	[sflag:s26] =	ssyncadd.s32 $0xFFFFF800  }
0x9d: {  	[tilespmem:s17], [sflag:$0xE] =	stream.linear.gather [hbm4b:s6+s17], $0x2700, $0x38;
	[tilespmem:$0x17D80] =	vst v63  }
0x9e: {  	_ =	swait.ge [sflag:s26], $0x2700  }
0x9f: {  	[sflag:s26] =	ssyncset.done $0x0  }
0xa0: {  	s18 =	rddreg [dreg:$0x8];
	[sflag:s26] =	ssyncadd.s32 $0xFFFFD900  }
0xa1: {  	[tilespmem:s29], [sflag:$0xE] =	stream.linear.gather [hbm4b:s18+s17], $0x2700, $0x38;
	[tilespmem:$0x17D80] =	vst v63  }
0xa2: {  	_ =	swait.ge [sflag:s26], $0x2700  }
0xa3: {  	s18 =	simm.s32 $0x4F00;
	[sflag:s26] =	ssyncset.done $0x0  }
.Ltmp3:
0xa4: {  	s6 =	rddreg [dreg:$0x9];
	[sflag:s26] =	ssyncadd.s32 $0xFFFFD900;
	(pc) =	sbr.rel @p0 .LBB2_5-.Ltmp3, $4  }
0xa5: {  	[tilespmem:s18], [sflag:$0xE] =	stream.linear.gather [hbm4b:s6+s17], $0x4E00, $0x38;
	[tilespmem:$0x17D80] =	vst v63  }
0xa6: {  	_ =	swait.ge [sflag:s26], $0x4E00  }
0xa7: {  	[sflag:s26] =	ssyncset.done $0x0  }
0xa8: {  	[sflag:s26] =	ssyncadd.s32 $0xFFFFB200  }
0xa9: {  	s5 =	rddreg [dreg:$0xa];
	s6 =	simm.s32 $0x2700  }
0xaa: {  	[tilespmem:s6], [sflag:$0xE] =	stream.linear.gather [hbm4b:s5+s17], $0x80, $0x38;
	[tilespmem:$0x17D80] =	vst v63  }
0xab: {  	_ =	swait.ge [sflag:s26], $0x80  }
0xac: {  	s18 =	simm.s32 $0x4E80;
	[sflag:s26] =	ssyncset.done $0x0  }
.Ltmp4:
0xad: {  	s6 =	rddreg [dreg:$0xb];
	[sflag:s26] =	ssyncadd.s32 $0xFFFFFF80;
	(pc) =	sbr.rel .LBB2_6-.Ltmp4, $4  }
0xae: {  	[tilespmem:s18], [sflag:$0xE] =	stream.linear.gather [hbm4b:s6+s17], $0x80, $0x38;
	[tilespmem:$0x17D80] =	vst v63  }
0xaf: {  	_ =	swait.ge [sflag:s26], $0x80  }
0xb0: {  	[sflag:s26] =	ssyncset.done $0x0  }
0xb1: {  	[sflag:s26] =	ssyncadd.s32 $0xFFFFFF80  }
.LBB2_5:
.Ltmp5:
0xb2: {  	(pc) =	sbr.rel @p2 .LBB2_7-.Ltmp5, $2  }
0xb3: {  	_ =	sdelay $0x2  }
0xb4: {  	p3 =	por $0x0, $0x0  }
.LBB2_6:
0xb5: {  	s5 =	rddreg [dreg:$0xc];
	s6 =	simm.s32 $0x9D00  }
0xb6: {  	[tilespmem:s6], [sflag:$0xE] =	stream.linear.gather [hbm4b:s5+s17], $0x80, $0x38;
	[tilespmem:$0x17D80] =	vst v63  }
0xb7: {  	_ =	swait.ge [sflag:s26], $0x80  }
0xb8: {  	[sflag:s26] =	ssyncset.done $0x0  }
0xb9: {  	p3 =	por $0x1, $0x1;
	[sflag:s26] =	ssyncadd.s32 $0xFFFFFF80  }
.LBB2_7:
0xba: {  	[bflag:$0x0] =	sbarrier.arrive $0xFFFF;
	s5 =	simm.s32 $0x200;
	s6 =	simm.s32 $0x4F00  }
.LBB2_8:
0xbb: {  	[spmem:s1] =	stream.indirect.scatter.add.f32 [tilespmem:s31], [sflag:$0x1], $0x1, s6, s0, $0xb8;
	[tilespmem:$0x17D80] =	vst v63  }
0xbc: {  	s6 =	smov.u32 s5;
	p4 =	sne.s32 s5, $0x13600  }
.Ltmp6:
0xbd: {  	s5 =	sadd.s32 $0x200, s5;
	(pc) =	sbr.rel @p4 .LBB2_8-.Ltmp6, $3  }
0xbe: {  	_ =	sdelay $0x1  }
0xbf: {  	s6 =	sshra.s32 s6, $0x2  }
0xc0: {  	s6 =	sadd.s32 $0x4F00, s6  }
0xc1: {  	[spmem:s1] =	stream.indirect.scatter.add.f32 [tilespmem:s31], [sflag:$0x1], $0x1, s6, s0, $0xb8;
	[tilespmem:$0x17D80] =	vst v63  }
0xc2: {  	s5 =	simm.s32 @p3 $0x80;
	s6 =	simm.s32 @p3 $0x9D00;
	s18 =	simm.s32 @p3 $0x9D80  }
0xc3: {  	[spmem:s1] =	stream.indirect.scatter.add.f32 @p3 [tilespmem:s18], [sflag:$0x1], $0x1, s6, s5, $0xb8;
	[tilespmem:$0x17D80] =	vst v63  }
0xc4: {  	_ =	swait.ge [sflag:s24], $0x80  }
0xc5: {  	s5 =	simm.s32 $0x9B;
	[sflag:s24] =	ssyncset.done $0x0  }
.LBB2_10:
0xc6: {  	p4 =	sne.s32 s5, $0x1;
	s5 =	sadd.s32 $0xFFFFFFFF, s5;
	[sflag:s24] =	ssyncadd.s32 $0xFFFFFF80  }
.Ltmp7:
0xc7: {  	(pc) =	sbr.rel @p4 .LBB2_10-.Ltmp7, $3  }
0xc8: {  	_ =	sdelay $0x1  }
0xc9: {  	_ =	swait.ge [sflag:s24], $0x80  }
0xca: {  	[sflag:s24] =	ssyncset.done $0x0  }
0xcb: {  	[sflag:s24] =	ssyncadd.s32 $0xFFFFFF80;
	s5 =	simm.s32 @p3 $0x1  }
0xcc: {  	_ =	swait.ge @p3 [sflag:s5], $0x80  }
0xcd: {  	[sflag:s5] =	ssyncset.done @p3 $0x0  }
0xce: {  	[sflag:s5] =	ssyncadd.s32 @p3 $0xFFFFFF80  }
0xcf: {  	s18 =	simm.s32 $0xA080;
	[bflag:$0x0] =	sbarrier.arrive $0xFFFF  }
0xd0: {  	[tilespmem:s18], [sflag:$0xE] =	stream.linear.gather [spmem:s28], $0x280, $0x38;
	[tilespmem:$0x17D80] =	vst v63  }
0xd1: {  	_ =	swait.ge [sflag:s26], $0x280  }
0xd2: {  	[sflag:s26] =	ssyncset.done $0x0  }
0xd3: {  	s28 =	simm.s32 $0x0;
	s6 =	rddreg [dreg:$0xd];
	[sflag:s26] =	ssyncadd.s32 $0xFFFFFD80  }
0xd4: {  	[tilespmem:s11], [sflag:$0xE] =	stream.linear.gather [hbm4b:s6+s28], $0x2800, $0x38;
	[tilespmem:$0x17D80] =	vst v63  }
0xd5: {  	_ =	swait.ge [sflag:s26], $0x2800  }
0xd6: {  	[sflag:s26] =	ssyncset.done $0x0  }
0xd7: {  	s5 =	simm.s32 $0x0;
	s6 =	simm.s32 $0x40;
	[sflag:s26] =	ssyncadd.s32 $0xFFFFD800  }
.LBB2_12:
0xd8: {  	p3 =	sne.s32 s6, $0x9C0;
	v3 =	vld [tilespmem:s5+$0xA080];
	_ =	sdelay $0x4  }
0xd9: {  	v3 =	vadd.f32 $1.000000000e+00, v3;
	_ =	sdelay $0x1  }
0xda: {  	v4 =	vshrl.u32 v3, $0x1;
	v3 =	vmul.f32 $5.000000000e-01, v3  }
0xdb: {  	v4 =	vsub.s32 $0x5F3759DF, v4  }
0xdc: {  	v5 =	vmul.f32 v4, v3;
	_ =	sdelay $0x1  }
0xdd: {  	v5 =	vmul.f32 v4, v5;
	_ =	sdelay $0x1  }
0xde: {  	v5 =	vsub.f32 $1.500000000e+00, v5;
	_ =	sdelay $0x1  }
0xdf: {  	v4 =	vmul.f32 v4, v5;
	_ =	sdelay $0x1  }
0xe0: {  	v5 =	vmul.f32 v4, v3;
	_ =	sdelay $0x1  }
0xe1: {  	v5 =	vmul.f32 v5, v4;
	_ =	sdelay $0x1  }
0xe2: {  	v5 =	vsub.f32 $1.500000000e+00, v5;
	_ =	sdelay $0x1  }
0xe3: {  	v4 =	vmul.f32 v5, v4;
	_ =	sdelay $0x1  }
0xe4: {  	v3 =	vmul.f32 v4, v3;
	_ =	sdelay $0x1  }
0xe5: {  	v3 =	vmul.f32 v3, v4;
	_ =	sdelay $0x1  }
.Ltmp8:
0xe6: {  	v3 =	vsub.f32 $1.500000000e+00, v3;
	(pc) =	sbr.rel @p3 .LBB2_12-.Ltmp8, $3  }
0xe7: {  	_ = 	snop  }
0xe8: {  	v3 =	vmul.f32 v3, v4;
	_ =	sdelay $0x1  }
0xe9: {  	[tilespmem:s5+$0xA080] =	vst v3;
	s5 =	sshra.s32 s6, $0x2;
	s6 =	sadd.s32 $0x40, s6  }
0xea: {  	v3 =	vld [tilespmem:s5+$0xA080];
	_ =	sdelay $0x4  }
0xeb: {  	v3 =	vadd.f32 $1.000000000e+00, v3;
	_ =	sdelay $0x1  }
0xec: {  	v4 =	vshrl.u32 v3, $0x1;
	v3 =	vmul.f32 $5.000000000e-01, v3  }
0xed: {  	v4 =	vsub.s32 $0x5F3759DF, v4  }
0xee: {  	v5 =	vmul.f32 v4, v3;
	_ =	sdelay $0x1  }
0xef: {  	v5 =	vmul.f32 v4, v5;
	_ =	sdelay $0x1  }
0xf0: {  	v5 =	vsub.f32 $1.500000000e+00, v5;
	_ =	sdelay $0x1  }
0xf1: {  	v4 =	vmul.f32 v4, v5;
	_ =	sdelay $0x1  }
0xf2: {  	v5 =	vmul.f32 v4, v3;
	_ =	sdelay $0x1  }
0xf3: {  	v5 =	vmul.f32 v5, v4;
	_ =	sdelay $0x1  }
0xf4: {  	v5 =	vsub.f32 $1.500000000e+00, v5;
	_ =	sdelay $0x1  }
0xf5: {  	v4 =	vmul.f32 v5, v4;
	_ =	sdelay $0x1  }
0xf6: {  	v3 =	vmul.f32 v4, v3;
	_ =	sdelay $0x1  }
0xf7: {  	v3 =	vmul.f32 v3, v4;
	_ =	sdelay $0x1  }
0xf8: {  	v3 =	vsub.f32 $1.500000000e+00, v3;
	_ =	sdelay $0x1  }
0xf9: {  	v3 =	vmul.f32 v3, v4  }
0xfa: {  	s6 =	simm.s32 $0x0  }
0xfb: {  	s17 =	rddreg [dreg:$0xe];
	v4 =	vmov s6;
	s6 =	simm.s32 @!p1 $0xA080;
	[tilespmem:s5+$0xA080] =	vst v3;
	s5 =	simm.s32 @!p1 $0x0  }
0xfc: {  	v3 =	vshll.u32 v4, $0x4;
	[hbm4b:s17+s5] =	stream.linear.scatter @!p1 [tilespmem:s6], [sflag:$0xE], $0x280, $0x38;
	[tilespmem:$0x17D80] =	vst v63  }
0xfd: {  	v3 =	vor.u32 v2, v3;
	s5 =	simm.s32 @!p1 $0xE  }
0xfe: {  	_ =	swait.ge @!p1 [sflag:s5], $0x280  }
0xff: {  	[sflag:s5] =	ssyncset.done @!p1 $0x0  }
0x100: {  	s18 =	simm.s32 $0xA080;
	[sflag:s5] =	ssyncadd.s32 @!p1 $0xFFFFFD80  }
0x101: {  	v6 =	vld [tilespmem:s18+$0x0]  }
0x102: {  	v4 =	vld.idx.msk [tilespmem:v3+s11+$0x0], $0xffff;
	_ =	sdelay $0x2  }
0x103: {  	v5 =	vor.u32 $0x1, v3;
	_ =	sdelay $0x1  }
0x104: {  	v4 =	vmul.f32 v4, v6;
	_ =	sdelay $0x1  }
0x105: {  	[tilespmem:v3+s12+$0x0] =	vst.idx.msk $0xffff, v4  }
0x106: {  	v4 =	vld.idx.msk [tilespmem:v5+s11+$0x0], $0xffff;
	_ =	sdelay $0x2  }
0x107: {  	v7 =	vor.u32 $0x2, v3;
	_ =	sdelay $0x1  }
0x108: {  	v4 =	vmul.f32 v4, v6;
	_ =	sdelay $0x1  }
0x109: {  	[tilespmem:v5+s12+$0x0] =	vst.idx.msk $0xffff, v4  }
0x10a: {  	v4 =	vld.idx.msk [tilespmem:v7+s11+$0x0], $0xffff;
	_ =	sdelay $0x2  }
0x10b: {  	v5 =	vor.u32 $0x3, v3;
	_ =	sdelay $0x1  }
0x10c: {  	v4 =	vmul.f32 v4, v6;
	_ =	sdelay $0x1  }
0x10d: {  	[tilespmem:v7+s12+$0x0] =	vst.idx.msk $0xffff, v4  }
0x10e: {  	v4 =	vld.idx.msk [tilespmem:v5+s11+$0x0], $0xffff;
	_ =	sdelay $0x2  }
0x10f: {  	v7 =	vor.u32 $0x4, v3;
	_ =	sdelay $0x1  }
0x110: {  	v4 =	vmul.f32 v4, v6;
	_ =	sdelay $0x1  }
0x111: {  	[tilespmem:v5+s12+$0x0] =	vst.idx.msk $0xffff, v4  }
0x112: {  	v4 =	vld.idx.msk [tilespmem:v7+s11+$0x0], $0xffff;
	_ =	sdelay $0x2  }
0x113: {  	v5 =	vor.u32 $0x5, v3;
	_ =	sdelay $0x1  }
0x114: {  	v4 =	vmul.f32 v4, v6;
	_ =	sdelay $0x1  }
0x115: {  	[tilespmem:v7+s12+$0x0] =	vst.idx.msk $0xffff, v4  }
0x116: {  	v4 =	vld.idx.msk [tilespmem:v5+s11+$0x0], $0xffff;
	_ =	sdelay $0x2  }
0x117: {  	v7 =	vor.u32 $0x6, v3;
	_ =	sdelay $0x1  }
0x118: {  	v4 =	vmul.f32 v4, v6;
	_ =	sdelay $0x1  }
0x119: {  	[tilespmem:v5+s12+$0x0] =	vst.idx.msk $0xffff, v4  }
0x11a: {  	v4 =	vld.idx.msk [tilespmem:v7+s11+$0x0], $0xffff;
	_ =	sdelay $0x2  }
0x11b: {  	v5 =	vor.u32 $0x7, v3;
	_ =	sdelay $0x1  }
0x11c: {  	v4 =	vmul.f32 v4, v6;
	_ =	sdelay $0x1  }
0x11d: {  	[tilespmem:v7+s12+$0x0] =	vst.idx.msk $0xffff, v4  }
0x11e: {  	v4 =	vld.idx.msk [tilespmem:v5+s11+$0x0], $0xffff;
	_ =	sdelay $0x2  }
0x11f: {  	v7 =	vor.u32 $0x8, v3;
	_ =	sdelay $0x1  }
0x120: {  	v4 =	vmul.f32 v4, v6;
	_ =	sdelay $0x1  }
0x121: {  	[tilespmem:v5+s12+$0x0] =	vst.idx.msk $0xffff, v4  }
0x122: {  	v4 =	vld.idx.msk [tilespmem:v7+s11+$0x0], $0xffff;
	_ =	sdelay $0x2  }
0x123: {  	v5 =	vor.u32 $0x9, v3;
	_ =	sdelay $0x1  }
0x124: {  	v4 =	vmul.f32 v4, v6;
	_ =	sdelay $0x1  }
0x125: {  	[tilespmem:v7+s12+$0x0] =	vst.idx.msk $0xffff, v4  }
0x126: {  	v4 =	vld.idx.msk [tilespmem:v5+s11+$0x0], $0xffff;
	_ =	sdelay $0x2  }
0x127: {  	v7 =	vor.u32 $0xA, v3;
	_ =	sdelay $0x1  }
0x128: {  	v4 =	vmul.f32 v4, v6;
	_ =	sdelay $0x1  }
0x129: {  	[tilespmem:v5+s12+$0x0] =	vst.idx.msk $0xffff, v4  }
0x12a: {  	v4 =	vld.idx.msk [tilespmem:v7+s11+$0x0], $0xffff;
	_ =	sdelay $0x2  }
0x12b: {  	v5 =	vor.u32 $0xB, v3;
	_ =	sdelay $0x1  }
0x12c: {  	v4 =	vmul.f32 v4, v6;
	_ =	sdelay $0x1  }
0x12d: {  	[tilespmem:v7+s12+$0x0] =	vst.idx.msk $0xffff, v4  }
0x12e: {  	v4 =	vld.idx.msk [tilespmem:v5+s11+$0x0], $0xffff;
	_ =	sdelay $0x2  }
0x12f: {  	v7 =	vor.u32 $0xC, v3;
	_ =	sdelay $0x1  }
0x130: {  	v4 =	vmul.f32 v4, v6;
	_ =	sdelay $0x1  }
0x131: {  	[tilespmem:v5+s12+$0x0] =	vst.idx.msk $0xffff, v4  }
0x132: {  	v4 =	vld.idx.msk [tilespmem:v7+s11+$0x0], $0xffff;
	_ =	sdelay $0x2  }
0x133: {  	v5 =	vor.u32 $0xD, v3;
	_ =	sdelay $0x1  }
0x134: {  	v4 =	vmul.f32 v4, v6;
	_ =	sdelay $0x1  }
0x135: {  	[tilespmem:v7+s12+$0x0] =	vst.idx.msk $0xffff, v4  }
0x136: {  	v4 =	vld.idx.msk [tilespmem:v5+s11+$0x0], $0xffff;
	_ =	sdelay $0x2  }
0x137: {  	v7 =	vor.u32 $0xE, v3;
	_ =	sdelay $0x1  }
0x138: {  	v4 =	vmul.f32 v4, v6;
	_ =	sdelay $0x1  }
0x139: {  	[tilespmem:v5+s12+$0x0] =	vst.idx.msk $0xffff, v4  }
0x13a: {  	v4 =	vld.idx.msk [tilespmem:v7+s11+$0x0], $0xffff;
	_ =	sdelay $0x2  }
0x13b: {  	v5 =	vor.u32 $0xF, v3;
	_ =	sdelay $0x1  }
0x13c: {  	v3 =	vmul.f32 v4, v6;
	_ =	sdelay $0x1  }
0x13d: {  	[tilespmem:v7+s12+$0x0] =	vst.idx.msk $0xffff, v3  }
0x13e: {  	s28 =	simm.s32 $0x10;
	v4 =	vld.idx.msk [tilespmem:v5+s11+$0x0], $0xffff  }
0x13f: {  	v3 =	vmov s28  }
0x140: {  	v3 =	vshll.u32 v3, $0x4  }
0x141: {  	v3 =	vor.u32 v2, v3;
	_ =	sdelay $0x1  }
0x142: {  	s6 =	simm.s32 $0x20;
	v4 =	vmul.f32 v4, v6  }
.LBB2_14:
0x143: {  	p3 =	sne.s32 s6, $0x270  }
0x144: {  	s18 =	sadd.s32 $0x10, s18;
	s5 =	smov.u32 s6;
	s6 =	sadd.s32 $0x10, s6;
	[tilespmem:v5+s12+$0x0] =	vst.idx.msk $0xffff, v4  }
0x145: {  	v5 =	vld.idx.msk [tilespmem:v3+s11+$0x0], $0xffff  }
0x146: {  	v4 =	vld [tilespmem:s18+$0x0];
	_ =	sdelay $0x2  }
0x147: {  	v6 =	vor.u32 $0x1, v3;
	_ =	sdelay $0x1  }
0x148: {  	v5 =	vmul.f32 v5, v4;
	_ =	sdelay $0x1  }
0x149: {  	[tilespmem:v3+s12+$0x0] =	vst.idx.msk $0xffff, v5  }
0x14a: {  	v5 =	vld.idx.msk [tilespmem:v6+s11+$0x0], $0xffff;
	_ =	sdelay $0x3  }
0x14b: {  	v7 =	vor.u32 $0x2, v3;
	_ =	sdelay $0x1  }
0x14c: {  	v5 =	vmul.f32 v5, v4;
	_ =	sdelay $0x1  }
0x14d: {  	[tilespmem:v6+s12+$0x0] =	vst.idx.msk $0xffff, v5  }
0x14e: {  	v5 =	vld.idx.msk [tilespmem:v7+s11+$0x0], $0xffff;
	_ =	sdelay $0x3  }
0x14f: {  	v6 =	vor.u32 $0x3, v3;
	_ =	sdelay $0x1  }
0x150: {  	v5 =	vmul.f32 v5, v4;
	_ =	sdelay $0x1  }
0x151: {  	[tilespmem:v7+s12+$0x0] =	vst.idx.msk $0xffff, v5  }
0x152: {  	v5 =	vld.idx.msk [tilespmem:v6+s11+$0x0], $0xffff;
	_ =	sdelay $0x3  }
0x153: {  	v7 =	vor.u32 $0x4, v3;
	_ =	sdelay $0x1  }
0x154: {  	v5 =	vmul.f32 v5, v4;
	_ =	sdelay $0x1  }
0x155: {  	[tilespmem:v6+s12+$0x0] =	vst.idx.msk $0xffff, v5  }
0x156: {  	v5 =	vld.idx.msk [tilespmem:v7+s11+$0x0], $0xffff;
	_ =	sdelay $0x3  }
0x157: {  	v6 =	vor.u32 $0x5, v3;
	_ =	sdelay $0x1  }
0x158: {  	v5 =	vmul.f32 v5, v4;
	_ =	sdelay $0x1  }
0x159: {  	[tilespmem:v7+s12+$0x0] =	vst.idx.msk $0xffff, v5  }
0x15a: {  	v5 =	vld.idx.msk [tilespmem:v6+s11+$0x0], $0xffff;
	_ =	sdelay $0x3  }
0x15b: {  	v7 =	vor.u32 $0x6, v3;
	_ =	sdelay $0x1  }
0x15c: {  	v5 =	vmul.f32 v5, v4;
	_ =	sdelay $0x1  }
0x15d: {  	[tilespmem:v6+s12+$0x0] =	vst.idx.msk $0xffff, v5  }
0x15e: {  	v5 =	vld.idx.msk [tilespmem:v7+s11+$0x0], $0xffff;
	_ =	sdelay $0x3  }
0x15f: {  	v6 =	vor.u32 $0x7, v3;
	_ =	sdelay $0x1  }
0x160: {  	v5 =	vmul.f32 v5, v4;
	_ =	sdelay $0x1  }
0x161: {  	[tilespmem:v7+s12+$0x0] =	vst.idx.msk $0xffff, v5  }
0x162: {  	v5 =	vld.idx.msk [tilespmem:v6+s11+$0x0], $0xffff;
	_ =	sdelay $0x3  }
0x163: {  	v7 =	vor.u32 $0x8, v3;
	_ =	sdelay $0x1  }
0x164: {  	v5 =	vmul.f32 v5, v4;
	_ =	sdelay $0x1  }
0x165: {  	[tilespmem:v6+s12+$0x0] =	vst.idx.msk $0xffff, v5  }
0x166: {  	v5 =	vld.idx.msk [tilespmem:v7+s11+$0x0], $0xffff;
	_ =	sdelay $0x3  }
0x167: {  	v6 =	vor.u32 $0x9, v3;
	_ =	sdelay $0x1  }
0x168: {  	v5 =	vmul.f32 v5, v4;
	_ =	sdelay $0x1  }
0x169: {  	[tilespmem:v7+s12+$0x0] =	vst.idx.msk $0xffff, v5  }
0x16a: {  	v5 =	vld.idx.msk [tilespmem:v6+s11+$0x0], $0xffff;
	_ =	sdelay $0x3  }
0x16b: {  	v7 =	vor.u32 $0xA, v3;
	_ =	sdelay $0x1  }
0x16c: {  	v5 =	vmul.f32 v5, v4;
	_ =	sdelay $0x1  }
0x16d: {  	[tilespmem:v6+s12+$0x0] =	vst.idx.msk $0xffff, v5  }
0x16e: {  	v5 =	vld.idx.msk [tilespmem:v7+s11+$0x0], $0xffff;
	_ =	sdelay $0x3  }
0x16f: {  	v6 =	vor.u32 $0xB, v3;
	_ =	sdelay $0x1  }
0x170: {  	v5 =	vmul.f32 v5, v4;
	_ =	sdelay $0x1  }
0x171: {  	[tilespmem:v7+s12+$0x0] =	vst.idx.msk $0xffff, v5  }
0x172: {  	v5 =	vld.idx.msk [tilespmem:v6+s11+$0x0], $0xffff;
	_ =	sdelay $0x3  }
0x173: {  	v7 =	vor.u32 $0xC, v3;
	_ =	sdelay $0x1  }
0x174: {  	v5 =	vmul.f32 v5, v4;
	_ =	sdelay $0x1  }
0x175: {  	[tilespmem:v6+s12+$0x0] =	vst.idx.msk $0xffff, v5  }
0x176: {  	v5 =	vld.idx.msk [tilespmem:v7+s11+$0x0], $0xffff;
	_ =	sdelay $0x3  }
0x177: {  	v6 =	vor.u32 $0xD, v3;
	_ =	sdelay $0x1  }
0x178: {  	v5 =	vmul.f32 v5, v4;
	_ =	sdelay $0x1  }
0x179: {  	[tilespmem:v7+s12+$0x0] =	vst.idx.msk $0xffff, v5  }
0x17a: {  	v5 =	vld.idx.msk [tilespmem:v6+s11+$0x0], $0xffff;
	_ =	sdelay $0x3  }
0x17b: {  	v7 =	vor.u32 $0xE, v3;
	_ =	sdelay $0x1  }
0x17c: {  	v5 =	vmul.f32 v5, v4;
	_ =	sdelay $0x1  }
0x17d: {  	[tilespmem:v6+s12+$0x0] =	vst.idx.msk $0xffff, v5  }
0x17e: {  	v6 =	vld.idx.msk [tilespmem:v7+s11+$0x0], $0xffff;
	_ =	sdelay $0x3  }
0x17f: {  	v5 =	vor.u32 $0xF, v3;
	_ =	sdelay $0x1  }
0x180: {  	v3 =	vmul.f32 v6, v4;
	_ =	sdelay $0x1  }
0x181: {  	[tilespmem:v7+s12+$0x0] =	vst.idx.msk $0xffff, v3  }
0x182: {  	v6 =	vld.idx.msk [tilespmem:v5+s11+$0x0], $0xffff;
	_ =	sdelay $0x1  }
.Ltmp9:
0x183: {  	v3 =	vmov s5;
	(pc) =	sbr.rel @p3 .LBB2_14-.Ltmp9, $3  }
0x184: {  	v3 =	vshll.u32 v3, $0x4  }
0x185: {  	v3 =	vor.u32 v2, v3;
	_ =	sdelay $0x1  }
0x186: {  	v4 =	vmul.f32 v6, v4  }
0x187: {  	_ =	sdelay $0x3  }
0x188: {  	[tilespmem:v5+s12+$0x0] =	vst.idx.msk $0xffff, v4  }
0x189: {  	s5 =	sadd.s32 $0x10, s18;
	v4 =	vld.idx.msk [tilespmem:v3+s11+$0x0], $0xffff  }
0x18a: {  	v5 =	vld [tilespmem:s5+$0x0];
	_ =	sdelay $0x2  }
0x18b: {  	v6 =	vor.u32 $0x1, v3;
	_ =	sdelay $0x1  }
0x18c: {  	v4 =	vmul.f32 v4, v5;
	_ =	sdelay $0x1  }
0x18d: {  	[tilespmem:v3+s12+$0x0] =	vst.idx.msk $0xffff, v4  }
0x18e: {  	v4 =	vld.idx.msk [tilespmem:v6+s11+$0x0], $0xffff;
	_ =	sdelay $0x2  }
0x18f: {  	v7 =	vor.u32 $0x2, v3;
	_ =	sdelay $0x1  }
0x190: {  	v4 =	vmul.f32 v4, v5;
	_ =	sdelay $0x1  }
0x191: {  	[tilespmem:v6+s12+$0x0] =	vst.idx.msk $0xffff, v4  }
0x192: {  	v4 =	vld.idx.msk [tilespmem:v7+s11+$0x0], $0xffff;
	_ =	sdelay $0x2  }
0x193: {  	v52 =	vor.u32 $0x3, v3;
	_ =	sdelay $0x1  }
0x194: {  	v4 =	vmul.f32 v4, v5;
	_ =	sdelay $0x1  }
0x195: {  	[tilespmem:v7+s12+$0x0] =	vst.idx.msk $0xffff, v4  }
0x196: {  	v4 =	vld.idx.msk [tilespmem:v52+s11+$0x0], $0xffff;
	_ =	sdelay $0x2  }
0x197: {  	v53 =	vor.u32 $0x4, v3;
	_ =	sdelay $0x1  }
0x198: {  	v4 =	vmul.f32 v4, v5;
	_ =	sdelay $0x1  }
0x199: {  	[tilespmem:v52+s12+$0x0] =	vst.idx.msk $0xffff, v4  }
0x19a: {  	v4 =	vld.idx.msk [tilespmem:v53+s11+$0x0], $0xffff;
	_ =	sdelay $0x2  }
0x19b: {  	v54 =	vor.u32 $0x5, v3;
	_ =	sdelay $0x1  }
0x19c: {  	v4 =	vmul.f32 v4, v5;
	_ =	sdelay $0x1  }
0x19d: {  	[tilespmem:v53+s12+$0x0] =	vst.idx.msk $0xffff, v4  }
0x19e: {  	v4 =	vld.idx.msk [tilespmem:v54+s11+$0x0], $0xffff;
	_ =	sdelay $0x2  }
0x19f: {  	v55 =	vor.u32 $0x6, v3;
	_ =	sdelay $0x1  }
0x1a0: {  	v4 =	vmul.f32 v4, v5;
	_ =	sdelay $0x1  }
0x1a1: {  	[tilespmem:v54+s12+$0x0] =	vst.idx.msk $0xffff, v4  }
0x1a2: {  	v4 =	vld.idx.msk [tilespmem:v55+s11+$0x0], $0xffff;
	_ =	sdelay $0x2  }
0x1a3: {  	v56 =	vor.u32 $0x7, v3;
	_ =	sdelay $0x1  }
0x1a4: {  	v4 =	vmul.f32 v4, v5;
	_ =	sdelay $0x1  }
0x1a5: {  	[tilespmem:v55+s12+$0x0] =	vst.idx.msk $0xffff, v4  }
0x1a6: {  	v4 =	vld.idx.msk [tilespmem:v56+s11+$0x0], $0xffff;
	_ =	sdelay $0x2  }
0x1a7: {  	v57 =	vor.u32 $0x8, v3;
	_ =	sdelay $0x1  }
0x1a8: {  	v4 =	vmul.f32 v4, v5;
	_ =	sdelay $0x1  }
0x1a9: {  	[tilespmem:v56+s12+$0x0] =	vst.idx.msk $0xffff, v4  }
0x1aa: {  	v4 =	vld.idx.msk [tilespmem:v57+s11+$0x0], $0xffff;
	_ =	sdelay $0x2  }
0x1ab: {  	v58 =	vor.u32 $0x9, v3;
	_ =	sdelay $0x1  }
0x1ac: {  	v4 =	vmul.f32 v4, v5;
	_ =	sdelay $0x1  }
0x1ad: {  	[tilespmem:v57+s12+$0x0] =	vst.idx.msk $0xffff, v4  }
0x1ae: {  	v4 =	vld.idx.msk [tilespmem:v58+s11+$0x0], $0xffff;
	_ =	sdelay $0x2  }
0x1af: {  	v59 =	vor.u32 $0xA, v3;
	_ =	sdelay $0x1  }
0x1b0: {  	v4 =	vmul.f32 v4, v5;
	_ =	sdelay $0x1  }
0x1b1: {  	[tilespmem:v58+s12+$0x0] =	vst.idx.msk $0xffff, v4  }
0x1b2: {  	v4 =	vld.idx.msk [tilespmem:v59+s11+$0x0], $0xffff;
	_ =	sdelay $0x2  }
0x1b3: {  	v60 =	vor.u32 $0xB, v3;
	_ =	sdelay $0x1  }
0x1b4: {  	v4 =	vmul.f32 v4, v5;
	_ =	sdelay $0x1  }
0x1b5: {  	[tilespmem:v59+s12+$0x0] =	vst.idx.msk $0xffff, v4  }
0x1b6: {  	v4 =	vld.idx.msk [tilespmem:v60+s11+$0x0], $0xffff;
	_ =	sdelay $0x2  }
0x1b7: {  	v61 =	vor.u32 $0xC, v3;
	_ =	sdelay $0x1  }
0x1b8: {  	v4 =	vmul.f32 v4, v5;
	_ =	sdelay $0x1  }
0x1b9: {  	[tilespmem:v60+s12+$0x0] =	vst.idx.msk $0xffff, v4  }
0x1ba: {  	v4 =	vld.idx.msk [tilespmem:v61+s11+$0x0], $0xffff;
	_ =	sdelay $0x2  }
0x1bb: {  	v62 =	vor.u32 $0xD, v3;
	_ =	sdelay $0x1  }
0x1bc: {  	v4 =	vmul.f32 v4, v5;
	_ =	sdelay $0x1  }
0x1bd: {  	[tilespmem:v61+s12+$0x0] =	vst.idx.msk $0xffff, v4  }
0x1be: {  	v4 =	vld.idx.msk [tilespmem:v62+s11+$0x0], $0xffff;
	_ =	sdelay $0x2  }
0x1bf: {  	v63 =	vor.u32 $0xE, v3;
	_ =	sdelay $0x1  }
0x1c0: {  	v4 =	vmul.f32 v4, v5;
	_ =	sdelay $0x1  }
0x1c1: {  	[tilespmem:v62+s12+$0x0] =	vst.idx.msk $0xffff, v4  }
0x1c2: {  	v4 =	vld.idx.msk [tilespmem:v63+s11+$0x0], $0xffff;
	_ =	sdelay $0x2  }
0x1c3: {  	v3 =	vor.u32 $0xF, v3;
	_ =	sdelay $0x1  }
0x1c4: {  	v4 =	vmul.f32 v4, v5;
	_ =	sdelay $0x1  }
0x1c5: {  	[tilespmem:v63+s12+$0x0] =	vst.idx.msk $0xffff, v4  }
0x1c6: {  	v4 =	vld.idx.msk [tilespmem:v3+s11+$0x0], $0xffff;
	_ =	sdelay $0x4  }
0x1c7: {  	v4 =	vmul.f32 v4, v5;
	_ =	sdelay $0x1  }
0x1c8: {  	s6 =	rddreg [dreg:$0xf];
	[tilespmem:v3+s12+$0x0] =	vst.idx.msk $0xffff, v4  }
0x1c9: {  	[spmem:s6] =	stream.linear.scatter [tilespmem:s12], [sflag:$0xE], $0x2800, $0x38;
	[tilespmem:$0x17D80] =	vst v63  }
0x1ca: {  	_ =	swait.ge [sflag:s26], $0x2800  }
0x1cb: {  	s5 =	simm.s32 @!p1 $0x0;
	[sflag:s26] =	ssyncset.done $0x0  }
0x1cc: {  	s6 =	simm.s32 @!p1 $0xCB00;
	s17 =	rddreg [dreg:$0x10];
	[sflag:s26] =	ssyncadd.s32 $0xFFFFD800  }
0x1cd: {  	[hbm4b:s17+s5] =	stream.linear.scatter @!p1 [tilespmem:s6], [sflag:$0xE], $0x2800, $0x38;
	[tilespmem:$0x17D80] =	vst v63  }
0x1ce: {  	s5 =	simm.s32 @!p1 $0xE  }
0x1cf: {  	_ =	swait.ge @!p1 [sflag:s5], $0x2800  }
0x1d0: {  	[sflag:s5] =	ssyncset.done @!p1 $0x0  }
0x1d1: {  	[sflag:s5] =	ssyncadd.s32 @!p1 $0xFFFFD800  }
0x1d2: {  	s5 =	simm.s32 $0x0;
	[bflag:$0x0] =	sbarrier.arrive $0xFFFF  }
0x1d3: {  	[tilespmem:s30], [sflag:$0x2] =	stream.indirect.gather [spmem:s4], $0x10, s5, s0, $0xb8;
	[tilespmem:$0x17D80] =	vst v63  }
0x1d4: {  	_ = 	snop  }
0x1d5: {  	[tilespmem:s2], [sflag:$0x3] =	stream.indirect.gather [spmem:s4], $0x10, s0, s0, $0xb8;
	[tilespmem:$0x17D80] =	vst v63  }
0x1d6: {  	s17 =	simm.s32 $0x100  }
0x1d7: {  	[tilespmem:s13], [sflag:$0x4] =	stream.indirect.gather [spmem:s4], $0x10, s17, s0, $0xb8;
	[tilespmem:$0x17D80] =	vst v63  }
0x1d8: {  	s18 =	simm.s32 $0x180  }
0x1d9: {  	[tilespmem:s8], [sflag:$0x5] =	stream.indirect.gather [spmem:s4], $0x10, s18, s0, $0xb8;
	[tilespmem:$0x17D80] =	vst v63  }
0x1da: {  	_ =	swait.ge [sflag:s9], $0x800  }
0x1db: {  	[sflag:s9] =	ssyncset.done $0x0  }
0x1dc: {  	[sflag:s9] =	ssyncadd.s32 $0xFFFFF800  }
0x1dd: {  	[spmem:s3] =	stream.indirect.scatter.add.f32 [tilespmem:s30], [sflag:$0x8], $0x10, s29, s0, $0xb8;
	[tilespmem:$0x17D80] =	vst v63  }
0x1de: {  	s28 =	simm.s32 $0x200  }
0x1df: {  	[tilespmem:s10], [sflag:$0x6] =	stream.indirect.gather [spmem:s4], $0x10, s28, s0, $0xb8;
	[tilespmem:$0x17D80] =	vst v63  }
0x1e0: {  	_ =	swait.ge [sflag:s14], $0x800  }
0x1e1: {  	[sflag:s14] =	ssyncset.done $0x0  }
0x1e2: {  	s29 =	simm.s32 $0x2800;
	[sflag:s14] =	ssyncadd.s32 $0xFFFFF800  }
0x1e3: {  	[spmem:s3] =	stream.indirect.scatter.add.f32 [tilespmem:s2], [sflag:$0x9], $0x10, s29, s0, $0xb8;
	[tilespmem:$0x17D80] =	vst v63  }
0x1e4: {  	s17 =	simm.s32 $0x280  }
0x1e5: {  	[tilespmem:s15], [sflag:$0x7] =	stream.indirect.gather [spmem:s4], $0x10, s17, s0, $0xb8;
	[tilespmem:$0x17D80] =	vst v63  }
0x1e6: {  	_ =	swait.ge [sflag:s16], $0x800  }
0x1e7: {  	[sflag:s16] =	ssyncset.done $0x0  }
0x1e8: {  	s18 =	simm.s32 $0x2880;
	s28 =	simm.s32 $0x8;
	[sflag:s16] =	ssyncadd.s32 $0xFFFFF800  }
0x1e9: {  	[spmem:s3] =	stream.indirect.scatter.add.f32 [tilespmem:s13], [sflag:$0xA], $0x10, s18, s0, $0xb8;
	[tilespmem:$0x17D80] =	vst v63  }
0x1ea: {  	_ =	swait.ge [sflag:s28], $0x800  }
0x1eb: {  	[sflag:s28] =	ssyncset.done $0x0  }
0x1ec: {  	s29 =	simm.s32 $0x300;
	s17 =	simm.s32 $0x5;
	[sflag:s28] =	ssyncadd.s32 $0xFFFFF800  }
0x1ed: {  	[tilespmem:s30], [sflag:$0x2] =	stream.indirect.gather [spmem:s4], $0x10, s29, s0, $0xb8;
	[tilespmem:$0x17D80] =	vst v63  }
0x1ee: {  	_ =	swait.ge [sflag:s17], $0x800  }
0x1ef: {  	[sflag:s17] =	ssyncset.done $0x0  }
0x1f0: {  	s18 =	simm.s32 $0x2900;
	s28 =	simm.s32 $0x9;
	[sflag:s17] =	ssyncadd.s32 $0xFFFFF800  }
0x1f1: {  	[spmem:s3] =	stream.indirect.scatter.add.f32 [tilespmem:s8], [sflag:$0xB], $0x10, s18, s0, $0xb8;
	[tilespmem:$0x17D80] =	vst v63  }
0x1f2: {  	_ =	swait.ge [sflag:s28], $0x800  }
0x1f3: {  	[sflag:s28] =	ssyncset.done $0x0  }
0x1f4: {  	s29 =	simm.s32 $0x380;
	[sflag:s28] =	ssyncadd.s32 $0xFFFFF800  }
0x1f5: {  	[tilespmem:s2], [sflag:$0x3] =	stream.indirect.gather [spmem:s4], $0x10, s29, s0, $0xb8;
	[tilespmem:$0x17D80] =	vst v63  }
0x1f6: {  	_ =	swait.ge [sflag:s19], $0x800  }
0x1f7: {  	[sflag:s19] =	ssyncset.done $0x0  }
0x1f8: {  	s17 =	simm.s32 $0x2980;
	[sflag:s19] =	ssyncadd.s32 $0xFFFFF800  }
0x1f9: {  	[spmem:s3] =	stream.indirect.scatter.add.f32 [tilespmem:s10], [sflag:$0xC], $0x10, s17, s0, $0xb8;
	[tilespmem:$0x17D80] =	vst v63  }
0x1fa: {  	_ =	swait.ge [sflag:s20], $0x800  }
0x1fb: {  	[sflag:s20] =	ssyncset.done $0x0  }
0x1fc: {  	s18 =	simm.s32 $0x400;
	[sflag:s20] =	ssyncadd.s32 $0xFFFFF800  }
0x1fd: {  	[tilespmem:s13], [sflag:$0x4] =	stream.indirect.gather [spmem:s4], $0x10, s18, s0, $0xb8;
	[tilespmem:$0x17D80] =	vst v63  }
0x1fe: {  	_ =	swait.ge [sflag:s21], $0x800  }
0x1ff: {  	[sflag:s21] =	ssyncset.done $0x0  }
0x200: {  	s28 =	simm.s32 $0x2A00;
	[sflag:s21] =	ssyncadd.s32 $0xFFFFF800  }
0x201: {  	[spmem:s3] =	stream.indirect.scatter.add.f32 [tilespmem:s15], [sflag:$0xD], $0x10, s28, s0, $0xb8;
	[tilespmem:$0x17D80] =	vst v63  }
0x202: {  	_ =	swait.ge [sflag:s22], $0x800  }
0x203: {  	[sflag:s22] =	ssyncset.done $0x0  }
0x204: {  	s29 =	simm.s32 $0x480;
	[sflag:s22] =	ssyncadd.s32 $0xFFFFF800  }
0x205: {  	[tilespmem:s8], [sflag:$0x5] =	stream.indirect.gather [spmem:s4], $0x10, s29, s0, $0xb8;
	[tilespmem:$0x17D80] =	vst v63  }
.LBB2_16:
0x206: {  	_ =	swait.ge [sflag:s9], $0x800  }
0x207: {  	s6 =	sshra.s32 s5, $0x2;
	[sflag:s9] =	ssyncset.done $0x0  }
0x208: {  	s18 =	sadd.s32 $0x2A80, s6;
	[sflag:s9] =	ssyncadd.s32 $0xFFFFF800  }
0x209: {  	[spmem:s3] =	stream.indirect.scatter.add.f32 [tilespmem:s30], [sflag:$0x8], $0x10, s18, s0, $0xb8;
	[tilespmem:$0x17D80] =	vst v63  }
0x20a: {  	_ =	swait.ge [sflag:s23], $0x800  }
0x20b: {  	[sflag:s23] =	ssyncset.done $0x0  }
0x20c: {  	s28 =	sadd.s32 $0x500, s6;
	[sflag:s23] =	ssyncadd.s32 $0xFFFFF800  }
0x20d: {  	[tilespmem:s10], [sflag:$0x6] =	stream.indirect.gather [spmem:s4], $0x10, s28, s0, $0xb8;
	[tilespmem:$0x17D80] =	vst v63  }
0x20e: {  	_ =	swait.ge [sflag:s14], $0x800  }
0x20f: {  	[sflag:s14] =	ssyncset.done $0x0  }
0x210: {  	s29 =	sadd.s32 $0x2B00, s6;
	[sflag:s14] =	ssyncadd.s32 $0xFFFFF800  }
0x211: {  	[spmem:s3] =	stream.indirect.scatter.add.f32 [tilespmem:s2], [sflag:$0x9], $0x10, s29, s0, $0xb8;
	[tilespmem:$0x17D80] =	vst v63  }
0x212: {  	_ =	swait.ge [sflag:s25], $0x800  }
0x213: {  	[sflag:s25] =	ssyncset.done $0x0  }
0x214: {  	s17 =	sadd.s32 $0x580, s6;
	[sflag:s25] =	ssyncadd.s32 $0xFFFFF800  }
0x215: {  	[tilespmem:s15], [sflag:$0x7] =	stream.indirect.gather [spmem:s4], $0x10, s17, s0, $0xb8;
	[tilespmem:$0x17D80] =	vst v63  }
0x216: {  	_ =	swait.ge [sflag:s16], $0x800  }
0x217: {  	p3 =	seq.s32 s5, $0x8400;
	[sflag:s16] =	ssyncset.done $0x0  }
0x218: {  	s18 =	simm.s32 @p3 $0x5;
	s28 =	sadd.s32 $0x2B80, s6;
	[sflag:s16] =	ssyncadd.s32 $0xFFFFF800  }
0x219: {  	[spmem:s3] =	stream.indirect.scatter.add.f32 [tilespmem:s13], [sflag:$0xA], $0x10, s28, s0, $0xb8;
	[tilespmem:$0x17D80] =	vst v63  }
0x21a: {  	_ =	swait.ge @p3 [sflag:s18], $0x800  }
0x21b: {  	[sflag:s18] =	ssyncset.done @p3 $0x0  }
0x21c: {  	[sflag:s18] =	ssyncadd.s32 @p3 $0xFFFFF800;
	s18 =	sshra.s32 @p3 s5, $0x2  }
0x21d: {  	s17 =	simm.s32 @p3 $0x10B00;
	s28 =	simm.s32 @p3 $0x80;
	s18 =	sadd.s32 @p3 $0x2C00, s18  }
0x21e: {  	[spmem:s3] =	stream.indirect.scatter.add.f32 @p3 [tilespmem:s17], [sflag:$0xB], $0x10, s18, s28, $0xb8;
	[tilespmem:$0x17D80] =	vst v63  }
0x21f: {  	s17 =	simm.s32 @!p3 $0x8  }
0x220: {  	_ =	swait.ge @!p3 [sflag:s17], $0x800  }
0x221: {  	[sflag:s17] =	ssyncset.done @!p3 $0x0  }
0x222: {  	[sflag:s17] =	ssyncadd.s32 @!p3 $0xFFFFF800;
	s17 =	sshra.s32 @!p3 s5, $0x2  }
0x223: {  	s29 =	simm.s32 @!p3 $0xF300;
	s28 =	simm.s32 @!p3 $0x80;
	s18 =	sadd.s32 @!p3 $0x600, s17  }
0x224: {  	[tilespmem:s29], [sflag:$0x2] =	stream.indirect.gather @!p3 [spmem:s4], $0x10, s18, s28, $0xb8;
	[tilespmem:$0x17D80] =	vst v63  }
0x225: {  	s18 =	simm.s32 @!p3 $0x5  }
0x226: {  	_ =	swait.ge @!p3 [sflag:s18], $0x800  }
0x227: {  	[sflag:s18] =	ssyncset.done @!p3 $0x0  }
0x228: {  	s29 =	simm.s32 @!p3 $0x10B00;
	[sflag:s18] =	ssyncadd.s32 @!p3 $0xFFFFF800;
	s18 =	sadd.s32 @!p3 $0x2C00, s17  }
0x229: {  	[spmem:s3] =	stream.indirect.scatter.add.f32 @!p3 [tilespmem:s29], [sflag:$0xB], $0x10, s18, s28, $0xb8;
	[tilespmem:$0x17D80] =	vst v63  }
0x22a: {  	s18 =	simm.s32 @!p3 $0x9  }
0x22b: {  	_ =	swait.ge @!p3 [sflag:s18], $0x800  }
0x22c: {  	[sflag:s18] =	ssyncset.done @!p3 $0x0  }
0x22d: {  	s17 =	sadd.s32 @!p3 $0x680, s17;
	[sflag:s18] =	ssyncadd.s32 @!p3 $0xFFFFF800;
	s18 =	simm.s32 @!p3 $0xFB00  }
0x22e: {  	[tilespmem:s18], [sflag:$0x3] =	stream.indirect.gather @!p3 [spmem:s4], $0x10, s17, s28, $0xb8;
	[tilespmem:$0x17D80] =	vst v63  }
.Ltmp10:
0x22f: {  	_ = 	snop;
	(pc) =	sbr.rel @p3 .LBB2_18-.Ltmp10, $4  }
0x230: {  	_ =	swait.ge [sflag:s19], $0x800  }
0x231: {  	[sflag:s19] =	ssyncset.done $0x0  }
0x232: {  	s29 =	sadd.s32 $0x2C80, s6;
	s18 =	sadd.s32 $0x2D00, s6;
	[sflag:s19] =	ssyncadd.s32 $0xFFFFF800  }
0x233: {  	[spmem:s3] =	stream.indirect.scatter.add.f32 [tilespmem:s10], [sflag:$0xC], $0x10, s29, s0, $0xb8;
	[tilespmem:$0x17D80] =	vst v63  }
0x234: {  	_ =	swait.ge [sflag:s20], $0x800  }
0x235: {  	[sflag:s20] =	ssyncset.done $0x0  }
0x236: {  	s17 =	sadd.s32 $0x700, s6;
	[sflag:s20] =	ssyncadd.s32 $0xFFFFF800  }
0x237: {  	[tilespmem:s13], [sflag:$0x4] =	stream.indirect.gather [spmem:s4], $0x10, s17, s0, $0xb8;
	[tilespmem:$0x17D80] =	vst v63  }
0x238: {  	_ =	swait.ge [sflag:s21], $0x800  }
0x239: {  	[sflag:s21] =	ssyncset.done $0x0  }
0x23a: {  	[sflag:s21] =	ssyncadd.s32 $0xFFFFF800  }
0x23b: {  	[spmem:s3] =	stream.indirect.scatter.add.f32 [tilespmem:s15], [sflag:$0xD], $0x10, s18, s0, $0xb8;
	[tilespmem:$0x17D80] =	vst v63  }
.Ltmp11:
0x23c: {  	_ = 	snop;
	(pc) =	sbr.rel .LBB2_16-.Ltmp11, $4  }
0x23d: {  	_ =	swait.ge [sflag:s22], $0x800  }
0x23e: {  	[sflag:s22] =	ssyncset.done $0x0  }
0x23f: {  	s29 =	sadd.s32 $0x780, s6;
	s5 =	sadd.s32 $0xC00, s5;
	[sflag:s22] =	ssyncadd.s32 $0xFFFFF800  }
0x240: {  	[tilespmem:s8], [sflag:$0x5] =	stream.indirect.gather [spmem:s4], $0x10, s29, s0, $0xb8;
	[tilespmem:$0x17D80] =	vst v63  }
.LBB2_19:
0x241: {  	_ =	sfence.sel $0x180000  }
0x242: {  	[bflag:$0x0] =	sbarrier.arrive $0xFFFF  }
0x243: {  	_ =	strace $0x90000047  }
0x244: {  	s0 =	stileid.u32;
	[bflag:$0x2] =	sbarrier.arrive $0xFFFF  }
0x245: {  	p0 =	sne.s32 s0, $0x0;
	s0 =	rddreg [dreg:$0x4]  }
0x246: {  	s0 =	sadd.s32 @!p0 $0x100000, s0  }
0x247: {  	[sflag:s0] =	ssyncadd.tile.s32 @!p0 $0x1;
	_ =	shalt  }
.Lfunc_end2:
_tile_overlayer_lowered:
.L_overlay_start_2:
0x248: {  	(tag) =	ssettag $0x2  }
0x249: {  	s0 =	rddreg [dreg:$0x0];
	s2 =	stileid.u32  }
0x24a: {  	s1 =	rddreg [dreg:$0x1];
	p0 =	sne.s32 s2, $0x0  }
0x24b: {  	s3 =	rddreg [dreg:$0x2];
	[bflag:$0x3] =	sbarrier.arrive $0xFFFF;
	s2 =	simm.s32 @!p0 $0x1C0E  }
0x24c: {  	[timem:s3], [sflag:s2] =	dma.local @!p0 [hbm:s0], s1  }
0x24d: {  	s0 =	simm.s32 @!p0 $0xE  }
0x24e: {  	_ =	swait.ge @!p0 [sflag:s0], s1  }
0x24f: {  	s1 =	ssub.s32 @!p0 $0x0, s1;
	[sflag:s0] =	ssyncset.done @!p0 $0x0  }
0x250: {  	[sflag:s0] =	ssyncadd.s32 @!p0 s1  }
0x251: {  	[bflag:$0x3] =	sbarrier.arrive $0xFFFF  }
0x252: {  	_ =	shalt  }

// kernel: kernel.8.cloned.1.call-start
scs
__scs_entry_jumppad:
0x0: {  	(pc) =	sbr.rel $0x88, $3  }
0x1: {  	(tag) =	ssettag $0x0;
	lr =	simm.s32 $0x1  }
0x2: {  	[smem:$0x3F99] =	sst lr;
	_ =	strace $0xD0000000  }
0x3: {  	_ = 	snop  }
0x4: {  	_ = 	snop  }
0x5: {  	_ = 	snop  }
0x6: {  	_ = 	snop  }
0x7: {  	_ = 	snop  }
__scs_overlays_trampoline_lowered:
0x8: {  	[smem:$0x3FA8] =	sst s0  }
0x9: {  	[smem:$0x3FA9] =	sst s1  }
0xa: {  	[smem:$0x3FAA] =	sst s2  }
0xb: {  	[smem:$0x3FAB] =	sst s3  }
0xc: {  	[smem:$0x3FAC] =	sst s4  }
0xd: {  	[smem:$0x3FAD] =	sst s5  }
0xe: {  	[smem:$0x3FAE] =	sst s6  }
0xf: {  	[smem:$0x3FAF] =	sst s7  }
0x10: {  	[smem:$0x3FB0] =	sst s8  }
0x11: {  	[smem:$0x3FB1] =	sst s9;
	s0 =	simm.s32 @!p0 $0x0  }
0x12: {  	s1 =	sld [smem:$0x3F97];
	s0 =	simm.s32 @p0 $0x1  }
0x13: {  	[smem:$0x3FB2] =	sst s0;
	s0 =	simm.s32 @!p1 $0x0  }
0x14: {  	s2 =	sld [smem:$0x3F96];
	s0 =	simm.s32 @p1 $0x1  }
0x15: {  	[smem:$0x3FB3] =	sst s0;
	s0 =	simm.s32 @!p2 $0x0  }
0x16: {  	s3 =	sld [smem:$0x3FDB];
	s0 =	simm.s32 @p2 $0x1  }
0x17: {  	s4 =	simm.s32 $0x1BF5;
	[smem:$0x3FB5] =	sst s0  }
0x18: {  	s0 =	sld [smem:$0x3F98];
	_ =	swait.ge [sflag:s4], $0x0  }
0x19: {  	s7 =	sld [smem:$0x3F99]  }
0x1a: {  	s8 =	sadd.s32 $0xFFFFE003, lr  }
0x1b: {  	s9 =	sadd.s32 $0xFFFFFEF7, lr;
	s5 =	simm.s32 $0xFFFFFFFF;
	p2 =	slt.u32 s8, $0xFFFFF086  }
0x1c: {  	p1 =	slt.u32 s9, $0xF7A;
	s5 =	simm.s32 @!p2 $0x0  }
0x1d: {  	s5 =	simm.s32 @p1 $0x1;
	p0 =	seq.s32 s7, s2  }
0x1e: {  	s7 =	smul.u32 @!p0 $0xF7A, s2;
	p2 =	seq.s32 @!p0 s5, $0x0  }
0x1f: {  	s9 =	smul.u32 $0xF7A, s1;
	s8 =	simm.s32 @!p0 $0x1BF5;
	p2 =	por !p2, p0  }
0x20: {  	[sflag:s8] =	ssyncset.s32 @!p0 $0xFFFFF086;
	s6 =	sadd.s32 @!p0 s3, s7;
	s7 =	simm.s32 @!p0 $0x108  }
0x21: {  	s3 =	sadd.s32 s3, s9;
	s6 =	sadd.s32 @!p0 $0x88, s6;
	s7 =	simm.s32 @p2 $0x1082  }
0x22: {  	[simem:s7], [sflag:s8] =	dma.local @!p0 [hbm:s6], $0xF7A  }
0x23: {  	s9 =	sor.u32 $0xD0000000, s2;
	s6 =	simm.s32 $0x108;
	_ =	swait.ge @!p0 [sflag:s8], $0x0  }
0x24: {  	s3 =	sadd.s32 $0x88, s3;
	s6 =	simm.s32 @!p1 $0x1082;
	[sflag:s4] =	ssyncset.s32 $0xFFFFF086  }
0x25: {  	[simem:s6], [sflag:s4] =	dma.local [hbm:s3], $0xF7A  }
0x26: {  	[smem:$0x3F99] =	sst s1;
	(tag) =	ssettag s2;
	_ =	strace s9  }
0x27: {  	s1 =	sld [smem:$0x3FA9]  }
0x28: {  	s2 =	sld [smem:$0x3FAA]  }
0x29: {  	s4 =	sld [smem:$0x3FAC]  }
0x2a: {  	p0 =	seq.s32 s5, $0x0;
	s5 =	sld [smem:$0x3FAD]  }
0x2b: {  	s6 =	sld [smem:$0x3FAE]  }
0x2c: {  	s7 =	sld [smem:$0x3FAF]  }
0x2d: {  	s3 =	simm.s32 $0x108;
	s8 =	sld [smem:$0x3FB0]  }
0x2e: {  	s3 =	simm.s32 @!p0 $0x1082;
	s9 =	sld [smem:$0x3FB1]  }
0x2f: {  	lr =	sadd.s32 s0, s3;
	s0 =	sld [smem:$0x3FA8]  }
0x30: {  	s3 =	sld [smem:$0x3FAB]  }
0x31: {  	[smem:$0x3FB4] =	sst s10  }
0x32: {  	s10 =	sld [smem:$0x3FB2];
	_ =	sdelay $0x3  }
0x33: {  	p0 =	seq.s32 s10, $0x1;
	s10 =	sld [smem:$0x3FB4];
	_ =	sdelay $0x3  }
0x34: {  	[smem:$0x3FB4] =	sst s10  }
0x35: {  	s10 =	sld [smem:$0x3FB3];
	_ =	sdelay $0x3  }
0x36: {  	p1 =	seq.s32 s10, $0x1;
	s10 =	sld [smem:$0x3FB4];
	_ =	sdelay $0x3  }
0x37: {  	[smem:$0x3FB4] =	sst s10  }
0x38: {  	s10 =	sld [smem:$0x3FB5]  }
0x39: {  	_ = 	snop;
	(pc) =	sbr.ind lr, $3  }
0x3a: {  	_ = 	snop  }
0x3b: {  	_ = 	snop  }
0x3c: {  	p2 =	seq.s32 s10, $0x1;
	s10 =	sld [smem:$0x3FB4]  }
0x3d: {  	_ =	shalt  }
0x3e: {  	_ =	shalt  }
0x3f: {  	_ =	shalt  }
0x40: {  	_ =	shalt  }
0x41: {  	_ =	shalt  }
0x42: {  	_ =	shalt  }
0x43: {  	_ =	shalt  }
0x44: {  	_ =	shalt  }
0x45: {  	_ =	shalt  }
0x46: {  	_ =	shalt  }
0x47: {  	_ =	shalt  }
0x48: {  	_ =	shalt  }
0x49: {  	_ =	shalt  }
0x4a: {  	_ =	shalt  }
0x4b: {  	_ =	shalt  }
0x4c: {  	_ =	shalt  }
0x4d: {  	_ =	shalt  }
0x4e: {  	_ =	shalt  }
0x4f: {  	_ =	shalt  }
0x50: {  	_ =	shalt  }
0x51: {  	_ =	shalt  }
0x52: {  	_ =	shalt  }
0x53: {  	_ =	shalt  }
0x54: {  	_ =	shalt  }
0x55: {  	_ =	shalt  }
0x56: {  	_ =	shalt  }
0x57: {  	_ =	shalt  }
0x58: {  	_ =	shalt  }
0x59: {  	_ =	shalt  }
0x5a: {  	_ =	shalt  }
0x5b: {  	_ =	shalt  }
0x5c: {  	_ =	shalt  }
0x5d: {  	_ =	shalt  }
0x5e: {  	_ =	shalt  }
0x5f: {  	_ =	shalt  }
0x60: {  	_ =	shalt  }
0x61: {  	_ =	shalt  }
0x62: {  	_ =	shalt  }
0x63: {  	_ =	shalt  }
0x64: {  	_ =	shalt  }
0x65: {  	_ =	shalt  }
0x66: {  	_ =	shalt  }
0x67: {  	_ =	shalt  }
0x68: {  	_ =	shalt  }
0x69: {  	_ =	shalt  }
0x6a: {  	_ =	shalt  }
0x6b: {  	_ =	shalt  }
0x6c: {  	_ =	shalt  }
0x6d: {  	_ =	shalt  }
0x6e: {  	_ =	shalt  }
0x6f: {  	_ =	shalt  }
0x70: {  	_ =	shalt  }
0x71: {  	_ =	shalt  }
0x72: {  	_ =	shalt  }
0x73: {  	_ =	shalt  }
0x74: {  	_ =	shalt  }
0x75: {  	_ =	shalt  }
0x76: {  	_ =	shalt  }
0x77: {  	_ =	shalt  }
0x78: {  	_ =	shalt  }
0x79: {  	_ =	shalt  }
0x7a: {  	_ =	shalt  }
0x7b: {  	_ =	shalt  }
0x7c: {  	_ =	shalt  }
0x7d: {  	_ =	shalt  }
0x7e: {  	_ =	shalt  }
0x7f: {  	_ =	shalt  }
0x80: {  	_ =	shalt  }
0x81: {  	_ =	shalt  }
0x82: {  	_ =	shalt  }
0x83: {  	_ =	shalt  }
0x84: {  	_ =	shalt  }
0x85: {  	_ =	shalt  }
0x86: {  	_ =	shalt  }
0x87: {  	_ =	shalt  }
.Lfunc_end0:
.L_simem_size_0:
called_computation.1_lowered:
.L_overlay_start_0:
0x88: {  	s2 =	sld [smem:$0x3FD9]  }
0x89: {  	s3 =	sld [smem:$0x3FFE];
	_ =	sdelay $0x1  }
0x8a: {  	s1 =	srdreg.scid  }
0x8b: {  	s0 =	sand.u32 $0x1, s1  }
0x8c: {  	s17 =	sshll.u32 s0, $0xA;
	s2 =	sadd.s32 s3, s2  }
0x8d: {  	s2 =	sadd.s32 s2, s17  }
0x8e: {  	[smem:$0x3FC0] =	sst s2  }
0x8f: {  	_ = 	snop  }
0x90: {  	s2 =	sld [smem:$0x3FC7]  }
0x91: {  	s18 =	sld [smem:$0x3FC6]  }
0x92: {  	s4 =	sld [smem:$0x3FC5]  }
0x93: {  	s5 =	sld [smem:$0x3FC2]  }
0x94: {  	s6 =	sld [smem:$0x3FD0];
	(tm) =	ssettm $0x1  }
0x95: {  	s7 =	sld [smem:$0x3FFB];
	_ =	sdelay $0x3  }
0x96: {  	_ =	strace s7  }
0x97: {  	s7 =	sld [smem:$0x3FFC];
	_ =	sdelay $0x3  }
0x98: {  	_ =	strace s7  }
0x99: {  	s7 =	sld [smem:$0x3FFD];
	_ =	sdelay $0x3  }
0x9a: {  	_ =	strace s7  }
0x9b: {  	_ =	strace $0x8FFFFFFF  }
0x9c: {  	s19 =	sld [smem:$0x3FDB];
	_ =	sdelay $0x1  }
0x9d: {  	s8 =	simm.s32 $_scs_section_size  }
0x9e: {  	s9 =	simm.s32 $_size__tile_overlayer_lowered;
	s10 =	simm.s32 $_tile_overlayer_lowered  }
0x9f: {  	s22 =	simm.s32 $0x1BFF;
	s21 =	sshll.u32 s10, $0x1;
	s7 =	sadd.s32 s8, s19  }
0xa0: {  	s11 =	simm.s32 $0x0;
	s20 =	sshll.u32 s9, $0x1;
	s9 =	sadd.s32 s21, s7  }
0xa1: {  	[timem:s11], [sflag:s22] =	dma.local [hbm:s9], s20  }
0xa2: {  	_ =	swait.ge [sflag:s22], s20  }
0xa3: {  	s8 =	ssub.s32 $0x0, s20;
	[sflag:s22] =	ssyncset.done $0x0  }
0xa4: {  	[sflag:s22] =	ssyncadd.s32 s8;
	_ =	sdelay $0x1  }
0xa5: {  	s23 =	simm.s32 $0x1B8B  }
0xa6: {  	_ =	swait.ge [sflag:s23], $0x1  }
0xa7: {  	[sflag:s23] =	ssyncset.done $0x0  }
0xa8: {  	s25 =	simm.s32 $0x1B8E;
	s24 =	sld [smem:$0x3FFE];
	[sflag:s23] =	ssyncadd.s32 $0xFFFFFFFF  }
0xa9: {  	s26 =	simm.s32 $execute0_lowered;
	[smem:$0x3FD2] =	sst s25  }
0xaa: {  	s9 =	sshll.u32 s26, $0x1;
	_ =	strace $0x80000049;
	[dreg:$0x1] =	wrdreg $0xFFFFFFFF  }
0xab: {  	s28 =	simm.s32 $_size_execute0_lowered;
	s7 =	sadd.s32 s7, s9;
	[dreg:$0x0] =	wrdreg $0x0  }
0xac: {  	s9 =	sshll.u32 s28, $0x1;
	[dreg:$0x2] =	wrdreg s7  }
0xad: {  	[dreg:$0x3] =	wrdreg s9  }
0xae: {  	[dreg:$0x4] =	wrdreg $0xC0  }
0xaf: {  	_ =	task [dreg:s11], $0x5FFFF  }
0xb0: {  	[dreg:$0x1] =	wrdreg $0xFFFFFFFF  }
0xb1: {  	[dreg:$0x0] =	wrdreg $0x60  }
0xb2: {  	[dreg:$0x2] =	wrdreg s24  }
0xb3: {  	[dreg:$0x3] =	wrdreg s5  }
0xb4: {  	[dreg:$0x4] =	wrdreg s2  }
0xb5: {  	[dreg:$0x5] =	wrdreg s18  }
0xb6: {  	[dreg:$0x6] =	wrdreg s4  }
0xb7: {  	[dreg:$0x7] =	wrdreg s6  }
0xb8: {  	[dreg:$0x8] =	wrdreg $0x9  }
0xb9: {  	_ =	task.clear_ibuf [dreg:s11], $0x9FFFF;
	_ =	strace $0x90000049  }
0xba: {  	s29 =	simm.s32 $0x9;
	_ =	strace $0x8000004B  }
0xbb: {  	_ =	swait.ge [sflag:s29], $0x1  }
0xbc: {  	[sflag:s29] =	ssyncadd.s32 $0xFFFFFFFF  }
0xbd: {  	_ =	strace $0x9000004B  }
0xbe: {  	_ =	sfence  }
0xbf: {  	s30 =	sld [smem:$0x0];
	_ =	sdelay $0x2  }
0xc0: {  	s31 =	sshll.u32 s1, $0xD;
	s1 =	sshrl.u32 s1, $0x2  }
0xc1: {  	s3 =	sand.u32 $0x4000, s31;
	s1 =	sadd.s32 s1, s30  }
0xc2: {  	s0 =	sor.u32 s3, s0;
	s1 =	sshll.u32 s1, $0x11  }
0xc3: {  	s0 =	sor.u32 s1, s0  }
0xc4: {  	s0 =	sadd.s32 $0x8F2B, s0  }
0xc5: {  	[sflag:s0] =	ssyncadd.remote.s32 $0x1  }
0xc6: {  	_ =	sfence.sel $0xFFFF  }
0xc7: {  	[dreg:$0x0] =	wrdreg $0xFFFFFFFF;
	(pc) =	sbr.abs _section_cstart, $3  }
0xc8: {  	[dreg:$0x1] =	wrdreg $0xFFFFFFFF  }
0xc9: {  	_ =	task.clear_ibuf [dreg:s11], $0x2FFFF;
	_ =	strace $0x9FFFFFFF  }
0xca: {  	(tm) =	ssettm $0x7FFFFFFF  }
0xcb: {  	_ =	shalt  }
tec
execute0_lowered:
.L_overlay_start_1:
0x0: {  	(tag) =	ssettag $0x1  }
0x1: {  	s0 =	rddreg [dreg:$0x0]  }
0x2: {  	s1 =	rddreg [dreg:$0x1]  }
0x3: {  	s2 =	rddreg [dreg:$0x3]  }
0x4: {  	s3 =	rddreg [dreg:$0x4]  }
0x5: {  	s5 =	rddreg [dreg:$0x5];
	s4 =	simm.s32 $0x0  }
0x6: {  	s7 =	srdreg.scid;
	s8 =	stileid.u32;
	s15 =	simm.s32 $0x3  }
0x7: {  	s16 =	simm.s32 $0x100;
	s17 =	simm.s32 $0x6100;
	s18 =	simm.s32 $0x6110  }
0x8: {  	s19 =	simm.s32 $0x6120;
	s20 =	simm.s32 $0x6130;
	s21 =	simm.s32 $0x80  }
0x9: {  	s22 =	simm.s32 $0x2900;
	s23 =	simm.s32 $0x3900;
	s24 =	simm.s32 $0x4900  }
0xa: {  	s28 =	simm.s32 $0x4100;
	s29 =	simm.s32 $0x5100;
	s30 =	simm.s32 $0x5900  }
0xb: {  	s31 =	simm.s32 $0x2;
	[smem:$0x7FF] =	sst s4;
	s6 =	sadd.s32 $0x19400, s0  }
0xc: {  	s11 =	sand.u32 $0x1, s7;
	s7 =	sadd.s32 $0x1E400, s0;
	s10 =	sshll.u32 s8, $0x9  }
0xd: {  	s8 =	sadd.s32 $0x23400, s0;
	s9 =	sadd.s32 $0x28400, s0;
	s12 =	sshll.u32 s11, $0x8  }
0xe: {  	_ =	strace $0x8000004A;
	s25 =	ssub.s32 $0x2, s11;
	s12 =	sor.u32 s12, s10  }
0xf: {  	v0 =	vlaneseq.u32;
	s10 =	sadd.s32 $0x800, s0;
	s13 =	sshrl.u32 s25, $0x1;
	s26 =	sshll.u32 s12, $0x1  }
0x10: {  	v15 =	vmul.u32 $0x10, v0;
	s12 =	sshrl.u32 s12, $0x3;
	s0 =	ssub.s32 s25, s13;
	s25 =	simm.s32 $0x1  }
0x11: {  	s11 =	sadd.s32 s5, s26;
	s12 =	sadd.s32 s1, s12;
	s14 =	smax.u32 s0, $0x1  }
0x12: {  	[tilespmem:$0x1FFF0] =	vst v15;
	s26 =	simm.s32 $0x3100;
	s0 =	simm.s32 $0x0;
	s13 =	sadd.s32 $0x100, s11  }
.LBB2_1:
0x13: {  	[tilespmem:s4], [sflag:$0x3] =	stream.linear.gather [hbm4b:s12+s4], $0x100, $0x38;
	[tilespmem:$0x6140] =	vst v63  }
0x14: {  	_ =	swait.ge [sflag:s15], $0x100  }
0x15: {  	[sflag:s15] =	ssyncset.done $0x0  }
0x16: {  	[sflag:s15] =	ssyncadd.s32 $0xFFFFFF00  }
0x17: {  	[tilespmem:s16], [sflag:$0x3] =	stream.linear.gather [hbm4b:s9+s4], $0x2800, $0x38;
	[tilespmem:$0x6140] =	vst v63  }
0x18: {  	_ =	swait.ge [sflag:s15], $0x2800  }
0x19: {  	[sflag:s15] =	ssyncset.done $0x0  }
0x1a: {  	[sflag:s15] =	ssyncadd.s32 $0xFFFFD800  }
0x1b: {  	s1 =	rddreg [dreg:$0x2]  }
0x1c: {  	[tilespmem:s17], [sflag:$0x3] =	stream.linear.gather [hbm4b:s1+s4], $0x10, $0x38;
	[tilespmem:$0x6140] =	vst v63  }
0x1d: {  	_ =	swait.ge [sflag:s15], $0x10  }
0x1e: {  	[sflag:s15] =	ssyncset.done $0x0  }
0x1f: {  	[sflag:s15] =	ssyncadd.s32 $0xFFFFFFF0  }
0x20: {  	[tilespmem:s18], [sflag:$0x3] =	stream.linear.gather [hbm4b:s2+s4], $0x10, $0x38;
	[tilespmem:$0x6140] =	vst v63  }
0x21: {  	_ =	swait.ge [sflag:s15], $0x10  }
0x22: {  	[sflag:s15] =	ssyncset.done $0x0  }
0x23: {  	[sflag:s15] =	ssyncadd.s32 $0xFFFFFFF0  }
0x24: {  	[tilespmem:s19], [sflag:$0x3] =	stream.linear.gather [hbm4b:s3+s4], $0x10, $0x38;
	[tilespmem:$0x6140] =	vst v63  }
0x25: {  	_ =	swait.ge [sflag:s15], $0x10  }
0x26: {  	[sflag:s15] =	ssyncset.done $0x0  }
0x27: {  	[sflag:s15] =	ssyncadd.s32 $0xFFFFFFF0  }
0x28: {  	[tilespmem:s20], [sflag:$0x3] =	stream.linear.gather [hbm4b:s10+s4], $0x10, $0x38;
	[tilespmem:$0x6140] =	vst v63  }
0x29: {  	v0 =	vimm.s32 $0x1;
	_ =	swait.ge [sflag:s15], $0x10  }
0x2a: {  	v1 =	vimm.s32 $0x2;
	[sflag:s15] =	ssyncset.done $0x0  }
0x2b: {  	v2 =	vimm.s32 $0x3;
	[sflag:s15] =	ssyncadd.s32 $0xFFFFFFF0  }
0x2c: {  	v3 =	vimm.s32 $0x4;
	v16 =	vld [tilespmem:$0x6130]  }
0x2d: {  	v4 =	vimm.s32 $0x5;
	v37 =	vld.msk [tilespmem:s17+$0x0], $0xffff  }
0x2e: {  	v27 =	vimm.s32 $0x6;
	v38 =	vld.idx.msk [tilespmem:v0+s17+$0x0], $0xffff  }
0x2f: {  	v28 =	vimm.s32 $0x7;
	v39 =	vld.idx.msk [tilespmem:v1+s17+$0x0], $0xffff  }
0x30: {  	v29 =	vimm.s32 $0x8;
	v40 =	vld.idx.msk [tilespmem:v2+s17+$0x0], $0xffff  }
0x31: {  	v30 =	vimm.s32 $0x9;
	v41 =	vld.idx.msk [tilespmem:v3+s17+$0x0], $0xffff  }
0x32: {  	v9 =	vimm.s32 $0xA;
	v5 =	vld.idx.msk [tilespmem:v4+s17+$0x0], $0xffff  }
0x33: {  	v31 =	vimm.s32 $0xB;
	v6 =	vld.idx.msk [tilespmem:v27+s17+$0x0], $0xffff  }
0x34: {  	v32 =	vimm.s32 $0xC;
	v7 =	vld.idx.msk [tilespmem:v28+s17+$0x0], $0xffff  }
0x35: {  	v33 =	vimm.s32 $0xD;
	v8 =	vld.idx.msk [tilespmem:v29+s17+$0x0], $0xffff  }
0x36: {  	v34 =	vimm.s32 $0xE;
	v48 =	vld.idx.msk [tilespmem:v30+s17+$0x0], $0xffff  }
0x37: {  	v35 =	vimm.s32 $0xF;
	v10 =	vld.idx.msk [tilespmem:v9+s17+$0x0], $0xffff  }
0x38: {  	v11 =	vld.idx.msk [tilespmem:v31+s17+$0x0], $0xffff  }
0x39: {  	v12 =	vld.idx.msk [tilespmem:v32+s17+$0x0], $0xffff  }
0x3a: {  	v13 =	vld.idx.msk [tilespmem:v33+s17+$0x0], $0xffff  }
0x3b: {  	v14 =	vld.idx.msk [tilespmem:v34+s17+$0x0], $0xffff  }
0x3c: {  	v17 =	vld.idx.msk [tilespmem:v35+s17+$0x0], $0xffff  }
0x3d: {  	v50 =	vld.idx.msk [tilespmem:v4+s18+$0x0], $0xffff  }
0x3e: {  	v51 =	vld.idx.msk [tilespmem:v27+s18+$0x0], $0xffff  }
0x3f: {  	v52 =	vld.idx.msk [tilespmem:v28+s18+$0x0], $0xffff  }
0x40: {  	v53 =	vld.idx.msk [tilespmem:v29+s18+$0x0], $0xffff  }
0x41: {  	v54 =	vld.idx.msk [tilespmem:v30+s18+$0x0], $0xffff  }
0x42: {  	v55 =	vld.idx.msk [tilespmem:v9+s18+$0x0], $0xffff  }
0x43: {  	v56 =	vld.idx.msk [tilespmem:v31+s18+$0x0], $0xffff  }
0x44: {  	v57 =	vld.idx.msk [tilespmem:v32+s18+$0x0], $0xffff  }
0x45: {  	v58 =	vld.idx.msk [tilespmem:v33+s18+$0x0], $0xffff  }
0x46: {  	v59 =	vld.idx.msk [tilespmem:v34+s18+$0x0], $0xffff  }
0x47: {  	v60 =	vld.idx.msk [tilespmem:v35+s18+$0x0], $0xffff  }
0x48: {  	[tilespmem:$0x1FED0] =	vst v17;
	v17 =	vld.msk [tilespmem:s18+$0x0], $0xffff  }
0x49: {  	v61 =	vld.msk [tilespmem:s19+$0x0], $0xffff  }
0x4a: {  	v62 =	vld.idx.msk [tilespmem:v0+s19+$0x0], $0xffff  }
0x4b: {  	v63 =	vld.idx.msk [tilespmem:v1+s19+$0x0], $0xffff  }
0x4c: {  	v43 =	vld.idx.msk [tilespmem:v3+s19+$0x0], $0xffff  }
0x4d: {  	[tilespmem:$0x1FEE0] =	vst v17;
	v17 =	vld.idx.msk [tilespmem:v0+s18+$0x0], $0xffff  }
0x4e: {  	v44 =	vld.idx.msk [tilespmem:v4+s19+$0x0], $0xffff  }
0x4f: {  	v45 =	vld.idx.msk [tilespmem:v27+s19+$0x0], $0xffff  }
0x50: {  	v47 =	vld.idx.msk [tilespmem:v28+s19+$0x0], $0xffff  }
0x51: {  	v49 =	vld.idx.msk [tilespmem:v29+s19+$0x0], $0xffff  }
0x52: {  	[tilespmem:$0x1FEF0] =	vst v17;
	v17 =	vld.idx.msk [tilespmem:v1+s18+$0x0], $0xffff  }
0x53: {  	v42 =	vld.idx.msk [tilespmem:v30+s19+$0x0], $0xffff  }
0x54: {  	v19 =	vld.idx.msk [tilespmem:v9+s19+$0x0], $0xffff;
	[tilespmem:$0x1FE40] =	vst v5  }
0x55: {  	v20 =	vld.idx.msk [tilespmem:v31+s19+$0x0], $0xffff;
	[tilespmem:$0x1FE50] =	vst v6  }
0x56: {  	v18 =	vld.idx.msk [tilespmem:v32+s19+$0x0], $0xffff;
	[tilespmem:$0x1FE60] =	vst v7  }
0x57: {  	[tilespmem:$0x1FF00] =	vst v17;
	v17 =	vld.idx.msk [tilespmem:v2+s18+$0x0], $0xffff  }
0x58: {  	v21 =	vld.idx.msk [tilespmem:v33+s19+$0x0], $0xffff;
	[tilespmem:$0x1FE70] =	vst v8  }
0x59: {  	v36 =	vld.idx.msk [tilespmem:v34+s19+$0x0], $0xffff;
	[tilespmem:$0x1FE80] =	vst v10  }
0x5a: {  	v46 =	vld.idx.msk [tilespmem:v35+s19+$0x0], $0xffff;
	[tilespmem:$0x1FE90] =	vst v11  }
0x5b: {  	[tilespmem:$0x1FEA0] =	vst v12;
	v0 =	vld.idx.msk [tilespmem:v2+s19+$0x0], $0xffff  }
0x5c: {  	[tilespmem:$0x1FF10] =	vst v17;
	v17 =	vld.idx.msk [tilespmem:v3+s18+$0x0], $0xffff;
	[tilespmem:s22], [sflag:$0x1] =	stream.indirect.gather [hbm4b:s6+s21], $0x10, s4, s21, $0xb8  }
0x5d: {  	[tilespmem:$0x1FEB0] =	vst v13  }
0x5e: {  	[tilespmem:s23], [sflag:$0x1] =	stream.indirect.gather [hbm4b:s7+s21], $0x10, s4, s21, $0xb8;
	[tilespmem:$0x6140] =	vst v63  }
0x5f: {  	[tilespmem:$0x1FEC0] =	vst v14  }
0x60: {  	[tilespmem:s24], [sflag:$0x1] =	stream.indirect.gather [hbm4b:s8+s21], $0x10, s4, s21, $0xb8;
	[tilespmem:$0x6140] =	vst v63  }
0x61: {  	[tilespmem:$0x1FF20] =	vst v17  }
0x62: {  	_ =	swait.ge [sflag:s25], $0x800  }
0x63: {  	[sflag:s25] =	ssyncset.done $0x0  }
0x64: {  	[sflag:s25] =	ssyncadd.s32 $0xFFFFF800  }
0x65: {  	_ =	swait.ge [sflag:s25], $0x800  }
0x66: {  	[sflag:s25] =	ssyncset.done $0x0  }
0x67: {  	[sflag:s25] =	ssyncadd.s32 $0xFFFFF800  }
0x68: {  	_ =	swait.ge [sflag:s25], $0x800  }
0x69: {  	[tilespmem:$0x1FF30] =	vst v37  }
0x6a: {  	[tilespmem:$0x1FF40] =	vst v38  }
0x6b: {  	[tilespmem:$0x1FF50] =	vst v39  }
0x6c: {  	[tilespmem:$0x1FF60] =	vst v40  }
0x6d: {  	[tilespmem:$0x1FF70] =	vst v41  }
0x6e: {  	[tilespmem:$0x1FF80] =	vst v42  }
0x6f: {  	[tilespmem:$0x1FF90] =	vst v19  }
0x70: {  	[tilespmem:$0x1FFA0] =	vst v20  }
0x71: {  	[sflag:s25] =	ssyncset.done $0x0;
	[tilespmem:$0x1FFB0] =	vst v18  }
0x72: {  	[tilespmem:$0x1FFC0] =	vst v21;
	[sflag:s25] =	ssyncadd.s32 $0xFFFFF800  }
0x73: {  	[tilespmem:s26], [sflag:$0x2] =	stream.indirect.gather [hbm4b:s6+s21], $0x10, s21, s21, $0xb8;
	[tilespmem:$0x6140] =	vst v63  }
0x74: {  	[tilespmem:$0x1FFD0] =	vst v36  }
0x75: {  	[tilespmem:s28], [sflag:$0x2] =	stream.indirect.gather [hbm4b:s7+s21], $0x10, s21, s21, $0xb8;
	[tilespmem:$0x6140] =	vst v63  }
0x76: {  	s5 =	simm.s32 $0x0;
	s1 =	simm.s32 $0x0;
	[tilespmem:$0x1FFE0] =	vst v46  }
0x77: {  	[tilespmem:s29], [sflag:$0x2] =	stream.indirect.gather [hbm4b:s8+s21], $0x10, s21, s21, $0xb8;
	[tilespmem:$0x6140] =	vst v63  }
.LBB2_2:
0x78: {  	v3 =	vld [tilespmem:$0x1FFF0]  }
0x79: {  	v1 =	vld [tilespmem:s5+$0x0];
	_ =	sdelay $0x1  }
0x7a: {  	v2 =	vmov s1  }
0x7b: {  	v2 =	vshll.u32 v2, $0x4  }
0x7c: {  	v15 =	vor.u32 v3, v2;
	_ =	sdelay $0x2  }
0x7d: {  	v13 =	vor.u32 $0x1, v15  }
0x7e: {  	v18 =	vld.idx.msk [tilespmem:v1+s16+$0x0], $0xffff  }
0x7f: {  	v1 =	vld.idx.msk [tilespmem:v15+s22+$0x0], $0xffff  }
0x80: {  	v12 =	vor.u32 $0x2, v15;
	v2 =	vld.idx.msk [tilespmem:v15+s23+$0x0], $0xffff  }
0x81: {  	v3 =	vld.idx.msk [tilespmem:v15+s24+$0x0], $0xffff  }
0x82: {  	v8 =	vld.idx.msk [tilespmem:v13+s22+$0x0], $0xffff  }
0x83: {  	v10 =	vor.u32 $0x3, v15;
	v11 =	vld.idx.msk [tilespmem:v13+s23+$0x0], $0xffff  }
0x84: {  	v14 =	vld.idx.msk [tilespmem:v13+s24+$0x0], $0xffff  }
0x85: {  	v17 =	vld.idx.msk [tilespmem:v12+s22+$0x0], $0xffff  }
0x86: {  	v9 =	vor.u32 $0x4, v15;
	v19 =	vld.idx.msk [tilespmem:v12+s23+$0x0], $0xffff  }
0x87: {  	v20 =	vld.idx.msk [tilespmem:v12+s24+$0x0], $0xffff  }
0x88: {  	v21 =	vld.idx.msk [tilespmem:v10+s22+$0x0], $0xffff  }
0x89: {  	v7 =	vor.u32 $0x5, v15;
	v22 =	vld.idx.msk [tilespmem:v10+s23+$0x0], $0xffff  }
0x8a: {  	v23 =	vld.idx.msk [tilespmem:v10+s24+$0x0], $0xffff  }
0x8b: {  	v24 =	vld.idx.msk [tilespmem:v9+s22+$0x0], $0xffff  }
0x8c: {  	v5 =	vor.u32 $0x6, v15;
	v25 =	vld.idx.msk [tilespmem:v9+s23+$0x0], $0xffff  }
0x8d: {  	v26 =	vld.idx.msk [tilespmem:v9+s24+$0x0], $0xffff  }
0x8e: {  	v6 =	vor.u32 $0x7, v15;
	v27 =	vld.idx.msk [tilespmem:v7+s22+$0x0], $0xffff  }
0x8f: {  	v28 =	vld.idx.msk [tilespmem:v7+s23+$0x0], $0xffff  }
0x90: {  	v29 =	vld.idx.msk [tilespmem:v7+s24+$0x0], $0xffff  }
0x91: {  	v30 =	vld.idx.msk [tilespmem:v5+s22+$0x0], $0xffff  }
0x92: {  	v4 =	vor.u32 $0x8, v15;
	v31 =	vld.idx.msk [tilespmem:v5+s23+$0x0], $0xffff  }
0x93: {  	v33 =	vld.idx.msk [tilespmem:v6+s22+$0x0], $0xffff;
	v1 =	vadd.f32 v2, v1  }
0x94: {  	v34 =	vld.idx.msk [tilespmem:v6+s23+$0x0], $0xffff  }
0x95: {  	v32 =	vld.idx.msk [tilespmem:v5+s24+$0x0], $0xffff;
	v2 =	vadd.f32 v3, v1;
	v1 =	vor.u32 $0x9, v15  }
0x96: {  	v35 =	vld.idx.msk [tilespmem:v6+s24+$0x0], $0xffff  }
0x97: {  	v36 =	vld.idx.msk [tilespmem:v4+s22+$0x0], $0xffff;
	v3 =	vadd.f32 v11, v8  }
0x98: {  	v46 =	vadd.f32 v19, v17;
	v17 =	vld.idx.msk [tilespmem:v4+s24+$0x0], $0xffff;
	v21 =	vadd.f32 v22, v21;
	v8 =	vor.u32 $0xC, v15  }
0x99: {  	v33 =	vadd.f32 v34, v33;
	v42 =	vmul.f32 v2, v18;
	v3 =	vadd.f32 v14, v3;
	v14 =	vld.idx.msk [tilespmem:v4+s23+$0x0], $0xffff  }
0x9a: {  	v11 =	vadd.f32 v20, v46;
	v21 =	vadd.f32 v23, v21;
	v2 =	vor.u32 $0xA, v15;
	v20 =	vld.idx.msk [tilespmem:v1+s22+$0x0], $0xffff  }
0x9b: {  	v19 =	vadd.f32 v42, v37;
	v42 =	vadd.f32 v25, v24;
	v24 =	vld.idx.msk [tilespmem:v1+s23+$0x0], $0xffff  }
0x9c: {  	v46 =	vadd.f32 v28, v27;
	v37 =	vmul.f32 v3, v18;
	v27 =	vld.idx.msk [tilespmem:v1+s24+$0x0], $0xffff  }
0x9d: {  	v33 =	vadd.f32 v35, v33;
	v34 =	vld.idx.msk [tilespmem:v8+s22+$0x0], $0xffff;
	v22 =	vadd.f32 v26, v42;
	v42 =	vmul.f32 v21, v18  }
0x9e: {  	v11 =	vmul.f32 v11, v18;
	v3 =	vor.u32 $0xB, v15;
	v35 =	vld.idx.msk [tilespmem:v8+s24+$0x0], $0xffff;
	v25 =	vadd.f32 v37, v38  }
0x9f: {  	v37 =	vadd.f32 v29, v46;
	v38 =	vadd.f32 v31, v30;
	v23 =	vld.idx.msk [tilespmem:v2+s22+$0x0], $0xffff  }
0xa0: {  	v30 =	vadd.f32 v11, v39;
	v29 =	vld.idx.msk [tilespmem:v2+s23+$0x0], $0xffff;
	v36 =	vadd.f32 v14, v36  }
0xa1: {  	v26 =	vmul.f32 v37, v18;
	v37 =	vadd.f32 v42, v40;
	v42 =	vmovc v49;
	v49 =	vmovc v47;
	v47 =	vmov v45;
	v45 =	vld [tilespmem:$0x1FE70]  }
0xa2: {  	v21 =	vld.idx.msk [tilespmem:v2+s24+$0x0], $0xffff;
	v46 =	vadd.f32 v25, v19;
	v36 =	vadd.f32 v17, v36  }
0xa3: {  	v28 =	vadd.f32 v32, v38;
	v32 =	vld.idx.msk [tilespmem:v3+s22+$0x0], $0xffff  }
0xa4: {  	v31 =	vadd.f32 v30, v46;
	v46 =	vld [tilespmem:$0x1FE50];
	v36 =	vmul.f32 v36, v18  }
0xa5: {  	v38 =	vld.idx.msk [tilespmem:v3+s23+$0x0], $0xffff;
	v23 =	vadd.f32 v29, v23  }
0xa6: {  	v22 =	vmul.f32 v22, v18;
	v36 =	vadd.f32 v36, v45;
	v45 =	vld [tilespmem:$0x1FE80]  }
0xa7: {  	v11 =	vor.u32 $0xD, v15;
	v39 =	vld.idx.msk [tilespmem:v3+s24+$0x0], $0xffff;
	v28 =	vmul.f32 v28, v18;
	v21 =	vadd.f32 v21, v23  }
0xa8: {  	v14 =	vor.u32 $0xE, v15;
	v22 =	vadd.f32 v22, v41;
	v41 =	vld [tilespmem:$0x1FE40]  }
0xa9: {  	v28 =	vadd.f32 v28, v46;
	v46 =	vld [tilespmem:$0x1FE60];
	v21 =	vmul.f32 v21, v18  }
0xaa: {  	v40 =	vld.idx.msk [tilespmem:v8+s23+$0x0], $0xffff;
	v32 =	vadd.f32 v38, v32  }
0xab: {  	v31 =	vadd.f32 v37, v31;
	v21 =	vadd.f32 v21, v45;
	v45 =	vld [tilespmem:$0x1FE90]  }
0xac: {  	v33 =	vmul.f32 v33, v18;
	v20 =	vadd.f32 v24, v20;
	v24 =	vld.idx.msk [tilespmem:v11+s22+$0x0], $0xffff;
	v32 =	vadd.f32 v39, v32  }
0xad: {  	v17 =	vor.u32 $0xF, v15;
	v31 =	vadd.f32 v22, v31;
	v23 =	vld.idx.msk [tilespmem:v14+s23+$0x0], $0xffff;
	v26 =	vadd.f32 v26, v41  }
0xae: {  	v32 =	vmul.f32 v32, v18;
	v29 =	vadd.f32 v33, v46;
	v33 =	vld.idx.msk [tilespmem:v14+s22+$0x0], $0xffff  }
0xaf: {  	v34 =	vadd.f32 v40, v34;
	v41 =	vld.idx.msk [tilespmem:v11+s23+$0x0], $0xffff;
	v31 =	vadd.f32 v26, v31  }
0xb0: {  	v20 =	vadd.f32 v27, v20;
	v32 =	vadd.f32 v32, v45;
	v45 =	vld [tilespmem:$0x1FEA0]  }
0xb1: {  	v27 =	vld.idx.msk [tilespmem:v11+s24+$0x0], $0xffff;
	v34 =	vadd.f32 v35, v34;
	v31 =	vadd.f32 v28, v31  }
0xb2: {  	v20 =	vmul.f32 v20, v18;
	v40 =	vld.idx.msk [tilespmem:v17+s22+$0x0], $0xffff  }
0xb3: {  	v46 =	vmovc v48;
	v31 =	vadd.f32 v29, v31;
	v23 =	vadd.f32 v23, v33;
	v33 =	vmul.f32 v34, v18  }
0xb4: {  	v39 =	vld.idx.msk [tilespmem:v17+s23+$0x0], $0xffff;
	v24 =	vadd.f32 v41, v24;
	v20 =	vadd.f32 v20, v46  }
0xb5: {  	v31 =	vadd.f32 v36, v31;
	v33 =	vadd.f32 v33, v45;
	v45 =	vld [tilespmem:$0x1FEB0]  }
0xb6: {  	v38 =	vld.idx.msk [tilespmem:v14+s24+$0x0], $0xffff;
	v24 =	vadd.f32 v27, v24  }
0xb7: {  	v31 =	vadd.f32 v20, v31  }
0xb8: {  	v27 =	vld.idx.msk [tilespmem:v17+s24+$0x0], $0xffff;
	v24 =	vmul.f32 v24, v18  }
0xb9: {  	v31 =	vadd.f32 v21, v31  }
0xba: {  	v34 =	vadd.f32 v39, v40;
	v24 =	vadd.f32 v24, v45;
	v45 =	vld [tilespmem:$0x1FEC0]  }
0xbb: {  	v23 =	vadd.f32 v38, v23;
	v31 =	vadd.f32 v32, v31  }
0xbc: {  	v35 =	vld [tilespmem:$0x1FED0]  }
0xbd: {  	v27 =	vadd.f32 v27, v34;
	v23 =	vmul.f32 v23, v18;
	v31 =	vadd.f32 v33, v31;
	_ =	sdelay $0x1  }
0xbe: {  	v18 =	vmul.f32 v27, v18;
	v34 =	vadd.f32 v24, v31;
	v23 =	vadd.f32 v23, v45;
	_ =	sdelay $0x1  }
0xbf: {  	v18 =	vadd.f32 v18, v35;
	v27 =	vadd.f32 v23, v34;
	_ =	sdelay $0x1  }
0xc0: {  	v27 =	vadd.f32 v18, v27;
	_ =	sdelay $0x1  }
0xc1: {  	v27 =	vmul.f32 $6.250000000e-02, v27;
	_ =	sdelay $0x1  }
0xc2: {  	v19 =	vsub.f32 v19, v27;
	v25 =	vsub.f32 v25, v27;
	_ =	sdelay $0x1  }
0xc3: {  	v30 =	vsub.f32 v30, v27;
	v31 =	vmul.f32 v19, v19;
	v45 =	vmul.f32 v25, v25;
	_ =	sdelay $0x1  }
0xc4: {  	v35 =	vsub.f32 v37, v27;
	v31 =	vadd.f32 v45, v31;
	v45 =	vmul.f32 v30, v30;
	_ =	sdelay $0x1  }
0xc5: {  	v22 =	vsub.f32 v22, v27;
	v31 =	vadd.f32 v31, v45;
	v45 =	vmul.f32 v35, v35;
	_ =	sdelay $0x1  }
0xc6: {  	v26 =	vsub.f32 v26, v27;
	v31 =	vadd.f32 v31, v45;
	v45 =	vmul.f32 v22, v22;
	_ =	sdelay $0x1  }
0xc7: {  	v28 =	vsub.f32 v28, v27;
	v31 =	vadd.f32 v31, v45;
	v45 =	vmul.f32 v26, v26;
	_ =	sdelay $0x1  }
0xc8: {  	v29 =	vsub.f32 v29, v27;
	v31 =	vadd.f32 v31, v45;
	v45 =	vmul.f32 v28, v28;
	_ =	sdelay $0x1  }
0xc9: {  	v36 =	vsub.f32 v36, v27;
	v31 =	vadd.f32 v31, v45;
	v45 =	vmul.f32 v29, v29;
	_ =	sdelay $0x1  }
0xca: {  	v20 =	vsub.f32 v20, v27;
	v31 =	vadd.f32 v31, v45;
	v45 =	vmul.f32 v36, v36;
	_ =	sdelay $0x1  }
0xcb: {  	v21 =	vsub.f32 v21, v27;
	v31 =	vadd.f32 v31, v45;
	v45 =	vmul.f32 v20, v20;
	_ =	sdelay $0x1  }
0xcc: {  	v32 =	vsub.f32 v32, v27;
	v31 =	vadd.f32 v31, v45;
	v45 =	vmul.f32 v21, v21;
	_ =	sdelay $0x1  }
0xcd: {  	v33 =	vsub.f32 v33, v27;
	v31 =	vadd.f32 v31, v45;
	v45 =	vmul.f32 v32, v32;
	_ =	sdelay $0x1  }
0xce: {  	v24 =	vsub.f32 v24, v27;
	v31 =	vadd.f32 v31, v45;
	v45 =	vmul.f32 v33, v33;
	_ =	sdelay $0x1  }
0xcf: {  	v23 =	vsub.f32 v23, v27;
	v31 =	vadd.f32 v31, v45;
	v45 =	vmul.f32 v24, v24;
	_ =	sdelay $0x1  }
0xd0: {  	v18 =	vsub.f32 v18, v27;
	v34 =	vmul.f32 v23, v23;
	v45 =	vadd.f32 v31, v45;
	_ =	sdelay $0x1  }
0xd1: {  	v27 =	vadd.f32 v45, v34;
	v45 =	vmul.f32 v18, v18;
	_ =	sdelay $0x1  }
0xd2: {  	v27 =	vadd.f32 v27, v45;
	_ =	sdelay $0x1  }
0xd3: {  	v27 =	vmul.f32 $6.250000000e-02, v27;
	_ =	sdelay $0x1  }
0xd4: {  	v27 =	vadd.f32 $9.999999740e-06, v27;
	_ =	sdelay $0x1  }
0xd5: {  	v34 =	vshrl.u32 v27, $0x1;
	v27 =	vmul.f32 $5.000000000e-01, v27  }
0xd6: {  	v31 =	vsub.s32 $0x5F3759DF, v34  }
0xd7: {  	v45 =	vmul.f32 v31, v27;
	_ =	sdelay $0x1  }
0xd8: {  	v34 =	vmul.f32 v31, v45;
	_ =	sdelay $0x1  }
0xd9: {  	v34 =	vsub.f32 $1.500000000e+00, v34;
	_ =	sdelay $0x1  }
0xda: {  	v31 =	vmul.f32 v31, v34;
	_ =	sdelay $0x1  }
0xdb: {  	v34 =	vmul.f32 v31, v27;
	_ =	sdelay $0x1  }
0xdc: {  	v34 =	vmul.f32 v34, v31;
	_ =	sdelay $0x1  }
0xdd: {  	v34 =	vsub.f32 $1.500000000e+00, v34;
	_ =	sdelay $0x1  }
0xde: {  	v31 =	vmul.f32 v34, v31;
	_ =	sdelay $0x1  }
0xdf: {  	v27 =	vmul.f32 v31, v27;
	_ =	sdelay $0x1  }
0xe0: {  	v27 =	vmul.f32 v27, v31;
	_ =	sdelay $0x1  }
0xe1: {  	v27 =	vsub.f32 $1.500000000e+00, v27  }
0xe2: {  	v45 =	vld [tilespmem:$0x1FEF0]  }
0xe3: {  	v27 =	vmul.f32 v27, v31;
	_ =	sdelay $0x1  }
0xe4: {  	v25 =	vmul.f32 v27, v25  }
0xe5: {  	v34 =	vld [tilespmem:$0x1FEE0]  }
0xe6: {  	v25 =	vmul.f32 v25, v45;
	v45 =	vld [tilespmem:$0x1FF00];
	_ =	sdelay $0x1  }
0xe7: {  	v19 =	vmul.f32 v27, v19  }
0xe8: {  	v30 =	vmul.f32 v27, v30  }
0xe9: {  	v19 =	vmul.f32 v19, v34  }
0xea: {  	v30 =	vmul.f32 v30, v45;
	v45 =	vld [tilespmem:$0x1FF10]  }
0xeb: {  	v19 =	vadd.f32 v19, v61;
	_ =	sdelay $0x1  }
0xec: {  	v34 =	vmul.f32 v27, v35;
	v31 =	vmul.f32 v19, v16  }
0xed: {  	v22 =	vmul.f32 v27, v22;
	vm0 =	vgt.f32 v19, $0.0e+00  }
0xee: {  	v26 =	vmul.f32 v27, v26;
	v19 =	vsel vm0, v19, v31;
	v31 =	vmul.f32 v34, v45  }
0xef: {  	v25 =	vadd.f32 v25, v62;
	v30 =	vadd.f32 v30, v63;
	v45 =	vmovc v44;
	v44 =	vmovc v43;
	v43 =	vmov v0  }
0xf0: {  	v31 =	vadd.f32 v31, v0;
	v0 =	vmovc v63;
	v63 =	vmovc v62;
	v62 =	vmov v61;
	v61 =	vmov v60  }
0xf1: {  	v60 =	vmovc v59;
	v59 =	vmovc v58;
	v58 =	vmov v57;
	v57 =	vmov v56;
	v56 =	vmov v55  }
0xf2: {  	v55 =	vmovc v54;
	v54 =	vmovc v53;
	v53 =	vmov v52;
	v52 =	vmov v51;
	v51 =	vmov v50;
	v50 =	vld [tilespmem:$0x1FF20]  }
0xf3: {  	v35 =	vmul.f32 v30, v16;
	v34 =	vmul.f32 v25, v16  }
0xf4: {  	v21 =	vmul.f32 v27, v21;
	vm13 =	vgt.f32 v25, $0.0e+00;
	[tilespmem:v15+s30+$0x0] =	vst.idx.msk $0xffff, v19;
	vm14 =	vgt.f32 v30, $0.0e+00  }
0xf5: {  	v35 =	vsel vm14, v30, v35;
	v15 =	vsel vm13, v25, v34;
	v34 =	vmul.f32 v27, v29  }
0xf6: {  	v29 =	vmul.f32 v27, v36;
	[tilespmem:v13+s30+$0x0] =	vst.idx.msk $0xffff, v15;
	v15 =	vmul.f32 v27, v28  }
0xf7: {  	v30 =	vmul.f32 v31, v16;
	vm15 =	vgt.f32 v31, $0.0e+00;
	v22 =	vmul.f32 v22, v50;
	v50 =	vmovc v51  }
0xf8: {  	v51 =	vmovc v52;
	v52 =	vmovc v53;
	v53 =	vmov v54;
	v54 =	vmov v55;
	v55 =	vmov v56  }
0xf9: {  	[tilespmem:v12+s30+$0x0] =	vst.idx.msk $0xffff, v35;
	v56 =	vmovc v57;
	v57 =	vmovc v58;
	v58 =	vmov v59;
	v59 =	vmov v60;
	v60 =	vmov v61  }
0xfa: {  	v61 =	vmovc v62;
	v62 =	vmovc v63;
	v63 =	vmov v0;
	v0 =	vmov v43;
	v19 =	vmul.f32 v26, v50  }
0xfb: {  	v43 =	vmovc v44;
	v44 =	vmovc v45;
	v45 =	vmov v47;
	v15 =	vmul.f32 v15, v51;
	v28 =	vmul.f32 v34, v52  }
0xfc: {  	v47 =	vmovc v49;
	v22 =	vadd.f32 v22, v43;
	v13 =	vadd.f32 v19, v44;
	v19 =	vsel vm15, v31, v30  }
0xfd: {  	v49 =	vmovc v42;
	v30 =	vadd.f32 v15, v45;
	v15 =	vmul.f32 v27, v20;
	v31 =	vadd.f32 v28, v47  }
0xfe: {  	v42 =	vld [tilespmem:$0x1FF80];
	v26 =	vmul.f32 v22, v16;
	vm4 =	vgt.f32 v22, $0.0e+00;
	[tilespmem:v10+s30+$0x0] =	vst.idx.msk $0xffff, v19;
	v19 =	vmul.f32 v29, v53  }
0xff: {  	v35 =	vmul.f32 v13, v16;
	vm5 =	vgt.f32 v13, $0.0e+00;
	vm6 =	vgt.f32 v30, $0.0e+00  }
0x100: {  	v34 =	vmul.f32 v30, v16;
	v15 =	vmul.f32 v15, v54;
	v19 =	vadd.f32 v19, v49  }
0x101: {  	vm7 =	vgt.f32 v31, $0.0e+00;
	v22 =	vsel vm4, v22, v26;
	v12 =	vsel vm5, v13, v35  }
0x102: {  	v35 =	vmul.f32 v31, v16;
	v36 =	vsel vm6, v30, v34;
	v28 =	vmul.f32 v19, v16  }
0x103: {  	v26 =	vld [tilespmem:$0x1FFA0];
	[tilespmem:v9+s30+$0x0] =	vst.idx.msk $0xffff, v22;
	v9 =	vadd.f32 v15, v42;
	v34 =	vmul.f32 v27, v32;
	vm8 =	vgt.f32 v19, $0.0e+00  }
0x104: {  	[tilespmem:v7+s30+$0x0] =	vst.idx.msk $0xffff, v12;
	v25 =	vsel vm7, v31, v35;
	v35 =	vsel vm8, v19, v28;
	v19 =	vld [tilespmem:$0x1FF90]  }
0x105: {  	v30 =	vld [tilespmem:$0x1FFC0];
	[tilespmem:v5+s30+$0x0] =	vst.idx.msk $0xffff, v36;
	v31 =	vmul.f32 v9, v16;
	v7 =	vmul.f32 v34, v56  }
0x106: {  	vm9 =	vgt.f32 v9, $0.0e+00;
	[tilespmem:v6+s30+$0x0] =	vst.idx.msk $0xffff, v25;
	v25 =	vmul.f32 v27, v24;
	v28 =	vmul.f32 v27, v18;
	v18 =	vld [tilespmem:$0x1FFB0]  }
0x107: {  	v29 =	vmul.f32 v21, v55;
	v13 =	vmul.f32 v27, v33;
	v34 =	vld [tilespmem:$0x1FFD0];
	v5 =	vsel vm9, v9, v31  }
0x108: {  	v32 =	vld [tilespmem:$0x1FFE0];
	v7 =	vadd.f32 v7, v26;
	v26 =	vmul.f32 v27, v23;
	v6 =	vmul.f32 v25, v58  }
0x109: {  	[tilespmem:v4+s30+$0x0] =	vst.idx.msk $0xffff, v35;
	v9 =	vmul.f32 v13, v57;
	v36 =	vadd.f32 v29, v19  }
0x10a: {  	[tilespmem:v1+s30+$0x0] =	vst.idx.msk $0xffff, v5;
	v12 =	vmul.f32 v26, v59;
	vm11 =	vgt.f32 v7, $0.0e+00;
	v1 =	vadd.f32 v6, v30  }
0x10b: {  	v30 =	vmul.f32 v28, v60;
	v9 =	vadd.f32 v9, v18;
	v22 =	vmul.f32 v36, v16  }
0x10c: {  	v29 =	vmul.f32 v7, v16;
	v10 =	vadd.f32 v12, v34;
	vm10 =	vgt.f32 v36, $0.0e+00  }
0x10d: {  	v35 =	vadd.f32 v30, v32;
	v33 =	vmul.f32 v9, v16;
	v4 =	vsel vm10, v36, v22  }
0x10e: {  	p0 =	sne.s32 s1, $0x70;
	v31 =	vsel vm11, v7, v29;
	vm12 =	vgt.f32 v9, $0.0e+00;
	[tilespmem:v2+s30+$0x0] =	vst.idx.msk $0xffff, v4;
	v2 =	vmul.f32 v1, v16  }
.Ltmp0:
0x10f: {  	v41 =	vld [tilespmem:$0x1FF70];
	vm13 =	vgt.f32 v1, $0.0e+00;
	v36 =	vmul.f32 v10, v16;
	[tilespmem:v3+s30+$0x0] =	vst.idx.msk $0xffff, v31;
	v3 =	vsel vm12, v9, v33;
	(pc) =	sbr.rel @p0 .LBB2_2-.Ltmp0, $4  }
0x110: {  	v40 =	vld [tilespmem:$0x1FF60];
	vm14 =	vgt.f32 v10, $0.0e+00;
	[tilespmem:v8+s30+$0x0] =	vst.idx.msk $0xffff, v3;
	v1 =	vsel vm13, v1, v2;
	v2 =	vmul.f32 v35, v16  }
0x111: {  	v39 =	vld [tilespmem:$0x1FF50];
	vm15 =	vgt.f32 v35, $0.0e+00;
	[tilespmem:v11+s30+$0x0] =	vst.idx.msk $0xffff, v1;
	v1 =	vsel vm14, v10, v36  }
0x112: {  	v38 =	vld [tilespmem:$0x1FF40];
	[tilespmem:v14+s30+$0x0] =	vst.idx.msk $0xffff, v1;
	v1 =	vsel vm15, v35, v2  }
0x113: {  	s5 =	sadd.s32 $0x10, s5;
	s1 =	sadd.s32 $0x10, s1;
	v48 =	vmov v46;
	v37 =	vld [tilespmem:$0x1FF30];
	[tilespmem:v17+s30+$0x0] =	vst.idx.msk $0xffff, v1  }
0x114: {  	s5 =	simm.s32 $0x0  }
0x115: {  	[hbm4b:s11+s5] =	stream.linear.scatter [tilespmem:s30], [sflag:$0x3], $0x800, $0x38;
	[tilespmem:$0x6140] =	vst v63  }
0x116: {  	_ =	swait.ge [sflag:s15], $0x800  }
0x117: {  	[sflag:s15] =	ssyncset.done $0x0  }
0x118: {  	[sflag:s15] =	ssyncadd.s32 $0xFFFFF800  }
0x119: {  	_ =	swait.ge [sflag:s31], $0x800  }
0x11a: {  	[sflag:s31] =	ssyncset.done $0x0  }
0x11b: {  	[sflag:s31] =	ssyncadd.s32 $0xFFFFF800  }
0x11c: {  	_ =	swait.ge [sflag:s31], $0x800  }
0x11d: {  	[sflag:s31] =	ssyncset.done $0x0  }
0x11e: {  	[sflag:s31] =	ssyncadd.s32 $0xFFFFF800  }
0x11f: {  	_ =	swait.ge [sflag:s31], $0x800  }
0x120: {  	[sflag:s31] =	ssyncset.done $0x0  }
0x121: {  	s1 =	simm.s32 $0x80;
	[sflag:s31] =	ssyncadd.s32 $0xFFFFF800  }
.LBB2_4:
0x122: {  	v3 =	vld [tilespmem:$0x1FFF0]  }
0x123: {  	v1 =	vld [tilespmem:s1+$0x0];
	_ =	sdelay $0x1  }
0x124: {  	v2 =	vmov s5  }
0x125: {  	v2 =	vshll.u32 v2, $0x4  }
0x126: {  	v15 =	vor.u32 v3, v2;
	_ =	sdelay $0x2  }
0x127: {  	v13 =	vor.u32 $0x1, v15  }
0x128: {  	v18 =	vld.idx.msk [tilespmem:v1+s16+$0x0], $0xffff  }
0x129: {  	v1 =	vld.idx.msk [tilespmem:v15+s26+$0x0], $0xffff  }
0x12a: {  	v12 =	vor.u32 $0x2, v15;
	v2 =	vld.idx.msk [tilespmem:v15+s28+$0x0], $0xffff  }
0x12b: {  	v3 =	vld.idx.msk [tilespmem:v15+s29+$0x0], $0xffff  }
0x12c: {  	v8 =	vld.idx.msk [tilespmem:v13+s26+$0x0], $0xffff  }
0x12d: {  	v10 =	vor.u32 $0x3, v15;
	v11 =	vld.idx.msk [tilespmem:v13+s28+$0x0], $0xffff  }
0x12e: {  	v14 =	vld.idx.msk [tilespmem:v13+s29+$0x0], $0xffff  }
0x12f: {  	v9 =	vor.u32 $0x4, v15;
	v17 =	vld.idx.msk [tilespmem:v12+s26+$0x0], $0xffff  }
0x130: {  	v19 =	vld.idx.msk [tilespmem:v12+s28+$0x0], $0xffff  }
0x131: {  	v20 =	vld.idx.msk [tilespmem:v12+s29+$0x0], $0xffff  }
0x132: {  	v7 =	vor.u32 $0x5, v15;
	v21 =	vld.idx.msk [tilespmem:v10+s26+$0x0], $0xffff  }
0x133: {  	v22 =	vld.idx.msk [tilespmem:v10+s28+$0x0], $0xffff  }
0x134: {  	v5 =	vor.u32 $0x6, v15;
	v24 =	vld.idx.msk [tilespmem:v9+s26+$0x0], $0xffff  }
0x135: {  	v25 =	vld.idx.msk [tilespmem:v9+s28+$0x0], $0xffff;
	v1 =	vadd.f32 v2, v1  }
0x136: {  	v26 =	vld.idx.msk [tilespmem:v9+s29+$0x0], $0xffff  }
0x137: {  	v27 =	vld.idx.msk [tilespmem:v7+s26+$0x0], $0xffff;
	v2 =	vadd.f32 v3, v1;
	v3 =	vadd.f32 v11, v8  }
0x138: {  	v28 =	vld.idx.msk [tilespmem:v7+s28+$0x0], $0xffff  }
0x139: {  	v30 =	vld.idx.msk [tilespmem:v5+s26+$0x0], $0xffff;
	v11 =	vadd.f32 v19, v17;
	v48 =	vmul.f32 v2, v18;
	v3 =	vadd.f32 v14, v3  }
0x13a: {  	v31 =	vld.idx.msk [tilespmem:v5+s28+$0x0], $0xffff  }
0x13b: {  	v29 =	vld.idx.msk [tilespmem:v7+s29+$0x0], $0xffff;
	v11 =	vadd.f32 v20, v11;
	v19 =	vadd.f32 v48, v37;
	v48 =	vmul.f32 v3, v18  }
0x13c: {  	v37 =	vadd.f32 v25, v24  }
0x13d: {  	v21 =	vadd.f32 v22, v21;
	v11 =	vmul.f32 v11, v18;
	v25 =	vadd.f32 v48, v38  }
0x13e: {  	v48 =	vadd.f32 v28, v27;
	v22 =	vadd.f32 v26, v37  }
0x13f: {  	v6 =	vor.u32 $0x7, v15;
	v38 =	vadd.f32 v31, v30;
	v30 =	vadd.f32 v11, v39  }
0x140: {  	v37 =	vadd.f32 v29, v48;
	v48 =	vadd.f32 v25, v19  }
0x141: {  	v23 =	vld.idx.msk [tilespmem:v10+s29+$0x0], $0xffff  }
0x142: {  	v31 =	vadd.f32 v30, v48;
	v48 =	vld [tilespmem:$0x1FE40]  }
0x143: {  	v4 =	vor.u32 $0x8, v15;
	v32 =	vld.idx.msk [tilespmem:v5+s29+$0x0], $0xffff  }
0x144: {  	v33 =	vld.idx.msk [tilespmem:v6+s26+$0x0], $0xffff  }
0x145: {  	v34 =	vld.idx.msk [tilespmem:v6+s28+$0x0], $0xffff;
	v2 =	vor.u32 $0xA, v15;
	v26 =	vmul.f32 v37, v18  }
0x146: {  	v35 =	vld.idx.msk [tilespmem:v6+s29+$0x0], $0xffff  }
0x147: {  	v26 =	vadd.f32 v26, v48;
	v48 =	vld [tilespmem:$0x1FE50]  }
0x148: {  	v36 =	vld.idx.msk [tilespmem:v4+s26+$0x0], $0xffff;
	v28 =	vadd.f32 v32, v38  }
0x149: {  	v14 =	vld.idx.msk [tilespmem:v4+s28+$0x0], $0xffff  }
0x14a: {  	v1 =	vor.u32 $0x9, v15;
	v21 =	vadd.f32 v23, v21;
	v23 =	vld.idx.msk [tilespmem:v2+s26+$0x0], $0xffff;
	v28 =	vmul.f32 v28, v18  }
0x14b: {  	v33 =	vadd.f32 v34, v33;
	v29 =	vld.idx.msk [tilespmem:v2+s28+$0x0], $0xffff  }
0x14c: {  	v28 =	vadd.f32 v28, v48;
	v48 =	vld [tilespmem:$0x1FE60]  }
0x14d: {  	v17 =	vld.idx.msk [tilespmem:v4+s29+$0x0], $0xffff;
	v33 =	vadd.f32 v35, v33  }
0x14e: {  	v8 =	vor.u32 $0xC, v15  }
0x14f: {  	v33 =	vmul.f32 v33, v18;
	v3 =	vor.u32 $0xB, v15;
	v20 =	vld.idx.msk [tilespmem:v1+s26+$0x0], $0xffff  }
0x150: {  	v24 =	vld.idx.msk [tilespmem:v1+s28+$0x0], $0xffff;
	v36 =	vadd.f32 v14, v36  }
0x151: {  	v23 =	vadd.f32 v29, v23;
	v29 =	vadd.f32 v33, v48;
	v48 =	vld [tilespmem:$0x1FE70]  }
0x152: {  	v39 =	vmul.f32 v21, v18;
	v21 =	vld.idx.msk [tilespmem:v2+s29+$0x0], $0xffff;
	v36 =	vadd.f32 v17, v36  }
0x153: {  	v34 =	vld.idx.msk [tilespmem:v8+s26+$0x0], $0xffff  }
0x154: {  	v32 =	vld.idx.msk [tilespmem:v3+s26+$0x0], $0xffff;
	v36 =	vmul.f32 v36, v18  }
0x155: {  	v38 =	vld.idx.msk [tilespmem:v3+s28+$0x0], $0xffff  }
0x156: {  	v36 =	vadd.f32 v36, v48;
	v48 =	vld [tilespmem:$0x1FE80]  }
0x157: {  	v11 =	vor.u32 $0xD, v15;
	v37 =	vadd.f32 v39, v40;
	v39 =	vld.idx.msk [tilespmem:v3+s29+$0x0], $0xffff;
	v21 =	vadd.f32 v21, v23  }
0x158: {  	v35 =	vld.idx.msk [tilespmem:v8+s29+$0x0], $0xffff;
	v14 =	vor.u32 $0xE, v15;
	v22 =	vmul.f32 v22, v18  }
0x159: {  	v27 =	vld.idx.msk [tilespmem:v1+s29+$0x0], $0xffff;
	v21 =	vmul.f32 v21, v18  }
0x15a: {  	v22 =	vadd.f32 v22, v41;
	v40 =	vld.idx.msk [tilespmem:v8+s28+$0x0], $0xffff;
	v32 =	vadd.f32 v38, v32  }
0x15b: {  	v31 =	vadd.f32 v37, v31;
	v21 =	vadd.f32 v21, v48;
	v48 =	vld [tilespmem:$0x1FE90]  }
0x15c: {  	v20 =	vadd.f32 v24, v20;
	v24 =	vld.idx.msk [tilespmem:v11+s26+$0x0], $0xffff;
	v32 =	vadd.f32 v39, v32  }
0x15d: {  	v31 =	vadd.f32 v22, v31;
	v23 =	vld.idx.msk [tilespmem:v14+s28+$0x0], $0xffff  }
0x15e: {  	v17 =	vor.u32 $0xF, v15;
	v32 =	vmul.f32 v32, v18;
	v33 =	vld.idx.msk [tilespmem:v14+s26+$0x0], $0xffff  }
0x15f: {  	v41 =	vld.idx.msk [tilespmem:v11+s28+$0x0], $0xffff;
	v34 =	vadd.f32 v40, v34;
	v31 =	vadd.f32 v26, v31  }
0x160: {  	v20 =	vadd.f32 v27, v20;
	v32 =	vadd.f32 v32, v48;
	v48 =	vld [tilespmem:$0x1FEA0]  }
0x161: {  	v27 =	vld.idx.msk [tilespmem:v11+s29+$0x0], $0xffff;
	v34 =	vadd.f32 v35, v34;
	v31 =	vadd.f32 v28, v31  }
0x162: {  	v20 =	vmul.f32 v20, v18  }
0x163: {  	v40 =	vld.idx.msk [tilespmem:v17+s26+$0x0], $0xffff;
	v31 =	vadd.f32 v29, v31;
	v23 =	vadd.f32 v23, v33;
	v33 =	vmul.f32 v34, v18  }
0x164: {  	v20 =	vadd.f32 v20, v46;
	v39 =	vld.idx.msk [tilespmem:v17+s28+$0x0], $0xffff;
	v24 =	vadd.f32 v41, v24  }
0x165: {  	v31 =	vadd.f32 v36, v31;
	v33 =	vadd.f32 v33, v48;
	v48 =	vld [tilespmem:$0x1FEB0]  }
0x166: {  	v38 =	vld.idx.msk [tilespmem:v14+s29+$0x0], $0xffff;
	v24 =	vadd.f32 v27, v24  }
0x167: {  	v31 =	vadd.f32 v20, v31  }
0x168: {  	v27 =	vld.idx.msk [tilespmem:v17+s29+$0x0], $0xffff;
	v24 =	vmul.f32 v24, v18  }
0x169: {  	v31 =	vadd.f32 v21, v31  }
0x16a: {  	v34 =	vadd.f32 v39, v40;
	v24 =	vadd.f32 v24, v48;
	v48 =	vld [tilespmem:$0x1FEC0]  }
0x16b: {  	v23 =	vadd.f32 v38, v23;
	v31 =	vadd.f32 v32, v31  }
0x16c: {  	v35 =	vld [tilespmem:$0x1FED0]  }
0x16d: {  	v27 =	vadd.f32 v27, v34;
	v23 =	vmul.f32 v23, v18;
	v31 =	vadd.f32 v33, v31;
	_ =	sdelay $0x1  }
0x16e: {  	v18 =	vmul.f32 v27, v18;
	v34 =	vadd.f32 v24, v31;
	v23 =	vadd.f32 v23, v48;
	_ =	sdelay $0x1  }
0x16f: {  	v18 =	vadd.f32 v18, v35;
	v27 =	vadd.f32 v23, v34;
	_ =	sdelay $0x1  }
0x170: {  	v27 =	vadd.f32 v18, v27;
	_ =	sdelay $0x1  }
0x171: {  	v27 =	vmul.f32 $6.250000000e-02, v27;
	_ =	sdelay $0x1  }
0x172: {  	v19 =	vsub.f32 v19, v27;
	v25 =	vsub.f32 v25, v27;
	_ =	sdelay $0x1  }
0x173: {  	v30 =	vsub.f32 v30, v27;
	v31 =	vmul.f32 v19, v19;
	v48 =	vmul.f32 v25, v25;
	_ =	sdelay $0x1  }
0x174: {  	v35 =	vsub.f32 v37, v27;
	v31 =	vadd.f32 v48, v31;
	v48 =	vmul.f32 v30, v30;
	_ =	sdelay $0x1  }
0x175: {  	v22 =	vsub.f32 v22, v27;
	v31 =	vadd.f32 v31, v48;
	v48 =	vmul.f32 v35, v35;
	_ =	sdelay $0x1  }
0x176: {  	v26 =	vsub.f32 v26, v27;
	v31 =	vadd.f32 v31, v48;
	v48 =	vmul.f32 v22, v22;
	_ =	sdelay $0x1  }
0x177: {  	v28 =	vsub.f32 v28, v27;
	v31 =	vadd.f32 v31, v48;
	v48 =	vmul.f32 v26, v26;
	_ =	sdelay $0x1  }
0x178: {  	v29 =	vsub.f32 v29, v27;
	v31 =	vadd.f32 v31, v48;
	v48 =	vmul.f32 v28, v28;
	_ =	sdelay $0x1  }
0x179: {  	v36 =	vsub.f32 v36, v27;
	v31 =	vadd.f32 v31, v48;
	v48 =	vmul.f32 v29, v29;
	_ =	sdelay $0x1  }
0x17a: {  	v20 =	vsub.f32 v20, v27;
	v31 =	vadd.f32 v31, v48;
	v48 =	vmul.f32 v36, v36;
	_ =	sdelay $0x1  }
0x17b: {  	v21 =	vsub.f32 v21, v27;
	v31 =	vadd.f32 v31, v48;
	v48 =	vmul.f32 v20, v20;
	_ =	sdelay $0x1  }
0x17c: {  	v32 =	vsub.f32 v32, v27;
	v31 =	vadd.f32 v31, v48;
	v48 =	vmul.f32 v21, v21;
	_ =	sdelay $0x1  }
0x17d: {  	v33 =	vsub.f32 v33, v27;
	v31 =	vadd.f32 v31, v48;
	v48 =	vmul.f32 v32, v32;
	_ =	sdelay $0x1  }
0x17e: {  	v24 =	vsub.f32 v24, v27;
	v31 =	vadd.f32 v31, v48;
	v48 =	vmul.f32 v33, v33;
	_ =	sdelay $0x1  }
0x17f: {  	v23 =	vsub.f32 v23, v27;
	v31 =	vadd.f32 v31, v48;
	v48 =	vmul.f32 v24, v24;
	_ =	sdelay $0x1  }
0x180: {  	v18 =	vsub.f32 v18, v27;
	v34 =	vmul.f32 v23, v23;
	v48 =	vadd.f32 v31, v48;
	_ =	sdelay $0x1  }
0x181: {  	v27 =	vadd.f32 v48, v34;
	v48 =	vmul.f32 v18, v18;
	_ =	sdelay $0x1  }
0x182: {  	v27 =	vadd.f32 v27, v48;
	_ =	sdelay $0x1  }
0x183: {  	v27 =	vmul.f32 $6.250000000e-02, v27;
	_ =	sdelay $0x1  }
0x184: {  	v27 =	vadd.f32 $9.999999740e-06, v27;
	_ =	sdelay $0x1  }
0x185: {  	v34 =	vshrl.u32 v27, $0x1;
	v27 =	vmul.f32 $5.000000000e-01, v27  }
0x186: {  	v31 =	vsub.s32 $0x5F3759DF, v34  }
0x187: {  	v48 =	vmul.f32 v31, v27;
	_ =	sdelay $0x1  }
0x188: {  	v34 =	vmul.f32 v31, v48;
	_ =	sdelay $0x1  }
0x189: {  	v34 =	vsub.f32 $1.500000000e+00, v34;
	_ =	sdelay $0x1  }
0x18a: {  	v31 =	vmul.f32 v31, v34;
	_ =	sdelay $0x1  }
0x18b: {  	v34 =	vmul.f32 v31, v27;
	_ =	sdelay $0x1  }
0x18c: {  	v34 =	vmul.f32 v34, v31;
	_ =	sdelay $0x1  }
0x18d: {  	v34 =	vsub.f32 $1.500000000e+00, v34;
	_ =	sdelay $0x1  }
0x18e: {  	v31 =	vmul.f32 v34, v31;
	_ =	sdelay $0x1  }
0x18f: {  	v27 =	vmul.f32 v31, v27;
	_ =	sdelay $0x1  }
0x190: {  	v27 =	vmul.f32 v27, v31;
	_ =	sdelay $0x1  }
0x191: {  	v27 =	vsub.f32 $1.500000000e+00, v27  }
0x192: {  	v48 =	vld [tilespmem:$0x1FEF0]  }
0x193: {  	v27 =	vmul.f32 v27, v31;
	_ =	sdelay $0x1  }
0x194: {  	v25 =	vmul.f32 v27, v25  }
0x195: {  	v34 =	vld [tilespmem:$0x1FEE0]  }
0x196: {  	v25 =	vmul.f32 v25, v48;
	v48 =	vld [tilespmem:$0x1FF00];
	_ =	sdelay $0x1  }
0x197: {  	v19 =	vmul.f32 v27, v19  }
0x198: {  	v30 =	vmul.f32 v27, v30  }
0x199: {  	v19 =	vmul.f32 v19, v34  }
0x19a: {  	v30 =	vmul.f32 v30, v48;
	v48 =	vld [tilespmem:$0x1FF10]  }
0x19b: {  	v19 =	vadd.f32 v19, v61;
	_ =	sdelay $0x1  }
0x19c: {  	v34 =	vmul.f32 v27, v35;
	v31 =	vmul.f32 v19, v16  }
0x19d: {  	vm0 =	vgt.f32 v19, $0.0e+00  }
0x19e: {  	v22 =	vmul.f32 v27, v22;
	v19 =	vsel vm0, v19, v31;
	v31 =	vmul.f32 v34, v48;
	v48 =	vld [tilespmem:$0x1FF20]  }
0x19f: {  	v26 =	vmul.f32 v27, v26;
	v25 =	vadd.f32 v25, v62;
	v30 =	vadd.f32 v30, v63  }
0x1a0: {  	v36 =	vmul.f32 v27, v36;
	v21 =	vmul.f32 v27, v21  }
0x1a1: {  	vm13 =	vgt.f32 v25, $0.0e+00;
	v35 =	vmul.f32 v30, v16;
	v34 =	vmul.f32 v25, v16  }
0x1a2: {  	[tilespmem:v15+s30+$0x0] =	vst.idx.msk $0xffff, v19;
	v19 =	vmul.f32 v26, v50;
	vm14 =	vgt.f32 v30, $0.0e+00;
	v31 =	vadd.f32 v31, v0  }
0x1a3: {  	v15 =	vsel vm13, v25, v34;
	v25 =	vsel vm14, v30, v35;
	v22 =	vmul.f32 v22, v48  }
0x1a4: {  	[tilespmem:v13+s30+$0x0] =	vst.idx.msk $0xffff, v15;
	v13 =	vadd.f32 v19, v44;
	v34 =	vmul.f32 v31, v16  }
0x1a5: {  	v15 =	vmul.f32 v27, v28;
	vm15 =	vgt.f32 v31, $0.0e+00;
	v22 =	vadd.f32 v22, v43  }
0x1a6: {  	[tilespmem:v12+s30+$0x0] =	vst.idx.msk $0xffff, v25;
	v48 =	vmul.f32 v27, v29;
	v19 =	vsel vm15, v31, v34  }
0x1a7: {  	[tilespmem:v10+s30+$0x0] =	vst.idx.msk $0xffff, v19;
	v19 =	vmul.f32 v36, v53;
	v35 =	vmul.f32 v22, v16  }
0x1a8: {  	v15 =	vmul.f32 v15, v51;
	vm5 =	vgt.f32 v13, $0.0e+00;
	vm4 =	vgt.f32 v22, $0.0e+00  }
0x1a9: {  	v34 =	vmul.f32 v13, v16;
	v19 =	vadd.f32 v19, v49;
	v22 =	vsel vm4, v22, v35  }
0x1aa: {  	v35 =	vmul.f32 v48, v52;
	v48 =	vadd.f32 v15, v45;
	v15 =	vmul.f32 v27, v20  }
0x1ab: {  	v12 =	vsel vm5, v13, v34;
	v34 =	vmul.f32 v19, v16  }
0x1ac: {  	v25 =	vadd.f32 v35, v47;
	v15 =	vmul.f32 v15, v54;
	v35 =	vmul.f32 v21, v55;
	v21 =	vld [tilespmem:$0x1FF90]  }
0x1ad: {  	vm8 =	vgt.f32 v19, $0.0e+00;
	[tilespmem:v9+s30+$0x0] =	vst.idx.msk $0xffff, v22;
	v22 =	vmul.f32 v27, v33;
	v26 =	vmul.f32 v48, v16  }
0x1ae: {  	vm6 =	vgt.f32 v48, $0.0e+00;
	v28 =	vmul.f32 v25, v16;
	v30 =	vadd.f32 v15, v42  }
0x1af: {  	[tilespmem:v7+s30+$0x0] =	vst.idx.msk $0xffff, v12;
	v20 =	vsel vm8, v19, v34;
	v29 =	vsel vm6, v48, v26;
	vm7 =	vgt.f32 v25, $0.0e+00  }
0x1b0: {  	[tilespmem:v5+s30+$0x0] =	vst.idx.msk $0xffff, v29;
	v31 =	vsel vm7, v25, v28;
	v36 =	vmul.f32 v30, v16;
	v28 =	vld [tilespmem:$0x1FFA0]  }
0x1b1: {  	v48 =	vmul.f32 v27, v32;
	vm9 =	vgt.f32 v30, $0.0e+00;
	[tilespmem:v6+s30+$0x0] =	vst.idx.msk $0xffff, v31;
	v10 =	vadd.f32 v35, v21;
	v35 =	vld [tilespmem:$0x1FFD0]  }
0x1b2: {  	v5 =	vsel vm9, v30, v36;
	[tilespmem:v4+s30+$0x0] =	vst.idx.msk $0xffff, v20;
	v30 =	vmul.f32 v27, v18;
	v18 =	vld [tilespmem:$0x1FFB0]  }
0x1b3: {  	v9 =	vmul.f32 v22, v57;
	v26 =	vmul.f32 v27, v24;
	[tilespmem:v1+s30+$0x0] =	vst.idx.msk $0xffff, v5;
	v1 =	vld [tilespmem:$0x1FFC0]  }
0x1b4: {  	v29 =	vmul.f32 v27, v23;
	v7 =	vmul.f32 v48, v56;
	v36 =	vld [tilespmem:$0x1FFE0]  }
0x1b5: {  	v6 =	vmul.f32 v26, v58;
	v25 =	vmul.f32 v10, v16  }
0x1b6: {  	v12 =	vmul.f32 v29, v59;
	vm10 =	vgt.f32 v10, $0.0e+00;
	v7 =	vadd.f32 v7, v28  }
0x1b7: {  	v32 =	vmul.f32 v30, v60;
	v4 =	vsel vm10, v10, v25;
	v9 =	vadd.f32 v9, v18  }
0x1b8: {  	v10 =	vadd.f32 v12, v35;
	v31 =	vmul.f32 v7, v16;
	v1 =	vadd.f32 v6, v1  }
0x1b9: {  	[tilespmem:v2+s30+$0x0] =	vst.idx.msk $0xffff, v4;
	vm11 =	vgt.f32 v7, $0.0e+00;
	v4 =	vadd.f32 v32, v36;
	v34 =	vmul.f32 v9, v16  }
0x1ba: {  	p0 =	sne.s32 s5, $0x70;
	v33 =	vsel vm11, v7, v31;
	vm12 =	vgt.f32 v9, $0.0e+00;
	v2 =	vmul.f32 v1, v16  }
.Ltmp1:
0x1bb: {  	v41 =	vld [tilespmem:$0x1FF70];
	v48 =	vmul.f32 v10, v16;
	[tilespmem:v3+s30+$0x0] =	vst.idx.msk $0xffff, v33;
	vm13 =	vgt.f32 v1, $0.0e+00;
	v3 =	vsel vm12, v9, v34;
	(pc) =	sbr.rel @p0 .LBB2_4-.Ltmp1, $4  }
0x1bc: {  	v40 =	vld [tilespmem:$0x1FF60];
	vm14 =	vgt.f32 v10, $0.0e+00;
	[tilespmem:v8+s30+$0x0] =	vst.idx.msk $0xffff, v3;
	v1 =	vsel vm13, v1, v2;
	v2 =	vmul.f32 v4, v16  }
0x1bd: {  	v39 =	vld [tilespmem:$0x1FF50];
	vm15 =	vgt.f32 v4, $0.0e+00;
	[tilespmem:v11+s30+$0x0] =	vst.idx.msk $0xffff, v1;
	v1 =	vsel vm14, v10, v48  }
0x1be: {  	v38 =	vld [tilespmem:$0x1FF40];
	[tilespmem:v14+s30+$0x0] =	vst.idx.msk $0xffff, v1;
	v1 =	vsel vm15, v4, v2  }
0x1bf: {  	s1 =	sadd.s32 $0x10, s1;
	s5 =	sadd.s32 $0x10, s5;
	v37 =	vld [tilespmem:$0x1FF30];
	[tilespmem:v17+s30+$0x0] =	vst.idx.msk $0xffff, v1  }
0x1c0: {  	s0 =	sadd.s32 $0x1, s0  }
0x1c1: {  	p0 =	sne.s32 s0, s14  }
.Ltmp2:
0x1c2: {  	_ = 	snop;
	(pc) =	sbr.rel @p0 .LBB2_1-.Ltmp2, $4  }
0x1c3: {  	[hbm4b:s13+s4] =	stream.linear.scatter [tilespmem:s30], [sflag:$0x3], $0x800, $0x38;
	[tilespmem:$0x6140] =	vst v63  }
0x1c4: {  	_ =	swait.ge [sflag:s15], $0x800  }
0x1c5: {  	[sflag:s15] =	ssyncset.done $0x0  }
0x1c6: {  	[sflag:s15] =	ssyncadd.s32 $0xFFFFF800  }
0x1c7: {  	_ =	sfence.sel $0x180000  }
0x1c8: {  	[bflag:$0x0] =	sbarrier.arrive $0xFFFF  }
0x1c9: {  	_ =	strace $0x9000004A  }
0x1ca: {  	s0 =	stileid.u32;
	[bflag:$0x2] =	sbarrier.arrive $0xFFFF  }
0x1cb: {  	p0 =	sne.s32 s0, $0x0;
	s0 =	rddreg [dreg:$0x6]  }
0x1cc: {  	s0 =	sadd.s32 @!p0 $0x100000, s0  }
0x1cd: {  	[sflag:s0] =	ssyncadd.tile.s32 @!p0 $0x1;
	_ =	shalt  }
.Lfunc_end2:
_tile_overlayer_lowered:
.L_overlay_start_2:
0x1ce: {  	(tag) =	ssettag $0x2  }
0x1cf: {  	s0 =	rddreg [dreg:$0x0];
	s2 =	stileid.u32  }
0x1d0: {  	s1 =	rddreg [dreg:$0x1];
	p0 =	sne.s32 s2, $0x0  }
0x1d1: {  	s3 =	rddreg [dreg:$0x2];
	[bflag:$0x3] =	sbarrier.arrive $0xFFFF;
	s2 =	simm.s32 @!p0 $0x1C03  }
0x1d2: {  	[timem:s3], [sflag:s2] =	dma.local @!p0 [hbm:s0], s1  }
0x1d3: {  	s0 =	simm.s32 @!p0 $0x3  }
0x1d4: {  	_ =	swait.ge @!p0 [sflag:s0], s1  }
0x1d5: {  	s1 =	ssub.s32 @!p0 $0x0, s1;
	[sflag:s0] =	ssyncset.done @!p0 $0x0  }
0x1d6: {  	[sflag:s0] =	ssyncadd.s32 @!p0 s1  }
0x1d7: {  	[bflag:$0x3] =	sbarrier.arrive $0xFFFF  }
0x1d8: {  	_ =	shalt  }

</sc_bundles>
